<compile_context>
chip_gen: v7x
topology: tpu7x:2x2x1
jax: 0.10.2.dev20260603
libtpu: 0.0.44.dev20260713+nightly
codegen_flags: <defaults>
</compile_context>

<pallas_src>
import functools

import jax
import jax.numpy as jnp
from jax import lax
from jax.experimental import pallas as pl
from jax.experimental.pallas import tpu as pltpu
from jax.experimental.pallas import tpu_sc as plsc

N = 10000
E = 320000
D = 128
DH = D // 2
NC = 2
NS = 16
NW = NC * NS
EPT = E // NW
K = 80
NCH = EPT // K
NP = 10112
RPS = NP // NS
NBUF = 13
ROUNDS = -(-NCH // NBUF)

_mesh = plsc.VectorSubcoreMesh(core_axis_name="c", subcore_axis_name="s")



def _deg_body(dst_hbm, ones_hbm, zeros_hbm, out_hbm, dst_v, ones_v, deg_sp):
  c = lax.axis_index("c")
  s = lax.axis_index("s")
  wid = c * NS + s
  @pl.when(s == 0)
  def _():
    pltpu.sync_copy(zeros_hbm, deg_sp)
  pltpu.sync_copy(ones_hbm, ones_v)
  pltpu.sync_copy(dst_hbm.at[wid], dst_v)
  plsc.subcore_barrier()

  def chunk(j, carry):
    pltpu.sync_copy(ones_v, deg_sp.at[dst_v.at[j]], add=True)
    return carry
  lax.fori_loop(0, NCH, chunk, 0)

  plsc.subcore_barrier()
  @pl.when(s == 0)
  def _():
    pltpu.sync_copy(deg_sp, out_hbm.at[c])


_deg_call = functools.partial(
    pl.kernel,
    out_type=jax.ShapeDtypeStruct((NC, N), jnp.float32),
    mesh=_mesh,
    scratch_types=[
        pltpu.VMEM((NCH, K), jnp.int32),
        pltpu.VMEM((K,), jnp.float32),
        pltpu.VMEM_SHARED((N,), jnp.float32),
    ],
)(_deg_body)


def _prop_body(ga_hbm, gb_hbm, src_hbm, dst_hbm, zeros_hbm,
               outa_hbm, outb_hbm, src_v, dst_v, *rest):
  rows = rest[:NBUF]
  acc_sp = rest[NBUF]
  gsems = rest[NBUF + 1:2 * NBUF + 1]
  ssems = rest[2 * NBUF + 1:]
  c = lax.axis_index("c")
  s = lax.axis_index("s")
  wid = c * NS + s
  pltpu.sync_copy(src_hbm.at[wid], src_v)
  pltpu.sync_copy(dst_hbm.at[wid], dst_v)

  for g_hbm, out_hbm in ((ga_hbm, outa_hbm), (gb_hbm, outb_hbm)):
    pltpu.sync_copy(zeros_hbm.at[pl.ds(s * RPS, RPS)],
                    acc_sp.at[pl.ds(s * RPS, RPS)])
    plsc.subcore_barrier()

    def gather_start(chunk, b):
      pltpu.async_copy(g_hbm.at[src_v.at[chunk]], rows[b], gsems[b])

    def gather_wait(b):
      pltpu.make_async_copy(g_hbm.at[src_v.at[0]], rows[b], gsems[b]).wait()

    def scatter_start(chunk, b):
      pltpu.async_copy(rows[b], acc_sp.at[dst_v.at[chunk]], ssems[b],
                       add=True)

    def scatter_wait(b):
      pltpu.make_async_copy(rows[b], acc_sp.at[dst_v.at[0]],
                            ssems[b]).wait()

    def round_body(rd, carry):
      base = rd * NBUF
      for b in range(NBUF):
        @pl.when(base + b < NCH)
        def _(b=b):
          gather_start(base + b, b)
      for b in range(NBUF):
        @pl.when(base + b < NCH)
        def _(b=b):
          gather_wait(b)
          scatter_start(base + b, b)
      for b in range(NBUF):
        @pl.when(base + b < NCH)
        def _(b=b):
          scatter_wait(b)
      return carry
    lax.fori_loop(0, ROUNDS, round_body, 0)

    plsc.subcore_barrier()
    pltpu.sync_copy(acc_sp.at[pl.ds(s * RPS, RPS)],
                    out_hbm.at[c, pl.ds(s * RPS, RPS)])
    plsc.subcore_barrier()


_prop_call = functools.partial(
    pl.kernel,
    out_type=[
        jax.ShapeDtypeStruct((NC, NP, DH), jnp.float32),
        jax.ShapeDtypeStruct((NC, NP, DH), jnp.float32),
    ],
    mesh=_mesh,
    compiler_params=pltpu.CompilerParams(use_tc_tiling_on_sc=False),
    scratch_types=(
        [pltpu.VMEM((NCH, K), jnp.int32),
         pltpu.VMEM((NCH, K), jnp.int32)]
        + [pltpu.VMEM((K, DH), jnp.float32) for _ in range(NBUF)]
        + [pltpu.VMEM_SHARED((NP, DH), jnp.float32)]
        + [pltpu.SemaphoreType.DMA for _ in range(2 * NBUF)]
    ),
)(_prop_body)



R = 5000


def _tc_a_body(x_ref, w_ref, degp_ref, ga_ref, gb_ref, dinv_ref):
  d = degp_ref[...]
  deg = 1.0 + d[0] + d[1]
  dinv = lax.rsqrt(deg)
  h = jnp.dot(x_ref[...], w_ref[...], preferred_element_type=jnp.float32)
  g = h * dinv
  ga_ref[...] = g[:, :DH]
  gb_ref[...] = g[:, DH:]
  dinv_ref[...] = dinv


def _tc_a(x, W1, degp):
  return pl.pallas_call(
      _tc_a_body,
      grid=(N // R,),
      in_specs=[
          pl.BlockSpec((R, D), lambda i: (i, 0)),
          pl.BlockSpec((D, D), lambda i: (0, 0)),
          pl.BlockSpec((NC, R, 1), lambda i: (0, i, 0)),
      ],
      out_specs=[
          pl.BlockSpec((R, DH), lambda i: (i, 0)),
          pl.BlockSpec((R, DH), lambda i: (i, 0)),
          pl.BlockSpec((R, 1), lambda i: (i, 0)),
      ],
      out_shape=[
          jax.ShapeDtypeStruct((N, DH), jnp.float32),
          jax.ShapeDtypeStruct((N, DH), jnp.float32),
          jax.ShapeDtypeStruct((N, 1), jnp.float32),
      ],
  )(x, W1, degp)


def _tc_b_body(pa_ref, pb_ref, ga_ref, gb_ref, dinv_ref, b1_ref, w2_ref,
               h1_ref, ga2_ref, gb2_ref):
  pa = pa_ref[...]
  pb = pb_ref[...]
  dinv = dinv_ref[...]
  sa = pa[0] + pa[1] + ga_ref[...]
  sb = pb[0] + pb[1] + gb_ref[...]
  out1 = jnp.concatenate([sa, sb], axis=1) * dinv + b1_ref[...]
  h1 = jnp.maximum(out1, 0.0)
  h1_ref[...] = h1
  h2 = jnp.dot(h1, w2_ref[...], preferred_element_type=jnp.float32)
  g2 = h2 * dinv
  ga2_ref[...] = g2[:, :DH]
  gb2_ref[...] = g2[:, DH:]


def _tc_b(pa, pb, ga, gb, dinv, b1, W2):
  return pl.pallas_call(
      _tc_b_body,
      grid=(N // R,),
      in_specs=[
          pl.BlockSpec((NC, R, DH), lambda i: (0, i, 0)),
          pl.BlockSpec((NC, R, DH), lambda i: (0, i, 0)),
          pl.BlockSpec((R, DH), lambda i: (i, 0)),
          pl.BlockSpec((R, DH), lambda i: (i, 0)),
          pl.BlockSpec((R, 1), lambda i: (i, 0)),
          pl.BlockSpec((1, D), lambda i: (0, 0)),
          pl.BlockSpec((D, D), lambda i: (0, 0)),
      ],
      out_specs=[
          pl.BlockSpec((R, D), lambda i: (i, 0)),
          pl.BlockSpec((R, DH), lambda i: (i, 0)),
          pl.BlockSpec((R, DH), lambda i: (i, 0)),
      ],
      out_shape=[
          jax.ShapeDtypeStruct((N, D), jnp.float32),
          jax.ShapeDtypeStruct((N, DH), jnp.float32),
          jax.ShapeDtypeStruct((N, DH), jnp.float32),
      ],
  )(pa, pb, ga, gb, dinv, b1, W2)


def _tc_c_body(pa_ref, pb_ref, ga_ref, gb_ref, dinv_ref, b2_ref, out_ref):
  pa = pa_ref[...]
  pb = pb_ref[...]
  dinv = dinv_ref[...]
  sa = pa[0] + pa[1] + ga_ref[...]
  sb = pb[0] + pb[1] + gb_ref[...]
  out_ref[...] = jnp.concatenate([sa, sb], axis=1) * dinv + b2_ref[...]


def _tc_c(pa, pb, ga, gb, dinv, b2):
  return pl.pallas_call(
      _tc_c_body,
      grid=(N // R,),
      in_specs=[
          pl.BlockSpec((NC, R, DH), lambda i: (0, i, 0)),
          pl.BlockSpec((NC, R, DH), lambda i: (0, i, 0)),
          pl.BlockSpec((R, DH), lambda i: (i, 0)),
          pl.BlockSpec((R, DH), lambda i: (i, 0)),
          pl.BlockSpec((R, 1), lambda i: (i, 0)),
          pl.BlockSpec((1, D), lambda i: (0, 0)),
      ],
      out_specs=pl.BlockSpec((R, D), lambda i: (i, 0)),
      out_shape=jax.ShapeDtypeStruct((N, D), jnp.float32),
  )(pa, pb, ga, gb, dinv, b2)



@jax.jit
def kernel(x, adj_t, W1, b1, W2, b2):
  src = adj_t[0].astype(jnp.int32).reshape(NW, NCH, K)
  dst = adj_t[1].astype(jnp.int32).reshape(NW, NCH, K)
  zeros_hd = jnp.zeros((NP, DH), jnp.float32)
  zeros_n = jnp.zeros((N,), jnp.float32)
  ones_k = jnp.ones((K,), jnp.float32)

  degp = _deg_call(dst, ones_k, zeros_n)
  ga1, gb1, dinv = _tc_a(x, W1, degp.reshape(NC, N, 1))
  pa1, pb1 = _prop_call(ga1, gb1, src, dst, zeros_hd)
  h1, ga2, gb2 = _tc_b(pa1, pb1, ga1, gb1, dinv, b1.reshape(1, D), W2)
  pa2, pb2 = _prop_call(ga2, gb2, src, dst, zeros_hd)
  logit = _tc_c(pa2, pb2, ga2, gb2, dinv, b2.reshape(1, D))
  return (logit, h1)

# --- scband reference (transcript-rebuilt; emitter-appended) ---
"""Pipeline reference for scband-prior-22119081574561 (READ-ONLY COPY).

The authoritative reference and input builder live on the scoring server;
editing this copy changes nothing except your own understanding.
"""

import jax, jax.numpy as jnp
import numpy as np

N_NODES = 10000
N_EDGES = 320000
D_FEAT = 128
D_HID = 128
D_OUT = 128


def _gcn_conv(x, W, b, src, dst, n):
    # PyG GCNConv: linear, then sym-normalized propagation with self-loops, then bias
    loop = jnp.arange(n, dtype=src.dtype)
    src2 = jnp.concatenate([src, loop])
    dst2 = jnp.concatenate([dst, loop])
    deg = jax.ops.segment_sum(jnp.ones_like(src2, dtype=jnp.float32), dst2, num_segments=n)
    dinv = jnp.where(deg > 0, deg ** -0.5, 0.0)
    norm = dinv[src2] * dinv[dst2]
    h = x @ W
    msg = h[src2] * norm[:, None]
    out = jax.ops.segment_sum(msg, dst2, num_segments=n)
    return out + b


def setup_inputs(seed: int = 0) -> dict:
    key = jax.random.key(seed)
    k1, k2, k3, k4, k5 = jax.random.split(key, 5)
    x = jax.random.normal(k1, (N_NODES, D_FEAT), dtype=jnp.float32)
    adj_t = jax.random.randint(k2, (2, N_EDGES), 0, N_NODES, dtype=jnp.int64)
    s1 = (1.0 / np.sqrt(D_FEAT)).astype(np.float32) if isinstance(np.sqrt(D_FEAT), np.ndarray) else np.float32(1.0 / np.sqrt(D_FEAT))
    s2 = np.float32(1.0 / np.sqrt(D_HID))
    W1 = jax.random.uniform(k3, (D_FEAT, D_HID), dtype=jnp.float32, minval=-s1, maxval=s1)
    b1 = jnp.zeros((D_HID,), dtype=jnp.float32)
    W2 = jax.random.uniform(k4, (D_HID, D_OUT), dtype=jnp.float32, minval=-s2, maxval=s2)
    b2 = jnp.zeros((D_OUT,), dtype=jnp.float32)
    return {"x": x, "adj_t": adj_t, "W1": W1, "b1": b1, "W2": W2, "b2": b2}


def reference(x, adj_t, W1, b1, W2, b2):
    # Prior.forward with backbone='GCN', num_layers=2, is_bns=False, drop_rate=0 (dropout no-op)
    src = adj_t[0]
    dst = adj_t[1]
    n = x.shape[0]
    h1 = jax.nn.relu(_gcn_conv(x, W1, b1, src, dst, n))
    logit = _gcn_conv(h1, W2, b2, src, dst, n)
    return (logit, jax.lax.stop_gradient(h1))

if __name__ == "__main__":
    import jax
    _d = setup_inputs()
    print(jax.jit(kernel)(*tuple(_d.values())))

</pallas_src>

<mosaic_0001>
#map = affine_map<(d0, d1) -> (0, 0)>
#map1 = affine_map<(d0, d1) -> (0, 0, 0)>
module attributes {stable_mosaic.version = 14 : i64} {
  func.func @_prop_body(%arg0: i32, %arg1: i32, %arg2: memref<10000x64xf32, #tpu.memory_space<hbm>>, %arg3: memref<10000x64xf32, #tpu.memory_space<hbm>>, %arg4: memref<32x125x80xi32, #tpu.memory_space<hbm>>, %arg5: memref<32x125x80xi32, #tpu.memory_space<hbm>>, %arg6: memref<10112x64xf32, #tpu.memory_space<hbm>>, %arg7: memref<2x10112x64xf32, #tpu.memory_space<hbm>>, %arg8: memref<2x10112x64xf32, #tpu.memory_space<hbm>>, %arg9: memref<125x80xi32, #tpu.memory_space<vmem>>, %arg10: memref<125x80xi32, #tpu.memory_space<vmem>>, %arg11: memref<80x64xf32, #tpu.memory_space<vmem>>, %arg12: memref<80x64xf32, #tpu.memory_space<vmem>>, %arg13: memref<80x64xf32, #tpu.memory_space<vmem>>, %arg14: memref<80x64xf32, #tpu.memory_space<vmem>>, %arg15: memref<80x64xf32, #tpu.memory_space<vmem>>, %arg16: memref<80x64xf32, #tpu.memory_space<vmem>>, %arg17: memref<80x64xf32, #tpu.memory_space<vmem>>, %arg18: memref<80x64xf32, #tpu.memory_space<vmem>>, %arg19: memref<80x64xf32, #tpu.memory_space<vmem>>, %arg20: memref<80x64xf32, #tpu.memory_space<vmem>>, %arg21: memref<80x64xf32, #tpu.memory_space<vmem>>, %arg22: memref<80x64xf32, #tpu.memory_space<vmem>>, %arg23: memref<80x64xf32, #tpu.memory_space<vmem>>, %arg24: memref<10112x64xf32, #tpu.memory_space<vmem_shared>>, %arg25: memref<!tpu.dma_semaphore, #tpu.memory_space<semaphore_mem>>, %arg26: memref<!tpu.dma_semaphore, #tpu.memory_space<semaphore_mem>>, %arg27: memref<!tpu.dma_semaphore, #tpu.memory_space<semaphore_mem>>, %arg28: memref<!tpu.dma_semaphore, #tpu.memory_space<semaphore_mem>>, %arg29: memref<!tpu.dma_semaphore, #tpu.memory_space<semaphore_mem>>, %arg30: memref<!tpu.dma_semaphore, #tpu.memory_space<semaphore_mem>>, %arg31: memref<!tpu.dma_semaphore, #tpu.memory_space<semaphore_mem>>, %arg32: memref<!tpu.dma_semaphore, #tpu.memory_space<semaphore_mem>>, %arg33: memref<!tpu.dma_semaphore, #tpu.memory_space<semaphore_mem>>, %arg34: memref<!tpu.dma_semaphore, #tpu.memory_space<semaphore_mem>>, %arg35: memref<!tpu.dma_semaphore, #tpu.memory_space<semaphore_mem>>, %arg36: memref<!tpu.dma_semaphore, #tpu.memory_space<semaphore_mem>>, %arg37: memref<!tpu.dma_semaphore, #tpu.memory_space<semaphore_mem>>, %arg38: memref<!tpu.dma_semaphore, #tpu.memory_space<semaphore_mem>>, %arg39: memref<!tpu.dma_semaphore, #tpu.memory_space<semaphore_mem>>, %arg40: memref<!tpu.dma_semaphore, #tpu.memory_space<semaphore_mem>>, %arg41: memref<!tpu.dma_semaphore, #tpu.memory_space<semaphore_mem>>, %arg42: memref<!tpu.dma_semaphore, #tpu.memory_space<semaphore_mem>>, %arg43: memref<!tpu.dma_semaphore, #tpu.memory_space<semaphore_mem>>, %arg44: memref<!tpu.dma_semaphore, #tpu.memory_space<semaphore_mem>>, %arg45: memref<!tpu.dma_semaphore, #tpu.memory_space<semaphore_mem>>, %arg46: memref<!tpu.dma_semaphore, #tpu.memory_space<semaphore_mem>>, %arg47: memref<!tpu.dma_semaphore, #tpu.memory_space<semaphore_mem>>, %arg48: memref<!tpu.dma_semaphore, #tpu.memory_space<semaphore_mem>>, %arg49: memref<!tpu.dma_semaphore, #tpu.memory_space<semaphore_mem>>, %arg50: memref<!tpu.dma_semaphore, #tpu.memory_space<semaphore_mem>>) attributes {dimension_semantics = [#tpu.dimension_semantics<core_parallel>, #tpu.dimension_semantics<subcore_parallel>], iteration_bounds = array<i64: 2, 16>, scalar_prefetch = 0 : i64, scratch_operands = 42 : i64, tpu.core_type = #tpu.core_type<sc_vector_subcore>, window_params = [{transform_indices = #map}, {transform_indices = #map}, {transform_indices = #map1}, {transform_indices = #map1}, {transform_indices = #map}, {transform_indices = #map1}, {transform_indices = #map1}]} {
    %mul3A = arith.constant 16 : i32
    %mul3A_0 = arith.muli %arg0, %mul3A : i32
    %add3A = arith.addi %mul3A_0, %arg1 : i32
    "tpu.region"() ({
      %run_scoped3A = tpu.sem_alloc : memref<!tpu.dma_semaphore, #tpu.memory_space<semaphore_mem>>
      %dma_start3A = arith.constant 0 : i32
      %dma_start3A_33 = arith.constant 0 : i32
      %dma_start3A_34 = tpu.memref_slice %arg4[%add3A, %dma_start3A, %dma_start3A_33] : memref<32x125x80xi32, #tpu.memory_space<hbm>> -> memref<1x125x80xi32, #tpu.memory_space<hbm>>
      %dma_start3A_35 = tpu.memref_squeeze %dma_start3A_34 : memref<1x125x80xi32, #tpu.memory_space<hbm>> -> memref<125x80xi32, #tpu.memory_space<hbm>>
      %dma_start3A_36 = arith.constant 0 : i32
      %dma_start3A_37 = arith.constant 0 : i32
      %dma_start3A_38 = tpu.memref_slice %arg4[%add3A, %dma_start3A_36, %dma_start3A_37] : memref<32x125x80xi32, #tpu.memory_space<hbm>> -> memref<1x125x80xi32, #tpu.memory_space<hbm>>
      %dma_start3A_39 = tpu.memref_squeeze %dma_start3A_38 : memref<1x125x80xi32, #tpu.memory_space<hbm>> -> memref<125x80xi32, #tpu.memory_space<hbm>>
      tpu.enqueue_dma source(%dma_start3A_39 : memref<125x80xi32, #tpu.memory_space<hbm>>) target(%arg9 : memref<125x80xi32, #tpu.memory_space<vmem>>) target_semaphore(%run_scoped3A : memref<!tpu.dma_semaphore, #tpu.memory_space<semaphore_mem>>)
      %dma_wait3A = arith.constant 0 : i32
      %dma_wait3A_40 = arith.constant 0 : i32
      %dma_wait3A_41 = tpu.memref_slice %arg4[%add3A, %dma_wait3A, %dma_wait3A_40] : memref<32x125x80xi32, #tpu.memory_space<hbm>> -> memref<1x125x80xi32, #tpu.memory_space<hbm>>
      %dma_wait3A_42 = tpu.memref_squeeze %dma_wait3A_41 : memref<1x125x80xi32, #tpu.memory_space<hbm>> -> memref<125x80xi32, #tpu.memory_space<hbm>>
      %dma_wait3A_43 = arith.constant 0 : i32
      %dma_wait3A_44 = arith.constant 0 : i32
      %dma_wait3A_45 = tpu.memref_slice %arg4[%add3A, %dma_wait3A_43, %dma_wait3A_44] : memref<32x125x80xi32, #tpu.memory_space<hbm>> -> memref<1x125x80xi32, #tpu.memory_space<hbm>>
      %dma_wait3A_46 = tpu.memref_squeeze %dma_wait3A_45 : memref<1x125x80xi32, #tpu.memory_space<hbm>> -> memref<125x80xi32, #tpu.memory_space<hbm>>
      tpu.wait_dma2 semaphore(%run_scoped3A : memref<!tpu.dma_semaphore, #tpu.memory_space<semaphore_mem>>) src(%dma_wait3A_46 : memref<125x80xi32, #tpu.memory_space<hbm>>) dst(%arg9 : memref<125x80xi32, #tpu.memory_space<vmem>>)
      tpu.yield
    }) : () -> ()
    "tpu.region"() ({
      %run_scoped3A = tpu.sem_alloc : memref<!tpu.dma_semaphore, #tpu.memory_space<semaphore_mem>>
      %dma_start3A = arith.constant 0 : i32
      %dma_start3A_33 = arith.constant 0 : i32
      %dma_start3A_34 = tpu.memref_slice %arg5[%add3A, %dma_start3A, %dma_start3A_33] : memref<32x125x80xi32, #tpu.memory_space<hbm>> -> memref<1x125x80xi32, #tpu.memory_space<hbm>>
      %dma_start3A_35 = tpu.memref_squeeze %dma_start3A_34 : memref<1x125x80xi32, #tpu.memory_space<hbm>> -> memref<125x80xi32, #tpu.memory_space<hbm>>
      %dma_start3A_36 = arith.constant 0 : i32
      %dma_start3A_37 = arith.constant 0 : i32
      %dma_start3A_38 = tpu.memref_slice %arg5[%add3A, %dma_start3A_36, %dma_start3A_37] : memref<32x125x80xi32, #tpu.memory_space<hbm>> -> memref<1x125x80xi32, #tpu.memory_space<hbm>>
      %dma_start3A_39 = tpu.memref_squeeze %dma_start3A_38 : memref<1x125x80xi32, #tpu.memory_space<hbm>> -> memref<125x80xi32, #tpu.memory_space<hbm>>
      tpu.enqueue_dma source(%dma_start3A_39 : memref<125x80xi32, #tpu.memory_space<hbm>>) target(%arg10 : memref<125x80xi32, #tpu.memory_space<vmem>>) target_semaphore(%run_scoped3A : memref<!tpu.dma_semaphore, #tpu.memory_space<semaphore_mem>>)
      %dma_wait3A = arith.constant 0 : i32
      %dma_wait3A_40 = arith.constant 0 : i32
      %dma_wait3A_41 = tpu.memref_slice %arg5[%add3A, %dma_wait3A, %dma_wait3A_40] : memref<32x125x80xi32, #tpu.memory_space<hbm>> -> memref<1x125x80xi32, #tpu.memory_space<hbm>>
      %dma_wait3A_42 = tpu.memref_squeeze %dma_wait3A_41 : memref<1x125x80xi32, #tpu.memory_space<hbm>> -> memref<125x80xi32, #tpu.memory_space<hbm>>
      %dma_wait3A_43 = arith.constant 0 : i32
      %dma_wait3A_44 = arith.constant 0 : i32
      %dma_wait3A_45 = tpu.memref_slice %arg5[%add3A, %dma_wait3A_43, %dma_wait3A_44] : memref<32x125x80xi32, #tpu.memory_space<hbm>> -> memref<1x125x80xi32, #tpu.memory_space<hbm>>
      %dma_wait3A_46 = tpu.memref_squeeze %dma_wait3A_45 : memref<1x125x80xi32, #tpu.memory_space<hbm>> -> memref<125x80xi32, #tpu.memory_space<hbm>>
      tpu.wait_dma2 semaphore(%run_scoped3A : memref<!tpu.dma_semaphore, #tpu.memory_space<semaphore_mem>>) src(%dma_wait3A_46 : memref<125x80xi32, #tpu.memory_space<hbm>>) dst(%arg10 : memref<125x80xi32, #tpu.memory_space<vmem>>)
      tpu.yield
    }) : () -> ()
    %mul3A_1 = arith.constant 632 : i32
    %mul3A_2 = arith.muli %arg1, %mul3A_1 : i32
    %mul3A_3 = arith.constant 632 : i32
    %mul3A_4 = arith.muli %arg1, %mul3A_3 : i32
    "tpu.region"() ({
      %run_scoped3A = tpu.sem_alloc : memref<!tpu.dma_semaphore, #tpu.memory_space<semaphore_mem>>
      %dma_start3A = arith.constant 0 : i32
      %dma_start3A_33 = tpu.memref_slice %arg24[%mul3A_4, %dma_start3A] : memref<10112x64xf32, #tpu.memory_space<vmem_shared>> -> memref<632x64xf32, #tpu.memory_space<vmem_shared>>
      %dma_start3A_34 = arith.constant 0 : i32
      %dma_start3A_35 = tpu.memref_slice %arg6[%mul3A_2, %dma_start3A_34] : memref<10112x64xf32, #tpu.memory_space<hbm>> -> memref<632x64xf32, #tpu.memory_space<hbm>>
      tpu.enqueue_dma source(%dma_start3A_35 : memref<632x64xf32, #tpu.memory_space<hbm>>) target(%dma_start3A_33 : memref<632x64xf32, #tpu.memory_space<vmem_shared>>) target_semaphore(%run_scoped3A : memref<!tpu.dma_semaphore, #tpu.memory_space<semaphore_mem>>)
      %dma_wait3A = arith.constant 0 : i32
      %dma_wait3A_36 = tpu.memref_slice %arg24[%mul3A_4, %dma_wait3A] : memref<10112x64xf32, #tpu.memory_space<vmem_shared>> -> memref<632x64xf32, #tpu.memory_space<vmem_shared>>
      %dma_wait3A_37 = arith.constant 0 : i32
      %dma_wait3A_38 = tpu.memref_slice %arg6[%mul3A_2, %dma_wait3A_37] : memref<10112x64xf32, #tpu.memory_space<hbm>> -> memref<632x64xf32, #tpu.memory_space<hbm>>
      tpu.wait_dma2 semaphore(%run_scoped3A : memref<!tpu.dma_semaphore, #tpu.memory_space<semaphore_mem>>) src(%dma_wait3A_38 : memref<632x64xf32, #tpu.memory_space<hbm>>) dst(%dma_wait3A_36 : memref<632x64xf32, #tpu.memory_space<vmem_shared>>)
      tpu.yield
    }) : () -> ()
    %barrier3A = arith.constant 0 : index
    tpu.barrier barrier_id(%barrier3A)
    %scan3A = arith.constant 0 : i32
    %scan3A_5 = arith.constant 0 : i32
    %scan3A_6 = arith.constant 10 : i32
    %scan3A_7 = arith.addi %scan3A_5, %scan3A_6 : i32
    %scan3A_8 = arith.constant 1 : i32
    scf.for %scan3A_33 = %scan3A_5 to %scan3A_7 step %scan3A_8  : i32 {
      %mul3A_34 = arith.constant 13 : i32
      %mul3A_35 = arith.muli %scan3A_33, %mul3A_34 : i32
      %add3A_36 = arith.constant 0 : i32
      %add3A_37 = arith.addi %mul3A_35, %add3A_36 : i32
      %lt3A = arith.constant 125 : i32
      %lt3A_38 = arith.cmpi slt, %add3A_37, %lt3A : i32
      %convert_element_type3A = arith.extui %lt3A_38 : i1 to i32
      %cond3A = arith.constant 0 : i32
      %cond3A_39 = arith.cmpi ne, %convert_element_type3A, %cond3A : i32
      scf.if %cond3A_39 {
        %add3A_306 = arith.constant 0 : i32
        %add3A_307 = arith.addi %mul3A_35, %add3A_306 : i32
        %dma_start3A = arith.constant 0 : i32
        %dma_start3A_308 = tpu.memref_slice %arg9[%add3A_307, %dma_start3A] : memref<125x80xi32, #tpu.memory_space<vmem>> -> memref<1x80xi32, #tpu.memory_space<vmem>>
        %dma_start3A_309 = tpu.memref_squeeze %dma_start3A_308 : memref<1x80xi32, #tpu.memory_space<vmem>> -> memref<80xi32, #tpu.memory_space<vmem>>
        %dma_start3A_310 = arith.constant 0 : i32
        %dma_start3A_311 = arith.constant 0 : i32
        %dma_start3A_312 = tpu.memref_slice %arg2[%dma_start3A_310, %dma_start3A_311] : memref<10000x64xf32, #tpu.memory_space<hbm>> -> memref<10000x64xf32, #tpu.memory_space<hbm>>
        tpu.enqueue_indirect_dma source(%dma_start3A_312 : memref<10000x64xf32, #tpu.memory_space<hbm>>) target(%arg11 : memref<80x64xf32, #tpu.memory_space<vmem>>) offsets(%dma_start3A_309 : memref<80xi32, #tpu.memory_space<vmem>>) semaphore(%arg25 : memref<!tpu.dma_semaphore, #tpu.memory_space<semaphore_mem>>)
      } else {
      }
      %add3A_40 = arith.constant 1 : i32
      %add3A_41 = arith.addi %mul3A_35, %add3A_40 : i32
      %lt3A_42 = arith.constant 125 : i32
      %lt3A_43 = arith.cmpi slt, %add3A_41, %lt3A_42 : i32
      %convert_element_type3A_44 = arith.extui %lt3A_43 : i1 to i32
      %cond3A_45 = arith.constant 0 : i32
      %cond3A_46 = arith.cmpi ne, %convert_element_type3A_44, %cond3A_45 : i32
      scf.if %cond3A_46 {
        %add3A_306 = arith.constant 1 : i32
        %add3A_307 = arith.addi %mul3A_35, %add3A_306 : i32
        %dma_start3A = arith.constant 0 : i32
        %dma_start3A_308 = tpu.memref_slice %arg9[%add3A_307, %dma_start3A] : memref<125x80xi32, #tpu.memory_space<vmem>> -> memref<1x80xi32, #tpu.memory_space<vmem>>
        %dma_start3A_309 = tpu.memref_squeeze %dma_start3A_308 : memref<1x80xi32, #tpu.memory_space<vmem>> -> memref<80xi32, #tpu.memory_space<vmem>>
        %dma_start3A_310 = arith.constant 0 : i32
        %dma_start3A_311 = arith.constant 0 : i32
        %dma_start3A_312 = tpu.memref_slice %arg2[%dma_start3A_310, %dma_start3A_311] : memref<10000x64xf32, #tpu.memory_space<hbm>> -> memref<10000x64xf32, #tpu.memory_space<hbm>>
        tpu.enqueue_indirect_dma source(%dma_start3A_312 : memref<10000x64xf32, #tpu.memory_space<hbm>>) target(%arg12 : memref<80x64xf32, #tpu.memory_space<vmem>>) offsets(%dma_start3A_309 : memref<80xi32, #tpu.memory_space<vmem>>) semaphore(%arg26 : memref<!tpu.dma_semaphore, #tpu.memory_space<semaphore_mem>>)
      } else {
      }
      %add3A_47 = arith.constant 2 : i32
      %add3A_48 = arith.addi %mul3A_35, %add3A_47 : i32
      %lt3A_49 = arith.constant 125 : i32
      %lt3A_50 = arith.cmpi slt, %add3A_48, %lt3A_49 : i32
      %convert_element_type3A_51 = arith.extui %lt3A_50 : i1 to i32
      %cond3A_52 = arith.constant 0 : i32
      %cond3A_53 = arith.cmpi ne, %convert_element_type3A_51, %cond3A_52 : i32
      scf.if %cond3A_53 {
        %add3A_306 = arith.constant 2 : i32
        %add3A_307 = arith.addi %mul3A_35, %add3A_306 : i32
        %dma_start3A = arith.constant 0 : i32
        %dma_start3A_308 = tpu.memref_slice %arg9[%add3A_307, %dma_start3A] : memref<125x80xi32, #tpu.memory_space<vmem>> -> memref<1x80xi32, #tpu.memory_space<vmem>>
        %dma_start3A_309 = tpu.memref_squeeze %dma_start3A_308 : memref<1x80xi32, #tpu.memory_space<vmem>> -> memref<80xi32, #tpu.memory_space<vmem>>
        %dma_start3A_310 = arith.constant 0 : i32
        %dma_start3A_311 = arith.constant 0 : i32
        %dma_start3A_312 = tpu.memref_slice %arg2[%dma_start3A_310, %dma_start3A_311] : memref<10000x64xf32, #tpu.memory_space<hbm>> -> memref<10000x64xf32, #tpu.memory_space<hbm>>
        tpu.enqueue_indirect_dma source(%dma_start3A_312 : memref<10000x64xf32, #tpu.memory_space<hbm>>) target(%arg13 : memref<80x64xf32, #tpu.memory_space<vmem>>) offsets(%dma_start3A_309 : memref<80xi32, #tpu.memory_space<vmem>>) semaphore(%arg27 : memref<!tpu.dma_semaphore, #tpu.memory_space<semaphore_mem>>)
      } else {
      }
      %add3A_54 = arith.constant 3 : i32
      %add3A_55 = arith.addi %mul3A_35, %add3A_54 : i32
      %lt3A_56 = arith.constant 125 : i32
      %lt3A_57 = arith.cmpi slt, %add3A_55, %lt3A_56 : i32
      %convert_element_type3A_58 = arith.extui %lt3A_57 : i1 to i32
      %cond3A_59 = arith.constant 0 : i32
      %cond3A_60 = arith.cmpi ne, %convert_element_type3A_58, %cond3A_59 : i32
      scf.if %cond3A_60 {
        %add3A_306 = arith.constant 3 : i32
        %add3A_307 = arith.addi %mul3A_35, %add3A_306 : i32
        %dma_start3A = arith.constant 0 : i32
        %dma_start3A_308 = tpu.memref_slice %arg9[%add3A_307, %dma_start3A] : memref<125x80xi32, #tpu.memory_space<vmem>> -> memref<1x80xi32, #tpu.memory_space<vmem>>
        %dma_start3A_309 = tpu.memref_squeeze %dma_start3A_308 : memref<1x80xi32, #tpu.memory_space<vmem>> -> memref<80xi32, #tpu.memory_space<vmem>>
        %dma_start3A_310 = arith.constant 0 : i32
        %dma_start3A_311 = arith.constant 0 : i32
        %dma_start3A_312 = tpu.memref_slice %arg2[%dma_start3A_310, %dma_start3A_311] : memref<10000x64xf32, #tpu.memory_space<hbm>> -> memref<10000x64xf32, #tpu.memory_space<hbm>>
        tpu.enqueue_indirect_dma source(%dma_start3A_312 : memref<10000x64xf32, #tpu.memory_space<hbm>>) target(%arg14 : memref<80x64xf32, #tpu.memory_space<vmem>>) offsets(%dma_start3A_309 : memref<80xi32, #tpu.memory_space<vmem>>) semaphore(%arg28 : memref<!tpu.dma_semaphore, #tpu.memory_space<semaphore_mem>>)
      } else {
      }
      %add3A_61 = arith.constant 4 : i32
      %add3A_62 = arith.addi %mul3A_35, %add3A_61 : i32
      %lt3A_63 = arith.constant 125 : i32
      %lt3A_64 = arith.cmpi slt, %add3A_62, %lt3A_63 : i32
      %convert_element_type3A_65 = arith.extui %lt3A_64 : i1 to i32
      %cond3A_66 = arith.constant 0 : i32
      %cond3A_67 = arith.cmpi ne, %convert_element_type3A_65, %cond3A_66 : i32
      scf.if %cond3A_67 {
        %add3A_306 = arith.constant 4 : i32
        %add3A_307 = arith.addi %mul3A_35, %add3A_306 : i32
        %dma_start3A = arith.constant 0 : i32
        %dma_start3A_308 = tpu.memref_slice %arg9[%add3A_307, %dma_start3A] : memref<125x80xi32, #tpu.memory_space<vmem>> -> memref<1x80xi32, #tpu.memory_space<vmem>>
        %dma_start3A_309 = tpu.memref_squeeze %dma_start3A_308 : memref<1x80xi32, #tpu.memory_space<vmem>> -> memref<80xi32, #tpu.memory_space<vmem>>
        %dma_start3A_310 = arith.constant 0 : i32
        %dma_start3A_311 = arith.constant 0 : i32
        %dma_start3A_312 = tpu.memref_slice %arg2[%dma_start3A_310, %dma_start3A_311] : memref<10000x64xf32, #tpu.memory_space<hbm>> -> memref<10000x64xf32, #tpu.memory_space<hbm>>
        tpu.enqueue_indirect_dma source(%dma_start3A_312 : memref<10000x64xf32, #tpu.memory_space<hbm>>) target(%arg15 : memref<80x64xf32, #tpu.memory_space<vmem>>) offsets(%dma_start3A_309 : memref<80xi32, #tpu.memory_space<vmem>>) semaphore(%arg29 : memref<!tpu.dma_semaphore, #tpu.memory_space<semaphore_mem>>)
      } else {
      }
      %add3A_68 = arith.constant 5 : i32
      %add3A_69 = arith.addi %mul3A_35, %add3A_68 : i32
      %lt3A_70 = arith.constant 125 : i32
      %lt3A_71 = arith.cmpi slt, %add3A_69, %lt3A_70 : i32
      %convert_element_type3A_72 = arith.extui %lt3A_71 : i1 to i32
      %cond3A_73 = arith.constant 0 : i32
      %cond3A_74 = arith.cmpi ne, %convert_element_type3A_72, %cond3A_73 : i32
      scf.if %cond3A_74 {
        %add3A_306 = arith.constant 5 : i32
        %add3A_307 = arith.addi %mul3A_35, %add3A_306 : i32
        %dma_start3A = arith.constant 0 : i32
        %dma_start3A_308 = tpu.memref_slice %arg9[%add3A_307, %dma_start3A] : memref<125x80xi32, #tpu.memory_space<vmem>> -> memref<1x80xi32, #tpu.memory_space<vmem>>
        %dma_start3A_309 = tpu.memref_squeeze %dma_start3A_308 : memref<1x80xi32, #tpu.memory_space<vmem>> -> memref<80xi32, #tpu.memory_space<vmem>>
        %dma_start3A_310 = arith.constant 0 : i32
        %dma_start3A_311 = arith.constant 0 : i32
        %dma_start3A_312 = tpu.memref_slice %arg2[%dma_start3A_310, %dma_start3A_311] : memref<10000x64xf32, #tpu.memory_space<hbm>> -> memref<10000x64xf32, #tpu.memory_space<hbm>>
        tpu.enqueue_indirect_dma source(%dma_start3A_312 : memref<10000x64xf32, #tpu.memory_space<hbm>>) target(%arg16 : memref<80x64xf32, #tpu.memory_space<vmem>>) offsets(%dma_start3A_309 : memref<80xi32, #tpu.memory_space<vmem>>) semaphore(%arg30 : memref<!tpu.dma_semaphore, #tpu.memory_space<semaphore_mem>>)
      } else {
      }
      %add3A_75 = arith.constant 6 : i32
      %add3A_76 = arith.addi %mul3A_35, %add3A_75 : i32
      %lt3A_77 = arith.constant 125 : i32
      %lt3A_78 = arith.cmpi slt, %add3A_76, %lt3A_77 : i32
      %convert_element_type3A_79 = arith.extui %lt3A_78 : i1 to i32
      %cond3A_80 = arith.constant 0 : i32
      %cond3A_81 = arith.cmpi ne, %convert_element_type3A_79, %cond3A_80 : i32
      scf.if %cond3A_81 {
        %add3A_306 = arith.constant 6 : i32
        %add3A_307 = arith.addi %mul3A_35, %add3A_306 : i32
        %dma_start3A = arith.constant 0 : i32
        %dma_start3A_308 = tpu.memref_slice %arg9[%add3A_307, %dma_start3A] : memref<125x80xi32, #tpu.memory_space<vmem>> -> memref<1x80xi32, #tpu.memory_space<vmem>>
        %dma_start3A_309 = tpu.memref_squeeze %dma_start3A_308 : memref<1x80xi32, #tpu.memory_space<vmem>> -> memref<80xi32, #tpu.memory_space<vmem>>
        %dma_start3A_310 = arith.constant 0 : i32
        %dma_start3A_311 = arith.constant 0 : i32
        %dma_start3A_312 = tpu.memref_slice %arg2[%dma_start3A_310, %dma_start3A_311] : memref<10000x64xf32, #tpu.memory_space<hbm>> -> memref<10000x64xf32, #tpu.memory_space<hbm>>
        tpu.enqueue_indirect_dma source(%dma_start3A_312 : memref<10000x64xf32, #tpu.memory_space<hbm>>) target(%arg17 : memref<80x64xf32, #tpu.memory_space<vmem>>) offsets(%dma_start3A_309 : memref<80xi32, #tpu.memory_space<vmem>>) semaphore(%arg31 : memref<!tpu.dma_semaphore, #tpu.memory_space<semaphore_mem>>)
      } else {
      }
      %add3A_82 = arith.constant 7 : i32
      %add3A_83 = arith.addi %mul3A_35, %add3A_82 : i32
      %lt3A_84 = arith.constant 125 : i32
      %lt3A_85 = arith.cmpi slt, %add3A_83, %lt3A_84 : i32
      %convert_element_type3A_86 = arith.extui %lt3A_85 : i1 to i32
      %cond3A_87 = arith.constant 0 : i32
      %cond3A_88 = arith.cmpi ne, %convert_element_type3A_86, %cond3A_87 : i32
      scf.if %cond3A_88 {
        %add3A_306 = arith.constant 7 : i32
        %add3A_307 = arith.addi %mul3A_35, %add3A_306 : i32
        %dma_start3A = arith.constant 0 : i32
        %dma_start3A_308 = tpu.memref_slice %arg9[%add3A_307, %dma_start3A] : memref<125x80xi32, #tpu.memory_space<vmem>> -> memref<1x80xi32, #tpu.memory_space<vmem>>
        %dma_start3A_309 = tpu.memref_squeeze %dma_start3A_308 : memref<1x80xi32, #tpu.memory_space<vmem>> -> memref<80xi32, #tpu.memory_space<vmem>>
        %dma_start3A_310 = arith.constant 0 : i32
        %dma_start3A_311 = arith.constant 0 : i32
        %dma_start3A_312 = tpu.memref_slice %arg2[%dma_start3A_310, %dma_start3A_311] : memref<10000x64xf32, #tpu.memory_space<hbm>> -> memref<10000x64xf32, #tpu.memory_space<hbm>>
        tpu.enqueue_indirect_dma source(%dma_start3A_312 : memref<10000x64xf32, #tpu.memory_space<hbm>>) target(%arg18 : memref<80x64xf32, #tpu.memory_space<vmem>>) offsets(%dma_start3A_309 : memref<80xi32, #tpu.memory_space<vmem>>) semaphore(%arg32 : memref<!tpu.dma_semaphore, #tpu.memory_space<semaphore_mem>>)
      } else {
      }
      %add3A_89 = arith.constant 8 : i32
      %add3A_90 = arith.addi %mul3A_35, %add3A_89 : i32
      %lt3A_91 = arith.constant 125 : i32
      %lt3A_92 = arith.cmpi slt, %add3A_90, %lt3A_91 : i32
      %convert_element_type3A_93 = arith.extui %lt3A_92 : i1 to i32
      %cond3A_94 = arith.constant 0 : i32
      %cond3A_95 = arith.cmpi ne, %convert_element_type3A_93, %cond3A_94 : i32
      scf.if %cond3A_95 {
        %add3A_306 = arith.constant 8 : i32
        %add3A_307 = arith.addi %mul3A_35, %add3A_306 : i32
        %dma_start3A = arith.constant 0 : i32
        %dma_start3A_308 = tpu.memref_slice %arg9[%add3A_307, %dma_start3A] : memref<125x80xi32, #tpu.memory_space<vmem>> -> memref<1x80xi32, #tpu.memory_space<vmem>>
        %dma_start3A_309 = tpu.memref_squeeze %dma_start3A_308 : memref<1x80xi32, #tpu.memory_space<vmem>> -> memref<80xi32, #tpu.memory_space<vmem>>
        %dma_start3A_310 = arith.constant 0 : i32
        %dma_start3A_311 = arith.constant 0 : i32
        %dma_start3A_312 = tpu.memref_slice %arg2[%dma_start3A_310, %dma_start3A_311] : memref<10000x64xf32, #tpu.memory_space<hbm>> -> memref<10000x64xf32, #tpu.memory_space<hbm>>
        tpu.enqueue_indirect_dma source(%dma_start3A_312 : memref<10000x64xf32, #tpu.memory_space<hbm>>) target(%arg19 : memref<80x64xf32, #tpu.memory_space<vmem>>) offsets(%dma_start3A_309 : memref<80xi32, #tpu.memory_space<vmem>>) semaphore(%arg33 : memref<!tpu.dma_semaphore, #tpu.memory_space<semaphore_mem>>)
      } else {
      }
      %add3A_96 = arith.constant 9 : i32
      %add3A_97 = arith.addi %mul3A_35, %add3A_96 : i32
      %lt3A_98 = arith.constant 125 : i32
      %lt3A_99 = arith.cmpi slt, %add3A_97, %lt3A_98 : i32
      %convert_element_type3A_100 = arith.extui %lt3A_99 : i1 to i32
      %cond3A_101 = arith.constant 0 : i32
      %cond3A_102 = arith.cmpi ne, %convert_element_type3A_100, %cond3A_101 : i32
      scf.if %cond3A_102 {
        %add3A_306 = arith.constant 9 : i32
        %add3A_307 = arith.addi %mul3A_35, %add3A_306 : i32
        %dma_start3A = arith.constant 0 : i32
        %dma_start3A_308 = tpu.memref_slice %arg9[%add3A_307, %dma_start3A] : memref<125x80xi32, #tpu.memory_space<vmem>> -> memref<1x80xi32, #tpu.memory_space<vmem>>
        %dma_start3A_309 = tpu.memref_squeeze %dma_start3A_308 : memref<1x80xi32, #tpu.memory_space<vmem>> -> memref<80xi32, #tpu.memory_space<vmem>>
        %dma_start3A_310 = arith.constant 0 : i32
        %dma_start3A_311 = arith.constant 0 : i32
        %dma_start3A_312 = tpu.memref_slice %arg2[%dma_start3A_310, %dma_start3A_311] : memref<10000x64xf32, #tpu.memory_space<hbm>> -> memref<10000x64xf32, #tpu.memory_space<hbm>>
        tpu.enqueue_indirect_dma source(%dma_start3A_312 : memref<10000x64xf32, #tpu.memory_space<hbm>>) target(%arg20 : memref<80x64xf32, #tpu.memory_space<vmem>>) offsets(%dma_start3A_309 : memref<80xi32, #tpu.memory_space<vmem>>) semaphore(%arg34 : memref<!tpu.dma_semaphore, #tpu.memory_space<semaphore_mem>>)
      } else {
      }
      %add3A_103 = arith.constant 10 : i32
      %add3A_104 = arith.addi %mul3A_35, %add3A_103 : i32
      %lt3A_105 = arith.constant 125 : i32
      %lt3A_106 = arith.cmpi slt, %add3A_104, %lt3A_105 : i32
      %convert_element_type3A_107 = arith.extui %lt3A_106 : i1 to i32
      %cond3A_108 = arith.constant 0 : i32
      %cond3A_109 = arith.cmpi ne, %convert_element_type3A_107, %cond3A_108 : i32
      scf.if %cond3A_109 {
        %add3A_306 = arith.constant 10 : i32
        %add3A_307 = arith.addi %mul3A_35, %add3A_306 : i32
        %dma_start3A = arith.constant 0 : i32
        %dma_start3A_308 = tpu.memref_slice %arg9[%add3A_307, %dma_start3A] : memref<125x80xi32, #tpu.memory_space<vmem>> -> memref<1x80xi32, #tpu.memory_space<vmem>>
        %dma_start3A_309 = tpu.memref_squeeze %dma_start3A_308 : memref<1x80xi32, #tpu.memory_space<vmem>> -> memref<80xi32, #tpu.memory_space<vmem>>
        %dma_start3A_310 = arith.constant 0 : i32
        %dma_start3A_311 = arith.constant 0 : i32
        %dma_start3A_312 = tpu.memref_slice %arg2[%dma_start3A_310, %dma_start3A_311] : memref<10000x64xf32, #tpu.memory_space<hbm>> -> memref<10000x64xf32, #tpu.memory_space<hbm>>
        tpu.enqueue_indirect_dma source(%dma_start3A_312 : memref<10000x64xf32, #tpu.memory_space<hbm>>) target(%arg21 : memref<80x64xf32, #tpu.memory_space<vmem>>) offsets(%dma_start3A_309 : memref<80xi32, #tpu.memory_space<vmem>>) semaphore(%arg35 : memref<!tpu.dma_semaphore, #tpu.memory_space<semaphore_mem>>)
      } else {
      }
      %add3A_110 = arith.constant 11 : i32
      %add3A_111 = arith.addi %mul3A_35, %add3A_110 : i32
      %lt3A_112 = arith.constant 125 : i32
      %lt3A_113 = arith.cmpi slt, %add3A_111, %lt3A_112 : i32
      %convert_element_type3A_114 = arith.extui %lt3A_113 : i1 to i32
      %cond3A_115 = arith.constant 0 : i32
      %cond3A_116 = arith.cmpi ne, %convert_element_type3A_114, %cond3A_115 : i32
      scf.if %cond3A_116 {
        %add3A_306 = arith.constant 11 : i32
        %add3A_307 = arith.addi %mul3A_35, %add3A_306 : i32
        %dma_start3A = arith.constant 0 : i32
        %dma_start3A_308 = tpu.memref_slice %arg9[%add3A_307, %dma_start3A] : memref<125x80xi32, #tpu.memory_space<vmem>> -> memref<1x80xi32, #tpu.memory_space<vmem>>
        %dma_start3A_309 = tpu.memref_squeeze %dma_start3A_308 : memref<1x80xi32, #tpu.memory_space<vmem>> -> memref<80xi32, #tpu.memory_space<vmem>>
        %dma_start3A_310 = arith.constant 0 : i32
        %dma_start3A_311 = arith.constant 0 : i32
        %dma_start3A_312 = tpu.memref_slice %arg2[%dma_start3A_310, %dma_start3A_311] : memref<10000x64xf32, #tpu.memory_space<hbm>> -> memref<10000x64xf32, #tpu.memory_space<hbm>>
        tpu.enqueue_indirect_dma source(%dma_start3A_312 : memref<10000x64xf32, #tpu.memory_space<hbm>>) target(%arg22 : memref<80x64xf32, #tpu.memory_space<vmem>>) offsets(%dma_start3A_309 : memref<80xi32, #tpu.memory_space<vmem>>) semaphore(%arg36 : memref<!tpu.dma_semaphore, #tpu.memory_space<semaphore_mem>>)
      } else {
      }
      %add3A_117 = arith.constant 12 : i32
      %add3A_118 = arith.addi %mul3A_35, %add3A_117 : i32
      %lt3A_119 = arith.constant 125 : i32
      %lt3A_120 = arith.cmpi slt, %add3A_118, %lt3A_119 : i32
      %convert_element_type3A_121 = arith.extui %lt3A_120 : i1 to i32
      %cond3A_122 = arith.constant 0 : i32
      %cond3A_123 = arith.cmpi ne, %convert_element_type3A_121, %cond3A_122 : i32
      scf.if %cond3A_123 {
        %add3A_306 = arith.constant 12 : i32
        %add3A_307 = arith.addi %mul3A_35, %add3A_306 : i32
        %dma_start3A = arith.constant 0 : i32
        %dma_start3A_308 = tpu.memref_slice %arg9[%add3A_307, %dma_start3A] : memref<125x80xi32, #tpu.memory_space<vmem>> -> memref<1x80xi32, #tpu.memory_space<vmem>>
        %dma_start3A_309 = tpu.memref_squeeze %dma_start3A_308 : memref<1x80xi32, #tpu.memory_space<vmem>> -> memref<80xi32, #tpu.memory_space<vmem>>
        %dma_start3A_310 = arith.constant 0 : i32
        %dma_start3A_311 = arith.constant 0 : i32
        %dma_start3A_312 = tpu.memref_slice %arg2[%dma_start3A_310, %dma_start3A_311] : memref<10000x64xf32, #tpu.memory_space<hbm>> -> memref<10000x64xf32, #tpu.memory_space<hbm>>
        tpu.enqueue_indirect_dma source(%dma_start3A_312 : memref<10000x64xf32, #tpu.memory_space<hbm>>) target(%arg23 : memref<80x64xf32, #tpu.memory_space<vmem>>) offsets(%dma_start3A_309 : memref<80xi32, #tpu.memory_space<vmem>>) semaphore(%arg37 : memref<!tpu.dma_semaphore, #tpu.memory_space<semaphore_mem>>)
      } else {
      }
      %add3A_124 = arith.constant 0 : i32
      %add3A_125 = arith.addi %mul3A_35, %add3A_124 : i32
      %lt3A_126 = arith.constant 125 : i32
      %lt3A_127 = arith.cmpi slt, %add3A_125, %lt3A_126 : i32
      %convert_element_type3A_128 = arith.extui %lt3A_127 : i1 to i32
      %cond3A_129 = arith.constant 0 : i32
      %cond3A_130 = arith.cmpi ne, %convert_element_type3A_128, %cond3A_129 : i32
      scf.if %cond3A_130 {
        %dma_wait3A = arith.constant 0 : i32
        %dma_wait3A_306 = arith.constant 0 : i32
        %dma_wait3A_307 = tpu.memref_slice %arg9[%dma_wait3A, %dma_wait3A_306] : memref<125x80xi32, #tpu.memory_space<vmem>> -> memref<1x80xi32, #tpu.memory_space<vmem>>
        %dma_wait3A_308 = tpu.memref_squeeze %dma_wait3A_307 : memref<1x80xi32, #tpu.memory_space<vmem>> -> memref<80xi32, #tpu.memory_space<vmem>>
        %dma_wait3A_309 = arith.constant 0 : i32
        %dma_wait3A_310 = arith.constant 0 : i32
        %dma_wait3A_311 = tpu.memref_slice %arg2[%dma_wait3A_309, %dma_wait3A_310] : memref<10000x64xf32, #tpu.memory_space<hbm>> -> memref<10000x64xf32, #tpu.memory_space<hbm>>
        tpu.wait_indirect_dma semaphore(%arg25 : memref<!tpu.dma_semaphore, #tpu.memory_space<semaphore_mem>>) src(%dma_wait3A_311 : memref<10000x64xf32, #tpu.memory_space<hbm>>) dst(%arg11 : memref<80x64xf32, #tpu.memory_space<vmem>>)
        %add3A_312 = arith.constant 0 : i32
        %add3A_313 = arith.addi %mul3A_35, %add3A_312 : i32
        %dma_start3A = arith.constant 0 : i32
        %dma_start3A_314 = tpu.memref_slice %arg10[%add3A_313, %dma_start3A] : memref<125x80xi32, #tpu.memory_space<vmem>> -> memref<1x80xi32, #tpu.memory_space<vmem>>
        %dma_start3A_315 = tpu.memref_squeeze %dma_start3A_314 : memref<1x80xi32, #tpu.memory_space<vmem>> -> memref<80xi32, #tpu.memory_space<vmem>>
        %dma_start3A_316 = arith.constant 0 : i32
        %dma_start3A_317 = arith.constant 0 : i32
        %dma_start3A_318 = tpu.memref_slice %arg24[%dma_start3A_316, %dma_start3A_317] : memref<10112x64xf32, #tpu.memory_space<vmem_shared>> -> memref<10112x64xf32, #tpu.memory_space<vmem_shared>>
        tpu.enqueue_indirect_dma source(%arg11 : memref<80x64xf32, #tpu.memory_space<vmem>>) target(%dma_start3A_318 : memref<10112x64xf32, #tpu.memory_space<vmem_shared>>) offsets(%dma_start3A_315 : memref<80xi32, #tpu.memory_space<vmem>>) semaphore(%arg38 : memref<!tpu.dma_semaphore, #tpu.memory_space<semaphore_mem>>) {add = true}
      } else {
      }
      %add3A_131 = arith.constant 1 : i32
      %add3A_132 = arith.addi %mul3A_35, %add3A_131 : i32
      %lt3A_133 = arith.constant 125 : i32
      %lt3A_134 = arith.cmpi slt, %add3A_132, %lt3A_133 : i32
      %convert_element_type3A_135 = arith.extui %lt3A_134 : i1 to i32
      %cond3A_136 = arith.constant 0 : i32
      %cond3A_137 = arith.cmpi ne, %convert_element_type3A_135, %cond3A_136 : i32
      scf.if %cond3A_137 {
        %dma_wait3A = arith.constant 0 : i32
        %dma_wait3A_306 = arith.constant 0 : i32
        %dma_wait3A_307 = tpu.memref_slice %arg9[%dma_wait3A, %dma_wait3A_306] : memref<125x80xi32, #tpu.memory_space<vmem>> -> memref<1x80xi32, #tpu.memory_space<vmem>>
        %dma_wait3A_308 = tpu.memref_squeeze %dma_wait3A_307 : memref<1x80xi32, #tpu.memory_space<vmem>> -> memref<80xi32, #tpu.memory_space<vmem>>
        %dma_wait3A_309 = arith.constant 0 : i32
        %dma_wait3A_310 = arith.constant 0 : i32
        %dma_wait3A_311 = tpu.memref_slice %arg2[%dma_wait3A_309, %dma_wait3A_310] : memref<10000x64xf32, #tpu.memory_space<hbm>> -> memref<10000x64xf32, #tpu.memory_space<hbm>>
        tpu.wait_indirect_dma semaphore(%arg26 : memref<!tpu.dma_semaphore, #tpu.memory_space<semaphore_mem>>) src(%dma_wait3A_311 : memref<10000x64xf32, #tpu.memory_space<hbm>>) dst(%arg12 : memref<80x64xf32, #tpu.memory_space<vmem>>)
        %add3A_312 = arith.constant 1 : i32
        %add3A_313 = arith.addi %mul3A_35, %add3A_312 : i32
        %dma_start3A = arith.constant 0 : i32
        %dma_start3A_314 = tpu.memref_slice %arg10[%add3A_313, %dma_start3A] : memref<125x80xi32, #tpu.memory_space<vmem>> -> memref<1x80xi32, #tpu.memory_space<vmem>>
        %dma_start3A_315 = tpu.memref_squeeze %dma_start3A_314 : memref<1x80xi32, #tpu.memory_space<vmem>> -> memref<80xi32, #tpu.memory_space<vmem>>
        %dma_start3A_316 = arith.constant 0 : i32
        %dma_start3A_317 = arith.constant 0 : i32
        %dma_start3A_318 = tpu.memref_slice %arg24[%dma_start3A_316, %dma_start3A_317] : memref<10112x64xf32, #tpu.memory_space<vmem_shared>> -> memref<10112x64xf32, #tpu.memory_space<vmem_shared>>
        tpu.enqueue_indirect_dma source(%arg12 : memref<80x64xf32, #tpu.memory_space<vmem>>) target(%dma_start3A_318 : memref<10112x64xf32, #tpu.memory_space<vmem_shared>>) offsets(%dma_start3A_315 : memref<80xi32, #tpu.memory_space<vmem>>) semaphore(%arg39 : memref<!tpu.dma_semaphore, #tpu.memory_space<semaphore_mem>>) {add = true}
      } else {
      }
      %add3A_138 = arith.constant 2 : i32
      %add3A_139 = arith.addi %mul3A_35, %add3A_138 : i32
      %lt3A_140 = arith.constant 125 : i32
      %lt3A_141 = arith.cmpi slt, %add3A_139, %lt3A_140 : i32
      %convert_element_type3A_142 = arith.extui %lt3A_141 : i1 to i32
      %cond3A_143 = arith.constant 0 : i32
      %cond3A_144 = arith.cmpi ne, %convert_element_type3A_142, %cond3A_143 : i32
      scf.if %cond3A_144 {
        %dma_wait3A = arith.constant 0 : i32
        %dma_wait3A_306 = arith.constant 0 : i32
        %dma_wait3A_307 = tpu.memref_slice %arg9[%dma_wait3A, %dma_wait3A_306] : memref<125x80xi32, #tpu.memory_space<vmem>> -> memref<1x80xi32, #tpu.memory_space<vmem>>
        %dma_wait3A_308 = tpu.memref_squeeze %dma_wait3A_307 : memref<1x80xi32, #tpu.memory_space<vmem>> -> memref<80xi32, #tpu.memory_space<vmem>>
        %dma_wait3A_309 = arith.constant 0 : i32
        %dma_wait3A_310 = arith.constant 0 : i32
        %dma_wait3A_311 = tpu.memref_slice %arg2[%dma_wait3A_309, %dma_wait3A_310] : memref<10000x64xf32, #tpu.memory_space<hbm>> -> memref<10000x64xf32, #tpu.memory_space<hbm>>
        tpu.wait_indirect_dma semaphore(%arg27 : memref<!tpu.dma_semaphore, #tpu.memory_space<semaphore_mem>>) src(%dma_wait3A_311 : memref<10000x64xf32, #tpu.memory_space<hbm>>) dst(%arg13 : memref<80x64xf32, #tpu.memory_space<vmem>>)
        %add3A_312 = arith.constant 2 : i32
        %add3A_313 = arith.addi %mul3A_35, %add3A_312 : i32
        %dma_start3A = arith.constant 0 : i32
        %dma_start3A_314 = tpu.memref_slice %arg10[%add3A_313, %dma_start3A] : memref<125x80xi32, #tpu.memory_space<vmem>> -> memref<1x80xi32, #tpu.memory_space<vmem>>
        %dma_start3A_315 = tpu.memref_squeeze %dma_start3A_314 : memref<1x80xi32, #tpu.memory_space<vmem>> -> memref<80xi32, #tpu.memory_space<vmem>>
        %dma_start3A_316 = arith.constant 0 : i32
        %dma_start3A_317 = arith.constant 0 : i32
        %dma_start3A_318 = tpu.memref_slice %arg24[%dma_start3A_316, %dma_start3A_317] : memref<10112x64xf32, #tpu.memory_space<vmem_shared>> -> memref<10112x64xf32, #tpu.memory_space<vmem_shared>>
        tpu.enqueue_indirect_dma source(%arg13 : memref<80x64xf32, #tpu.memory_space<vmem>>) target(%dma_start3A_318 : memref<10112x64xf32, #tpu.memory_space<vmem_shared>>) offsets(%dma_start3A_315 : memref<80xi32, #tpu.memory_space<vmem>>) semaphore(%arg40 : memref<!tpu.dma_semaphore, #tpu.memory_space<semaphore_mem>>) {add = true}
      } else {
      }
      %add3A_145 = arith.constant 3 : i32
      %add3A_146 = arith.addi %mul3A_35, %add3A_145 : i32
      %lt3A_147 = arith.constant 125 : i32
      %lt3A_148 = arith.cmpi slt, %add3A_146, %lt3A_147 : i32
      %convert_element_type3A_149 = arith.extui %lt3A_148 : i1 to i32
      %cond3A_150 = arith.constant 0 : i32
      %cond3A_151 = arith.cmpi ne, %convert_element_type3A_149, %cond3A_150 : i32
      scf.if %cond3A_151 {
        %dma_wait3A = arith.constant 0 : i32
        %dma_wait3A_306 = arith.constant 0 : i32
        %dma_wait3A_307 = tpu.memref_slice %arg9[%dma_wait3A, %dma_wait3A_306] : memref<125x80xi32, #tpu.memory_space<vmem>> -> memref<1x80xi32, #tpu.memory_space<vmem>>
        %dma_wait3A_308 = tpu.memref_squeeze %dma_wait3A_307 : memref<1x80xi32, #tpu.memory_space<vmem>> -> memref<80xi32, #tpu.memory_space<vmem>>
        %dma_wait3A_309 = arith.constant 0 : i32
        %dma_wait3A_310 = arith.constant 0 : i32
        %dma_wait3A_311 = tpu.memref_slice %arg2[%dma_wait3A_309, %dma_wait3A_310] : memref<10000x64xf32, #tpu.memory_space<hbm>> -> memref<10000x64xf32, #tpu.memory_space<hbm>>
        tpu.wait_indirect_dma semaphore(%arg28 : memref<!tpu.dma_semaphore, #tpu.memory_space<semaphore_mem>>) src(%dma_wait3A_311 : memref<10000x64xf32, #tpu.memory_space<hbm>>) dst(%arg14 : memref<80x64xf32, #tpu.memory_space<vmem>>)
        %add3A_312 = arith.constant 3 : i32
        %add3A_313 = arith.addi %mul3A_35, %add3A_312 : i32
        %dma_start3A = arith.constant 0 : i32
        %dma_start3A_314 = tpu.memref_slice %arg10[%add3A_313, %dma_start3A] : memref<125x80xi32, #tpu.memory_space<vmem>> -> memref<1x80xi32, #tpu.memory_space<vmem>>
        %dma_start3A_315 = tpu.memref_squeeze %dma_start3A_314 : memref<1x80xi32, #tpu.memory_space<vmem>> -> memref<80xi32, #tpu.memory_space<vmem>>
        %dma_start3A_316 = arith.constant 0 : i32
        %dma_start3A_317 = arith.constant 0 : i32
        %dma_start3A_318 = tpu.memref_slice %arg24[%dma_start3A_316, %dma_start3A_317] : memref<10112x64xf32, #tpu.memory_space<vmem_shared>> -> memref<10112x64xf32, #tpu.memory_space<vmem_shared>>
        tpu.enqueue_indirect_dma source(%arg14 : memref<80x64xf32, #tpu.memory_space<vmem>>) target(%dma_start3A_318 : memref<10112x64xf32, #tpu.memory_space<vmem_shared>>) offsets(%dma_start3A_315 : memref<80xi32, #tpu.memory_space<vmem>>) semaphore(%arg41 : memref<!tpu.dma_semaphore, #tpu.memory_space<semaphore_mem>>) {add = true}
      } else {
      }
      %add3A_152 = arith.constant 4 : i32
      %add3A_153 = arith.addi %mul3A_35, %add3A_152 : i32
      %lt3A_154 = arith.constant 125 : i32
      %lt3A_155 = arith.cmpi slt, %add3A_153, %lt3A_154 : i32
      %convert_element_type3A_156 = arith.extui %lt3A_155 : i1 to i32
      %cond3A_157 = arith.constant 0 : i32
      %cond3A_158 = arith.cmpi ne, %convert_element_type3A_156, %cond3A_157 : i32
      scf.if %cond3A_158 {
        %dma_wait3A = arith.constant 0 : i32
        %dma_wait3A_306 = arith.constant 0 : i32
        %dma_wait3A_307 = tpu.memref_slice %arg9[%dma_wait3A, %dma_wait3A_306] : memref<125x80xi32, #tpu.memory_space<vmem>> -> memref<1x80xi32, #tpu.memory_space<vmem>>
        %dma_wait3A_308 = tpu.memref_squeeze %dma_wait3A_307 : memref<1x80xi32, #tpu.memory_space<vmem>> -> memref<80xi32, #tpu.memory_space<vmem>>
        %dma_wait3A_309 = arith.constant 0 : i32
        %dma_wait3A_310 = arith.constant 0 : i32
        %dma_wait3A_311 = tpu.memref_slice %arg2[%dma_wait3A_309, %dma_wait3A_310] : memref<10000x64xf32, #tpu.memory_space<hbm>> -> memref<10000x64xf32, #tpu.memory_space<hbm>>
        tpu.wait_indirect_dma semaphore(%arg29 : memref<!tpu.dma_semaphore, #tpu.memory_space<semaphore_mem>>) src(%dma_wait3A_311 : memref<10000x64xf32, #tpu.memory_space<hbm>>) dst(%arg15 : memref<80x64xf32, #tpu.memory_space<vmem>>)
        %add3A_312 = arith.constant 4 : i32
        %add3A_313 = arith.addi %mul3A_35, %add3A_312 : i32
        %dma_start3A = arith.constant 0 : i32
        %dma_start3A_314 = tpu.memref_slice %arg10[%add3A_313, %dma_start3A] : memref<125x80xi32, #tpu.memory_space<vmem>> -> memref<1x80xi32, #tpu.memory_space<vmem>>
        %dma_start3A_315 = tpu.memref_squeeze %dma_start3A_314 : memref<1x80xi32, #tpu.memory_space<vmem>> -> memref<80xi32, #tpu.memory_space<vmem>>
        %dma_start3A_316 = arith.constant 0 : i32
        %dma_start3A_317 = arith.constant 0 : i32
        %dma_start3A_318 = tpu.memref_slice %arg24[%dma_start3A_316, %dma_start3A_317] : memref<10112x64xf32, #tpu.memory_space<vmem_shared>> -> memref<10112x64xf32, #tpu.memory_space<vmem_shared>>
        tpu.enqueue_indirect_dma source(%arg15 : memref<80x64xf32, #tpu.memory_space<vmem>>) target(%dma_start3A_318 : memref<10112x64xf32, #tpu.memory_space<vmem_shared>>) offsets(%dma_start3A_315 : memref<80xi32, #tpu.memory_space<vmem>>) semaphore(%arg42 : memref<!tpu.dma_semaphore, #tpu.memory_space<semaphore_mem>>) {add = true}
      } else {
      }
      %add3A_159 = arith.constant 5 : i32
      %add3A_160 = arith.addi %mul3A_35, %add3A_159 : i32
      %lt3A_161 = arith.constant 125 : i32
      %lt3A_162 = arith.cmpi slt, %add3A_160, %lt3A_161 : i32
      %convert_element_type3A_163 = arith.extui %lt3A_162 : i1 to i32
      %cond3A_164 = arith.constant 0 : i32
      %cond3A_165 = arith.cmpi ne, %convert_element_type3A_163, %cond3A_164 : i32
      scf.if %cond3A_165 {
        %dma_wait3A = arith.constant 0 : i32
        %dma_wait3A_306 = arith.constant 0 : i32
        %dma_wait3A_307 = tpu.memref_slice %arg9[%dma_wait3A, %dma_wait3A_306] : memref<125x80xi32, #tpu.memory_space<vmem>> -> memref<1x80xi32, #tpu.memory_space<vmem>>
        %dma_wait3A_308 = tpu.memref_squeeze %dma_wait3A_307 : memref<1x80xi32, #tpu.memory_space<vmem>> -> memref<80xi32, #tpu.memory_space<vmem>>
        %dma_wait3A_309 = arith.constant 0 : i32
        %dma_wait3A_310 = arith.constant 0 : i32
        %dma_wait3A_311 = tpu.memref_slice %arg2[%dma_wait3A_309, %dma_wait3A_310] : memref<10000x64xf32, #tpu.memory_space<hbm>> -> memref<10000x64xf32, #tpu.memory_space<hbm>>
        tpu.wait_indirect_dma semaphore(%arg30 : memref<!tpu.dma_semaphore, #tpu.memory_space<semaphore_mem>>) src(%dma_wait3A_311 : memref<10000x64xf32, #tpu.memory_space<hbm>>) dst(%arg16 : memref<80x64xf32, #tpu.memory_space<vmem>>)
        %add3A_312 = arith.constant 5 : i32
        %add3A_313 = arith.addi %mul3A_35, %add3A_312 : i32
        %dma_start3A = arith.constant 0 : i32
        %dma_start3A_314 = tpu.memref_slice %arg10[%add3A_313, %dma_start3A] : memref<125x80xi32, #tpu.memory_space<vmem>> -> memref<1x80xi32, #tpu.memory_space<vmem>>
        %dma_start3A_315 = tpu.memref_squeeze %dma_start3A_314 : memref<1x80xi32, #tpu.memory_space<vmem>> -> memref<80xi32, #tpu.memory_space<vmem>>
        %dma_start3A_316 = arith.constant 0 : i32
        %dma_start3A_317 = arith.constant 0 : i32
        %dma_start3A_318 = tpu.memref_slice %arg24[%dma_start3A_316, %dma_start3A_317] : memref<10112x64xf32, #tpu.memory_space<vmem_shared>> -> memref<10112x64xf32, #tpu.memory_space<vmem_shared>>
        tpu.enqueue_indirect_dma source(%arg16 : memref<80x64xf32, #tpu.memory_space<vmem>>) target(%dma_start3A_318 : memref<10112x64xf32, #tpu.memory_space<vmem_shared>>) offsets(%dma_start3A_315 : memref<80xi32, #tpu.memory_space<vmem>>) semaphore(%arg43 : memref<!tpu.dma_semaphore, #tpu.memory_space<semaphore_mem>>) {add = true}
      } else {
      }
      %add3A_166 = arith.constant 6 : i32
      %add3A_167 = arith.addi %mul3A_35, %add3A_166 : i32
      %lt3A_168 = arith.constant 125 : i32
      %lt3A_169 = arith.cmpi slt, %add3A_167, %lt3A_168 : i32
      %convert_element_type3A_170 = arith.extui %lt3A_169 : i1 to i32
      %cond3A_171 = arith.constant 0 : i32
      %cond3A_172 = arith.cmpi ne, %convert_element_type3A_170, %cond3A_171 : i32
      scf.if %cond3A_172 {
        %dma_wait3A = arith.constant 0 : i32
        %dma_wait3A_306 = arith.constant 0 : i32
        %dma_wait3A_307 = tpu.memref_slice %arg9[%dma_wait3A, %dma_wait3A_306] : memref<125x80xi32, #tpu.memory_space<vmem>> -> memref<1x80xi32, #tpu.memory_space<vmem>>
        %dma_wait3A_308 = tpu.memref_squeeze %dma_wait3A_307 : memref<1x80xi32, #tpu.memory_space<vmem>> -> memref<80xi32, #tpu.memory_space<vmem>>
        %dma_wait3A_309 = arith.constant 0 : i32
        %dma_wait3A_310 = arith.constant 0 : i32
        %dma_wait3A_311 = tpu.memref_slice %arg2[%dma_wait3A_309, %dma_wait3A_310] : memref<10000x64xf32, #tpu.memory_space<hbm>> -> memref<10000x64xf32, #tpu.memory_space<hbm>>
        tpu.wait_indirect_dma semaphore(%arg31 : memref<!tpu.dma_semaphore, #tpu.memory_space<semaphore_mem>>) src(%dma_wait3A_311 : memref<10000x64xf32, #tpu.memory_space<hbm>>) dst(%arg17 : memref<80x64xf32, #tpu.memory_space<vmem>>)
        %add3A_312 = arith.constant 6 : i32
        %add3A_313 = arith.addi %mul3A_35, %add3A_312 : i32
        %dma_start3A = arith.constant 0 : i32
        %dma_start3A_314 = tpu.memref_slice %arg10[%add3A_313, %dma_start3A] : memref<125x80xi32, #tpu.memory_space<vmem>> -> memref<1x80xi32, #tpu.memory_space<vmem>>
        %dma_start3A_315 = tpu.memref_squeeze %dma_start3A_314 : memref<1x80xi32, #tpu.memory_space<vmem>> -> memref<80xi32, #tpu.memory_space<vmem>>
        %dma_start3A_316 = arith.constant 0 : i32
        %dma_start3A_317 = arith.constant 0 : i32
        %dma_start3A_318 = tpu.memref_slice %arg24[%dma_start3A_316, %dma_start3A_317] : memref<10112x64xf32, #tpu.memory_space<vmem_shared>> -> memref<10112x64xf32, #tpu.memory_space<vmem_shared>>
        tpu.enqueue_indirect_dma source(%arg17 : memref<80x64xf32, #tpu.memory_space<vmem>>) target(%dma_start3A_318 : memref<10112x64xf32, #tpu.memory_space<vmem_shared>>) offsets(%dma_start3A_315 : memref<80xi32, #tpu.memory_space<vmem>>) semaphore(%arg44 : memref<!tpu.dma_semaphore, #tpu.memory_space<semaphore_mem>>) {add = true}
      } else {
      }
      %add3A_173 = arith.constant 7 : i32
      %add3A_174 = arith.addi %mul3A_35, %add3A_173 : i32
      %lt3A_175 = arith.constant 125 : i32
      %lt3A_176 = arith.cmpi slt, %add3A_174, %lt3A_175 : i32
      %convert_element_type3A_177 = arith.extui %lt3A_176 : i1 to i32
      %cond3A_178 = arith.constant 0 : i32
      %cond3A_179 = arith.cmpi ne, %convert_element_type3A_177, %cond3A_178 : i32
      scf.if %cond3A_179 {
        %dma_wait3A = arith.constant 0 : i32
        %dma_wait3A_306 = arith.constant 0 : i32
        %dma_wait3A_307 = tpu.memref_slice %arg9[%dma_wait3A, %dma_wait3A_306] : memref<125x80xi32, #tpu.memory_space<vmem>> -> memref<1x80xi32, #tpu.memory_space<vmem>>
        %dma_wait3A_308 = tpu.memref_squeeze %dma_wait3A_307 : memref<1x80xi32, #tpu.memory_space<vmem>> -> memref<80xi32, #tpu.memory_space<vmem>>
        %dma_wait3A_309 = arith.constant 0 : i32
        %dma_wait3A_310 = arith.constant 0 : i32
        %dma_wait3A_311 = tpu.memref_slice %arg2[%dma_wait3A_309, %dma_wait3A_310] : memref<10000x64xf32, #tpu.memory_space<hbm>> -> memref<10000x64xf32, #tpu.memory_space<hbm>>
        tpu.wait_indirect_dma semaphore(%arg32 : memref<!tpu.dma_semaphore, #tpu.memory_space<semaphore_mem>>) src(%dma_wait3A_311 : memref<10000x64xf32, #tpu.memory_space<hbm>>) dst(%arg18 : memref<80x64xf32, #tpu.memory_space<vmem>>)
        %add3A_312 = arith.constant 7 : i32
        %add3A_313 = arith.addi %mul3A_35, %add3A_312 : i32
        %dma_start3A = arith.constant 0 : i32
        %dma_start3A_314 = tpu.memref_slice %arg10[%add3A_313, %dma_start3A] : memref<125x80xi32, #tpu.memory_space<vmem>> -> memref<1x80xi32, #tpu.memory_space<vmem>>
        %dma_start3A_315 = tpu.memref_squeeze %dma_start3A_314 : memref<1x80xi32, #tpu.memory_space<vmem>> -> memref<80xi32, #tpu.memory_space<vmem>>
        %dma_start3A_316 = arith.constant 0 : i32
        %dma_start3A_317 = arith.constant 0 : i32
        %dma_start3A_318 = tpu.memref_slice %arg24[%dma_start3A_316, %dma_start3A_317] : memref<10112x64xf32, #tpu.memory_space<vmem_shared>> -> memref<10112x64xf32, #tpu.memory_space<vmem_shared>>
        tpu.enqueue_indirect_dma source(%arg18 : memref<80x64xf32, #tpu.memory_space<vmem>>) target(%dma_start3A_318 : memref<10112x64xf32, #tpu.memory_space<vmem_shared>>) offsets(%dma_start3A_315 : memref<80xi32, #tpu.memory_space<vmem>>) semaphore(%arg45 : memref<!tpu.dma_semaphore, #tpu.memory_space<semaphore_mem>>) {add = true}
      } else {
      }
      %add3A_180 = arith.constant 8 : i32
      %add3A_181 = arith.addi %mul3A_35, %add3A_180 : i32
      %lt3A_182 = arith.constant 125 : i32
      %lt3A_183 = arith.cmpi slt, %add3A_181, %lt3A_182 : i32
      %convert_element_type3A_184 = arith.extui %lt3A_183 : i1 to i32
      %cond3A_185 = arith.constant 0 : i32
      %cond3A_186 = arith.cmpi ne, %convert_element_type3A_184, %cond3A_185 : i32
      scf.if %cond3A_186 {
        %dma_wait3A = arith.constant 0 : i32
        %dma_wait3A_306 = arith.constant 0 : i32
        %dma_wait3A_307 = tpu.memref_slice %arg9[%dma_wait3A, %dma_wait3A_306] : memref<125x80xi32, #tpu.memory_space<vmem>> -> memref<1x80xi32, #tpu.memory_space<vmem>>
        %dma_wait3A_308 = tpu.memref_squeeze %dma_wait3A_307 : memref<1x80xi32, #tpu.memory_space<vmem>> -> memref<80xi32, #tpu.memory_space<vmem>>
        %dma_wait3A_309 = arith.constant 0 : i32
        %dma_wait3A_310 = arith.constant 0 : i32
        %dma_wait3A_311 = tpu.memref_slice %arg2[%dma_wait3A_309, %dma_wait3A_310] : memref<10000x64xf32, #tpu.memory_space<hbm>> -> memref<10000x64xf32, #tpu.memory_space<hbm>>
        tpu.wait_indirect_dma semaphore(%arg33 : memref<!tpu.dma_semaphore, #tpu.memory_space<semaphore_mem>>) src(%dma_wait3A_311 : memref<10000x64xf32, #tpu.memory_space<hbm>>) dst(%arg19 : memref<80x64xf32, #tpu.memory_space<vmem>>)
        %add3A_312 = arith.constant 8 : i32
        %add3A_313 = arith.addi %mul3A_35, %add3A_312 : i32
        %dma_start3A = arith.constant 0 : i32
        %dma_start3A_314 = tpu.memref_slice %arg10[%add3A_313, %dma_start3A] : memref<125x80xi32, #tpu.memory_space<vmem>> -> memref<1x80xi32, #tpu.memory_space<vmem>>
        %dma_start3A_315 = tpu.memref_squeeze %dma_start3A_314 : memref<1x80xi32, #tpu.memory_space<vmem>> -> memref<80xi32, #tpu.memory_space<vmem>>
        %dma_start3A_316 = arith.constant 0 : i32
        %dma_start3A_317 = arith.constant 0 : i32
        %dma_start3A_318 = tpu.memref_slice %arg24[%dma_start3A_316, %dma_start3A_317] : memref<10112x64xf32, #tpu.memory_space<vmem_shared>> -> memref<10112x64xf32, #tpu.memory_space<vmem_shared>>
        tpu.enqueue_indirect_dma source(%arg19 : memref<80x64xf32, #tpu.memory_space<vmem>>) target(%dma_start3A_318 : memref<10112x64xf32, #tpu.memory_space<vmem_shared>>) offsets(%dma_start3A_315 : memref<80xi32, #tpu.memory_space<vmem>>) semaphore(%arg46 : memref<!tpu.dma_semaphore, #tpu.memory_space<semaphore_mem>>) {add = true}
      } else {
      }
      %add3A_187 = arith.constant 9 : i32
      %add3A_188 = arith.addi %mul3A_35, %add3A_187 : i32
      %lt3A_189 = arith.constant 125 : i32
      %lt3A_190 = arith.cmpi slt, %add3A_188, %lt3A_189 : i32
      %convert_element_type3A_191 = arith.extui %lt3A_190 : i1 to i32
      %cond3A_192 = arith.constant 0 : i32
      %cond3A_193 = arith.cmpi ne, %convert_element_type3A_191, %cond3A_192 : i32
      scf.if %cond3A_193 {
        %dma_wait3A = arith.constant 0 : i32
        %dma_wait3A_306 = arith.constant 0 : i32
        %dma_wait3A_307 = tpu.memref_slice %arg9[%dma_wait3A, %dma_wait3A_306] : memref<125x80xi32, #tpu.memory_space<vmem>> -> memref<1x80xi32, #tpu.memory_space<vmem>>
        %dma_wait3A_308 = tpu.memref_squeeze %dma_wait3A_307 : memref<1x80xi32, #tpu.memory_space<vmem>> -> memref<80xi32, #tpu.memory_space<vmem>>
        %dma_wait3A_309 = arith.constant 0 : i32
        %dma_wait3A_310 = arith.constant 0 : i32
        %dma_wait3A_311 = tpu.memref_slice %arg2[%dma_wait3A_309, %dma_wait3A_310] : memref<10000x64xf32, #tpu.memory_space<hbm>> -> memref<10000x64xf32, #tpu.memory_space<hbm>>
        tpu.wait_indirect_dma semaphore(%arg34 : memref<!tpu.dma_semaphore, #tpu.memory_space<semaphore_mem>>) src(%dma_wait3A_311 : memref<10000x64xf32, #tpu.memory_space<hbm>>) dst(%arg20 : memref<80x64xf32, #tpu.memory_space<vmem>>)
        %add3A_312 = arith.constant 9 : i32
        %add3A_313 = arith.addi %mul3A_35, %add3A_312 : i32
        %dma_start3A = arith.constant 0 : i32
        %dma_start3A_314 = tpu.memref_slice %arg10[%add3A_313, %dma_start3A] : memref<125x80xi32, #tpu.memory_space<vmem>> -> memref<1x80xi32, #tpu.memory_space<vmem>>
        %dma_start3A_315 = tpu.memref_squeeze %dma_start3A_314 : memref<1x80xi32, #tpu.memory_space<vmem>> -> memref<80xi32, #tpu.memory_space<vmem>>
        %dma_start3A_316 = arith.constant 0 : i32
        %dma_start3A_317 = arith.constant 0 : i32
        %dma_start3A_318 = tpu.memref_slice %arg24[%dma_start3A_316, %dma_start3A_317] : memref<10112x64xf32, #tpu.memory_space<vmem_shared>> -> memref<10112x64xf32, #tpu.memory_space<vmem_shared>>
        tpu.enqueue_indirect_dma source(%arg20 : memref<80x64xf32, #tpu.memory_space<vmem>>) target(%dma_start3A_318 : memref<10112x64xf32, #tpu.memory_space<vmem_shared>>) offsets(%dma_start3A_315 : memref<80xi32, #tpu.memory_space<vmem>>) semaphore(%arg47 : memref<!tpu.dma_semaphore, #tpu.memory_space<semaphore_mem>>) {add = true}
      } else {
      }
      %add3A_194 = arith.constant 10 : i32
      %add3A_195 = arith.addi %mul3A_35, %add3A_194 : i32
      %lt3A_196 = arith.constant 125 : i32
      %lt3A_197 = arith.cmpi slt, %add3A_195, %lt3A_196 : i32
      %convert_element_type3A_198 = arith.extui %lt3A_197 : i1 to i32
      %cond3A_199 = arith.constant 0 : i32
      %cond3A_200 = arith.cmpi ne, %convert_element_type3A_198, %cond3A_199 : i32
      scf.if %cond3A_200 {
        %dma_wait3A = arith.constant 0 : i32
        %dma_wait3A_306 = arith.constant 0 : i32
        %dma_wait3A_307 = tpu.memref_slice %arg9[%dma_wait3A, %dma_wait3A_306] : memref<125x80xi32, #tpu.memory_space<vmem>> -> memref<1x80xi32, #tpu.memory_space<vmem>>
        %dma_wait3A_308 = tpu.memref_squeeze %dma_wait3A_307 : memref<1x80xi32, #tpu.memory_space<vmem>> -> memref<80xi32, #tpu.memory_space<vmem>>
        %dma_wait3A_309 = arith.constant 0 : i32
        %dma_wait3A_310 = arith.constant 0 : i32
        %dma_wait3A_311 = tpu.memref_slice %arg2[%dma_wait3A_309, %dma_wait3A_310] : memref<10000x64xf32, #tpu.memory_space<hbm>> -> memref<10000x64xf32, #tpu.memory_space<hbm>>
        tpu.wait_indirect_dma semaphore(%arg35 : memref<!tpu.dma_semaphore, #tpu.memory_space<semaphore_mem>>) src(%dma_wait3A_311 : memref<10000x64xf32, #tpu.memory_space<hbm>>) dst(%arg21 : memref<80x64xf32, #tpu.memory_space<vmem>>)
        %add3A_312 = arith.constant 10 : i32
        %add3A_313 = arith.addi %mul3A_35, %add3A_312 : i32
        %dma_start3A = arith.constant 0 : i32
        %dma_start3A_314 = tpu.memref_slice %arg10[%add3A_313, %dma_start3A] : memref<125x80xi32, #tpu.memory_space<vmem>> -> memref<1x80xi32, #tpu.memory_space<vmem>>
        %dma_start3A_315 = tpu.memref_squeeze %dma_start3A_314 : memref<1x80xi32, #tpu.memory_space<vmem>> -> memref<80xi32, #tpu.memory_space<vmem>>
        %dma_start3A_316 = arith.constant 0 : i32
        %dma_start3A_317 = arith.constant 0 : i32
        %dma_start3A_318 = tpu.memref_slice %arg24[%dma_start3A_316, %dma_start3A_317] : memref<10112x64xf32, #tpu.memory_space<vmem_shared>> -> memref<10112x64xf32, #tpu.memory_space<vmem_shared>>
        tpu.enqueue_indirect_dma source(%arg21 : memref<80x64xf32, #tpu.memory_space<vmem>>) target(%dma_start3A_318 : memref<10112x64xf32, #tpu.memory_space<vmem_shared>>) offsets(%dma_start3A_315 : memref<80xi32, #tpu.memory_space<vmem>>) semaphore(%arg48 : memref<!tpu.dma_semaphore, #tpu.memory_space<semaphore_mem>>) {add = true}
      } else {
      }
      %add3A_201 = arith.constant 11 : i32
      %add3A_202 = arith.addi %mul3A_35, %add3A_201 : i32
      %lt3A_203 = arith.constant 125 : i32
      %lt3A_204 = arith.cmpi slt, %add3A_202, %lt3A_203 : i32
      %convert_element_type3A_205 = arith.extui %lt3A_204 : i1 to i32
      %cond3A_206 = arith.constant 0 : i32
      %cond3A_207 = arith.cmpi ne, %convert_element_type3A_205, %cond3A_206 : i32
      scf.if %cond3A_207 {
        %dma_wait3A = arith.constant 0 : i32
        %dma_wait3A_306 = arith.constant 0 : i32
        %dma_wait3A_307 = tpu.memref_slice %arg9[%dma_wait3A, %dma_wait3A_306] : memref<125x80xi32, #tpu.memory_space<vmem>> -> memref<1x80xi32, #tpu.memory_space<vmem>>
        %dma_wait3A_308 = tpu.memref_squeeze %dma_wait3A_307 : memref<1x80xi32, #tpu.memory_space<vmem>> -> memref<80xi32, #tpu.memory_space<vmem>>
        %dma_wait3A_309 = arith.constant 0 : i32
        %dma_wait3A_310 = arith.constant 0 : i32
        %dma_wait3A_311 = tpu.memref_slice %arg2[%dma_wait3A_309, %dma_wait3A_310] : memref<10000x64xf32, #tpu.memory_space<hbm>> -> memref<10000x64xf32, #tpu.memory_space<hbm>>
        tpu.wait_indirect_dma semaphore(%arg36 : memref<!tpu.dma_semaphore, #tpu.memory_space<semaphore_mem>>) src(%dma_wait3A_311 : memref<10000x64xf32, #tpu.memory_space<hbm>>) dst(%arg22 : memref<80x64xf32, #tpu.memory_space<vmem>>)
        %add3A_312 = arith.constant 11 : i32
        %add3A_313 = arith.addi %mul3A_35, %add3A_312 : i32
        %dma_start3A = arith.constant 0 : i32
        %dma_start3A_314 = tpu.memref_slice %arg10[%add3A_313, %dma_start3A] : memref<125x80xi32, #tpu.memory_space<vmem>> -> memref<1x80xi32, #tpu.memory_space<vmem>>
        %dma_start3A_315 = tpu.memref_squeeze %dma_start3A_314 : memref<1x80xi32, #tpu.memory_space<vmem>> -> memref<80xi32, #tpu.memory_space<vmem>>
        %dma_start3A_316 = arith.constant 0 : i32
        %dma_start3A_317 = arith.constant 0 : i32
        %dma_start3A_318 = tpu.memref_slice %arg24[%dma_start3A_316, %dma_start3A_317] : memref<10112x64xf32, #tpu.memory_space<vmem_shared>> -> memref<10112x64xf32, #tpu.memory_space<vmem_shared>>
        tpu.enqueue_indirect_dma source(%arg22 : memref<80x64xf32, #tpu.memory_space<vmem>>) target(%dma_start3A_318 : memref<10112x64xf32, #tpu.memory_space<vmem_shared>>) offsets(%dma_start3A_315 : memref<80xi32, #tpu.memory_space<vmem>>) semaphore(%arg49 : memref<!tpu.dma_semaphore, #tpu.memory_space<semaphore_mem>>) {add = true}
      } else {
      }
      %add3A_208 = arith.constant 12 : i32
      %add3A_209 = arith.addi %mul3A_35, %add3A_208 : i32
      %lt3A_210 = arith.constant 125 : i32
      %lt3A_211 = arith.cmpi slt, %add3A_209, %lt3A_210 : i32
      %convert_element_type3A_212 = arith.extui %lt3A_211 : i1 to i32
      %cond3A_213 = arith.constant 0 : i32
      %cond3A_214 = arith.cmpi ne, %convert_element_type3A_212, %cond3A_213 : i32
      scf.if %cond3A_214 {
        %dma_wait3A = arith.constant 0 : i32
        %dma_wait3A_306 = arith.constant 0 : i32
        %dma_wait3A_307 = tpu.memref_slice %arg9[%dma_wait3A, %dma_wait3A_306] : memref<125x80xi32, #tpu.memory_space<vmem>> -> memref<1x80xi32, #tpu.memory_space<vmem>>
        %dma_wait3A_308 = tpu.memref_squeeze %dma_wait3A_307 : memref<1x80xi32, #tpu.memory_space<vmem>> -> memref<80xi32, #tpu.memory_space<vmem>>
        %dma_wait3A_309 = arith.constant 0 : i32
        %dma_wait3A_310 = arith.constant 0 : i32
        %dma_wait3A_311 = tpu.memref_slice %arg2[%dma_wait3A_309, %dma_wait3A_310] : memref<10000x64xf32, #tpu.memory_space<hbm>> -> memref<10000x64xf32, #tpu.memory_space<hbm>>
        tpu.wait_indirect_dma semaphore(%arg37 : memref<!tpu.dma_semaphore, #tpu.memory_space<semaphore_mem>>) src(%dma_wait3A_311 : memref<10000x64xf32, #tpu.memory_space<hbm>>) dst(%arg23 : memref<80x64xf32, #tpu.memory_space<vmem>>)
        %add3A_312 = arith.constant 12 : i32
        %add3A_313 = arith.addi %mul3A_35, %add3A_312 : i32
        %dma_start3A = arith.constant 0 : i32
        %dma_start3A_314 = tpu.memref_slice %arg10[%add3A_313, %dma_start3A] : memref<125x80xi32, #tpu.memory_space<vmem>> -> memref<1x80xi32, #tpu.memory_space<vmem>>
        %dma_start3A_315 = tpu.memref_squeeze %dma_start3A_314 : memref<1x80xi32, #tpu.memory_space<vmem>> -> memref<80xi32, #tpu.memory_space<vmem>>
        %dma_start3A_316 = arith.constant 0 : i32
        %dma_start3A_317 = arith.constant 0 : i32
        %dma_start3A_318 = tpu.memref_slice %arg24[%dma_start3A_316, %dma_start3A_317] : memref<10112x64xf32, #tpu.memory_space<vmem_shared>> -> memref<10112x64xf32, #tpu.memory_space<vmem_shared>>
        tpu.enqueue_indirect_dma source(%arg23 : memref<80x64xf32, #tpu.memory_space<vmem>>) target(%dma_start3A_318 : memref<10112x64xf32, #tpu.memory_space<vmem_shared>>) offsets(%dma_start3A_315 : memref<80xi32, #tpu.memory_space<vmem>>) semaphore(%arg50 : memref<!tpu.dma_semaphore, #tpu.memory_space<semaphore_mem>>) {add = true}
      } else {
      }
      %add3A_215 = arith.constant 0 : i32
      %add3A_216 = arith.addi %mul3A_35, %add3A_215 : i32
      %lt3A_217 = arith.constant 125 : i32
      %lt3A_218 = arith.cmpi slt, %add3A_216, %lt3A_217 : i32
      %convert_element_type3A_219 = arith.extui %lt3A_218 : i1 to i32
      %cond3A_220 = arith.constant 0 : i32
      %cond3A_221 = arith.cmpi ne, %convert_element_type3A_219, %cond3A_220 : i32
      scf.if %cond3A_221 {
        %dma_wait3A = arith.constant 0 : i32
        %dma_wait3A_306 = arith.constant 0 : i32
        %dma_wait3A_307 = tpu.memref_slice %arg10[%dma_wait3A, %dma_wait3A_306] : memref<125x80xi32, #tpu.memory_space<vmem>> -> memref<1x80xi32, #tpu.memory_space<vmem>>
        %dma_wait3A_308 = tpu.memref_squeeze %dma_wait3A_307 : memref<1x80xi32, #tpu.memory_space<vmem>> -> memref<80xi32, #tpu.memory_space<vmem>>
        %dma_wait3A_309 = arith.constant 0 : i32
        %dma_wait3A_310 = arith.constant 0 : i32
        %dma_wait3A_311 = tpu.memref_slice %arg24[%dma_wait3A_309, %dma_wait3A_310] : memref<10112x64xf32, #tpu.memory_space<vmem_shared>> -> memref<10112x64xf32, #tpu.memory_space<vmem_shared>>
        tpu.wait_indirect_dma semaphore(%arg38 : memref<!tpu.dma_semaphore, #tpu.memory_space<semaphore_mem>>) src(%arg11 : memref<80x64xf32, #tpu.memory_space<vmem>>) dst(%dma_wait3A_311 : memref<10112x64xf32, #tpu.memory_space<vmem_shared>>)
      } else {
      }
      %add3A_222 = arith.constant 1 : i32
      %add3A_223 = arith.addi %mul3A_35, %add3A_222 : i32
      %lt3A_224 = arith.constant 125 : i32
      %lt3A_225 = arith.cmpi slt, %add3A_223, %lt3A_224 : i32
      %convert_element_type3A_226 = arith.extui %lt3A_225 : i1 to i32
      %cond3A_227 = arith.constant 0 : i32
      %cond3A_228 = arith.cmpi ne, %convert_element_type3A_226, %cond3A_227 : i32
      scf.if %cond3A_228 {
        %dma_wait3A = arith.constant 0 : i32
        %dma_wait3A_306 = arith.constant 0 : i32
        %dma_wait3A_307 = tpu.memref_slice %arg10[%dma_wait3A, %dma_wait3A_306] : memref<125x80xi32, #tpu.memory_space<vmem>> -> memref<1x80xi32, #tpu.memory_space<vmem>>
        %dma_wait3A_308 = tpu.memref_squeeze %dma_wait3A_307 : memref<1x80xi32, #tpu.memory_space<vmem>> -> memref<80xi32, #tpu.memory_space<vmem>>
        %dma_wait3A_309 = arith.constant 0 : i32
        %dma_wait3A_310 = arith.constant 0 : i32
        %dma_wait3A_311 = tpu.memref_slice %arg24[%dma_wait3A_309, %dma_wait3A_310] : memref<10112x64xf32, #tpu.memory_space<vmem_shared>> -> memref<10112x64xf32, #tpu.memory_space<vmem_shared>>
        tpu.wait_indirect_dma semaphore(%arg39 : memref<!tpu.dma_semaphore, #tpu.memory_space<semaphore_mem>>) src(%arg12 : memref<80x64xf32, #tpu.memory_space<vmem>>) dst(%dma_wait3A_311 : memref<10112x64xf32, #tpu.memory_space<vmem_shared>>)
      } else {
      }
      %add3A_229 = arith.constant 2 : i32
      %add3A_230 = arith.addi %mul3A_35, %add3A_229 : i32
      %lt3A_231 = arith.constant 125 : i32
      %lt3A_232 = arith.cmpi slt, %add3A_230, %lt3A_231 : i32
      %convert_element_type3A_233 = arith.extui %lt3A_232 : i1 to i32
      %cond3A_234 = arith.constant 0 : i32
      %cond3A_235 = arith.cmpi ne, %convert_element_type3A_233, %cond3A_234 : i32
      scf.if %cond3A_235 {
        %dma_wait3A = arith.constant 0 : i32
        %dma_wait3A_306 = arith.constant 0 : i32
        %dma_wait3A_307 = tpu.memref_slice %arg10[%dma_wait3A, %dma_wait3A_306] : memref<125x80xi32, #tpu.memory_space<vmem>> -> memref<1x80xi32, #tpu.memory_space<vmem>>
        %dma_wait3A_308 = tpu.memref_squeeze %dma_wait3A_307 : memref<1x80xi32, #tpu.memory_space<vmem>> -> memref<80xi32, #tpu.memory_space<vmem>>
        %dma_wait3A_309 = arith.constant 0 : i32
        %dma_wait3A_310 = arith.constant 0 : i32
        %dma_wait3A_311 = tpu.memref_slice %arg24[%dma_wait3A_309, %dma_wait3A_310] : memref<10112x64xf32, #tpu.memory_space<vmem_shared>> -> memref<10112x64xf32, #tpu.memory_space<vmem_shared>>
        tpu.wait_indirect_dma semaphore(%arg40 : memref<!tpu.dma_semaphore, #tpu.memory_space<semaphore_mem>>) src(%arg13 : memref<80x64xf32, #tpu.memory_space<vmem>>) dst(%dma_wait3A_311 : memref<10112x64xf32, #tpu.memory_space<vmem_shared>>)
      } else {
      }
      %add3A_236 = arith.constant 3 : i32
      %add3A_237 = arith.addi %mul3A_35, %add3A_236 : i32
      %lt3A_238 = arith.constant 125 : i32
      %lt3A_239 = arith.cmpi slt, %add3A_237, %lt3A_238 : i32
      %convert_element_type3A_240 = arith.extui %lt3A_239 : i1 to i32
      %cond3A_241 = arith.constant 0 : i32
      %cond3A_242 = arith.cmpi ne, %convert_element_type3A_240, %cond3A_241 : i32
      scf.if %cond3A_242 {
        %dma_wait3A = arith.constant 0 : i32
        %dma_wait3A_306 = arith.constant 0 : i32
        %dma_wait3A_307 = tpu.memref_slice %arg10[%dma_wait3A, %dma_wait3A_306] : memref<125x80xi32, #tpu.memory_space<vmem>> -> memref<1x80xi32, #tpu.memory_space<vmem>>
        %dma_wait3A_308 = tpu.memref_squeeze %dma_wait3A_307 : memref<1x80xi32, #tpu.memory_space<vmem>> -> memref<80xi32, #tpu.memory_space<vmem>>
        %dma_wait3A_309 = arith.constant 0 : i32
        %dma_wait3A_310 = arith.constant 0 : i32
        %dma_wait3A_311 = tpu.memref_slice %arg24[%dma_wait3A_309, %dma_wait3A_310] : memref<10112x64xf32, #tpu.memory_space<vmem_shared>> -> memref<10112x64xf32, #tpu.memory_space<vmem_shared>>
        tpu.wait_indirect_dma semaphore(%arg41 : memref<!tpu.dma_semaphore, #tpu.memory_space<semaphore_mem>>) src(%arg14 : memref<80x64xf32, #tpu.memory_space<vmem>>) dst(%dma_wait3A_311 : memref<10112x64xf32, #tpu.memory_space<vmem_shared>>)
      } else {
      }
      %add3A_243 = arith.constant 4 : i32
      %add3A_244 = arith.addi %mul3A_35, %add3A_243 : i32
      %lt3A_245 = arith.constant 125 : i32
      %lt3A_246 = arith.cmpi slt, %add3A_244, %lt3A_245 : i32
      %convert_element_type3A_247 = arith.extui %lt3A_246 : i1 to i32
      %cond3A_248 = arith.constant 0 : i32
      %cond3A_249 = arith.cmpi ne, %convert_element_type3A_247, %cond3A_248 : i32
      scf.if %cond3A_249 {
        %dma_wait3A = arith.constant 0 : i32
        %dma_wait3A_306 = arith.constant 0 : i32
        %dma_wait3A_307 = tpu.memref_slice %arg10[%dma_wait3A, %dma_wait3A_306] : memref<125x80xi32, #tpu.memory_space<vmem>> -> memref<1x80xi32, #tpu.memory_space<vmem>>
        %dma_wait3A_308 = tpu.memref_squeeze %dma_wait3A_307 : memref<1x80xi32, #tpu.memory_space<vmem>> -> memref<80xi32, #tpu.memory_space<vmem>>
        %dma_wait3A_309 = arith.constant 0 : i32
        %dma_wait3A_310 = arith.constant 0 : i32
        %dma_wait3A_311 = tpu.memref_slice %arg24[%dma_wait3A_309, %dma_wait3A_310] : memref<10112x64xf32, #tpu.memory_space<vmem_shared>> -> memref<10112x64xf32, #tpu.memory_space<vmem_shared>>
        tpu.wait_indirect_dma semaphore(%arg42 : memref<!tpu.dma_semaphore, #tpu.memory_space<semaphore_mem>>) src(%arg15 : memref<80x64xf32, #tpu.memory_space<vmem>>) dst(%dma_wait3A_311 : memref<10112x64xf32, #tpu.memory_space<vmem_shared>>)
      } else {
      }
      %add3A_250 = arith.constant 5 : i32
      %add3A_251 = arith.addi %mul3A_35, %add3A_250 : i32
      %lt3A_252 = arith.constant 125 : i32
      %lt3A_253 = arith.cmpi slt, %add3A_251, %lt3A_252 : i32
      %convert_element_type3A_254 = arith.extui %lt3A_253 : i1 to i32
      %cond3A_255 = arith.constant 0 : i32
      %cond3A_256 = arith.cmpi ne, %convert_element_type3A_254, %cond3A_255 : i32
      scf.if %cond3A_256 {
        %dma_wait3A = arith.constant 0 : i32
        %dma_wait3A_306 = arith.constant 0 : i32
        %dma_wait3A_307 = tpu.memref_slice %arg10[%dma_wait3A, %dma_wait3A_306] : memref<125x80xi32, #tpu.memory_space<vmem>> -> memref<1x80xi32, #tpu.memory_space<vmem>>
        %dma_wait3A_308 = tpu.memref_squeeze %dma_wait3A_307 : memref<1x80xi32, #tpu.memory_space<vmem>> -> memref<80xi32, #tpu.memory_space<vmem>>
        %dma_wait3A_309 = arith.constant 0 : i32
        %dma_wait3A_310 = arith.constant 0 : i32
        %dma_wait3A_311 = tpu.memref_slice %arg24[%dma_wait3A_309, %dma_wait3A_310] : memref<10112x64xf32, #tpu.memory_space<vmem_shared>> -> memref<10112x64xf32, #tpu.memory_space<vmem_shared>>
        tpu.wait_indirect_dma semaphore(%arg43 : memref<!tpu.dma_semaphore, #tpu.memory_space<semaphore_mem>>) src(%arg16 : memref<80x64xf32, #tpu.memory_space<vmem>>) dst(%dma_wait3A_311 : memref<10112x64xf32, #tpu.memory_space<vmem_shared>>)
      } else {
      }
      %add3A_257 = arith.constant 6 : i32
      %add3A_258 = arith.addi %mul3A_35, %add3A_257 : i32
      %lt3A_259 = arith.constant 125 : i32
      %lt3A_260 = arith.cmpi slt, %add3A_258, %lt3A_259 : i32
      %convert_element_type3A_261 = arith.extui %lt3A_260 : i1 to i32
      %cond3A_262 = arith.constant 0 : i32
      %cond3A_263 = arith.cmpi ne, %convert_element_type3A_261, %cond3A_262 : i32
      scf.if %cond3A_263 {
        %dma_wait3A = arith.constant 0 : i32
        %dma_wait3A_306 = arith.constant 0 : i32
        %dma_wait3A_307 = tpu.memref_slice %arg10[%dma_wait3A, %dma_wait3A_306] : memref<125x80xi32, #tpu.memory_space<vmem>> -> memref<1x80xi32, #tpu.memory_space<vmem>>
        %dma_wait3A_308 = tpu.memref_squeeze %dma_wait3A_307 : memref<1x80xi32, #tpu.memory_space<vmem>> -> memref<80xi32, #tpu.memory_space<vmem>>
        %dma_wait3A_309 = arith.constant 0 : i32
        %dma_wait3A_310 = arith.constant 0 : i32
        %dma_wait3A_311 = tpu.memref_slice %arg24[%dma_wait3A_309, %dma_wait3A_310] : memref<10112x64xf32, #tpu.memory_space<vmem_shared>> -> memref<10112x64xf32, #tpu.memory_space<vmem_shared>>
        tpu.wait_indirect_dma semaphore(%arg44 : memref<!tpu.dma_semaphore, #tpu.memory_space<semaphore_mem>>) src(%arg17 : memref<80x64xf32, #tpu.memory_space<vmem>>) dst(%dma_wait3A_311 : memref<10112x64xf32, #tpu.memory_space<vmem_shared>>)
      } else {
      }
      %add3A_264 = arith.constant 7 : i32
      %add3A_265 = arith.addi %mul3A_35, %add3A_264 : i32
      %lt3A_266 = arith.constant 125 : i32
      %lt3A_267 = arith.cmpi slt, %add3A_265, %lt3A_266 : i32
      %convert_element_type3A_268 = arith.extui %lt3A_267 : i1 to i32
      %cond3A_269 = arith.constant 0 : i32
      %cond3A_270 = arith.cmpi ne, %convert_element_type3A_268, %cond3A_269 : i32
      scf.if %cond3A_270 {
        %dma_wait3A = arith.constant 0 : i32
        %dma_wait3A_306 = arith.constant 0 : i32
        %dma_wait3A_307 = tpu.memref_slice %arg10[%dma_wait3A, %dma_wait3A_306] : memref<125x80xi32, #tpu.memory_space<vmem>> -> memref<1x80xi32, #tpu.memory_space<vmem>>
        %dma_wait3A_308 = tpu.memref_squeeze %dma_wait3A_307 : memref<1x80xi32, #tpu.memory_space<vmem>> -> memref<80xi32, #tpu.memory_space<vmem>>
        %dma_wait3A_309 = arith.constant 0 : i32
        %dma_wait3A_310 = arith.constant 0 : i32
        %dma_wait3A_311 = tpu.memref_slice %arg24[%dma_wait3A_309, %dma_wait3A_310] : memref<10112x64xf32, #tpu.memory_space<vmem_shared>> -> memref<10112x64xf32, #tpu.memory_space<vmem_shared>>
        tpu.wait_indirect_dma semaphore(%arg45 : memref<!tpu.dma_semaphore, #tpu.memory_space<semaphore_mem>>) src(%arg18 : memref<80x64xf32, #tpu.memory_space<vmem>>) dst(%dma_wait3A_311 : memref<10112x64xf32, #tpu.memory_space<vmem_shared>>)
      } else {
      }
      %add3A_271 = arith.constant 8 : i32
      %add3A_272 = arith.addi %mul3A_35, %add3A_271 : i32
      %lt3A_273 = arith.constant 125 : i32
      %lt3A_274 = arith.cmpi slt, %add3A_272, %lt3A_273 : i32
      %convert_element_type3A_275 = arith.extui %lt3A_274 : i1 to i32
      %cond3A_276 = arith.constant 0 : i32
      %cond3A_277 = arith.cmpi ne, %convert_element_type3A_275, %cond3A_276 : i32
      scf.if %cond3A_277 {
        %dma_wait3A = arith.constant 0 : i32
        %dma_wait3A_306 = arith.constant 0 : i32
        %dma_wait3A_307 = tpu.memref_slice %arg10[%dma_wait3A, %dma_wait3A_306] : memref<125x80xi32, #tpu.memory_space<vmem>> -> memref<1x80xi32, #tpu.memory_space<vmem>>
        %dma_wait3A_308 = tpu.memref_squeeze %dma_wait3A_307 : memref<1x80xi32, #tpu.memory_space<vmem>> -> memref<80xi32, #tpu.memory_space<vmem>>
        %dma_wait3A_309 = arith.constant 0 : i32
        %dma_wait3A_310 = arith.constant 0 : i32
        %dma_wait3A_311 = tpu.memref_slice %arg24[%dma_wait3A_309, %dma_wait3A_310] : memref<10112x64xf32, #tpu.memory_space<vmem_shared>> -> memref<10112x64xf32, #tpu.memory_space<vmem_shared>>
        tpu.wait_indirect_dma semaphore(%arg46 : memref<!tpu.dma_semaphore, #tpu.memory_space<semaphore_mem>>) src(%arg19 : memref<80x64xf32, #tpu.memory_space<vmem>>) dst(%dma_wait3A_311 : memref<10112x64xf32, #tpu.memory_space<vmem_shared>>)
      } else {
      }
      %add3A_278 = arith.constant 9 : i32
      %add3A_279 = arith.addi %mul3A_35, %add3A_278 : i32
      %lt3A_280 = arith.constant 125 : i32
      %lt3A_281 = arith.cmpi slt, %add3A_279, %lt3A_280 : i32
      %convert_element_type3A_282 = arith.extui %lt3A_281 : i1 to i32
      %cond3A_283 = arith.constant 0 : i32
      %cond3A_284 = arith.cmpi ne, %convert_element_type3A_282, %cond3A_283 : i32
      scf.if %cond3A_284 {
        %dma_wait3A = arith.constant 0 : i32
        %dma_wait3A_306 = arith.constant 0 : i32
        %dma_wait3A_307 = tpu.memref_slice %arg10[%dma_wait3A, %dma_wait3A_306] : memref<125x80xi32, #tpu.memory_space<vmem>> -> memref<1x80xi32, #tpu.memory_space<vmem>>
        %dma_wait3A_308 = tpu.memref_squeeze %dma_wait3A_307 : memref<1x80xi32, #tpu.memory_space<vmem>> -> memref<80xi32, #tpu.memory_space<vmem>>
        %dma_wait3A_309 = arith.constant 0 : i32
        %dma_wait3A_310 = arith.constant 0 : i32
        %dma_wait3A_311 = tpu.memref_slice %arg24[%dma_wait3A_309, %dma_wait3A_310] : memref<10112x64xf32, #tpu.memory_space<vmem_shared>> -> memref<10112x64xf32, #tpu.memory_space<vmem_shared>>
        tpu.wait_indirect_dma semaphore(%arg47 : memref<!tpu.dma_semaphore, #tpu.memory_space<semaphore_mem>>) src(%arg20 : memref<80x64xf32, #tpu.memory_space<vmem>>) dst(%dma_wait3A_311 : memref<10112x64xf32, #tpu.memory_space<vmem_shared>>)
      } else {
      }
      %add3A_285 = arith.constant 10 : i32
      %add3A_286 = arith.addi %mul3A_35, %add3A_285 : i32
      %lt3A_287 = arith.constant 125 : i32
      %lt3A_288 = arith.cmpi slt, %add3A_286, %lt3A_287 : i32
      %convert_element_type3A_289 = arith.extui %lt3A_288 : i1 to i32
      %cond3A_290 = arith.constant 0 : i32
      %cond3A_291 = arith.cmpi ne, %convert_element_type3A_289, %cond3A_290 : i32
      scf.if %cond3A_291 {
        %dma_wait3A = arith.constant 0 : i32
        %dma_wait3A_306 = arith.constant 0 : i32
        %dma_wait3A_307 = tpu.memref_slice %arg10[%dma_wait3A, %dma_wait3A_306] : memref<125x80xi32, #tpu.memory_space<vmem>> -> memref<1x80xi32, #tpu.memory_space<vmem>>
        %dma_wait3A_308 = tpu.memref_squeeze %dma_wait3A_307 : memref<1x80xi32, #tpu.memory_space<vmem>> -> memref<80xi32, #tpu.memory_space<vmem>>
        %dma_wait3A_309 = arith.constant 0 : i32
        %dma_wait3A_310 = arith.constant 0 : i32
        %dma_wait3A_311 = tpu.memref_slice %arg24[%dma_wait3A_309, %dma_wait3A_310] : memref<10112x64xf32, #tpu.memory_space<vmem_shared>> -> memref<10112x64xf32, #tpu.memory_space<vmem_shared>>
        tpu.wait_indirect_dma semaphore(%arg48 : memref<!tpu.dma_semaphore, #tpu.memory_space<semaphore_mem>>) src(%arg21 : memref<80x64xf32, #tpu.memory_space<vmem>>) dst(%dma_wait3A_311 : memref<10112x64xf32, #tpu.memory_space<vmem_shared>>)
      } else {
      }
      %add3A_292 = arith.constant 11 : i32
      %add3A_293 = arith.addi %mul3A_35, %add3A_292 : i32
      %lt3A_294 = arith.constant 125 : i32
      %lt3A_295 = arith.cmpi slt, %add3A_293, %lt3A_294 : i32
      %convert_element_type3A_296 = arith.extui %lt3A_295 : i1 to i32
      %cond3A_297 = arith.constant 0 : i32
      %cond3A_298 = arith.cmpi ne, %convert_element_type3A_296, %cond3A_297 : i32
      scf.if %cond3A_298 {
        %dma_wait3A = arith.constant 0 : i32
        %dma_wait3A_306 = arith.constant 0 : i32
        %dma_wait3A_307 = tpu.memref_slice %arg10[%dma_wait3A, %dma_wait3A_306] : memref<125x80xi32, #tpu.memory_space<vmem>> -> memref<1x80xi32, #tpu.memory_space<vmem>>
        %dma_wait3A_308 = tpu.memref_squeeze %dma_wait3A_307 : memref<1x80xi32, #tpu.memory_space<vmem>> -> memref<80xi32, #tpu.memory_space<vmem>>
        %dma_wait3A_309 = arith.constant 0 : i32
        %dma_wait3A_310 = arith.constant 0 : i32
        %dma_wait3A_311 = tpu.memref_slice %arg24[%dma_wait3A_309, %dma_wait3A_310] : memref<10112x64xf32, #tpu.memory_space<vmem_shared>> -> memref<10112x64xf32, #tpu.memory_space<vmem_shared>>
        tpu.wait_indirect_dma semaphore(%arg49 : memref<!tpu.dma_semaphore, #tpu.memory_space<semaphore_mem>>) src(%arg22 : memref<80x64xf32, #tpu.memory_space<vmem>>) dst(%dma_wait3A_311 : memref<10112x64xf32, #tpu.memory_space<vmem_shared>>)
      } else {
      }
      %add3A_299 = arith.constant 12 : i32
      %add3A_300 = arith.addi %mul3A_35, %add3A_299 : i32
      %lt3A_301 = arith.constant 125 : i32
      %lt3A_302 = arith.cmpi slt, %add3A_300, %lt3A_301 : i32
      %convert_element_type3A_303 = arith.extui %lt3A_302 : i1 to i32
      %cond3A_304 = arith.constant 0 : i32
      %cond3A_305 = arith.cmpi ne, %convert_element_type3A_303, %cond3A_304 : i32
      scf.if %cond3A_305 {
        %dma_wait3A = arith.constant 0 : i32
        %dma_wait3A_306 = arith.constant 0 : i32
        %dma_wait3A_307 = tpu.memref_slice %arg10[%dma_wait3A, %dma_wait3A_306] : memref<125x80xi32, #tpu.memory_space<vmem>> -> memref<1x80xi32, #tpu.memory_space<vmem>>
        %dma_wait3A_308 = tpu.memref_squeeze %dma_wait3A_307 : memref<1x80xi32, #tpu.memory_space<vmem>> -> memref<80xi32, #tpu.memory_space<vmem>>
        %dma_wait3A_309 = arith.constant 0 : i32
        %dma_wait3A_310 = arith.constant 0 : i32
        %dma_wait3A_311 = tpu.memref_slice %arg24[%dma_wait3A_309, %dma_wait3A_310] : memref<10112x64xf32, #tpu.memory_space<vmem_shared>> -> memref<10112x64xf32, #tpu.memory_space<vmem_shared>>
        tpu.wait_indirect_dma semaphore(%arg50 : memref<!tpu.dma_semaphore, #tpu.memory_space<semaphore_mem>>) src(%arg23 : memref<80x64xf32, #tpu.memory_space<vmem>>) dst(%dma_wait3A_311 : memref<10112x64xf32, #tpu.memory_space<vmem_shared>>)
      } else {
      }
    }
    %scan3A_9 = arith.constant 10 : i32
    %barrier3A_10 = arith.constant 0 : index
    tpu.barrier barrier_id(%barrier3A_10)
    %mul3A_11 = arith.constant 632 : i32
    %mul3A_12 = arith.muli %arg1, %mul3A_11 : i32
    %mul3A_13 = arith.constant 632 : i32
    %mul3A_14 = arith.muli %arg1, %mul3A_13 : i32
    "tpu.region"() ({
      %run_scoped3A = tpu.sem_alloc : memref<!tpu.dma_semaphore, #tpu.memory_space<semaphore_mem>>
      %dma_start3A = arith.constant 0 : i32
      %dma_start3A_33 = tpu.memref_slice %arg7[%arg0, %mul3A_14, %dma_start3A] : memref<2x10112x64xf32, #tpu.memory_space<hbm>> -> memref<1x632x64xf32, #tpu.memory_space<hbm>>
      %dma_start3A_34 = tpu.memref_squeeze %dma_start3A_33 : memref<1x632x64xf32, #tpu.memory_space<hbm>> -> memref<632x64xf32, #tpu.memory_space<hbm>>
      %dma_start3A_35 = arith.constant 0 : i32
      %dma_start3A_36 = tpu.memref_slice %arg24[%mul3A_12, %dma_start3A_35] : memref<10112x64xf32, #tpu.memory_space<vmem_shared>> -> memref<632x64xf32, #tpu.memory_space<vmem_shared>>
      tpu.enqueue_dma source(%dma_start3A_36 : memref<632x64xf32, #tpu.memory_space<vmem_shared>>) target(%dma_start3A_34 : memref<632x64xf32, #tpu.memory_space<hbm>>) target_semaphore(%run_scoped3A : memref<!tpu.dma_semaphore, #tpu.memory_space<semaphore_mem>>)
      %dma_wait3A = arith.constant 0 : i32
      %dma_wait3A_37 = tpu.memref_slice %arg7[%arg0, %mul3A_14, %dma_wait3A] : memref<2x10112x64xf32, #tpu.memory_space<hbm>> -> memref<1x632x64xf32, #tpu.memory_space<hbm>>
      %dma_wait3A_38 = tpu.memref_squeeze %dma_wait3A_37 : memref<1x632x64xf32, #tpu.memory_space<hbm>> -> memref<632x64xf32, #tpu.memory_space<hbm>>
      %dma_wait3A_39 = arith.constant 0 : i32
      %dma_wait3A_40 = tpu.memref_slice %arg24[%mul3A_12, %dma_wait3A_39] : memref<10112x64xf32, #tpu.memory_space<vmem_shared>> -> memref<632x64xf32, #tpu.memory_space<vmem_shared>>
      tpu.wait_dma2 semaphore(%run_scoped3A : memref<!tpu.dma_semaphore, #tpu.memory_space<semaphore_mem>>) src(%dma_wait3A_40 : memref<632x64xf32, #tpu.memory_space<vmem_shared>>) dst(%dma_wait3A_38 : memref<632x64xf32, #tpu.memory_space<hbm>>)
      tpu.yield
    }) : () -> ()
    %barrier3A_15 = arith.constant 0 : index
    tpu.barrier barrier_id(%barrier3A_15)
    %mul3A_16 = arith.constant 632 : i32
    %mul3A_17 = arith.muli %arg1, %mul3A_16 : i32
    %mul3A_18 = arith.constant 632 : i32
    %mul3A_19 = arith.muli %arg1, %mul3A_18 : i32
    "tpu.region"() ({
      %run_scoped3A = tpu.sem_alloc : memref<!tpu.dma_semaphore, #tpu.memory_space<semaphore_mem>>
      %dma_start3A = arith.constant 0 : i32
      %dma_start3A_33 = tpu.memref_slice %arg24[%mul3A_19, %dma_start3A] : memref<10112x64xf32, #tpu.memory_space<vmem_shared>> -> memref<632x64xf32, #tpu.memory_space<vmem_shared>>
      %dma_start3A_34 = arith.constant 0 : i32
      %dma_start3A_35 = tpu.memref_slice %arg6[%mul3A_17, %dma_start3A_34] : memref<10112x64xf32, #tpu.memory_space<hbm>> -> memref<632x64xf32, #tpu.memory_space<hbm>>
      tpu.enqueue_dma source(%dma_start3A_35 : memref<632x64xf32, #tpu.memory_space<hbm>>) target(%dma_start3A_33 : memref<632x64xf32, #tpu.memory_space<vmem_shared>>) target_semaphore(%run_scoped3A : memref<!tpu.dma_semaphore, #tpu.memory_space<semaphore_mem>>)
      %dma_wait3A = arith.constant 0 : i32
      %dma_wait3A_36 = tpu.memref_slice %arg24[%mul3A_19, %dma_wait3A] : memref<10112x64xf32, #tpu.memory_space<vmem_shared>> -> memref<632x64xf32, #tpu.memory_space<vmem_shared>>
      %dma_wait3A_37 = arith.constant 0 : i32
      %dma_wait3A_38 = tpu.memref_slice %arg6[%mul3A_17, %dma_wait3A_37] : memref<10112x64xf32, #tpu.memory_space<hbm>> -> memref<632x64xf32, #tpu.memory_space<hbm>>
      tpu.wait_dma2 semaphore(%run_scoped3A : memref<!tpu.dma_semaphore, #tpu.memory_space<semaphore_mem>>) src(%dma_wait3A_38 : memref<632x64xf32, #tpu.memory_space<hbm>>) dst(%dma_wait3A_36 : memref<632x64xf32, #tpu.memory_space<vmem_shared>>)
      tpu.yield
    }) : () -> ()
    %barrier3A_20 = arith.constant 0 : index
    tpu.barrier barrier_id(%barrier3A_20)
    %scan3A_21 = arith.constant 0 : i32
    %scan3A_22 = arith.constant 0 : i32
    %scan3A_23 = arith.constant 10 : i32
    %scan3A_24 = arith.addi %scan3A_22, %scan3A_23 : i32
    %scan3A_25 = arith.constant 1 : i32
    scf.for %scan3A_33 = %scan3A_22 to %scan3A_24 step %scan3A_25  : i32 {
      %mul3A_34 = arith.constant 13 : i32
      %mul3A_35 = arith.muli %scan3A_33, %mul3A_34 : i32
      %add3A_36 = arith.constant 0 : i32
      %add3A_37 = arith.addi %mul3A_35, %add3A_36 : i32
      %lt3A = arith.constant 125 : i32
      %lt3A_38 = arith.cmpi slt, %add3A_37, %lt3A : i32
      %convert_element_type3A = arith.extui %lt3A_38 : i1 to i32
      %cond3A = arith.constant 0 : i32
      %cond3A_39 = arith.cmpi ne, %convert_element_type3A, %cond3A : i32
      scf.if %cond3A_39 {
        %add3A_306 = arith.constant 0 : i32
        %add3A_307 = arith.addi %mul3A_35, %add3A_306 : i32
        %dma_start3A = arith.constant 0 : i32
        %dma_start3A_308 = tpu.memref_slice %arg9[%add3A_307, %dma_start3A] : memref<125x80xi32, #tpu.memory_space<vmem>> -> memref<1x80xi32, #tpu.memory_space<vmem>>
        %dma_start3A_309 = tpu.memref_squeeze %dma_start3A_308 : memref<1x80xi32, #tpu.memory_space<vmem>> -> memref<80xi32, #tpu.memory_space<vmem>>
        %dma_start3A_310 = arith.constant 0 : i32
        %dma_start3A_311 = arith.constant 0 : i32
        %dma_start3A_312 = tpu.memref_slice %arg3[%dma_start3A_310, %dma_start3A_311] : memref<10000x64xf32, #tpu.memory_space<hbm>> -> memref<10000x64xf32, #tpu.memory_space<hbm>>
        tpu.enqueue_indirect_dma source(%dma_start3A_312 : memref<10000x64xf32, #tpu.memory_space<hbm>>) target(%arg11 : memref<80x64xf32, #tpu.memory_space<vmem>>) offsets(%dma_start3A_309 : memref<80xi32, #tpu.memory_space<vmem>>) semaphore(%arg25 : memref<!tpu.dma_semaphore, #tpu.memory_space<semaphore_mem>>)
      } else {
      }
      %add3A_40 = arith.constant 1 : i32
      %add3A_41 = arith.addi %mul3A_35, %add3A_40 : i32
      %lt3A_42 = arith.constant 125 : i32
      %lt3A_43 = arith.cmpi slt, %add3A_41, %lt3A_42 : i32
      %convert_element_type3A_44 = arith.extui %lt3A_43 : i1 to i32
      %cond3A_45 = arith.constant 0 : i32
      %cond3A_46 = arith.cmpi ne, %convert_element_type3A_44, %cond3A_45 : i32
      scf.if %cond3A_46 {
        %add3A_306 = arith.constant 1 : i32
        %add3A_307 = arith.addi %mul3A_35, %add3A_306 : i32
        %dma_start3A = arith.constant 0 : i32
        %dma_start3A_308 = tpu.memref_slice %arg9[%add3A_307, %dma_start3A] : memref<125x80xi32, #tpu.memory_space<vmem>> -> memref<1x80xi32, #tpu.memory_space<vmem>>
        %dma_start3A_309 = tpu.memref_squeeze %dma_start3A_308 : memref<1x80xi32, #tpu.memory_space<vmem>> -> memref<80xi32, #tpu.memory_space<vmem>>
        %dma_start3A_310 = arith.constant 0 : i32
        %dma_start3A_311 = arith.constant 0 : i32
        %dma_start3A_312 = tpu.memref_slice %arg3[%dma_start3A_310, %dma_start3A_311] : memref<10000x64xf32, #tpu.memory_space<hbm>> -> memref<10000x64xf32, #tpu.memory_space<hbm>>
        tpu.enqueue_indirect_dma source(%dma_start3A_312 : memref<10000x64xf32, #tpu.memory_space<hbm>>) target(%arg12 : memref<80x64xf32, #tpu.memory_space<vmem>>) offsets(%dma_start3A_309 : memref<80xi32, #tpu.memory_space<vmem>>) semaphore(%arg26 : memref<!tpu.dma_semaphore, #tpu.memory_space<semaphore_mem>>)
      } else {
      }
      %add3A_47 = arith.constant 2 : i32
      %add3A_48 = arith.addi %mul3A_35, %add3A_47 : i32
      %lt3A_49 = arith.constant 125 : i32
      %lt3A_50 = arith.cmpi slt, %add3A_48, %lt3A_49 : i32
      %convert_element_type3A_51 = arith.extui %lt3A_50 : i1 to i32
      %cond3A_52 = arith.constant 0 : i32
      %cond3A_53 = arith.cmpi ne, %convert_element_type3A_51, %cond3A_52 : i32
      scf.if %cond3A_53 {
        %add3A_306 = arith.constant 2 : i32
        %add3A_307 = arith.addi %mul3A_35, %add3A_306 : i32
        %dma_start3A = arith.constant 0 : i32
        %dma_start3A_308 = tpu.memref_slice %arg9[%add3A_307, %dma_start3A] : memref<125x80xi32, #tpu.memory_space<vmem>> -> memref<1x80xi32, #tpu.memory_space<vmem>>
        %dma_start3A_309 = tpu.memref_squeeze %dma_start3A_308 : memref<1x80xi32, #tpu.memory_space<vmem>> -> memref<80xi32, #tpu.memory_space<vmem>>
        %dma_start3A_310 = arith.constant 0 : i32
        %dma_start3A_311 = arith.constant 0 : i32
        %dma_start3A_312 = tpu.memref_slice %arg3[%dma_start3A_310, %dma_start3A_311] : memref<10000x64xf32, #tpu.memory_space<hbm>> -> memref<10000x64xf32, #tpu.memory_space<hbm>>
        tpu.enqueue_indirect_dma source(%dma_start3A_312 : memref<10000x64xf32, #tpu.memory_space<hbm>>) target(%arg13 : memref<80x64xf32, #tpu.memory_space<vmem>>) offsets(%dma_start3A_309 : memref<80xi32, #tpu.memory_space<vmem>>) semaphore(%arg27 : memref<!tpu.dma_semaphore, #tpu.memory_space<semaphore_mem>>)
      } else {
      }
      %add3A_54 = arith.constant 3 : i32
      %add3A_55 = arith.addi %mul3A_35, %add3A_54 : i32
      %lt3A_56 = arith.constant 125 : i32
      %lt3A_57 = arith.cmpi slt, %add3A_55, %lt3A_56 : i32
      %convert_element_type3A_58 = arith.extui %lt3A_57 : i1 to i32
      %cond3A_59 = arith.constant 0 : i32
      %cond3A_60 = arith.cmpi ne, %convert_element_type3A_58, %cond3A_59 : i32
      scf.if %cond3A_60 {
        %add3A_306 = arith.constant 3 : i32
        %add3A_307 = arith.addi %mul3A_35, %add3A_306 : i32
        %dma_start3A = arith.constant 0 : i32
        %dma_start3A_308 = tpu.memref_slice %arg9[%add3A_307, %dma_start3A] : memref<125x80xi32, #tpu.memory_space<vmem>> -> memref<1x80xi32, #tpu.memory_space<vmem>>
        %dma_start3A_309 = tpu.memref_squeeze %dma_start3A_308 : memref<1x80xi32, #tpu.memory_space<vmem>> -> memref<80xi32, #tpu.memory_space<vmem>>
        %dma_start3A_310 = arith.constant 0 : i32
        %dma_start3A_311 = arith.constant 0 : i32
        %dma_start3A_312 = tpu.memref_slice %arg3[%dma_start3A_310, %dma_start3A_311] : memref<10000x64xf32, #tpu.memory_space<hbm>> -> memref<10000x64xf32, #tpu.memory_space<hbm>>
        tpu.enqueue_indirect_dma source(%dma_start3A_312 : memref<10000x64xf32, #tpu.memory_space<hbm>>) target(%arg14 : memref<80x64xf32, #tpu.memory_space<vmem>>) offsets(%dma_start3A_309 : memref<80xi32, #tpu.memory_space<vmem>>) semaphore(%arg28 : memref<!tpu.dma_semaphore, #tpu.memory_space<semaphore_mem>>)
      } else {
      }
      %add3A_61 = arith.constant 4 : i32
      %add3A_62 = arith.addi %mul3A_35, %add3A_61 : i32
      %lt3A_63 = arith.constant 125 : i32
      %lt3A_64 = arith.cmpi slt, %add3A_62, %lt3A_63 : i32
      %convert_element_type3A_65 = arith.extui %lt3A_64 : i1 to i32
      %cond3A_66 = arith.constant 0 : i32
      %cond3A_67 = arith.cmpi ne, %convert_element_type3A_65, %cond3A_66 : i32
      scf.if %cond3A_67 {
        %add3A_306 = arith.constant 4 : i32
        %add3A_307 = arith.addi %mul3A_35, %add3A_306 : i32
        %dma_start3A = arith.constant 0 : i32
        %dma_start3A_308 = tpu.memref_slice %arg9[%add3A_307, %dma_start3A] : memref<125x80xi32, #tpu.memory_space<vmem>> -> memref<1x80xi32, #tpu.memory_space<vmem>>
        %dma_start3A_309 = tpu.memref_squeeze %dma_start3A_308 : memref<1x80xi32, #tpu.memory_space<vmem>> -> memref<80xi32, #tpu.memory_space<vmem>>
        %dma_start3A_310 = arith.constant 0 : i32
        %dma_start3A_311 = arith.constant 0 : i32
        %dma_start3A_312 = tpu.memref_slice %arg3[%dma_start3A_310, %dma_start3A_311] : memref<10000x64xf32, #tpu.memory_space<hbm>> -> memref<10000x64xf32, #tpu.memory_space<hbm>>
        tpu.enqueue_indirect_dma source(%dma_start3A_312 : memref<10000x64xf32, #tpu.memory_space<hbm>>) target(%arg15 : memref<80x64xf32, #tpu.memory_space<vmem>>) offsets(%dma_start3A_309 : memref<80xi32, #tpu.memory_space<vmem>>) semaphore(%arg29 : memref<!tpu.dma_semaphore, #tpu.memory_space<semaphore_mem>>)
      } else {
      }
      %add3A_68 = arith.constant 5 : i32
      %add3A_69 = arith.addi %mul3A_35, %add3A_68 : i32
      %lt3A_70 = arith.constant 125 : i32
      %lt3A_71 = arith.cmpi slt, %add3A_69, %lt3A_70 : i32
      %convert_element_type3A_72 = arith.extui %lt3A_71 : i1 to i32
      %cond3A_73 = arith.constant 0 : i32
      %cond3A_74 = arith.cmpi ne, %convert_element_type3A_72, %cond3A_73 : i32
      scf.if %cond3A_74 {
        %add3A_306 = arith.constant 5 : i32
        %add3A_307 = arith.addi %mul3A_35, %add3A_306 : i32
        %dma_start3A = arith.constant 0 : i32
        %dma_start3A_308 = tpu.memref_slice %arg9[%add3A_307, %dma_start3A] : memref<125x80xi32, #tpu.memory_space<vmem>> -> memref<1x80xi32, #tpu.memory_space<vmem>>
        %dma_start3A_309 = tpu.memref_squeeze %dma_start3A_308 : memref<1x80xi32, #tpu.memory_space<vmem>> -> memref<80xi32, #tpu.memory_space<vmem>>
        %dma_start3A_310 = arith.constant 0 : i32
        %dma_start3A_311 = arith.constant 0 : i32
        %dma_start3A_312 = tpu.memref_slice %arg3[%dma_start3A_310, %dma_start3A_311] : memref<10000x64xf32, #tpu.memory_space<hbm>> -> memref<10000x64xf32, #tpu.memory_space<hbm>>
        tpu.enqueue_indirect_dma source(%dma_start3A_312 : memref<10000x64xf32, #tpu.memory_space<hbm>>) target(%arg16 : memref<80x64xf32, #tpu.memory_space<vmem>>) offsets(%dma_start3A_309 : memref<80xi32, #tpu.memory_space<vmem>>) semaphore(%arg30 : memref<!tpu.dma_semaphore, #tpu.memory_space<semaphore_mem>>)
      } else {
      }
      %add3A_75 = arith.constant 6 : i32
      %add3A_76 = arith.addi %mul3A_35, %add3A_75 : i32
      %lt3A_77 = arith.constant 125 : i32
      %lt3A_78 = arith.cmpi slt, %add3A_76, %lt3A_77 : i32
      %convert_element_type3A_79 = arith.extui %lt3A_78 : i1 to i32
      %cond3A_80 = arith.constant 0 : i32
      %cond3A_81 = arith.cmpi ne, %convert_element_type3A_79, %cond3A_80 : i32
      scf.if %cond3A_81 {
        %add3A_306 = arith.constant 6 : i32
        %add3A_307 = arith.addi %mul3A_35, %add3A_306 : i32
        %dma_start3A = arith.constant 0 : i32
        %dma_start3A_308 = tpu.memref_slice %arg9[%add3A_307, %dma_start3A] : memref<125x80xi32, #tpu.memory_space<vmem>> -> memref<1x80xi32, #tpu.memory_space<vmem>>
        %dma_start3A_309 = tpu.memref_squeeze %dma_start3A_308 : memref<1x80xi32, #tpu.memory_space<vmem>> -> memref<80xi32, #tpu.memory_space<vmem>>
        %dma_start3A_310 = arith.constant 0 : i32
        %dma_start3A_311 = arith.constant 0 : i32
        %dma_start3A_312 = tpu.memref_slice %arg3[%dma_start3A_310, %dma_start3A_311] : memref<10000x64xf32, #tpu.memory_space<hbm>> -> memref<10000x64xf32, #tpu.memory_space<hbm>>
        tpu.enqueue_indirect_dma source(%dma_start3A_312 : memref<10000x64xf32, #tpu.memory_space<hbm>>) target(%arg17 : memref<80x64xf32, #tpu.memory_space<vmem>>) offsets(%dma_start3A_309 : memref<80xi32, #tpu.memory_space<vmem>>) semaphore(%arg31 : memref<!tpu.dma_semaphore, #tpu.memory_space<semaphore_mem>>)
      } else {
      }
      %add3A_82 = arith.constant 7 : i32
      %add3A_83 = arith.addi %mul3A_35, %add3A_82 : i32
      %lt3A_84 = arith.constant 125 : i32
      %lt3A_85 = arith.cmpi slt, %add3A_83, %lt3A_84 : i32
      %convert_element_type3A_86 = arith.extui %lt3A_85 : i1 to i32
      %cond3A_87 = arith.constant 0 : i32
      %cond3A_88 = arith.cmpi ne, %convert_element_type3A_86, %cond3A_87 : i32
      scf.if %cond3A_88 {
        %add3A_306 = arith.constant 7 : i32
        %add3A_307 = arith.addi %mul3A_35, %add3A_306 : i32
        %dma_start3A = arith.constant 0 : i32
        %dma_start3A_308 = tpu.memref_slice %arg9[%add3A_307, %dma_start3A] : memref<125x80xi32, #tpu.memory_space<vmem>> -> memref<1x80xi32, #tpu.memory_space<vmem>>
        %dma_start3A_309 = tpu.memref_squeeze %dma_start3A_308 : memref<1x80xi32, #tpu.memory_space<vmem>> -> memref<80xi32, #tpu.memory_space<vmem>>
        %dma_start3A_310 = arith.constant 0 : i32
        %dma_start3A_311 = arith.constant 0 : i32
        %dma_start3A_312 = tpu.memref_slice %arg3[%dma_start3A_310, %dma_start3A_311] : memref<10000x64xf32, #tpu.memory_space<hbm>> -> memref<10000x64xf32, #tpu.memory_space<hbm>>
        tpu.enqueue_indirect_dma source(%dma_start3A_312 : memref<10000x64xf32, #tpu.memory_space<hbm>>) target(%arg18 : memref<80x64xf32, #tpu.memory_space<vmem>>) offsets(%dma_start3A_309 : memref<80xi32, #tpu.memory_space<vmem>>) semaphore(%arg32 : memref<!tpu.dma_semaphore, #tpu.memory_space<semaphore_mem>>)
      } else {
      }
      %add3A_89 = arith.constant 8 : i32
      %add3A_90 = arith.addi %mul3A_35, %add3A_89 : i32
      %lt3A_91 = arith.constant 125 : i32
      %lt3A_92 = arith.cmpi slt, %add3A_90, %lt3A_91 : i32
      %convert_element_type3A_93 = arith.extui %lt3A_92 : i1 to i32
      %cond3A_94 = arith.constant 0 : i32
      %cond3A_95 = arith.cmpi ne, %convert_element_type3A_93, %cond3A_94 : i32
      scf.if %cond3A_95 {
        %add3A_306 = arith.constant 8 : i32
        %add3A_307 = arith.addi %mul3A_35, %add3A_306 : i32
        %dma_start3A = arith.constant 0 : i32
        %dma_start3A_308 = tpu.memref_slice %arg9[%add3A_307, %dma_start3A] : memref<125x80xi32, #tpu.memory_space<vmem>> -> memref<1x80xi32, #tpu.memory_space<vmem>>
        %dma_start3A_309 = tpu.memref_squeeze %dma_start3A_308 : memref<1x80xi32, #tpu.memory_space<vmem>> -> memref<80xi32, #tpu.memory_space<vmem>>
        %dma_start3A_310 = arith.constant 0 : i32
        %dma_start3A_311 = arith.constant 0 : i32
        %dma_start3A_312 = tpu.memref_slice %arg3[%dma_start3A_310, %dma_start3A_311] : memref<10000x64xf32, #tpu.memory_space<hbm>> -> memref<10000x64xf32, #tpu.memory_space<hbm>>
        tpu.enqueue_indirect_dma source(%dma_start3A_312 : memref<10000x64xf32, #tpu.memory_space<hbm>>) target(%arg19 : memref<80x64xf32, #tpu.memory_space<vmem>>) offsets(%dma_start3A_309 : memref<80xi32, #tpu.memory_space<vmem>>) semaphore(%arg33 : memref<!tpu.dma_semaphore, #tpu.memory_space<semaphore_mem>>)
      } else {
      }
      %add3A_96 = arith.constant 9 : i32
      %add3A_97 = arith.addi %mul3A_35, %add3A_96 : i32
      %lt3A_98 = arith.constant 125 : i32
      %lt3A_99 = arith.cmpi slt, %add3A_97, %lt3A_98 : i32
      %convert_element_type3A_100 = arith.extui %lt3A_99 : i1 to i32
      %cond3A_101 = arith.constant 0 : i32
      %cond3A_102 = arith.cmpi ne, %convert_element_type3A_100, %cond3A_101 : i32
      scf.if %cond3A_102 {
        %add3A_306 = arith.constant 9 : i32
        %add3A_307 = arith.addi %mul3A_35, %add3A_306 : i32
        %dma_start3A = arith.constant 0 : i32
        %dma_start3A_308 = tpu.memref_slice %arg9[%add3A_307, %dma_start3A] : memref<125x80xi32, #tpu.memory_space<vmem>> -> memref<1x80xi32, #tpu.memory_space<vmem>>
        %dma_start3A_309 = tpu.memref_squeeze %dma_start3A_308 : memref<1x80xi32, #tpu.memory_space<vmem>> -> memref<80xi32, #tpu.memory_space<vmem>>
        %dma_start3A_310 = arith.constant 0 : i32
        %dma_start3A_311 = arith.constant 0 : i32
        %dma_start3A_312 = tpu.memref_slice %arg3[%dma_start3A_310, %dma_start3A_311] : memref<10000x64xf32, #tpu.memory_space<hbm>> -> memref<10000x64xf32, #tpu.memory_space<hbm>>
        tpu.enqueue_indirect_dma source(%dma_start3A_312 : memref<10000x64xf32, #tpu.memory_space<hbm>>) target(%arg20 : memref<80x64xf32, #tpu.memory_space<vmem>>) offsets(%dma_start3A_309 : memref<80xi32, #tpu.memory_space<vmem>>) semaphore(%arg34 : memref<!tpu.dma_semaphore, #tpu.memory_space<semaphore_mem>>)
      } else {
      }
      %add3A_103 = arith.constant 10 : i32
      %add3A_104 = arith.addi %mul3A_35, %add3A_103 : i32
      %lt3A_105 = arith.constant 125 : i32
      %lt3A_106 = arith.cmpi slt, %add3A_104, %lt3A_105 : i32
      %convert_element_type3A_107 = arith.extui %lt3A_106 : i1 to i32
      %cond3A_108 = arith.constant 0 : i32
      %cond3A_109 = arith.cmpi ne, %convert_element_type3A_107, %cond3A_108 : i32
      scf.if %cond3A_109 {
        %add3A_306 = arith.constant 10 : i32
        %add3A_307 = arith.addi %mul3A_35, %add3A_306 : i32
        %dma_start3A = arith.constant 0 : i32
        %dma_start3A_308 = tpu.memref_slice %arg9[%add3A_307, %dma_start3A] : memref<125x80xi32, #tpu.memory_space<vmem>> -> memref<1x80xi32, #tpu.memory_space<vmem>>
        %dma_start3A_309 = tpu.memref_squeeze %dma_start3A_308 : memref<1x80xi32, #tpu.memory_space<vmem>> -> memref<80xi32, #tpu.memory_space<vmem>>
        %dma_start3A_310 = arith.constant 0 : i32
        %dma_start3A_311 = arith.constant 0 : i32
        %dma_start3A_312 = tpu.memref_slice %arg3[%dma_start3A_310, %dma_start3A_311] : memref<10000x64xf32, #tpu.memory_space<hbm>> -> memref<10000x64xf32, #tpu.memory_space<hbm>>
        tpu.enqueue_indirect_dma source(%dma_start3A_312 : memref<10000x64xf32, #tpu.memory_space<hbm>>) target(%arg21 : memref<80x64xf32, #tpu.memory_space<vmem>>) offsets(%dma_start3A_309 : memref<80xi32, #tpu.memory_space<vmem>>) semaphore(%arg35 : memref<!tpu.dma_semaphore, #tpu.memory_space<semaphore_mem>>)
      } else {
      }
      %add3A_110 = arith.constant 11 : i32
      %add3A_111 = arith.addi %mul3A_35, %add3A_110 : i32
      %lt3A_112 = arith.constant 125 : i32
      %lt3A_113 = arith.cmpi slt, %add3A_111, %lt3A_112 : i32
      %convert_element_type3A_114 = arith.extui %lt3A_113 : i1 to i32
      %cond3A_115 = arith.constant 0 : i32
      %cond3A_116 = arith.cmpi ne, %convert_element_type3A_114, %cond3A_115 : i32
      scf.if %cond3A_116 {
        %add3A_306 = arith.constant 11 : i32
        %add3A_307 = arith.addi %mul3A_35, %add3A_306 : i32
        %dma_start3A = arith.constant 0 : i32
        %dma_start3A_308 = tpu.memref_slice %arg9[%add3A_307, %dma_start3A] : memref<125x80xi32, #tpu.memory_space<vmem>> -> memref<1x80xi32, #tpu.memory_space<vmem>>
        %dma_start3A_309 = tpu.memref_squeeze %dma_start3A_308 : memref<1x80xi32, #tpu.memory_space<vmem>> -> memref<80xi32, #tpu.memory_space<vmem>>
        %dma_start3A_310 = arith.constant 0 : i32
        %dma_start3A_311 = arith.constant 0 : i32
        %dma_start3A_312 = tpu.memref_slice %arg3[%dma_start3A_310, %dma_start3A_311] : memref<10000x64xf32, #tpu.memory_space<hbm>> -> memref<10000x64xf32, #tpu.memory_space<hbm>>
        tpu.enqueue_indirect_dma source(%dma_start3A_312 : memref<10000x64xf32, #tpu.memory_space<hbm>>) target(%arg22 : memref<80x64xf32, #tpu.memory_space<vmem>>) offsets(%dma_start3A_309 : memref<80xi32, #tpu.memory_space<vmem>>) semaphore(%arg36 : memref<!tpu.dma_semaphore, #tpu.memory_space<semaphore_mem>>)
      } else {
      }
      %add3A_117 = arith.constant 12 : i32
      %add3A_118 = arith.addi %mul3A_35, %add3A_117 : i32
      %lt3A_119 = arith.constant 125 : i32
      %lt3A_120 = arith.cmpi slt, %add3A_118, %lt3A_119 : i32
      %convert_element_type3A_121 = arith.extui %lt3A_120 : i1 to i32
      %cond3A_122 = arith.constant 0 : i32
      %cond3A_123 = arith.cmpi ne, %convert_element_type3A_121, %cond3A_122 : i32
      scf.if %cond3A_123 {
        %add3A_306 = arith.constant 12 : i32
        %add3A_307 = arith.addi %mul3A_35, %add3A_306 : i32
        %dma_start3A = arith.constant 0 : i32
        %dma_start3A_308 = tpu.memref_slice %arg9[%add3A_307, %dma_start3A] : memref<125x80xi32, #tpu.memory_space<vmem>> -> memref<1x80xi32, #tpu.memory_space<vmem>>
        %dma_start3A_309 = tpu.memref_squeeze %dma_start3A_308 : memref<1x80xi32, #tpu.memory_space<vmem>> -> memref<80xi32, #tpu.memory_space<vmem>>
        %dma_start3A_310 = arith.constant 0 : i32
        %dma_start3A_311 = arith.constant 0 : i32
        %dma_start3A_312 = tpu.memref_slice %arg3[%dma_start3A_310, %dma_start3A_311] : memref<10000x64xf32, #tpu.memory_space<hbm>> -> memref<10000x64xf32, #tpu.memory_space<hbm>>
        tpu.enqueue_indirect_dma source(%dma_start3A_312 : memref<10000x64xf32, #tpu.memory_space<hbm>>) target(%arg23 : memref<80x64xf32, #tpu.memory_space<vmem>>) offsets(%dma_start3A_309 : memref<80xi32, #tpu.memory_space<vmem>>) semaphore(%arg37 : memref<!tpu.dma_semaphore, #tpu.memory_space<semaphore_mem>>)
      } else {
      }
      %add3A_124 = arith.constant 0 : i32
      %add3A_125 = arith.addi %mul3A_35, %add3A_124 : i32
      %lt3A_126 = arith.constant 125 : i32
      %lt3A_127 = arith.cmpi slt, %add3A_125, %lt3A_126 : i32
      %convert_element_type3A_128 = arith.extui %lt3A_127 : i1 to i32
      %cond3A_129 = arith.constant 0 : i32
      %cond3A_130 = arith.cmpi ne, %convert_element_type3A_128, %cond3A_129 : i32
      scf.if %cond3A_130 {
        %dma_wait3A = arith.constant 0 : i32
        %dma_wait3A_306 = arith.constant 0 : i32
        %dma_wait3A_307 = tpu.memref_slice %arg9[%dma_wait3A, %dma_wait3A_306] : memref<125x80xi32, #tpu.memory_space<vmem>> -> memref<1x80xi32, #tpu.memory_space<vmem>>
        %dma_wait3A_308 = tpu.memref_squeeze %dma_wait3A_307 : memref<1x80xi32, #tpu.memory_space<vmem>> -> memref<80xi32, #tpu.memory_space<vmem>>
        %dma_wait3A_309 = arith.constant 0 : i32
        %dma_wait3A_310 = arith.constant 0 : i32
        %dma_wait3A_311 = tpu.memref_slice %arg3[%dma_wait3A_309, %dma_wait3A_310] : memref<10000x64xf32, #tpu.memory_space<hbm>> -> memref<10000x64xf32, #tpu.memory_space<hbm>>
        tpu.wait_indirect_dma semaphore(%arg25 : memref<!tpu.dma_semaphore, #tpu.memory_space<semaphore_mem>>) src(%dma_wait3A_311 : memref<10000x64xf32, #tpu.memory_space<hbm>>) dst(%arg11 : memref<80x64xf32, #tpu.memory_space<vmem>>)
        %add3A_312 = arith.constant 0 : i32
        %add3A_313 = arith.addi %mul3A_35, %add3A_312 : i32
        %dma_start3A = arith.constant 0 : i32
        %dma_start3A_314 = tpu.memref_slice %arg10[%add3A_313, %dma_start3A] : memref<125x80xi32, #tpu.memory_space<vmem>> -> memref<1x80xi32, #tpu.memory_space<vmem>>
        %dma_start3A_315 = tpu.memref_squeeze %dma_start3A_314 : memref<1x80xi32, #tpu.memory_space<vmem>> -> memref<80xi32, #tpu.memory_space<vmem>>
        %dma_start3A_316 = arith.constant 0 : i32
        %dma_start3A_317 = arith.constant 0 : i32
        %dma_start3A_318 = tpu.memref_slice %arg24[%dma_start3A_316, %dma_start3A_317] : memref<10112x64xf32, #tpu.memory_space<vmem_shared>> -> memref<10112x64xf32, #tpu.memory_space<vmem_shared>>
        tpu.enqueue_indirect_dma source(%arg11 : memref<80x64xf32, #tpu.memory_space<vmem>>) target(%dma_start3A_318 : memref<10112x64xf32, #tpu.memory_space<vmem_shared>>) offsets(%dma_start3A_315 : memref<80xi32, #tpu.memory_space<vmem>>) semaphore(%arg38 : memref<!tpu.dma_semaphore, #tpu.memory_space<semaphore_mem>>) {add = true}
      } else {
      }
      %add3A_131 = arith.constant 1 : i32
      %add3A_132 = arith.addi %mul3A_35, %add3A_131 : i32
      %lt3A_133 = arith.constant 125 : i32
      %lt3A_134 = arith.cmpi slt, %add3A_132, %lt3A_133 : i32
      %convert_element_type3A_135 = arith.extui %lt3A_134 : i1 to i32
      %cond3A_136 = arith.constant 0 : i32
      %cond3A_137 = arith.cmpi ne, %convert_element_type3A_135, %cond3A_136 : i32
      scf.if %cond3A_137 {
        %dma_wait3A = arith.constant 0 : i32
        %dma_wait3A_306 = arith.constant 0 : i32
        %dma_wait3A_307 = tpu.memref_slice %arg9[%dma_wait3A, %dma_wait3A_306] : memref<125x80xi32, #tpu.memory_space<vmem>> -> memref<1x80xi32, #tpu.memory_space<vmem>>
        %dma_wait3A_308 = tpu.memref_squeeze %dma_wait3A_307 : memref<1x80xi32, #tpu.memory_space<vmem>> -> memref<80xi32, #tpu.memory_space<vmem>>
        %dma_wait3A_309 = arith.constant 0 : i32
        %dma_wait3A_310 = arith.constant 0 : i32
        %dma_wait3A_311 = tpu.memref_slice %arg3[%dma_wait3A_309, %dma_wait3A_310] : memref<10000x64xf32, #tpu.memory_space<hbm>> -> memref<10000x64xf32, #tpu.memory_space<hbm>>
        tpu.wait_indirect_dma semaphore(%arg26 : memref<!tpu.dma_semaphore, #tpu.memory_space<semaphore_mem>>) src(%dma_wait3A_311 : memref<10000x64xf32, #tpu.memory_space<hbm>>) dst(%arg12 : memref<80x64xf32, #tpu.memory_space<vmem>>)
        %add3A_312 = arith.constant 1 : i32
        %add3A_313 = arith.addi %mul3A_35, %add3A_312 : i32
        %dma_start3A = arith.constant 0 : i32
        %dma_start3A_314 = tpu.memref_slice %arg10[%add3A_313, %dma_start3A] : memref<125x80xi32, #tpu.memory_space<vmem>> -> memref<1x80xi32, #tpu.memory_space<vmem>>
        %dma_start3A_315 = tpu.memref_squeeze %dma_start3A_314 : memref<1x80xi32, #tpu.memory_space<vmem>> -> memref<80xi32, #tpu.memory_space<vmem>>
        %dma_start3A_316 = arith.constant 0 : i32
        %dma_start3A_317 = arith.constant 0 : i32
        %dma_start3A_318 = tpu.memref_slice %arg24[%dma_start3A_316, %dma_start3A_317] : memref<10112x64xf32, #tpu.memory_space<vmem_shared>> -> memref<10112x64xf32, #tpu.memory_space<vmem_shared>>
        tpu.enqueue_indirect_dma source(%arg12 : memref<80x64xf32, #tpu.memory_space<vmem>>) target(%dma_start3A_318 : memref<10112x64xf32, #tpu.memory_space<vmem_shared>>) offsets(%dma_start3A_315 : memref<80xi32, #tpu.memory_space<vmem>>) semaphore(%arg39 : memref<!tpu.dma_semaphore, #tpu.memory_space<semaphore_mem>>) {add = true}
      } else {
      }
      %add3A_138 = arith.constant 2 : i32
      %add3A_139 = arith.addi %mul3A_35, %add3A_138 : i32
      %lt3A_140 = arith.constant 125 : i32
      %lt3A_141 = arith.cmpi slt, %add3A_139, %lt3A_140 : i32
      %convert_element_type3A_142 = arith.extui %lt3A_141 : i1 to i32
      %cond3A_143 = arith.constant 0 : i32
      %cond3A_144 = arith.cmpi ne, %convert_element_type3A_142, %cond3A_143 : i32
      scf.if %cond3A_144 {
        %dma_wait3A = arith.constant 0 : i32
        %dma_wait3A_306 = arith.constant 0 : i32
        %dma_wait3A_307 = tpu.memref_slice %arg9[%dma_wait3A, %dma_wait3A_306] : memref<125x80xi32, #tpu.memory_space<vmem>> -> memref<1x80xi32, #tpu.memory_space<vmem>>
        %dma_wait3A_308 = tpu.memref_squeeze %dma_wait3A_307 : memref<1x80xi32, #tpu.memory_space<vmem>> -> memref<80xi32, #tpu.memory_space<vmem>>
        %dma_wait3A_309 = arith.constant 0 : i32
        %dma_wait3A_310 = arith.constant 0 : i32
        %dma_wait3A_311 = tpu.memref_slice %arg3[%dma_wait3A_309, %dma_wait3A_310] : memref<10000x64xf32, #tpu.memory_space<hbm>> -> memref<10000x64xf32, #tpu.memory_space<hbm>>
        tpu.wait_indirect_dma semaphore(%arg27 : memref<!tpu.dma_semaphore, #tpu.memory_space<semaphore_mem>>) src(%dma_wait3A_311 : memref<10000x64xf32, #tpu.memory_space<hbm>>) dst(%arg13 : memref<80x64xf32, #tpu.memory_space<vmem>>)
        %add3A_312 = arith.constant 2 : i32
        %add3A_313 = arith.addi %mul3A_35, %add3A_312 : i32
        %dma_start3A = arith.constant 0 : i32
        %dma_start3A_314 = tpu.memref_slice %arg10[%add3A_313, %dma_start3A] : memref<125x80xi32, #tpu.memory_space<vmem>> -> memref<1x80xi32, #tpu.memory_space<vmem>>
        %dma_start3A_315 = tpu.memref_squeeze %dma_start3A_314 : memref<1x80xi32, #tpu.memory_space<vmem>> -> memref<80xi32, #tpu.memory_space<vmem>>
        %dma_start3A_316 = arith.constant 0 : i32
        %dma_start3A_317 = arith.constant 0 : i32
        %dma_start3A_318 = tpu.memref_slice %arg24[%dma_start3A_316, %dma_start3A_317] : memref<10112x64xf32, #tpu.memory_space<vmem_shared>> -> memref<10112x64xf32, #tpu.memory_space<vmem_shared>>
        tpu.enqueue_indirect_dma source(%arg13 : memref<80x64xf32, #tpu.memory_space<vmem>>) target(%dma_start3A_318 : memref<10112x64xf32, #tpu.memory_space<vmem_shared>>) offsets(%dma_start3A_315 : memref<80xi32, #tpu.memory_space<vmem>>) semaphore(%arg40 : memref<!tpu.dma_semaphore, #tpu.memory_space<semaphore_mem>>) {add = true}
      } else {
      }
      %add3A_145 = arith.constant 3 : i32
      %add3A_146 = arith.addi %mul3A_35, %add3A_145 : i32
      %lt3A_147 = arith.constant 125 : i32
      %lt3A_148 = arith.cmpi slt, %add3A_146, %lt3A_147 : i32
      %convert_element_type3A_149 = arith.extui %lt3A_148 : i1 to i32
      %cond3A_150 = arith.constant 0 : i32
      %cond3A_151 = arith.cmpi ne, %convert_element_type3A_149, %cond3A_150 : i32
      scf.if %cond3A_151 {
        %dma_wait3A = arith.constant 0 : i32
        %dma_wait3A_306 = arith.constant 0 : i32
        %dma_wait3A_307 = tpu.memref_slice %arg9[%dma_wait3A, %dma_wait3A_306] : memref<125x80xi32, #tpu.memory_space<vmem>> -> memref<1x80xi32, #tpu.memory_space<vmem>>
        %dma_wait3A_308 = tpu.memref_squeeze %dma_wait3A_307 : memref<1x80xi32, #tpu.memory_space<vmem>> -> memref<80xi32, #tpu.memory_space<vmem>>
        %dma_wait3A_309 = arith.constant 0 : i32
        %dma_wait3A_310 = arith.constant 0 : i32
        %dma_wait3A_311 = tpu.memref_slice %arg3[%dma_wait3A_309, %dma_wait3A_310] : memref<10000x64xf32, #tpu.memory_space<hbm>> -> memref<10000x64xf32, #tpu.memory_space<hbm>>
        tpu.wait_indirect_dma semaphore(%arg28 : memref<!tpu.dma_semaphore, #tpu.memory_space<semaphore_mem>>) src(%dma_wait3A_311 : memref<10000x64xf32, #tpu.memory_space<hbm>>) dst(%arg14 : memref<80x64xf32, #tpu.memory_space<vmem>>)
        %add3A_312 = arith.constant 3 : i32
        %add3A_313 = arith.addi %mul3A_35, %add3A_312 : i32
        %dma_start3A = arith.constant 0 : i32
        %dma_start3A_314 = tpu.memref_slice %arg10[%add3A_313, %dma_start3A] : memref<125x80xi32, #tpu.memory_space<vmem>> -> memref<1x80xi32, #tpu.memory_space<vmem>>
        %dma_start3A_315 = tpu.memref_squeeze %dma_start3A_314 : memref<1x80xi32, #tpu.memory_space<vmem>> -> memref<80xi32, #tpu.memory_space<vmem>>
        %dma_start3A_316 = arith.constant 0 : i32
        %dma_start3A_317 = arith.constant 0 : i32
        %dma_start3A_318 = tpu.memref_slice %arg24[%dma_start3A_316, %dma_start3A_317] : memref<10112x64xf32, #tpu.memory_space<vmem_shared>> -> memref<10112x64xf32, #tpu.memory_space<vmem_shared>>
        tpu.enqueue_indirect_dma source(%arg14 : memref<80x64xf32, #tpu.memory_space<vmem>>) target(%dma_start3A_318 : memref<10112x64xf32, #tpu.memory_space<vmem_shared>>) offsets(%dma_start3A_315 : memref<80xi32, #tpu.memory_space<vmem>>) semaphore(%arg41 : memref<!tpu.dma_semaphore, #tpu.memory_space<semaphore_mem>>) {add = true}
      } else {
      }
      %add3A_152 = arith.constant 4 : i32
      %add3A_153 = arith.addi %mul3A_35, %add3A_152 : i32
      %lt3A_154 = arith.constant 125 : i32
      %lt3A_155 = arith.cmpi slt, %add3A_153, %lt3A_154 : i32
      %convert_element_type3A_156 = arith.extui %lt3A_155 : i1 to i32
      %cond3A_157 = arith.constant 0 : i32
      %cond3A_158 = arith.cmpi ne, %convert_element_type3A_156, %cond3A_157 : i32
      scf.if %cond3A_158 {
        %dma_wait3A = arith.constant 0 : i32
        %dma_wait3A_306 = arith.constant 0 : i32
        %dma_wait3A_307 = tpu.memref_slice %arg9[%dma_wait3A, %dma_wait3A_306] : memref<125x80xi32, #tpu.memory_space<vmem>> -> memref<1x80xi32, #tpu.memory_space<vmem>>
        %dma_wait3A_308 = tpu.memref_squeeze %dma_wait3A_307 : memref<1x80xi32, #tpu.memory_space<vmem>> -> memref<80xi32, #tpu.memory_space<vmem>>
        %dma_wait3A_309 = arith.constant 0 : i32
        %dma_wait3A_310 = arith.constant 0 : i32
        %dma_wait3A_311 = tpu.memref_slice %arg3[%dma_wait3A_309, %dma_wait3A_310] : memref<10000x64xf32, #tpu.memory_space<hbm>> -> memref<10000x64xf32, #tpu.memory_space<hbm>>
        tpu.wait_indirect_dma semaphore(%arg29 : memref<!tpu.dma_semaphore, #tpu.memory_space<semaphore_mem>>) src(%dma_wait3A_311 : memref<10000x64xf32, #tpu.memory_space<hbm>>) dst(%arg15 : memref<80x64xf32, #tpu.memory_space<vmem>>)
        %add3A_312 = arith.constant 4 : i32
        %add3A_313 = arith.addi %mul3A_35, %add3A_312 : i32
        %dma_start3A = arith.constant 0 : i32
        %dma_start3A_314 = tpu.memref_slice %arg10[%add3A_313, %dma_start3A] : memref<125x80xi32, #tpu.memory_space<vmem>> -> memref<1x80xi32, #tpu.memory_space<vmem>>
        %dma_start3A_315 = tpu.memref_squeeze %dma_start3A_314 : memref<1x80xi32, #tpu.memory_space<vmem>> -> memref<80xi32, #tpu.memory_space<vmem>>
        %dma_start3A_316 = arith.constant 0 : i32
        %dma_start3A_317 = arith.constant 0 : i32
        %dma_start3A_318 = tpu.memref_slice %arg24[%dma_start3A_316, %dma_start3A_317] : memref<10112x64xf32, #tpu.memory_space<vmem_shared>> -> memref<10112x64xf32, #tpu.memory_space<vmem_shared>>
        tpu.enqueue_indirect_dma source(%arg15 : memref<80x64xf32, #tpu.memory_space<vmem>>) target(%dma_start3A_318 : memref<10112x64xf32, #tpu.memory_space<vmem_shared>>) offsets(%dma_start3A_315 : memref<80xi32, #tpu.memory_space<vmem>>) semaphore(%arg42 : memref<!tpu.dma_semaphore, #tpu.memory_space<semaphore_mem>>) {add = true}
      } else {
      }
      %add3A_159 = arith.constant 5 : i32
      %add3A_160 = arith.addi %mul3A_35, %add3A_159 : i32
      %lt3A_161 = arith.constant 125 : i32
      %lt3A_162 = arith.cmpi slt, %add3A_160, %lt3A_161 : i32
      %convert_element_type3A_163 = arith.extui %lt3A_162 : i1 to i32
      %cond3A_164 = arith.constant 0 : i32
      %cond3A_165 = arith.cmpi ne, %convert_element_type3A_163, %cond3A_164 : i32
      scf.if %cond3A_165 {
        %dma_wait3A = arith.constant 0 : i32
        %dma_wait3A_306 = arith.constant 0 : i32
        %dma_wait3A_307 = tpu.memref_slice %arg9[%dma_wait3A, %dma_wait3A_306] : memref<125x80xi32, #tpu.memory_space<vmem>> -> memref<1x80xi32, #tpu.memory_space<vmem>>
        %dma_wait3A_308 = tpu.memref_squeeze %dma_wait3A_307 : memref<1x80xi32, #tpu.memory_space<vmem>> -> memref<80xi32, #tpu.memory_space<vmem>>
        %dma_wait3A_309 = arith.constant 0 : i32
        %dma_wait3A_310 = arith.constant 0 : i32
        %dma_wait3A_311 = tpu.memref_slice %arg3[%dma_wait3A_309, %dma_wait3A_310] : memref<10000x64xf32, #tpu.memory_space<hbm>> -> memref<10000x64xf32, #tpu.memory_space<hbm>>
        tpu.wait_indirect_dma semaphore(%arg30 : memref<!tpu.dma_semaphore, #tpu.memory_space<semaphore_mem>>) src(%dma_wait3A_311 : memref<10000x64xf32, #tpu.memory_space<hbm>>) dst(%arg16 : memref<80x64xf32, #tpu.memory_space<vmem>>)
        %add3A_312 = arith.constant 5 : i32
        %add3A_313 = arith.addi %mul3A_35, %add3A_312 : i32
        %dma_start3A = arith.constant 0 : i32
        %dma_start3A_314 = tpu.memref_slice %arg10[%add3A_313, %dma_start3A] : memref<125x80xi32, #tpu.memory_space<vmem>> -> memref<1x80xi32, #tpu.memory_space<vmem>>
        %dma_start3A_315 = tpu.memref_squeeze %dma_start3A_314 : memref<1x80xi32, #tpu.memory_space<vmem>> -> memref<80xi32, #tpu.memory_space<vmem>>
        %dma_start3A_316 = arith.constant 0 : i32
        %dma_start3A_317 = arith.constant 0 : i32
        %dma_start3A_318 = tpu.memref_slice %arg24[%dma_start3A_316, %dma_start3A_317] : memref<10112x64xf32, #tpu.memory_space<vmem_shared>> -> memref<10112x64xf32, #tpu.memory_space<vmem_shared>>
        tpu.enqueue_indirect_dma source(%arg16 : memref<80x64xf32, #tpu.memory_space<vmem>>) target(%dma_start3A_318 : memref<10112x64xf32, #tpu.memory_space<vmem_shared>>) offsets(%dma_start3A_315 : memref<80xi32, #tpu.memory_space<vmem>>) semaphore(%arg43 : memref<!tpu.dma_semaphore, #tpu.memory_space<semaphore_mem>>) {add = true}
      } else {
      }
      %add3A_166 = arith.constant 6 : i32
      %add3A_167 = arith.addi %mul3A_35, %add3A_166 : i32
      %lt3A_168 = arith.constant 125 : i32
      %lt3A_169 = arith.cmpi slt, %add3A_167, %lt3A_168 : i32
      %convert_element_type3A_170 = arith.extui %lt3A_169 : i1 to i32
      %cond3A_171 = arith.constant 0 : i32
      %cond3A_172 = arith.cmpi ne, %convert_element_type3A_170, %cond3A_171 : i32
      scf.if %cond3A_172 {
        %dma_wait3A = arith.constant 0 : i32
        %dma_wait3A_306 = arith.constant 0 : i32
        %dma_wait3A_307 = tpu.memref_slice %arg9[%dma_wait3A, %dma_wait3A_306] : memref<125x80xi32, #tpu.memory_space<vmem>> -> memref<1x80xi32, #tpu.memory_space<vmem>>
        %dma_wait3A_308 = tpu.memref_squeeze %dma_wait3A_307 : memref<1x80xi32, #tpu.memory_space<vmem>> -> memref<80xi32, #tpu.memory_space<vmem>>
        %dma_wait3A_309 = arith.constant 0 : i32
        %dma_wait3A_310 = arith.constant 0 : i32
        %dma_wait3A_311 = tpu.memref_slice %arg3[%dma_wait3A_309, %dma_wait3A_310] : memref<10000x64xf32, #tpu.memory_space<hbm>> -> memref<10000x64xf32, #tpu.memory_space<hbm>>
        tpu.wait_indirect_dma semaphore(%arg31 : memref<!tpu.dma_semaphore, #tpu.memory_space<semaphore_mem>>) src(%dma_wait3A_311 : memref<10000x64xf32, #tpu.memory_space<hbm>>) dst(%arg17 : memref<80x64xf32, #tpu.memory_space<vmem>>)
        %add3A_312 = arith.constant 6 : i32
        %add3A_313 = arith.addi %mul3A_35, %add3A_312 : i32
        %dma_start3A = arith.constant 0 : i32
        %dma_start3A_314 = tpu.memref_slice %arg10[%add3A_313, %dma_start3A] : memref<125x80xi32, #tpu.memory_space<vmem>> -> memref<1x80xi32, #tpu.memory_space<vmem>>
        %dma_start3A_315 = tpu.memref_squeeze %dma_start3A_314 : memref<1x80xi32, #tpu.memory_space<vmem>> -> memref<80xi32, #tpu.memory_space<vmem>>
        %dma_start3A_316 = arith.constant 0 : i32
        %dma_start3A_317 = arith.constant 0 : i32
        %dma_start3A_318 = tpu.memref_slice %arg24[%dma_start3A_316, %dma_start3A_317] : memref<10112x64xf32, #tpu.memory_space<vmem_shared>> -> memref<10112x64xf32, #tpu.memory_space<vmem_shared>>
        tpu.enqueue_indirect_dma source(%arg17 : memref<80x64xf32, #tpu.memory_space<vmem>>) target(%dma_start3A_318 : memref<10112x64xf32, #tpu.memory_space<vmem_shared>>) offsets(%dma_start3A_315 : memref<80xi32, #tpu.memory_space<vmem>>) semaphore(%arg44 : memref<!tpu.dma_semaphore, #tpu.memory_space<semaphore_mem>>) {add = true}
      } else {
      }
      %add3A_173 = arith.constant 7 : i32
      %add3A_174 = arith.addi %mul3A_35, %add3A_173 : i32
      %lt3A_175 = arith.constant 125 : i32
      %lt3A_176 = arith.cmpi slt, %add3A_174, %lt3A_175 : i32
      %convert_element_type3A_177 = arith.extui %lt3A_176 : i1 to i32
      %cond3A_178 = arith.constant 0 : i32
      %cond3A_179 = arith.cmpi ne, %convert_element_type3A_177, %cond3A_178 : i32
      scf.if %cond3A_179 {
        %dma_wait3A = arith.constant 0 : i32
        %dma_wait3A_306 = arith.constant 0 : i32
        %dma_wait3A_307 = tpu.memref_slice %arg9[%dma_wait3A, %dma_wait3A_306] : memref<125x80xi32, #tpu.memory_space<vmem>> -> memref<1x80xi32, #tpu.memory_space<vmem>>
        %dma_wait3A_308 = tpu.memref_squeeze %dma_wait3A_307 : memref<1x80xi32, #tpu.memory_space<vmem>> -> memref<80xi32, #tpu.memory_space<vmem>>
        %dma_wait3A_309 = arith.constant 0 : i32
        %dma_wait3A_310 = arith.constant 0 : i32
        %dma_wait3A_311 = tpu.memref_slice %arg3[%dma_wait3A_309, %dma_wait3A_310] : memref<10000x64xf32, #tpu.memory_space<hbm>> -> memref<10000x64xf32, #tpu.memory_space<hbm>>
        tpu.wait_indirect_dma semaphore(%arg32 : memref<!tpu.dma_semaphore, #tpu.memory_space<semaphore_mem>>) src(%dma_wait3A_311 : memref<10000x64xf32, #tpu.memory_space<hbm>>) dst(%arg18 : memref<80x64xf32, #tpu.memory_space<vmem>>)
        %add3A_312 = arith.constant 7 : i32
        %add3A_313 = arith.addi %mul3A_35, %add3A_312 : i32
        %dma_start3A = arith.constant 0 : i32
        %dma_start3A_314 = tpu.memref_slice %arg10[%add3A_313, %dma_start3A] : memref<125x80xi32, #tpu.memory_space<vmem>> -> memref<1x80xi32, #tpu.memory_space<vmem>>
        %dma_start3A_315 = tpu.memref_squeeze %dma_start3A_314 : memref<1x80xi32, #tpu.memory_space<vmem>> -> memref<80xi32, #tpu.memory_space<vmem>>
        %dma_start3A_316 = arith.constant 0 : i32
        %dma_start3A_317 = arith.constant 0 : i32
        %dma_start3A_318 = tpu.memref_slice %arg24[%dma_start3A_316, %dma_start3A_317] : memref<10112x64xf32, #tpu.memory_space<vmem_shared>> -> memref<10112x64xf32, #tpu.memory_space<vmem_shared>>
        tpu.enqueue_indirect_dma source(%arg18 : memref<80x64xf32, #tpu.memory_space<vmem>>) target(%dma_start3A_318 : memref<10112x64xf32, #tpu.memory_space<vmem_shared>>) offsets(%dma_start3A_315 : memref<80xi32, #tpu.memory_space<vmem>>) semaphore(%arg45 : memref<!tpu.dma_semaphore, #tpu.memory_space<semaphore_mem>>) {add = true}
      } else {
      }
      %add3A_180 = arith.constant 8 : i32
      %add3A_181 = arith.addi %mul3A_35, %add3A_180 : i32
      %lt3A_182 = arith.constant 125 : i32
      %lt3A_183 = arith.cmpi slt, %add3A_181, %lt3A_182 : i32
      %convert_element_type3A_184 = arith.extui %lt3A_183 : i1 to i32
      %cond3A_185 = arith.constant 0 : i32
      %cond3A_186 = arith.cmpi ne, %convert_element_type3A_184, %cond3A_185 : i32
      scf.if %cond3A_186 {
        %dma_wait3A = arith.constant 0 : i32
        %dma_wait3A_306 = arith.constant 0 : i32
        %dma_wait3A_307 = tpu.memref_slice %arg9[%dma_wait3A, %dma_wait3A_306] : memref<125x80xi32, #tpu.memory_space<vmem>> -> memref<1x80xi32, #tpu.memory_space<vmem>>
        %dma_wait3A_308 = tpu.memref_squeeze %dma_wait3A_307 : memref<1x80xi32, #tpu.memory_space<vmem>> -> memref<80xi32, #tpu.memory_space<vmem>>
        %dma_wait3A_309 = arith.constant 0 : i32
        %dma_wait3A_310 = arith.constant 0 : i32
        %dma_wait3A_311 = tpu.memref_slice %arg3[%dma_wait3A_309, %dma_wait3A_310] : memref<10000x64xf32, #tpu.memory_space<hbm>> -> memref<10000x64xf32, #tpu.memory_space<hbm>>
        tpu.wait_indirect_dma semaphore(%arg33 : memref<!tpu.dma_semaphore, #tpu.memory_space<semaphore_mem>>) src(%dma_wait3A_311 : memref<10000x64xf32, #tpu.memory_space<hbm>>) dst(%arg19 : memref<80x64xf32, #tpu.memory_space<vmem>>)
        %add3A_312 = arith.constant 8 : i32
        %add3A_313 = arith.addi %mul3A_35, %add3A_312 : i32
        %dma_start3A = arith.constant 0 : i32
        %dma_start3A_314 = tpu.memref_slice %arg10[%add3A_313, %dma_start3A] : memref<125x80xi32, #tpu.memory_space<vmem>> -> memref<1x80xi32, #tpu.memory_space<vmem>>
        %dma_start3A_315 = tpu.memref_squeeze %dma_start3A_314 : memref<1x80xi32, #tpu.memory_space<vmem>> -> memref<80xi32, #tpu.memory_space<vmem>>
        %dma_start3A_316 = arith.constant 0 : i32
        %dma_start3A_317 = arith.constant 0 : i32
        %dma_start3A_318 = tpu.memref_slice %arg24[%dma_start3A_316, %dma_start3A_317] : memref<10112x64xf32, #tpu.memory_space<vmem_shared>> -> memref<10112x64xf32, #tpu.memory_space<vmem_shared>>
        tpu.enqueue_indirect_dma source(%arg19 : memref<80x64xf32, #tpu.memory_space<vmem>>) target(%dma_start3A_318 : memref<10112x64xf32, #tpu.memory_space<vmem_shared>>) offsets(%dma_start3A_315 : memref<80xi32, #tpu.memory_space<vmem>>) semaphore(%arg46 : memref<!tpu.dma_semaphore, #tpu.memory_space<semaphore_mem>>) {add = true}
      } else {
      }
      %add3A_187 = arith.constant 9 : i32
      %add3A_188 = arith.addi %mul3A_35, %add3A_187 : i32
      %lt3A_189 = arith.constant 125 : i32
      %lt3A_190 = arith.cmpi slt, %add3A_188, %lt3A_189 : i32
      %convert_element_type3A_191 = arith.extui %lt3A_190 : i1 to i32
      %cond3A_192 = arith.constant 0 : i32
      %cond3A_193 = arith.cmpi ne, %convert_element_type3A_191, %cond3A_192 : i32
      scf.if %cond3A_193 {
        %dma_wait3A = arith.constant 0 : i32
        %dma_wait3A_306 = arith.constant 0 : i32
        %dma_wait3A_307 = tpu.memref_slice %arg9[%dma_wait3A, %dma_wait3A_306] : memref<125x80xi32, #tpu.memory_space<vmem>> -> memref<1x80xi32, #tpu.memory_space<vmem>>
        %dma_wait3A_308 = tpu.memref_squeeze %dma_wait3A_307 : memref<1x80xi32, #tpu.memory_space<vmem>> -> memref<80xi32, #tpu.memory_space<vmem>>
        %dma_wait3A_309 = arith.constant 0 : i32
        %dma_wait3A_310 = arith.constant 0 : i32
        %dma_wait3A_311 = tpu.memref_slice %arg3[%dma_wait3A_309, %dma_wait3A_310] : memref<10000x64xf32, #tpu.memory_space<hbm>> -> memref<10000x64xf32, #tpu.memory_space<hbm>>
        tpu.wait_indirect_dma semaphore(%arg34 : memref<!tpu.dma_semaphore, #tpu.memory_space<semaphore_mem>>) src(%dma_wait3A_311 : memref<10000x64xf32, #tpu.memory_space<hbm>>) dst(%arg20 : memref<80x64xf32, #tpu.memory_space<vmem>>)
        %add3A_312 = arith.constant 9 : i32
        %add3A_313 = arith.addi %mul3A_35, %add3A_312 : i32
        %dma_start3A = arith.constant 0 : i32
        %dma_start3A_314 = tpu.memref_slice %arg10[%add3A_313, %dma_start3A] : memref<125x80xi32, #tpu.memory_space<vmem>> -> memref<1x80xi32, #tpu.memory_space<vmem>>
        %dma_start3A_315 = tpu.memref_squeeze %dma_start3A_314 : memref<1x80xi32, #tpu.memory_space<vmem>> -> memref<80xi32, #tpu.memory_space<vmem>>
        %dma_start3A_316 = arith.constant 0 : i32
        %dma_start3A_317 = arith.constant 0 : i32
        %dma_start3A_318 = tpu.memref_slice %arg24[%dma_start3A_316, %dma_start3A_317] : memref<10112x64xf32, #tpu.memory_space<vmem_shared>> -> memref<10112x64xf32, #tpu.memory_space<vmem_shared>>
        tpu.enqueue_indirect_dma source(%arg20 : memref<80x64xf32, #tpu.memory_space<vmem>>) target(%dma_start3A_318 : memref<10112x64xf32, #tpu.memory_space<vmem_shared>>) offsets(%dma_start3A_315 : memref<80xi32, #tpu.memory_space<vmem>>) semaphore(%arg47 : memref<!tpu.dma_semaphore, #tpu.memory_space<semaphore_mem>>) {add = true}
      } else {
      }
      %add3A_194 = arith.constant 10 : i32
      %add3A_195 = arith.addi %mul3A_35, %add3A_194 : i32
      %lt3A_196 = arith.constant 125 : i32
      %lt3A_197 = arith.cmpi slt, %add3A_195, %lt3A_196 : i32
      %convert_element_type3A_198 = arith.extui %lt3A_197 : i1 to i32
      %cond3A_199 = arith.constant 0 : i32
      %cond3A_200 = arith.cmpi ne, %convert_element_type3A_198, %cond3A_199 : i32
      scf.if %cond3A_200 {
        %dma_wait3A = arith.constant 0 : i32
        %dma_wait3A_306 = arith.constant 0 : i32
        %dma_wait3A_307 = tpu.memref_slice %arg9[%dma_wait3A, %dma_wait3A_306] : memref<125x80xi32, #tpu.memory_space<vmem>> -> memref<1x80xi32, #tpu.memory_space<vmem>>
        %dma_wait3A_308 = tpu.memref_squeeze %dma_wait3A_307 : memref<1x80xi32, #tpu.memory_space<vmem>> -> memref<80xi32, #tpu.memory_space<vmem>>
        %dma_wait3A_309 = arith.constant 0 : i32
        %dma_wait3A_310 = arith.constant 0 : i32
        %dma_wait3A_311 = tpu.memref_slice %arg3[%dma_wait3A_309, %dma_wait3A_310] : memref<10000x64xf32, #tpu.memory_space<hbm>> -> memref<10000x64xf32, #tpu.memory_space<hbm>>
        tpu.wait_indirect_dma semaphore(%arg35 : memref<!tpu.dma_semaphore, #tpu.memory_space<semaphore_mem>>) src(%dma_wait3A_311 : memref<10000x64xf32, #tpu.memory_space<hbm>>) dst(%arg21 : memref<80x64xf32, #tpu.memory_space<vmem>>)
        %add3A_312 = arith.constant 10 : i32
        %add3A_313 = arith.addi %mul3A_35, %add3A_312 : i32
        %dma_start3A = arith.constant 0 : i32
        %dma_start3A_314 = tpu.memref_slice %arg10[%add3A_313, %dma_start3A] : memref<125x80xi32, #tpu.memory_space<vmem>> -> memref<1x80xi32, #tpu.memory_space<vmem>>
        %dma_start3A_315 = tpu.memref_squeeze %dma_start3A_314 : memref<1x80xi32, #tpu.memory_space<vmem>> -> memref<80xi32, #tpu.memory_space<vmem>>
        %dma_start3A_316 = arith.constant 0 : i32
        %dma_start3A_317 = arith.constant 0 : i32
        %dma_start3A_318 = tpu.memref_slice %arg24[%dma_start3A_316, %dma_start3A_317] : memref<10112x64xf32, #tpu.memory_space<vmem_shared>> -> memref<10112x64xf32, #tpu.memory_space<vmem_shared>>
        tpu.enqueue_indirect_dma source(%arg21 : memref<80x64xf32, #tpu.memory_space<vmem>>) target(%dma_start3A_318 : memref<10112x64xf32, #tpu.memory_space<vmem_shared>>) offsets(%dma_start3A_315 : memref<80xi32, #tpu.memory_space<vmem>>) semaphore(%arg48 : memref<!tpu.dma_semaphore, #tpu.memory_space<semaphore_mem>>) {add = true}
      } else {
      }
      %add3A_201 = arith.constant 11 : i32
      %add3A_202 = arith.addi %mul3A_35, %add3A_201 : i32
      %lt3A_203 = arith.constant 125 : i32
      %lt3A_204 = arith.cmpi slt, %add3A_202, %lt3A_203 : i32
      %convert_element_type3A_205 = arith.extui %lt3A_204 : i1 to i32
      %cond3A_206 = arith.constant 0 : i32
      %cond3A_207 = arith.cmpi ne, %convert_element_type3A_205, %cond3A_206 : i32
      scf.if %cond3A_207 {
        %dma_wait3A = arith.constant 0 : i32
        %dma_wait3A_306 = arith.constant 0 : i32
        %dma_wait3A_307 = tpu.memref_slice %arg9[%dma_wait3A, %dma_wait3A_306] : memref<125x80xi32, #tpu.memory_space<vmem>> -> memref<1x80xi32, #tpu.memory_space<vmem>>
        %dma_wait3A_308 = tpu.memref_squeeze %dma_wait3A_307 : memref<1x80xi32, #tpu.memory_space<vmem>> -> memref<80xi32, #tpu.memory_space<vmem>>
        %dma_wait3A_309 = arith.constant 0 : i32
        %dma_wait3A_310 = arith.constant 0 : i32
        %dma_wait3A_311 = tpu.memref_slice %arg3[%dma_wait3A_309, %dma_wait3A_310] : memref<10000x64xf32, #tpu.memory_space<hbm>> -> memref<10000x64xf32, #tpu.memory_space<hbm>>
        tpu.wait_indirect_dma semaphore(%arg36 : memref<!tpu.dma_semaphore, #tpu.memory_space<semaphore_mem>>) src(%dma_wait3A_311 : memref<10000x64xf32, #tpu.memory_space<hbm>>) dst(%arg22 : memref<80x64xf32, #tpu.memory_space<vmem>>)
        %add3A_312 = arith.constant 11 : i32
        %add3A_313 = arith.addi %mul3A_35, %add3A_312 : i32
        %dma_start3A = arith.constant 0 : i32
        %dma_start3A_314 = tpu.memref_slice %arg10[%add3A_313, %dma_start3A] : memref<125x80xi32, #tpu.memory_space<vmem>> -> memref<1x80xi32, #tpu.memory_space<vmem>>
        %dma_start3A_315 = tpu.memref_squeeze %dma_start3A_314 : memref<1x80xi32, #tpu.memory_space<vmem>> -> memref<80xi32, #tpu.memory_space<vmem>>
        %dma_start3A_316 = arith.constant 0 : i32
        %dma_start3A_317 = arith.constant 0 : i32
        %dma_start3A_318 = tpu.memref_slice %arg24[%dma_start3A_316, %dma_start3A_317] : memref<10112x64xf32, #tpu.memory_space<vmem_shared>> -> memref<10112x64xf32, #tpu.memory_space<vmem_shared>>
        tpu.enqueue_indirect_dma source(%arg22 : memref<80x64xf32, #tpu.memory_space<vmem>>) target(%dma_start3A_318 : memref<10112x64xf32, #tpu.memory_space<vmem_shared>>) offsets(%dma_start3A_315 : memref<80xi32, #tpu.memory_space<vmem>>) semaphore(%arg49 : memref<!tpu.dma_semaphore, #tpu.memory_space<semaphore_mem>>) {add = true}
      } else {
      }
      %add3A_208 = arith.constant 12 : i32
      %add3A_209 = arith.addi %mul3A_35, %add3A_208 : i32
      %lt3A_210 = arith.constant 125 : i32
      %lt3A_211 = arith.cmpi slt, %add3A_209, %lt3A_210 : i32
      %convert_element_type3A_212 = arith.extui %lt3A_211 : i1 to i32
      %cond3A_213 = arith.constant 0 : i32
      %cond3A_214 = arith.cmpi ne, %convert_element_type3A_212, %cond3A_213 : i32
      scf.if %cond3A_214 {
        %dma_wait3A = arith.constant 0 : i32
        %dma_wait3A_306 = arith.constant 0 : i32
        %dma_wait3A_307 = tpu.memref_slice %arg9[%dma_wait3A, %dma_wait3A_306] : memref<125x80xi32, #tpu.memory_space<vmem>> -> memref<1x80xi32, #tpu.memory_space<vmem>>
        %dma_wait3A_308 = tpu.memref_squeeze %dma_wait3A_307 : memref<1x80xi32, #tpu.memory_space<vmem>> -> memref<80xi32, #tpu.memory_space<vmem>>
        %dma_wait3A_309 = arith.constant 0 : i32
        %dma_wait3A_310 = arith.constant 0 : i32
        %dma_wait3A_311 = tpu.memref_slice %arg3[%dma_wait3A_309, %dma_wait3A_310] : memref<10000x64xf32, #tpu.memory_space<hbm>> -> memref<10000x64xf32, #tpu.memory_space<hbm>>
        tpu.wait_indirect_dma semaphore(%arg37 : memref<!tpu.dma_semaphore, #tpu.memory_space<semaphore_mem>>) src(%dma_wait3A_311 : memref<10000x64xf32, #tpu.memory_space<hbm>>) dst(%arg23 : memref<80x64xf32, #tpu.memory_space<vmem>>)
        %add3A_312 = arith.constant 12 : i32
        %add3A_313 = arith.addi %mul3A_35, %add3A_312 : i32
        %dma_start3A = arith.constant 0 : i32
        %dma_start3A_314 = tpu.memref_slice %arg10[%add3A_313, %dma_start3A] : memref<125x80xi32, #tpu.memory_space<vmem>> -> memref<1x80xi32, #tpu.memory_space<vmem>>
        %dma_start3A_315 = tpu.memref_squeeze %dma_start3A_314 : memref<1x80xi32, #tpu.memory_space<vmem>> -> memref<80xi32, #tpu.memory_space<vmem>>
        %dma_start3A_316 = arith.constant 0 : i32
        %dma_start3A_317 = arith.constant 0 : i32
        %dma_start3A_318 = tpu.memref_slice %arg24[%dma_start3A_316, %dma_start3A_317] : memref<10112x64xf32, #tpu.memory_space<vmem_shared>> -> memref<10112x64xf32, #tpu.memory_space<vmem_shared>>
        tpu.enqueue_indirect_dma source(%arg23 : memref<80x64xf32, #tpu.memory_space<vmem>>) target(%dma_start3A_318 : memref<10112x64xf32, #tpu.memory_space<vmem_shared>>) offsets(%dma_start3A_315 : memref<80xi32, #tpu.memory_space<vmem>>) semaphore(%arg50 : memref<!tpu.dma_semaphore, #tpu.memory_space<semaphore_mem>>) {add = true}
      } else {
      }
      %add3A_215 = arith.constant 0 : i32
      %add3A_216 = arith.addi %mul3A_35, %add3A_215 : i32
      %lt3A_217 = arith.constant 125 : i32
      %lt3A_218 = arith.cmpi slt, %add3A_216, %lt3A_217 : i32
      %convert_element_type3A_219 = arith.extui %lt3A_218 : i1 to i32
      %cond3A_220 = arith.constant 0 : i32
      %cond3A_221 = arith.cmpi ne, %convert_element_type3A_219, %cond3A_220 : i32
      scf.if %cond3A_221 {
        %dma_wait3A = arith.constant 0 : i32
        %dma_wait3A_306 = arith.constant 0 : i32
        %dma_wait3A_307 = tpu.memref_slice %arg10[%dma_wait3A, %dma_wait3A_306] : memref<125x80xi32, #tpu.memory_space<vmem>> -> memref<1x80xi32, #tpu.memory_space<vmem>>
        %dma_wait3A_308 = tpu.memref_squeeze %dma_wait3A_307 : memref<1x80xi32, #tpu.memory_space<vmem>> -> memref<80xi32, #tpu.memory_space<vmem>>
        %dma_wait3A_309 = arith.constant 0 : i32
        %dma_wait3A_310 = arith.constant 0 : i32
        %dma_wait3A_311 = tpu.memref_slice %arg24[%dma_wait3A_309, %dma_wait3A_310] : memref<10112x64xf32, #tpu.memory_space<vmem_shared>> -> memref<10112x64xf32, #tpu.memory_space<vmem_shared>>
        tpu.wait_indirect_dma semaphore(%arg38 : memref<!tpu.dma_semaphore, #tpu.memory_space<semaphore_mem>>) src(%arg11 : memref<80x64xf32, #tpu.memory_space<vmem>>) dst(%dma_wait3A_311 : memref<10112x64xf32, #tpu.memory_space<vmem_shared>>)
      } else {
      }
      %add3A_222 = arith.constant 1 : i32
      %add3A_223 = arith.addi %mul3A_35, %add3A_222 : i32
      %lt3A_224 = arith.constant 125 : i32
      %lt3A_225 = arith.cmpi slt, %add3A_223, %lt3A_224 : i32
      %convert_element_type3A_226 = arith.extui %lt3A_225 : i1 to i32
      %cond3A_227 = arith.constant 0 : i32
      %cond3A_228 = arith.cmpi ne, %convert_element_type3A_226, %cond3A_227 : i32
      scf.if %cond3A_228 {
        %dma_wait3A = arith.constant 0 : i32
        %dma_wait3A_306 = arith.constant 0 : i32
        %dma_wait3A_307 = tpu.memref_slice %arg10[%dma_wait3A, %dma_wait3A_306] : memref<125x80xi32, #tpu.memory_space<vmem>> -> memref<1x80xi32, #tpu.memory_space<vmem>>
        %dma_wait3A_308 = tpu.memref_squeeze %dma_wait3A_307 : memref<1x80xi32, #tpu.memory_space<vmem>> -> memref<80xi32, #tpu.memory_space<vmem>>
        %dma_wait3A_309 = arith.constant 0 : i32
        %dma_wait3A_310 = arith.constant 0 : i32
        %dma_wait3A_311 = tpu.memref_slice %arg24[%dma_wait3A_309, %dma_wait3A_310] : memref<10112x64xf32, #tpu.memory_space<vmem_shared>> -> memref<10112x64xf32, #tpu.memory_space<vmem_shared>>
        tpu.wait_indirect_dma semaphore(%arg39 : memref<!tpu.dma_semaphore, #tpu.memory_space<semaphore_mem>>) src(%arg12 : memref<80x64xf32, #tpu.memory_space<vmem>>) dst(%dma_wait3A_311 : memref<10112x64xf32, #tpu.memory_space<vmem_shared>>)
      } else {
      }
      %add3A_229 = arith.constant 2 : i32
      %add3A_230 = arith.addi %mul3A_35, %add3A_229 : i32
      %lt3A_231 = arith.constant 125 : i32
      %lt3A_232 = arith.cmpi slt, %add3A_230, %lt3A_231 : i32
      %convert_element_type3A_233 = arith.extui %lt3A_232 : i1 to i32
      %cond3A_234 = arith.constant 0 : i32
      %cond3A_235 = arith.cmpi ne, %convert_element_type3A_233, %cond3A_234 : i32
      scf.if %cond3A_235 {
        %dma_wait3A = arith.constant 0 : i32
        %dma_wait3A_306 = arith.constant 0 : i32
        %dma_wait3A_307 = tpu.memref_slice %arg10[%dma_wait3A, %dma_wait3A_306] : memref<125x80xi32, #tpu.memory_space<vmem>> -> memref<1x80xi32, #tpu.memory_space<vmem>>
        %dma_wait3A_308 = tpu.memref_squeeze %dma_wait3A_307 : memref<1x80xi32, #tpu.memory_space<vmem>> -> memref<80xi32, #tpu.memory_space<vmem>>
        %dma_wait3A_309 = arith.constant 0 : i32
        %dma_wait3A_310 = arith.constant 0 : i32
        %dma_wait3A_311 = tpu.memref_slice %arg24[%dma_wait3A_309, %dma_wait3A_310] : memref<10112x64xf32, #tpu.memory_space<vmem_shared>> -> memref<10112x64xf32, #tpu.memory_space<vmem_shared>>
        tpu.wait_indirect_dma semaphore(%arg40 : memref<!tpu.dma_semaphore, #tpu.memory_space<semaphore_mem>>) src(%arg13 : memref<80x64xf32, #tpu.memory_space<vmem>>) dst(%dma_wait3A_311 : memref<10112x64xf32, #tpu.memory_space<vmem_shared>>)
      } else {
      }
      %add3A_236 = arith.constant 3 : i32
      %add3A_237 = arith.addi %mul3A_35, %add3A_236 : i32
      %lt3A_238 = arith.constant 125 : i32
      %lt3A_239 = arith.cmpi slt, %add3A_237, %lt3A_238 : i32
      %convert_element_type3A_240 = arith.extui %lt3A_239 : i1 to i32
      %cond3A_241 = arith.constant 0 : i32
      %cond3A_242 = arith.cmpi ne, %convert_element_type3A_240, %cond3A_241 : i32
      scf.if %cond3A_242 {
        %dma_wait3A = arith.constant 0 : i32
        %dma_wait3A_306 = arith.constant 0 : i32
        %dma_wait3A_307 = tpu.memref_slice %arg10[%dma_wait3A, %dma_wait3A_306] : memref<125x80xi32, #tpu.memory_space<vmem>> -> memref<1x80xi32, #tpu.memory_space<vmem>>
        %dma_wait3A_308 = tpu.memref_squeeze %dma_wait3A_307 : memref<1x80xi32, #tpu.memory_space<vmem>> -> memref<80xi32, #tpu.memory_space<vmem>>
        %dma_wait3A_309 = arith.constant 0 : i32
        %dma_wait3A_310 = arith.constant 0 : i32
        %dma_wait3A_311 = tpu.memref_slice %arg24[%dma_wait3A_309, %dma_wait3A_310] : memref<10112x64xf32, #tpu.memory_space<vmem_shared>> -> memref<10112x64xf32, #tpu.memory_space<vmem_shared>>
        tpu.wait_indirect_dma semaphore(%arg41 : memref<!tpu.dma_semaphore, #tpu.memory_space<semaphore_mem>>) src(%arg14 : memref<80x64xf32, #tpu.memory_space<vmem>>) dst(%dma_wait3A_311 : memref<10112x64xf32, #tpu.memory_space<vmem_shared>>)
      } else {
      }
      %add3A_243 = arith.constant 4 : i32
      %add3A_244 = arith.addi %mul3A_35, %add3A_243 : i32
      %lt3A_245 = arith.constant 125 : i32
      %lt3A_246 = arith.cmpi slt, %add3A_244, %lt3A_245 : i32
      %convert_element_type3A_247 = arith.extui %lt3A_246 : i1 to i32
      %cond3A_248 = arith.constant 0 : i32
      %cond3A_249 = arith.cmpi ne, %convert_element_type3A_247, %cond3A_248 : i32
      scf.if %cond3A_249 {
        %dma_wait3A = arith.constant 0 : i32
        %dma_wait3A_306 = arith.constant 0 : i32
        %dma_wait3A_307 = tpu.memref_slice %arg10[%dma_wait3A, %dma_wait3A_306] : memref<125x80xi32, #tpu.memory_space<vmem>> -> memref<1x80xi32, #tpu.memory_space<vmem>>
        %dma_wait3A_308 = tpu.memref_squeeze %dma_wait3A_307 : memref<1x80xi32, #tpu.memory_space<vmem>> -> memref<80xi32, #tpu.memory_space<vmem>>
        %dma_wait3A_309 = arith.constant 0 : i32
        %dma_wait3A_310 = arith.constant 0 : i32
        %dma_wait3A_311 = tpu.memref_slice %arg24[%dma_wait3A_309, %dma_wait3A_310] : memref<10112x64xf32, #tpu.memory_space<vmem_shared>> -> memref<10112x64xf32, #tpu.memory_space<vmem_shared>>
        tpu.wait_indirect_dma semaphore(%arg42 : memref<!tpu.dma_semaphore, #tpu.memory_space<semaphore_mem>>) src(%arg15 : memref<80x64xf32, #tpu.memory_space<vmem>>) dst(%dma_wait3A_311 : memref<10112x64xf32, #tpu.memory_space<vmem_shared>>)
      } else {
      }
      %add3A_250 = arith.constant 5 : i32
      %add3A_251 = arith.addi %mul3A_35, %add3A_250 : i32
      %lt3A_252 = arith.constant 125 : i32
      %lt3A_253 = arith.cmpi slt, %add3A_251, %lt3A_252 : i32
      %convert_element_type3A_254 = arith.extui %lt3A_253 : i1 to i32
      %cond3A_255 = arith.constant 0 : i32
      %cond3A_256 = arith.cmpi ne, %convert_element_type3A_254, %cond3A_255 : i32
      scf.if %cond3A_256 {
        %dma_wait3A = arith.constant 0 : i32
        %dma_wait3A_306 = arith.constant 0 : i32
        %dma_wait3A_307 = tpu.memref_slice %arg10[%dma_wait3A, %dma_wait3A_306] : memref<125x80xi32, #tpu.memory_space<vmem>> -> memref<1x80xi32, #tpu.memory_space<vmem>>
        %dma_wait3A_308 = tpu.memref_squeeze %dma_wait3A_307 : memref<1x80xi32, #tpu.memory_space<vmem>> -> memref<80xi32, #tpu.memory_space<vmem>>
        %dma_wait3A_309 = arith.constant 0 : i32
        %dma_wait3A_310 = arith.constant 0 : i32
        %dma_wait3A_311 = tpu.memref_slice %arg24[%dma_wait3A_309, %dma_wait3A_310] : memref<10112x64xf32, #tpu.memory_space<vmem_shared>> -> memref<10112x64xf32, #tpu.memory_space<vmem_shared>>
        tpu.wait_indirect_dma semaphore(%arg43 : memref<!tpu.dma_semaphore, #tpu.memory_space<semaphore_mem>>) src(%arg16 : memref<80x64xf32, #tpu.memory_space<vmem>>) dst(%dma_wait3A_311 : memref<10112x64xf32, #tpu.memory_space<vmem_shared>>)
      } else {
      }
      %add3A_257 = arith.constant 6 : i32
      %add3A_258 = arith.addi %mul3A_35, %add3A_257 : i32
      %lt3A_259 = arith.constant 125 : i32
      %lt3A_260 = arith.cmpi slt, %add3A_258, %lt3A_259 : i32
      %convert_element_type3A_261 = arith.extui %lt3A_260 : i1 to i32
      %cond3A_262 = arith.constant 0 : i32
      %cond3A_263 = arith.cmpi ne, %convert_element_type3A_261, %cond3A_262 : i32
      scf.if %cond3A_263 {
        %dma_wait3A = arith.constant 0 : i32
        %dma_wait3A_306 = arith.constant 0 : i32
        %dma_wait3A_307 = tpu.memref_slice %arg10[%dma_wait3A, %dma_wait3A_306] : memref<125x80xi32, #tpu.memory_space<vmem>> -> memref<1x80xi32, #tpu.memory_space<vmem>>
        %dma_wait3A_308 = tpu.memref_squeeze %dma_wait3A_307 : memref<1x80xi32, #tpu.memory_space<vmem>> -> memref<80xi32, #tpu.memory_space<vmem>>
        %dma_wait3A_309 = arith.constant 0 : i32
        %dma_wait3A_310 = arith.constant 0 : i32
        %dma_wait3A_311 = tpu.memref_slice %arg24[%dma_wait3A_309, %dma_wait3A_310] : memref<10112x64xf32, #tpu.memory_space<vmem_shared>> -> memref<10112x64xf32, #tpu.memory_space<vmem_shared>>
        tpu.wait_indirect_dma semaphore(%arg44 : memref<!tpu.dma_semaphore, #tpu.memory_space<semaphore_mem>>) src(%arg17 : memref<80x64xf32, #tpu.memory_space<vmem>>) dst(%dma_wait3A_311 : memref<10112x64xf32, #tpu.memory_space<vmem_shared>>)
      } else {
      }
      %add3A_264 = arith.constant 7 : i32
      %add3A_265 = arith.addi %mul3A_35, %add3A_264 : i32
      %lt3A_266 = arith.constant 125 : i32
      %lt3A_267 = arith.cmpi slt, %add3A_265, %lt3A_266 : i32
      %convert_element_type3A_268 = arith.extui %lt3A_267 : i1 to i32
      %cond3A_269 = arith.constant 0 : i32
      %cond3A_270 = arith.cmpi ne, %convert_element_type3A_268, %cond3A_269 : i32
      scf.if %cond3A_270 {
        %dma_wait3A = arith.constant 0 : i32
        %dma_wait3A_306 = arith.constant 0 : i32
        %dma_wait3A_307 = tpu.memref_slice %arg10[%dma_wait3A, %dma_wait3A_306] : memref<125x80xi32, #tpu.memory_space<vmem>> -> memref<1x80xi32, #tpu.memory_space<vmem>>
        %dma_wait3A_308 = tpu.memref_squeeze %dma_wait3A_307 : memref<1x80xi32, #tpu.memory_space<vmem>> -> memref<80xi32, #tpu.memory_space<vmem>>
        %dma_wait3A_309 = arith.constant 0 : i32
        %dma_wait3A_310 = arith.constant 0 : i32
        %dma_wait3A_311 = tpu.memref_slice %arg24[%dma_wait3A_309, %dma_wait3A_310] : memref<10112x64xf32, #tpu.memory_space<vmem_shared>> -> memref<10112x64xf32, #tpu.memory_space<vmem_shared>>
        tpu.wait_indirect_dma semaphore(%arg45 : memref<!tpu.dma_semaphore, #tpu.memory_space<semaphore_mem>>) src(%arg18 : memref<80x64xf32, #tpu.memory_space<vmem>>) dst(%dma_wait3A_311 : memref<10112x64xf32, #tpu.memory_space<vmem_shared>>)
      } else {
      }
      %add3A_271 = arith.constant 8 : i32
      %add3A_272 = arith.addi %mul3A_35, %add3A_271 : i32
      %lt3A_273 = arith.constant 125 : i32
      %lt3A_274 = arith.cmpi slt, %add3A_272, %lt3A_273 : i32
      %convert_element_type3A_275 = arith.extui %lt3A_274 : i1 to i32
      %cond3A_276 = arith.constant 0 : i32
      %cond3A_277 = arith.cmpi ne, %convert_element_type3A_275, %cond3A_276 : i32
      scf.if %cond3A_277 {
        %dma_wait3A = arith.constant 0 : i32
        %dma_wait3A_306 = arith.constant 0 : i32
        %dma_wait3A_307 = tpu.memref_slice %arg10[%dma_wait3A, %dma_wait3A_306] : memref<125x80xi32, #tpu.memory_space<vmem>> -> memref<1x80xi32, #tpu.memory_space<vmem>>
        %dma_wait3A_308 = tpu.memref_squeeze %dma_wait3A_307 : memref<1x80xi32, #tpu.memory_space<vmem>> -> memref<80xi32, #tpu.memory_space<vmem>>
        %dma_wait3A_309 = arith.constant 0 : i32
        %dma_wait3A_310 = arith.constant 0 : i32
        %dma_wait3A_311 = tpu.memref_slice %arg24[%dma_wait3A_309, %dma_wait3A_310] : memref<10112x64xf32, #tpu.memory_space<vmem_shared>> -> memref<10112x64xf32, #tpu.memory_space<vmem_shared>>
        tpu.wait_indirect_dma semaphore(%arg46 : memref<!tpu.dma_semaphore, #tpu.memory_space<semaphore_mem>>) src(%arg19 : memref<80x64xf32, #tpu.memory_space<vmem>>) dst(%dma_wait3A_311 : memref<10112x64xf32, #tpu.memory_space<vmem_shared>>)
      } else {
      }
      %add3A_278 = arith.constant 9 : i32
      %add3A_279 = arith.addi %mul3A_35, %add3A_278 : i32
      %lt3A_280 = arith.constant 125 : i32
      %lt3A_281 = arith.cmpi slt, %add3A_279, %lt3A_280 : i32
      %convert_element_type3A_282 = arith.extui %lt3A_281 : i1 to i32
      %cond3A_283 = arith.constant 0 : i32
      %cond3A_284 = arith.cmpi ne, %convert_element_type3A_282, %cond3A_283 : i32
      scf.if %cond3A_284 {
        %dma_wait3A = arith.constant 0 : i32
        %dma_wait3A_306 = arith.constant 0 : i32
        %dma_wait3A_307 = tpu.memref_slice %arg10[%dma_wait3A, %dma_wait3A_306] : memref<125x80xi32, #tpu.memory_space<vmem>> -> memref<1x80xi32, #tpu.memory_space<vmem>>
        %dma_wait3A_308 = tpu.memref_squeeze %dma_wait3A_307 : memref<1x80xi32, #tpu.memory_space<vmem>> -> memref<80xi32, #tpu.memory_space<vmem>>
        %dma_wait3A_309 = arith.constant 0 : i32
        %dma_wait3A_310 = arith.constant 0 : i32
        %dma_wait3A_311 = tpu.memref_slice %arg24[%dma_wait3A_309, %dma_wait3A_310] : memref<10112x64xf32, #tpu.memory_space<vmem_shared>> -> memref<10112x64xf32, #tpu.memory_space<vmem_shared>>
        tpu.wait_indirect_dma semaphore(%arg47 : memref<!tpu.dma_semaphore, #tpu.memory_space<semaphore_mem>>) src(%arg20 : memref<80x64xf32, #tpu.memory_space<vmem>>) dst(%dma_wait3A_311 : memref<10112x64xf32, #tpu.memory_space<vmem_shared>>)
      } else {
      }
      %add3A_285 = arith.constant 10 : i32
      %add3A_286 = arith.addi %mul3A_35, %add3A_285 : i32
      %lt3A_287 = arith.constant 125 : i32
      %lt3A_288 = arith.cmpi slt, %add3A_286, %lt3A_287 : i32
      %convert_element_type3A_289 = arith.extui %lt3A_288 : i1 to i32
      %cond3A_290 = arith.constant 0 : i32
      %cond3A_291 = arith.cmpi ne, %convert_element_type3A_289, %cond3A_290 : i32
      scf.if %cond3A_291 {
        %dma_wait3A = arith.constant 0 : i32
        %dma_wait3A_306 = arith.constant 0 : i32
        %dma_wait3A_307 = tpu.memref_slice %arg10[%dma_wait3A, %dma_wait3A_306] : memref<125x80xi32, #tpu.memory_space<vmem>> -> memref<1x80xi32, #tpu.memory_space<vmem>>
        %dma_wait3A_308 = tpu.memref_squeeze %dma_wait3A_307 : memref<1x80xi32, #tpu.memory_space<vmem>> -> memref<80xi32, #tpu.memory_space<vmem>>
        %dma_wait3A_309 = arith.constant 0 : i32
        %dma_wait3A_310 = arith.constant 0 : i32
        %dma_wait3A_311 = tpu.memref_slice %arg24[%dma_wait3A_309, %dma_wait3A_310] : memref<10112x64xf32, #tpu.memory_space<vmem_shared>> -> memref<10112x64xf32, #tpu.memory_space<vmem_shared>>
        tpu.wait_indirect_dma semaphore(%arg48 : memref<!tpu.dma_semaphore, #tpu.memory_space<semaphore_mem>>) src(%arg21 : memref<80x64xf32, #tpu.memory_space<vmem>>) dst(%dma_wait3A_311 : memref<10112x64xf32, #tpu.memory_space<vmem_shared>>)
      } else {
      }
      %add3A_292 = arith.constant 11 : i32
      %add3A_293 = arith.addi %mul3A_35, %add3A_292 : i32
      %lt3A_294 = arith.constant 125 : i32
      %lt3A_295 = arith.cmpi slt, %add3A_293, %lt3A_294 : i32
      %convert_element_type3A_296 = arith.extui %lt3A_295 : i1 to i32
      %cond3A_297 = arith.constant 0 : i32
      %cond3A_298 = arith.cmpi ne, %convert_element_type3A_296, %cond3A_297 : i32
      scf.if %cond3A_298 {
        %dma_wait3A = arith.constant 0 : i32
        %dma_wait3A_306 = arith.constant 0 : i32
        %dma_wait3A_307 = tpu.memref_slice %arg10[%dma_wait3A, %dma_wait3A_306] : memref<125x80xi32, #tpu.memory_space<vmem>> -> memref<1x80xi32, #tpu.memory_space<vmem>>
        %dma_wait3A_308 = tpu.memref_squeeze %dma_wait3A_307 : memref<1x80xi32, #tpu.memory_space<vmem>> -> memref<80xi32, #tpu.memory_space<vmem>>
        %dma_wait3A_309 = arith.constant 0 : i32
        %dma_wait3A_310 = arith.constant 0 : i32
        %dma_wait3A_311 = tpu.memref_slice %arg24[%dma_wait3A_309, %dma_wait3A_310] : memref<10112x64xf32, #tpu.memory_space<vmem_shared>> -> memref<10112x64xf32, #tpu.memory_space<vmem_shared>>
        tpu.wait_indirect_dma semaphore(%arg49 : memref<!tpu.dma_semaphore, #tpu.memory_space<semaphore_mem>>) src(%arg22 : memref<80x64xf32, #tpu.memory_space<vmem>>) dst(%dma_wait3A_311 : memref<10112x64xf32, #tpu.memory_space<vmem_shared>>)
      } else {
      }
      %add3A_299 = arith.constant 12 : i32
      %add3A_300 = arith.addi %mul3A_35, %add3A_299 : i32
      %lt3A_301 = arith.constant 125 : i32
      %lt3A_302 = arith.cmpi slt, %add3A_300, %lt3A_301 : i32
      %convert_element_type3A_303 = arith.extui %lt3A_302 : i1 to i32
      %cond3A_304 = arith.constant 0 : i32
      %cond3A_305 = arith.cmpi ne, %convert_element_type3A_303, %cond3A_304 : i32
      scf.if %cond3A_305 {
        %dma_wait3A = arith.constant 0 : i32
        %dma_wait3A_306 = arith.constant 0 : i32
        %dma_wait3A_307 = tpu.memref_slice %arg10[%dma_wait3A, %dma_wait3A_306] : memref<125x80xi32, #tpu.memory_space<vmem>> -> memref<1x80xi32, #tpu.memory_space<vmem>>
        %dma_wait3A_308 = tpu.memref_squeeze %dma_wait3A_307 : memref<1x80xi32, #tpu.memory_space<vmem>> -> memref<80xi32, #tpu.memory_space<vmem>>
        %dma_wait3A_309 = arith.constant 0 : i32
        %dma_wait3A_310 = arith.constant 0 : i32
        %dma_wait3A_311 = tpu.memref_slice %arg24[%dma_wait3A_309, %dma_wait3A_310] : memref<10112x64xf32, #tpu.memory_space<vmem_shared>> -> memref<10112x64xf32, #tpu.memory_space<vmem_shared>>
        tpu.wait_indirect_dma semaphore(%arg50 : memref<!tpu.dma_semaphore, #tpu.memory_space<semaphore_mem>>) src(%arg23 : memref<80x64xf32, #tpu.memory_space<vmem>>) dst(%dma_wait3A_311 : memref<10112x64xf32, #tpu.memory_space<vmem_shared>>)
      } else {
      }
    }
    %scan3A_26 = arith.constant 10 : i32
    %barrier3A_27 = arith.constant 0 : index
    tpu.barrier barrier_id(%barrier3A_27)
    %mul3A_28 = arith.constant 632 : i32
    %mul3A_29 = arith.muli %arg1, %mul3A_28 : i32
    %mul3A_30 = arith.constant 632 : i32
    %mul3A_31 = arith.muli %arg1, %mul3A_30 : i32
    "tpu.region"() ({
      %run_scoped3A = tpu.sem_alloc : memref<!tpu.dma_semaphore, #tpu.memory_space<semaphore_mem>>
      %dma_start3A = arith.constant 0 : i32
      %dma_start3A_33 = tpu.memref_slice %arg8[%arg0, %mul3A_31, %dma_start3A] : memref<2x10112x64xf32, #tpu.memory_space<hbm>> -> memref<1x632x64xf32, #tpu.memory_space<hbm>>
      %dma_start3A_34 = tpu.memref_squeeze %dma_start3A_33 : memref<1x632x64xf32, #tpu.memory_space<hbm>> -> memref<632x64xf32, #tpu.memory_space<hbm>>
      %dma_start3A_35 = arith.constant 0 : i32
      %dma_start3A_36 = tpu.memref_slice %arg24[%mul3A_29, %dma_start3A_35] : memref<10112x64xf32, #tpu.memory_space<vmem_shared>> -> memref<632x64xf32, #tpu.memory_space<vmem_shared>>
      tpu.enqueue_dma source(%dma_start3A_36 : memref<632x64xf32, #tpu.memory_space<vmem_shared>>) target(%dma_start3A_34 : memref<632x64xf32, #tpu.memory_space<hbm>>) target_semaphore(%run_scoped3A : memref<!tpu.dma_semaphore, #tpu.memory_space<semaphore_mem>>)
      %dma_wait3A = arith.constant 0 : i32
      %dma_wait3A_37 = tpu.memref_slice %arg8[%arg0, %mul3A_31, %dma_wait3A] : memref<2x10112x64xf32, #tpu.memory_space<hbm>> -> memref<1x632x64xf32, #tpu.memory_space<hbm>>
      %dma_wait3A_38 = tpu.memref_squeeze %dma_wait3A_37 : memref<1x632x64xf32, #tpu.memory_space<hbm>> -> memref<632x64xf32, #tpu.memory_space<hbm>>
      %dma_wait3A_39 = arith.constant 0 : i32
      %dma_wait3A_40 = tpu.memref_slice %arg24[%mul3A_29, %dma_wait3A_39] : memref<10112x64xf32, #tpu.memory_space<vmem_shared>> -> memref<632x64xf32, #tpu.memory_space<vmem_shared>>
      tpu.wait_dma2 semaphore(%run_scoped3A : memref<!tpu.dma_semaphore, #tpu.memory_space<semaphore_mem>>) src(%dma_wait3A_40 : memref<632x64xf32, #tpu.memory_space<vmem_shared>>) dst(%dma_wait3A_38 : memref<632x64xf32, #tpu.memory_space<hbm>>)
      tpu.yield
    }) : () -> ()
    %barrier3A_32 = arith.constant 0 : index
    tpu.barrier barrier_id(%barrier3A_32)
    return
  }
}

#map = affine_map<(d0, d1) -> (0, 0)>
#map1 = affine_map<(d0, d1) -> (0, 0, 0)>
module attributes {stable_mosaic.version = 14 : i64} {
  func.func @_prop_body(%arg0: i32, %arg1: i32, %arg2: memref<10000x64xf32, #tpu.memory_space<hbm>>, %arg3: memref<10000x64xf32, #tpu.memory_space<hbm>>, %arg4: memref<32x125x80xi32, #tpu.memory_space<hbm>>, %arg5: memref<32x125x80xi32, #tpu.memory_space<hbm>>, %arg6: memref<10112x64xf32, #tpu.memory_space<hbm>>, %arg7: memref<2x10112x64xf32, #tpu.memory_space<hbm>>, %arg8: memref<2x10112x64xf32, #tpu.memory_space<hbm>>, %arg9: memref<125x80xi32, #tpu.memory_space<vmem>>, %arg10: memref<125x80xi32, #tpu.memory_space<vmem>>, %arg11: memref<80x64xf32, #tpu.memory_space<vmem>>, %arg12: memref<80x64xf32, #tpu.memory_space<vmem>>, %arg13: memref<80x64xf32, #tpu.memory_space<vmem>>, %arg14: memref<80x64xf32, #tpu.memory_space<vmem>>, %arg15: memref<80x64xf32, #tpu.memory_space<vmem>>, %arg16: memref<80x64xf32, #tpu.memory_space<vmem>>, %arg17: memref<80x64xf32, #tpu.memory_space<vmem>>, %arg18: memref<80x64xf32, #tpu.memory_space<vmem>>, %arg19: memref<80x64xf32, #tpu.memory_space<vmem>>, %arg20: memref<80x64xf32, #tpu.memory_space<vmem>>, %arg21: memref<80x64xf32, #tpu.memory_space<vmem>>, %arg22: memref<80x64xf32, #tpu.memory_space<vmem>>, %arg23: memref<80x64xf32, #tpu.memory_space<vmem>>, %arg24: memref<10112x64xf32, #tpu.memory_space<vmem_shared>>, %arg25: memref<!tpu.dma_semaphore, #tpu.memory_space<semaphore_mem>>, %arg26: memref<!tpu.dma_semaphore, #tpu.memory_space<semaphore_mem>>, %arg27: memref<!tpu.dma_semaphore, #tpu.memory_space<semaphore_mem>>, %arg28: memref<!tpu.dma_semaphore, #tpu.memory_space<semaphore_mem>>, %arg29: memref<!tpu.dma_semaphore, #tpu.memory_space<semaphore_mem>>, %arg30: memref<!tpu.dma_semaphore, #tpu.memory_space<semaphore_mem>>, %arg31: memref<!tpu.dma_semaphore, #tpu.memory_space<semaphore_mem>>, %arg32: memref<!tpu.dma_semaphore, #tpu.memory_space<semaphore_mem>>, %arg33: memref<!tpu.dma_semaphore, #tpu.memory_space<semaphore_mem>>, %arg34: memref<!tpu.dma_semaphore, #tpu.memory_space<semaphore_mem>>, %arg35: memref<!tpu.dma_semaphore, #tpu.memory_space<semaphore_mem>>, %arg36: memref<!tpu.dma_semaphore, #tpu.memory_space<semaphore_mem>>, %arg37: memref<!tpu.dma_semaphore, #tpu.memory_space<semaphore_mem>>, %arg38: memref<!tpu.dma_semaphore, #tpu.memory_space<semaphore_mem>>, %arg39: memref<!tpu.dma_semaphore, #tpu.memory_space<semaphore_mem>>, %arg40: memref<!tpu.dma_semaphore, #tpu.memory_space<semaphore_mem>>, %arg41: memref<!tpu.dma_semaphore, #tpu.memory_space<semaphore_mem>>, %arg42: memref<!tpu.dma_semaphore, #tpu.memory_space<semaphore_mem>>, %arg43: memref<!tpu.dma_semaphore, #tpu.memory_space<semaphore_mem>>, %arg44: memref<!tpu.dma_semaphore, #tpu.memory_space<semaphore_mem>>, %arg45: memref<!tpu.dma_semaphore, #tpu.memory_space<semaphore_mem>>, %arg46: memref<!tpu.dma_semaphore, #tpu.memory_space<semaphore_mem>>, %arg47: memref<!tpu.dma_semaphore, #tpu.memory_space<semaphore_mem>>, %arg48: memref<!tpu.dma_semaphore, #tpu.memory_space<semaphore_mem>>, %arg49: memref<!tpu.dma_semaphore, #tpu.memory_space<semaphore_mem>>, %arg50: memref<!tpu.dma_semaphore, #tpu.memory_space<semaphore_mem>>) attributes {dimension_semantics = [#tpu.dimension_semantics<core_parallel>, #tpu.dimension_semantics<subcore_parallel>], iteration_bounds = array<i64: 2, 16>, scalar_prefetch = 0 : i64, scratch_operands = 42 : i64, tpu.core_type = #tpu.core_type<sc_vector_subcore>, window_params = [{transform_indices = #map}, {transform_indices = #map}, {transform_indices = #map1}, {transform_indices = #map1}, {transform_indices = #map}, {transform_indices = #map1}, {transform_indices = #map1}]} {
    %mul3A = arith.constant 16 : i32
    %mul3A_0 = arith.muli %arg0, %mul3A : i32
    %add3A = arith.addi %mul3A_0, %arg1 : i32
    "tpu.region"() ({
      %run_scoped3A = tpu.sem_alloc : memref<!tpu.dma_semaphore, #tpu.memory_space<semaphore_mem>>
      %dma_start3A = arith.constant 0 : i32
      %dma_start3A_33 = arith.constant 0 : i32
      %dma_start3A_34 = tpu.memref_slice %arg4[%add3A, %dma_start3A, %dma_start3A_33] : memref<32x125x80xi32, #tpu.memory_space<hbm>> -> memref<1x125x80xi32, #tpu.memory_space<hbm>>
      %dma_start3A_35 = tpu.memref_squeeze %dma_start3A_34 : memref<1x125x80xi32, #tpu.memory_space<hbm>> -> memref<125x80xi32, #tpu.memory_space<hbm>>
      %dma_start3A_36 = arith.constant 0 : i32
      %dma_start3A_37 = arith.constant 0 : i32
      %dma_start3A_38 = tpu.memref_slice %arg4[%add3A, %dma_start3A_36, %dma_start3A_37] : memref<32x125x80xi32, #tpu.memory_space<hbm>> -> memref<1x125x80xi32, #tpu.memory_space<hbm>>
      %dma_start3A_39 = tpu.memref_squeeze %dma_start3A_38 : memref<1x125x80xi32, #tpu.memory_space<hbm>> -> memref<125x80xi32, #tpu.memory_space<hbm>>
      tpu.enqueue_dma source(%dma_start3A_39 : memref<125x80xi32, #tpu.memory_space<hbm>>) target(%arg9 : memref<125x80xi32, #tpu.memory_space<vmem>>) target_semaphore(%run_scoped3A : memref<!tpu.dma_semaphore, #tpu.memory_space<semaphore_mem>>)
      %dma_wait3A = arith.constant 0 : i32
      %dma_wait3A_40 = arith.constant 0 : i32
      %dma_wait3A_41 = tpu.memref_slice %arg4[%add3A, %dma_wait3A, %dma_wait3A_40] : memref<32x125x80xi32, #tpu.memory_space<hbm>> -> memref<1x125x80xi32, #tpu.memory_space<hbm>>
      %dma_wait3A_42 = tpu.memref_squeeze %dma_wait3A_41 : memref<1x125x80xi32, #tpu.memory_space<hbm>> -> memref<125x80xi32, #tpu.memory_space<hbm>>
      %dma_wait3A_43 = arith.constant 0 : i32
      %dma_wait3A_44 = arith.constant 0 : i32
      %dma_wait3A_45 = tpu.memref_slice %arg4[%add3A, %dma_wait3A_43, %dma_wait3A_44] : memref<32x125x80xi32, #tpu.memory_space<hbm>> -> memref<1x125x80xi32, #tpu.memory_space<hbm>>
      %dma_wait3A_46 = tpu.memref_squeeze %dma_wait3A_45 : memref<1x125x80xi32, #tpu.memory_space<hbm>> -> memref<125x80xi32, #tpu.memory_space<hbm>>
      tpu.wait_dma2 semaphore(%run_scoped3A : memref<!tpu.dma_semaphore, #tpu.memory_space<semaphore_mem>>) src(%dma_wait3A_46 : memref<125x80xi32, #tpu.memory_space<hbm>>) dst(%arg9 : memref<125x80xi32, #tpu.memory_space<vmem>>)
      tpu.yield
    }) : () -> ()
    "tpu.region"() ({
      %run_scoped3A = tpu.sem_alloc : memref<!tpu.dma_semaphore, #tpu.memory_space<semaphore_mem>>
      %dma_start3A = arith.constant 0 : i32
      %dma_start3A_33 = arith.constant 0 : i32
      %dma_start3A_34 = tpu.memref_slice %arg5[%add3A, %dma_start3A, %dma_start3A_33] : memref<32x125x80xi32, #tpu.memory_space<hbm>> -> memref<1x125x80xi32, #tpu.memory_space<hbm>>
      %dma_start3A_35 = tpu.memref_squeeze %dma_start3A_34 : memref<1x125x80xi32, #tpu.memory_space<hbm>> -> memref<125x80xi32, #tpu.memory_space<hbm>>
      %dma_start3A_36 = arith.constant 0 : i32
      %dma_start3A_37 = arith.constant 0 : i32
      %dma_start3A_38 = tpu.memref_slice %arg5[%add3A, %dma_start3A_36, %dma_start3A_37] : memref<32x125x80xi32, #tpu.memory_space<hbm>> -> memref<1x125x80xi32, #tpu.memory_space<hbm>>
      %dma_start3A_39 = tpu.memref_squeeze %dma_start3A_38 : memref<1x125x80xi32, #tpu.memory_space<hbm>> -> memref<125x80xi32, #tpu.memory_space<hbm>>
      tpu.enqueue_dma source(%dma_start3A_39 : memref<125x80xi32, #tpu.memory_space<hbm>>) target(%arg10 : memref<125x80xi32, #tpu.memory_space<vmem>>) target_semaphore(%run_scoped3A : memref<!tpu.dma_semaphore, #tpu.memory_space<semaphore_mem>>)
      %dma_wait3A = arith.constant 0 : i32
      %dma_wait3A_40 = arith.constant 0 : i32
      %dma_wait3A_41 = tpu.memref_slice %arg5[%add3A, %dma_wait3A, %dma_wait3A_40] : memref<32x125x80xi32, #tpu.memory_space<hbm>> -> memref<1x125x80xi32, #tpu.memory_space<hbm>>
      %dma_wait3A_42 = tpu.memref_squeeze %dma_wait3A_41 : memref<1x125x80xi32, #tpu.memory_space<hbm>> -> memref<125x80xi32, #tpu.memory_space<hbm>>
      %dma_wait3A_43 = arith.constant 0 : i32
      %dma_wait3A_44 = arith.constant 0 : i32
      %dma_wait3A_45 = tpu.memref_slice %arg5[%add3A, %dma_wait3A_43, %dma_wait3A_44] : memref<32x125x80xi32, #tpu.memory_space<hbm>> -> memref<1x125x80xi32, #tpu.memory_space<hbm>>
      %dma_wait3A_46 = tpu.memref_squeeze %dma_wait3A_45 : memref<1x125x80xi32, #tpu.memory_space<hbm>> -> memref<125x80xi32, #tpu.memory_space<hbm>>
      tpu.wait_dma2 semaphore(%run_scoped3A : memref<!tpu.dma_semaphore, #tpu.memory_space<semaphore_mem>>) src(%dma_wait3A_46 : memref<125x80xi32, #tpu.memory_space<hbm>>) dst(%arg10 : memref<125x80xi32, #tpu.memory_space<vmem>>)
      tpu.yield
    }) : () -> ()
    %mul3A_1 = arith.constant 632 : i32
    %mul3A_2 = arith.muli %arg1, %mul3A_1 : i32
    %mul3A_3 = arith.constant 632 : i32
    %mul3A_4 = arith.muli %arg1, %mul3A_3 : i32
    "tpu.region"() ({
      %run_scoped3A = tpu.sem_alloc : memref<!tpu.dma_semaphore, #tpu.memory_space<semaphore_mem>>
      %dma_start3A = arith.constant 0 : i32
      %dma_start3A_33 = tpu.memref_slice %arg24[%mul3A_4, %dma_start3A] : memref<10112x64xf32, #tpu.memory_space<vmem_shared>> -> memref<632x64xf32, #tpu.memory_space<vmem_shared>>
      %dma_start3A_34 = arith.constant 0 : i32
      %dma_start3A_35 = tpu.memref_slice %arg6[%mul3A_2, %dma_start3A_34] : memref<10112x64xf32, #tpu.memory_space<hbm>> -> memref<632x64xf32, #tpu.memory_space<hbm>>
      tpu.enqueue_dma source(%dma_start3A_35 : memref<632x64xf32, #tpu.memory_space<hbm>>) target(%dma_start3A_33 : memref<632x64xf32, #tpu.memory_space<vmem_shared>>) target_semaphore(%run_scoped3A : memref<!tpu.dma_semaphore, #tpu.memory_space<semaphore_mem>>)
      %dma_wait3A = arith.constant 0 : i32
      %dma_wait3A_36 = tpu.memref_slice %arg24[%mul3A_4, %dma_wait3A] : memref<10112x64xf32, #tpu.memory_space<vmem_shared>> -> memref<632x64xf32, #tpu.memory_space<vmem_shared>>
      %dma_wait3A_37 = arith.constant 0 : i32
      %dma_wait3A_38 = tpu.memref_slice %arg6[%mul3A_2, %dma_wait3A_37] : memref<10112x64xf32, #tpu.memory_space<hbm>> -> memref<632x64xf32, #tpu.memory_space<hbm>>
      tpu.wait_dma2 semaphore(%run_scoped3A : memref<!tpu.dma_semaphore, #tpu.memory_space<semaphore_mem>>) src(%dma_wait3A_38 : memref<632x64xf32, #tpu.memory_space<hbm>>) dst(%dma_wait3A_36 : memref<632x64xf32, #tpu.memory_space<vmem_shared>>)
      tpu.yield
    }) : () -> ()
    %barrier3A = arith.constant 0 : index
    tpu.barrier barrier_id(%barrier3A)
    %scan3A = arith.constant 0 : i32
    %scan3A_5 = arith.constant 0 : i32
    %scan3A_6 = arith.constant 10 : i32
    %scan3A_7 = arith.addi %scan3A_5, %scan3A_6 : i32
    %scan3A_8 = arith.constant 1 : i32
    scf.for %scan3A_33 = %scan3A_5 to %scan3A_7 step %scan3A_8  : i32 {
      %mul3A_34 = arith.constant 13 : i32
      %mul3A_35 = arith.muli %scan3A_33, %mul3A_34 : i32
      %add3A_36 = arith.constant 0 : i32
      %add3A_37 = arith.addi %mul3A_35, %add3A_36 : i32
      %lt3A = arith.constant 125 : i32
      %lt3A_38 = arith.cmpi slt, %add3A_37, %lt3A : i32
      %convert_element_type3A = arith.extui %lt3A_38 : i1 to i32
      %cond3A = arith.constant 0 : i32
      %cond3A_39 = arith.cmpi ne, %convert_element_type3A, %cond3A : i32
      scf.if %cond3A_39 {
        %add3A_306 = arith.constant 0 : i32
        %add3A_307 = arith.addi %mul3A_35, %add3A_306 : i32
        %dma_start3A = arith.constant 0 : i32
        %dma_start3A_308 = tpu.memref_slice %arg9[%add3A_307, %dma_start3A] : memref<125x80xi32, #tpu.memory_space<vmem>> -> memref<1x80xi32, #tpu.memory_space<vmem>>
        %dma_start3A_309 = tpu.memref_squeeze %dma_start3A_308 : memref<1x80xi32, #tpu.memory_space<vmem>> -> memref<80xi32, #tpu.memory_space<vmem>>
        %dma_start3A_310 = arith.constant 0 : i32
        %dma_start3A_311 = arith.constant 0 : i32
        %dma_start3A_312 = tpu.memref_slice %arg2[%dma_start3A_310, %dma_start3A_311] : memref<10000x64xf32, #tpu.memory_space<hbm>> -> memref<10000x64xf32, #tpu.memory_space<hbm>>
        tpu.enqueue_indirect_dma source(%dma_start3A_312 : memref<10000x64xf32, #tpu.memory_space<hbm>>) target(%arg11 : memref<80x64xf32, #tpu.memory_space<vmem>>) offsets(%dma_start3A_309 : memref<80xi32, #tpu.memory_space<vmem>>) semaphore(%arg25 : memref<!tpu.dma_semaphore, #tpu.memory_space<semaphore_mem>>)
      } else {
      }
      %add3A_40 = arith.constant 1 : i32
      %add3A_41 = arith.addi %mul3A_35, %add3A_40 : i32
      %lt3A_42 = arith.constant 125 : i32
      %lt3A_43 = arith.cmpi slt, %add3A_41, %lt3A_42 : i32
      %convert_element_type3A_44 = arith.extui %lt3A_43 : i1 to i32
      %cond3A_45 = arith.constant 0 : i32
      %cond3A_46 = arith.cmpi ne, %convert_element_type3A_44, %cond3A_45 : i32
      scf.if %cond3A_46 {
        %add3A_306 = arith.constant 1 : i32
        %add3A_307 = arith.addi %mul3A_35, %add3A_306 : i32
        %dma_start3A = arith.constant 0 : i32
        %dma_start3A_308 = tpu.memref_slice %arg9[%add3A_307, %dma_start3A] : memref<125x80xi32, #tpu.memory_space<vmem>> -> memref<1x80xi32, #tpu.memory_space<vmem>>
        %dma_start3A_309 = tpu.memref_squeeze %dma_start3A_308 : memref<1x80xi32, #tpu.memory_space<vmem>> -> memref<80xi32, #tpu.memory_space<vmem>>
        %dma_start3A_310 = arith.constant 0 : i32
        %dma_start3A_311 = arith.constant 0 : i32
        %dma_start3A_312 = tpu.memref_slice %arg2[%dma_start3A_310, %dma_start3A_311] : memref<10000x64xf32, #tpu.memory_space<hbm>> -> memref<10000x64xf32, #tpu.memory_space<hbm>>
        tpu.enqueue_indirect_dma source(%dma_start3A_312 : memref<10000x64xf32, #tpu.memory_space<hbm>>) target(%arg12 : memref<80x64xf32, #tpu.memory_space<vmem>>) offsets(%dma_start3A_309 : memref<80xi32, #tpu.memory_space<vmem>>) semaphore(%arg26 : memref<!tpu.dma_semaphore, #tpu.memory_space<semaphore_mem>>)
      } else {
      }
      %add3A_47 = arith.constant 2 : i32
      %add3A_48 = arith.addi %mul3A_35, %add3A_47 : i32
      %lt3A_49 = arith.constant 125 : i32
      %lt3A_50 = arith.cmpi slt, %add3A_48, %lt3A_49 : i32
      %convert_element_type3A_51 = arith.extui %lt3A_50 : i1 to i32
      %cond3A_52 = arith.constant 0 : i32
      %cond3A_53 = arith.cmpi ne, %convert_element_type3A_51, %cond3A_52 : i32
      scf.if %cond3A_53 {
        %add3A_306 = arith.constant 2 : i32
        %add3A_307 = arith.addi %mul3A_35, %add3A_306 : i32
        %dma_start3A = arith.constant 0 : i32
        %dma_start3A_308 = tpu.memref_slice %arg9[%add3A_307, %dma_start3A] : memref<125x80xi32, #tpu.memory_space<vmem>> -> memref<1x80xi32, #tpu.memory_space<vmem>>
        %dma_start3A_309 = tpu.memref_squeeze %dma_start3A_308 : memref<1x80xi32, #tpu.memory_space<vmem>> -> memref<80xi32, #tpu.memory_space<vmem>>
        %dma_start3A_310 = arith.constant 0 : i32
        %dma_start3A_311 = arith.constant 0 : i32
        %dma_start3A_312 = tpu.memref_slice %arg2[%dma_start3A_310, %dma_start3A_311] : memref<10000x64xf32, #tpu.memory_space<hbm>> -> memref<10000x64xf32, #tpu.memory_space<hbm>>
        tpu.enqueue_indirect_dma source(%dma_start3A_312 : memref<10000x64xf32, #tpu.memory_space<hbm>>) target(%arg13 : memref<80x64xf32, #tpu.memory_space<vmem>>) offsets(%dma_start3A_309 : memref<80xi32, #tpu.memory_space<vmem>>) semaphore(%arg27 : memref<!tpu.dma_semaphore, #tpu.memory_space<semaphore_mem>>)
      } else {
      }
      %add3A_54 = arith.constant 3 : i32
      %add3A_55 = arith.addi %mul3A_35, %add3A_54 : i32
      %lt3A_56 = arith.constant 125 : i32
      %lt3A_57 = arith.cmpi slt, %add3A_55, %lt3A_56 : i32
      %convert_element_type3A_58 = arith.extui %lt3A_57 : i1 to i32
      %cond3A_59 = arith.constant 0 : i32
      %cond3A_60 = arith.cmpi ne, %convert_element_type3A_58, %cond3A_59 : i32
      scf.if %cond3A_60 {
        %add3A_306 = arith.constant 3 : i32
        %add3A_307 = arith.addi %mul3A_35, %add3A_306 : i32
        %dma_start3A = arith.constant 0 : i32
        %dma_start3A_308 = tpu.memref_slice %arg9[%add3A_307, %dma_start3A] : memref<125x80xi32, #tpu.memory_space<vmem>> -> memref<1x80xi32, #tpu.memory_space<vmem>>
        %dma_start3A_309 = tpu.memref_squeeze %dma_start3A_308 : memref<1x80xi32, #tpu.memory_space<vmem>> -> memref<80xi32, #tpu.memory_space<vmem>>
        %dma_start3A_310 = arith.constant 0 : i32
        %dma_start3A_311 = arith.constant 0 : i32
        %dma_start3A_312 = tpu.memref_slice %arg2[%dma_start3A_310, %dma_start3A_311] : memref<10000x64xf32, #tpu.memory_space<hbm>> -> memref<10000x64xf32, #tpu.memory_space<hbm>>
        tpu.enqueue_indirect_dma source(%dma_start3A_312 : memref<10000x64xf32, #tpu.memory_space<hbm>>) target(%arg14 : memref<80x64xf32, #tpu.memory_space<vmem>>) offsets(%dma_start3A_309 : memref<80xi32, #tpu.memory_space<vmem>>) semaphore(%arg28 : memref<!tpu.dma_semaphore, #tpu.memory_space<semaphore_mem>>)
      } else {
      }
      %add3A_61 = arith.constant 4 : i32
      %add3A_62 = arith.addi %mul3A_35, %add3A_61 : i32
      %lt3A_63 = arith.constant 125 : i32
      %lt3A_64 = arith.cmpi slt, %add3A_62, %lt3A_63 : i32
      %convert_element_type3A_65 = arith.extui %lt3A_64 : i1 to i32
      %cond3A_66 = arith.constant 0 : i32
      %cond3A_67 = arith.cmpi ne, %convert_element_type3A_65, %cond3A_66 : i32
      scf.if %cond3A_67 {
        %add3A_306 = arith.constant 4 : i32
        %add3A_307 = arith.addi %mul3A_35, %add3A_306 : i32
        %dma_start3A = arith.constant 0 : i32
        %dma_start3A_308 = tpu.memref_slice %arg9[%add3A_307, %dma_start3A] : memref<125x80xi32, #tpu.memory_space<vmem>> -> memref<1x80xi32, #tpu.memory_space<vmem>>
        %dma_start3A_309 = tpu.memref_squeeze %dma_start3A_308 : memref<1x80xi32, #tpu.memory_space<vmem>> -> memref<80xi32, #tpu.memory_space<vmem>>
        %dma_start3A_310 = arith.constant 0 : i32
        %dma_start3A_311 = arith.constant 0 : i32
        %dma_start3A_312 = tpu.memref_slice %arg2[%dma_start3A_310, %dma_start3A_311] : memref<10000x64xf32, #tpu.memory_space<hbm>> -> memref<10000x64xf32, #tpu.memory_space<hbm>>
        tpu.enqueue_indirect_dma source(%dma_start3A_312 : memref<10000x64xf32, #tpu.memory_space<hbm>>) target(%arg15 : memref<80x64xf32, #tpu.memory_space<vmem>>) offsets(%dma_start3A_309 : memref<80xi32, #tpu.memory_space<vmem>>) semaphore(%arg29 : memref<!tpu.dma_semaphore, #tpu.memory_space<semaphore_mem>>)
      } else {
      }
      %add3A_68 = arith.constant 5 : i32
      %add3A_69 = arith.addi %mul3A_35, %add3A_68 : i32
      %lt3A_70 = arith.constant 125 : i32
      %lt3A_71 = arith.cmpi slt, %add3A_69, %lt3A_70 : i32
      %convert_element_type3A_72 = arith.extui %lt3A_71 : i1 to i32
      %cond3A_73 = arith.constant 0 : i32
      %cond3A_74 = arith.cmpi ne, %convert_element_type3A_72, %cond3A_73 : i32
      scf.if %cond3A_74 {
        %add3A_306 = arith.constant 5 : i32
        %add3A_307 = arith.addi %mul3A_35, %add3A_306 : i32
        %dma_start3A = arith.constant 0 : i32
        %dma_start3A_308 = tpu.memref_slice %arg9[%add3A_307, %dma_start3A] : memref<125x80xi32, #tpu.memory_space<vmem>> -> memref<1x80xi32, #tpu.memory_space<vmem>>
        %dma_start3A_309 = tpu.memref_squeeze %dma_start3A_308 : memref<1x80xi32, #tpu.memory_space<vmem>> -> memref<80xi32, #tpu.memory_space<vmem>>
        %dma_start3A_310 = arith.constant 0 : i32
        %dma_start3A_311 = arith.constant 0 : i32
        %dma_start3A_312 = tpu.memref_slice %arg2[%dma_start3A_310, %dma_start3A_311] : memref<10000x64xf32, #tpu.memory_space<hbm>> -> memref<10000x64xf32, #tpu.memory_space<hbm>>
        tpu.enqueue_indirect_dma source(%dma_start3A_312 : memref<10000x64xf32, #tpu.memory_space<hbm>>) target(%arg16 : memref<80x64xf32, #tpu.memory_space<vmem>>) offsets(%dma_start3A_309 : memref<80xi32, #tpu.memory_space<vmem>>) semaphore(%arg30 : memref<!tpu.dma_semaphore, #tpu.memory_space<semaphore_mem>>)
      } else {
      }
      %add3A_75 = arith.constant 6 : i32
      %add3A_76 = arith.addi %mul3A_35, %add3A_75 : i32
      %lt3A_77 = arith.constant 125 : i32
      %lt3A_78 = arith.cmpi slt, %add3A_76, %lt3A_77 : i32
      %convert_element_type3A_79 = arith.extui %lt3A_78 : i1 to i32
      %cond3A_80 = arith.constant 0 : i32
      %cond3A_81 = arith.cmpi ne, %convert_element_type3A_79, %cond3A_80 : i32
      scf.if %cond3A_81 {
        %add3A_306 = arith.constant 6 : i32
        %add3A_307 = arith.addi %mul3A_35, %add3A_306 : i32
        %dma_start3A = arith.constant 0 : i32
        %dma_start3A_308 = tpu.memref_slice %arg9[%add3A_307, %dma_start3A] : memref<125x80xi32, #tpu.memory_space<vmem>> -> memref<1x80xi32, #tpu.memory_space<vmem>>
        %dma_start3A_309 = tpu.memref_squeeze %dma_start3A_308 : memref<1x80xi32, #tpu.memory_space<vmem>> -> memref<80xi32, #tpu.memory_space<vmem>>
        %dma_start3A_310 = arith.constant 0 : i32
        %dma_start3A_311 = arith.constant 0 : i32
        %dma_start3A_312 = tpu.memref_slice %arg2[%dma_start3A_310, %dma_start3A_311] : memref<10000x64xf32, #tpu.memory_space<hbm>> -> memref<10000x64xf32, #tpu.memory_space<hbm>>
        tpu.enqueue_indirect_dma source(%dma_start3A_312 : memref<10000x64xf32, #tpu.memory_space<hbm>>) target(%arg17 : memref<80x64xf32, #tpu.memory_space<vmem>>) offsets(%dma_start3A_309 : memref<80xi32, #tpu.memory_space<vmem>>) semaphore(%arg31 : memref<!tpu.dma_semaphore, #tpu.memory_space<semaphore_mem>>)
      } else {
      }
      %add3A_82 = arith.constant 7 : i32
      %add3A_83 = arith.addi %mul3A_35, %add3A_82 : i32
      %lt3A_84 = arith.constant 125 : i32
      %lt3A_85 = arith.cmpi slt, %add3A_83, %lt3A_84 : i32
      %convert_element_type3A_86 = arith.extui %lt3A_85 : i1 to i32
      %cond3A_87 = arith.constant 0 : i32
      %cond3A_88 = arith.cmpi ne, %convert_element_type3A_86, %cond3A_87 : i32
      scf.if %cond3A_88 {
        %add3A_306 = arith.constant 7 : i32
        %add3A_307 = arith.addi %mul3A_35, %add3A_306 : i32
        %dma_start3A = arith.constant 0 : i32
        %dma_start3A_308 = tpu.memref_slice %arg9[%add3A_307, %dma_start3A] : memref<125x80xi32, #tpu.memory_space<vmem>> -> memref<1x80xi32, #tpu.memory_space<vmem>>
        %dma_start3A_309 = tpu.memref_squeeze %dma_start3A_308 : memref<1x80xi32, #tpu.memory_space<vmem>> -> memref<80xi32, #tpu.memory_space<vmem>>
        %dma_start3A_310 = arith.constant 0 : i32
        %dma_start3A_311 = arith.constant 0 : i32
        %dma_start3A_312 = tpu.memref_slice %arg2[%dma_start3A_310, %dma_start3A_311] : memref<10000x64xf32, #tpu.memory_space<hbm>> -> memref<10000x64xf32, #tpu.memory_space<hbm>>
        tpu.enqueue_indirect_dma source(%dma_start3A_312 : memref<10000x64xf32, #tpu.memory_space<hbm>>) target(%arg18 : memref<80x64xf32, #tpu.memory_space<vmem>>) offsets(%dma_start3A_309 : memref<80xi32, #tpu.memory_space<vmem>>) semaphore(%arg32 : memref<!tpu.dma_semaphore, #tpu.memory_space<semaphore_mem>>)
      } else {
      }
      %add3A_89 = arith.constant 8 : i32
      %add3A_90 = arith.addi %mul3A_35, %add3A_89 : i32
      %lt3A_91 = arith.constant 125 : i32
      %lt3A_92 = arith.cmpi slt, %add3A_90, %lt3A_91 : i32
      %convert_element_type3A_93 = arith.extui %lt3A_92 : i1 to i32
      %cond3A_94 = arith.constant 0 : i32
      %cond3A_95 = arith.cmpi ne, %convert_element_type3A_93, %cond3A_94 : i32
      scf.if %cond3A_95 {
        %add3A_306 = arith.constant 8 : i32
        %add3A_307 = arith.addi %mul3A_35, %add3A_306 : i32
        %dma_start3A = arith.constant 0 : i32
        %dma_start3A_308 = tpu.memref_slice %arg9[%add3A_307, %dma_start3A] : memref<125x80xi32, #tpu.memory_space<vmem>> -> memref<1x80xi32, #tpu.memory_space<vmem>>
        %dma_start3A_309 = tpu.memref_squeeze %dma_start3A_308 : memref<1x80xi32, #tpu.memory_space<vmem>> -> memref<80xi32, #tpu.memory_space<vmem>>
        %dma_start3A_310 = arith.constant 0 : i32
        %dma_start3A_311 = arith.constant 0 : i32
        %dma_start3A_312 = tpu.memref_slice %arg2[%dma_start3A_310, %dma_start3A_311] : memref<10000x64xf32, #tpu.memory_space<hbm>> -> memref<10000x64xf32, #tpu.memory_space<hbm>>
        tpu.enqueue_indirect_dma source(%dma_start3A_312 : memref<10000x64xf32, #tpu.memory_space<hbm>>) target(%arg19 : memref<80x64xf32, #tpu.memory_space<vmem>>) offsets(%dma_start3A_309 : memref<80xi32, #tpu.memory_space<vmem>>) semaphore(%arg33 : memref<!tpu.dma_semaphore, #tpu.memory_space<semaphore_mem>>)
      } else {
      }
      %add3A_96 = arith.constant 9 : i32
      %add3A_97 = arith.addi %mul3A_35, %add3A_96 : i32
      %lt3A_98 = arith.constant 125 : i32
      %lt3A_99 = arith.cmpi slt, %add3A_97, %lt3A_98 : i32
      %convert_element_type3A_100 = arith.extui %lt3A_99 : i1 to i32
      %cond3A_101 = arith.constant 0 : i32
      %cond3A_102 = arith.cmpi ne, %convert_element_type3A_100, %cond3A_101 : i32
      scf.if %cond3A_102 {
        %add3A_306 = arith.constant 9 : i32
        %add3A_307 = arith.addi %mul3A_35, %add3A_306 : i32
        %dma_start3A = arith.constant 0 : i32
        %dma_start3A_308 = tpu.memref_slice %arg9[%add3A_307, %dma_start3A] : memref<125x80xi32, #tpu.memory_space<vmem>> -> memref<1x80xi32, #tpu.memory_space<vmem>>
        %dma_start3A_309 = tpu.memref_squeeze %dma_start3A_308 : memref<1x80xi32, #tpu.memory_space<vmem>> -> memref<80xi32, #tpu.memory_space<vmem>>
        %dma_start3A_310 = arith.constant 0 : i32
        %dma_start3A_311 = arith.constant 0 : i32
        %dma_start3A_312 = tpu.memref_slice %arg2[%dma_start3A_310, %dma_start3A_311] : memref<10000x64xf32, #tpu.memory_space<hbm>> -> memref<10000x64xf32, #tpu.memory_space<hbm>>
        tpu.enqueue_indirect_dma source(%dma_start3A_312 : memref<10000x64xf32, #tpu.memory_space<hbm>>) target(%arg20 : memref<80x64xf32, #tpu.memory_space<vmem>>) offsets(%dma_start3A_309 : memref<80xi32, #tpu.memory_space<vmem>>) semaphore(%arg34 : memref<!tpu.dma_semaphore, #tpu.memory_space<semaphore_mem>>)
      } else {
      }
      %add3A_103 = arith.constant 10 : i32
      %add3A_104 = arith.addi %mul3A_35, %add3A_103 : i32
      %lt3A_105 = arith.constant 125 : i32
      %lt3A_106 = arith.cmpi slt, %add3A_104, %lt3A_105 : i32
      %convert_element_type3A_107 = arith.extui %lt3A_106 : i1 to i32
      %cond3A_108 = arith.constant 0 : i32
      %cond3A_109 = arith.cmpi ne, %convert_element_type3A_107, %cond3A_108 : i32
      scf.if %cond3A_109 {
        %add3A_306 = arith.constant 10 : i32
        %add3A_307 = arith.addi %mul3A_35, %add3A_306 : i32
        %dma_start3A = arith.constant 0 : i32
        %dma_start3A_308 = tpu.memref_slice %arg9[%add3A_307, %dma_start3A] : memref<125x80xi32, #tpu.memory_space<vmem>> -> memref<1x80xi32, #tpu.memory_space<vmem>>
        %dma_start3A_309 = tpu.memref_squeeze %dma_start3A_308 : memref<1x80xi32, #tpu.memory_space<vmem>> -> memref<80xi32, #tpu.memory_space<vmem>>
        %dma_start3A_310 = arith.constant 0 : i32
        %dma_start3A_311 = arith.constant 0 : i32
        %dma_start3A_312 = tpu.memref_slice %arg2[%dma_start3A_310, %dma_start3A_311] : memref<10000x64xf32, #tpu.memory_space<hbm>> -> memref<10000x64xf32, #tpu.memory_space<hbm>>
        tpu.enqueue_indirect_dma source(%dma_start3A_312 : memref<10000x64xf32, #tpu.memory_space<hbm>>) target(%arg21 : memref<80x64xf32, #tpu.memory_space<vmem>>) offsets(%dma_start3A_309 : memref<80xi32, #tpu.memory_space<vmem>>) semaphore(%arg35 : memref<!tpu.dma_semaphore, #tpu.memory_space<semaphore_mem>>)
      } else {
      }
      %add3A_110 = arith.constant 11 : i32
      %add3A_111 = arith.addi %mul3A_35, %add3A_110 : i32
      %lt3A_112 = arith.constant 125 : i32
      %lt3A_113 = arith.cmpi slt, %add3A_111, %lt3A_112 : i32
      %convert_element_type3A_114 = arith.extui %lt3A_113 : i1 to i32
      %cond3A_115 = arith.constant 0 : i32
      %cond3A_116 = arith.cmpi ne, %convert_element_type3A_114, %cond3A_115 : i32
      scf.if %cond3A_116 {
        %add3A_306 = arith.constant 11 : i32
        %add3A_307 = arith.addi %mul3A_35, %add3A_306 : i32
        %dma_start3A = arith.constant 0 : i32
        %dma_start3A_308 = tpu.memref_slice %arg9[%add3A_307, %dma_start3A] : memref<125x80xi32, #tpu.memory_space<vmem>> -> memref<1x80xi32, #tpu.memory_space<vmem>>
        %dma_start3A_309 = tpu.memref_squeeze %dma_start3A_308 : memref<1x80xi32, #tpu.memory_space<vmem>> -> memref<80xi32, #tpu.memory_space<vmem>>
        %dma_start3A_310 = arith.constant 0 : i32
        %dma_start3A_311 = arith.constant 0 : i32
        %dma_start3A_312 = tpu.memref_slice %arg2[%dma_start3A_310, %dma_start3A_311] : memref<10000x64xf32, #tpu.memory_space<hbm>> -> memref<10000x64xf32, #tpu.memory_space<hbm>>
        tpu.enqueue_indirect_dma source(%dma_start3A_312 : memref<10000x64xf32, #tpu.memory_space<hbm>>) target(%arg22 : memref<80x64xf32, #tpu.memory_space<vmem>>) offsets(%dma_start3A_309 : memref<80xi32, #tpu.memory_space<vmem>>) semaphore(%arg36 : memref<!tpu.dma_semaphore, #tpu.memory_space<semaphore_mem>>)
      } else {
      }
      %add3A_117 = arith.constant 12 : i32
      %add3A_118 = arith.addi %mul3A_35, %add3A_117 : i32
      %lt3A_119 = arith.constant 125 : i32
      %lt3A_120 = arith.cmpi slt, %add3A_118, %lt3A_119 : i32
      %convert_element_type3A_121 = arith.extui %lt3A_120 : i1 to i32
      %cond3A_122 = arith.constant 0 : i32
      %cond3A_123 = arith.cmpi ne, %convert_element_type3A_121, %cond3A_122 : i32
      scf.if %cond3A_123 {
        %add3A_306 = arith.constant 12 : i32
        %add3A_307 = arith.addi %mul3A_35, %add3A_306 : i32
        %dma_start3A = arith.constant 0 : i32
        %dma_start3A_308 = tpu.memref_slice %arg9[%add3A_307, %dma_start3A] : memref<125x80xi32, #tpu.memory_space<vmem>> -> memref<1x80xi32, #tpu.memory_space<vmem>>
        %dma_start3A_309 = tpu.memref_squeeze %dma_start3A_308 : memref<1x80xi32, #tpu.memory_space<vmem>> -> memref<80xi32, #tpu.memory_space<vmem>>
        %dma_start3A_310 = arith.constant 0 : i32
        %dma_start3A_311 = arith.constant 0 : i32
        %dma_start3A_312 = tpu.memref_slice %arg2[%dma_start3A_310, %dma_start3A_311] : memref<10000x64xf32, #tpu.memory_space<hbm>> -> memref<10000x64xf32, #tpu.memory_space<hbm>>
        tpu.enqueue_indirect_dma source(%dma_start3A_312 : memref<10000x64xf32, #tpu.memory_space<hbm>>) target(%arg23 : memref<80x64xf32, #tpu.memory_space<vmem>>) offsets(%dma_start3A_309 : memref<80xi32, #tpu.memory_space<vmem>>) semaphore(%arg37 : memref<!tpu.dma_semaphore, #tpu.memory_space<semaphore_mem>>)
      } else {
      }
      %add3A_124 = arith.constant 0 : i32
      %add3A_125 = arith.addi %mul3A_35, %add3A_124 : i32
      %lt3A_126 = arith.constant 125 : i32
      %lt3A_127 = arith.cmpi slt, %add3A_125, %lt3A_126 : i32
      %convert_element_type3A_128 = arith.extui %lt3A_127 : i1 to i32
      %cond3A_129 = arith.constant 0 : i32
      %cond3A_130 = arith.cmpi ne, %convert_element_type3A_128, %cond3A_129 : i32
      scf.if %cond3A_130 {
        %dma_wait3A = arith.constant 0 : i32
        %dma_wait3A_306 = arith.constant 0 : i32
        %dma_wait3A_307 = tpu.memref_slice %arg9[%dma_wait3A, %dma_wait3A_306] : memref<125x80xi32, #tpu.memory_space<vmem>> -> memref<1x80xi32, #tpu.memory_space<vmem>>
        %dma_wait3A_308 = tpu.memref_squeeze %dma_wait3A_307 : memref<1x80xi32, #tpu.memory_space<vmem>> -> memref<80xi32, #tpu.memory_space<vmem>>
        %dma_wait3A_309 = arith.constant 0 : i32
        %dma_wait3A_310 = arith.constant 0 : i32
        %dma_wait3A_311 = tpu.memref_slice %arg2[%dma_wait3A_309, %dma_wait3A_310] : memref<10000x64xf32, #tpu.memory_space<hbm>> -> memref<10000x64xf32, #tpu.memory_space<hbm>>
        tpu.wait_indirect_dma semaphore(%arg25 : memref<!tpu.dma_semaphore, #tpu.memory_space<semaphore_mem>>) src(%dma_wait3A_311 : memref<10000x64xf32, #tpu.memory_space<hbm>>) dst(%arg11 : memref<80x64xf32, #tpu.memory_space<vmem>>)
        %add3A_312 = arith.constant 0 : i32
        %add3A_313 = arith.addi %mul3A_35, %add3A_312 : i32
        %dma_start3A = arith.constant 0 : i32
        %dma_start3A_314 = tpu.memref_slice %arg10[%add3A_313, %dma_start3A] : memref<125x80xi32, #tpu.memory_space<vmem>> -> memref<1x80xi32, #tpu.memory_space<vmem>>
        %dma_start3A_315 = tpu.memref_squeeze %dma_start3A_314 : memref<1x80xi32, #tpu.memory_space<vmem>> -> memref<80xi32, #tpu.memory_space<vmem>>
        %dma_start3A_316 = arith.constant 0 : i32
        %dma_start3A_317 = arith.constant 0 : i32
        %dma_start3A_318 = tpu.memref_slice %arg24[%dma_start3A_316, %dma_start3A_317] : memref<10112x64xf32, #tpu.memory_space<vmem_shared>> -> memref<10112x64xf32, #tpu.memory_space<vmem_shared>>
        tpu.enqueue_indirect_dma source(%arg11 : memref<80x64xf32, #tpu.memory_space<vmem>>) target(%dma_start3A_318 : memref<10112x64xf32, #tpu.memory_space<vmem_shared>>) offsets(%dma_start3A_315 : memref<80xi32, #tpu.memory_space<vmem>>) semaphore(%arg38 : memref<!tpu.dma_semaphore, #tpu.memory_space<semaphore_mem>>) {add = true}
      } else {
      }
      %add3A_131 = arith.constant 1 : i32
      %add3A_132 = arith.addi %mul3A_35, %add3A_131 : i32
      %lt3A_133 = arith.constant 125 : i32
      %lt3A_134 = arith.cmpi slt, %add3A_132, %lt3A_133 : i32
      %convert_element_type3A_135 = arith.extui %lt3A_134 : i1 to i32
      %cond3A_136 = arith.constant 0 : i32
      %cond3A_137 = arith.cmpi ne, %convert_element_type3A_135, %cond3A_136 : i32
      scf.if %cond3A_137 {
        %dma_wait3A = arith.constant 0 : i32
        %dma_wait3A_306 = arith.constant 0 : i32
        %dma_wait3A_307 = tpu.memref_slice %arg9[%dma_wait3A, %dma_wait3A_306] : memref<125x80xi32, #tpu.memory_space<vmem>> -> memref<1x80xi32, #tpu.memory_space<vmem>>
        %dma_wait3A_308 = tpu.memref_squeeze %dma_wait3A_307 : memref<1x80xi32, #tpu.memory_space<vmem>> -> memref<80xi32, #tpu.memory_space<vmem>>
        %dma_wait3A_309 = arith.constant 0 : i32
        %dma_wait3A_310 = arith.constant 0 : i32
        %dma_wait3A_311 = tpu.memref_slice %arg2[%dma_wait3A_309, %dma_wait3A_310] : memref<10000x64xf32, #tpu.memory_space<hbm>> -> memref<10000x64xf32, #tpu.memory_space<hbm>>
        tpu.wait_indirect_dma semaphore(%arg26 : memref<!tpu.dma_semaphore, #tpu.memory_space<semaphore_mem>>) src(%dma_wait3A_311 : memref<10000x64xf32, #tpu.memory_space<hbm>>) dst(%arg12 : memref<80x64xf32, #tpu.memory_space<vmem>>)
        %add3A_312 = arith.constant 1 : i32
        %add3A_313 = arith.addi %mul3A_35, %add3A_312 : i32
        %dma_start3A = arith.constant 0 : i32
        %dma_start3A_314 = tpu.memref_slice %arg10[%add3A_313, %dma_start3A] : memref<125x80xi32, #tpu.memory_space<vmem>> -> memref<1x80xi32, #tpu.memory_space<vmem>>
        %dma_start3A_315 = tpu.memref_squeeze %dma_start3A_314 : memref<1x80xi32, #tpu.memory_space<vmem>> -> memref<80xi32, #tpu.memory_space<vmem>>
        %dma_start3A_316 = arith.constant 0 : i32
        %dma_start3A_317 = arith.constant 0 : i32
        %dma_start3A_318 = tpu.memref_slice %arg24[%dma_start3A_316, %dma_start3A_317] : memref<10112x64xf32, #tpu.memory_space<vmem_shared>> -> memref<10112x64xf32, #tpu.memory_space<vmem_shared>>
        tpu.enqueue_indirect_dma source(%arg12 : memref<80x64xf32, #tpu.memory_space<vmem>>) target(%dma_start3A_318 : memref<10112x64xf32, #tpu.memory_space<vmem_shared>>) offsets(%dma_start3A_315 : memref<80xi32, #tpu.memory_space<vmem>>) semaphore(%arg39 : memref<!tpu.dma_semaphore, #tpu.memory_space<semaphore_mem>>) {add = true}
      } else {
      }
      %add3A_138 = arith.constant 2 : i32
      %add3A_139 = arith.addi %mul3A_35, %add3A_138 : i32
      %lt3A_140 = arith.constant 125 : i32
      %lt3A_141 = arith.cmpi slt, %add3A_139, %lt3A_140 : i32
      %convert_element_type3A_142 = arith.extui %lt3A_141 : i1 to i32
      %cond3A_143 = arith.constant 0 : i32
      %cond3A_144 = arith.cmpi ne, %convert_element_type3A_142, %cond3A_143 : i32
      scf.if %cond3A_144 {
        %dma_wait3A = arith.constant 0 : i32
        %dma_wait3A_306 = arith.constant 0 : i32
        %dma_wait3A_307 = tpu.memref_slice %arg9[%dma_wait3A, %dma_wait3A_306] : memref<125x80xi32, #tpu.memory_space<vmem>> -> memref<1x80xi32, #tpu.memory_space<vmem>>
        %dma_wait3A_308 = tpu.memref_squeeze %dma_wait3A_307 : memref<1x80xi32, #tpu.memory_space<vmem>> -> memref<80xi32, #tpu.memory_space<vmem>>
        %dma_wait3A_309 = arith.constant 0 : i32
        %dma_wait3A_310 = arith.constant 0 : i32
        %dma_wait3A_311 = tpu.memref_slice %arg2[%dma_wait3A_309, %dma_wait3A_310] : memref<10000x64xf32, #tpu.memory_space<hbm>> -> memref<10000x64xf32, #tpu.memory_space<hbm>>
        tpu.wait_indirect_dma semaphore(%arg27 : memref<!tpu.dma_semaphore, #tpu.memory_space<semaphore_mem>>) src(%dma_wait3A_311 : memref<10000x64xf32, #tpu.memory_space<hbm>>) dst(%arg13 : memref<80x64xf32, #tpu.memory_space<vmem>>)
        %add3A_312 = arith.constant 2 : i32
        %add3A_313 = arith.addi %mul3A_35, %add3A_312 : i32
        %dma_start3A = arith.constant 0 : i32
        %dma_start3A_314 = tpu.memref_slice %arg10[%add3A_313, %dma_start3A] : memref<125x80xi32, #tpu.memory_space<vmem>> -> memref<1x80xi32, #tpu.memory_space<vmem>>
        %dma_start3A_315 = tpu.memref_squeeze %dma_start3A_314 : memref<1x80xi32, #tpu.memory_space<vmem>> -> memref<80xi32, #tpu.memory_space<vmem>>
        %dma_start3A_316 = arith.constant 0 : i32
        %dma_start3A_317 = arith.constant 0 : i32
        %dma_start3A_318 = tpu.memref_slice %arg24[%dma_start3A_316, %dma_start3A_317] : memref<10112x64xf32, #tpu.memory_space<vmem_shared>> -> memref<10112x64xf32, #tpu.memory_space<vmem_shared>>
        tpu.enqueue_indirect_dma source(%arg13 : memref<80x64xf32, #tpu.memory_space<vmem>>) target(%dma_start3A_318 : memref<10112x64xf32, #tpu.memory_space<vmem_shared>>) offsets(%dma_start3A_315 : memref<80xi32, #tpu.memory_space<vmem>>) semaphore(%arg40 : memref<!tpu.dma_semaphore, #tpu.memory_space<semaphore_mem>>) {add = true}
      } else {
      }
      %add3A_145 = arith.constant 3 : i32
      %add3A_146 = arith.addi %mul3A_35, %add3A_145 : i32
      %lt3A_147 = arith.constant 125 : i32
      %lt3A_148 = arith.cmpi slt, %add3A_146, %lt3A_147 : i32
      %convert_element_type3A_149 = arith.extui %lt3A_148 : i1 to i32
      %cond3A_150 = arith.constant 0 : i32
      %cond3A_151 = arith.cmpi ne, %convert_element_type3A_149, %cond3A_150 : i32
      scf.if %cond3A_151 {
        %dma_wait3A = arith.constant 0 : i32
        %dma_wait3A_306 = arith.constant 0 : i32
        %dma_wait3A_307 = tpu.memref_slice %arg9[%dma_wait3A, %dma_wait3A_306] : memref<125x80xi32, #tpu.memory_space<vmem>> -> memref<1x80xi32, #tpu.memory_space<vmem>>
        %dma_wait3A_308 = tpu.memref_squeeze %dma_wait3A_307 : memref<1x80xi32, #tpu.memory_space<vmem>> -> memref<80xi32, #tpu.memory_space<vmem>>
        %dma_wait3A_309 = arith.constant 0 : i32
        %dma_wait3A_310 = arith.constant 0 : i32
        %dma_wait3A_311 = tpu.memref_slice %arg2[%dma_wait3A_309, %dma_wait3A_310] : memref<10000x64xf32, #tpu.memory_space<hbm>> -> memref<10000x64xf32, #tpu.memory_space<hbm>>
        tpu.wait_indirect_dma semaphore(%arg28 : memref<!tpu.dma_semaphore, #tpu.memory_space<semaphore_mem>>) src(%dma_wait3A_311 : memref<10000x64xf32, #tpu.memory_space<hbm>>) dst(%arg14 : memref<80x64xf32, #tpu.memory_space<vmem>>)
        %add3A_312 = arith.constant 3 : i32
        %add3A_313 = arith.addi %mul3A_35, %add3A_312 : i32
        %dma_start3A = arith.constant 0 : i32
        %dma_start3A_314 = tpu.memref_slice %arg10[%add3A_313, %dma_start3A] : memref<125x80xi32, #tpu.memory_space<vmem>> -> memref<1x80xi32, #tpu.memory_space<vmem>>
        %dma_start3A_315 = tpu.memref_squeeze %dma_start3A_314 : memref<1x80xi32, #tpu.memory_space<vmem>> -> memref<80xi32, #tpu.memory_space<vmem>>
        %dma_start3A_316 = arith.constant 0 : i32
        %dma_start3A_317 = arith.constant 0 : i32
        %dma_start3A_318 = tpu.memref_slice %arg24[%dma_start3A_316, %dma_start3A_317] : memref<10112x64xf32, #tpu.memory_space<vmem_shared>> -> memref<10112x64xf32, #tpu.memory_space<vmem_shared>>
        tpu.enqueue_indirect_dma source(%arg14 : memref<80x64xf32, #tpu.memory_space<vmem>>) target(%dma_start3A_318 : memref<10112x64xf32, #tpu.memory_space<vmem_shared>>) offsets(%dma_start3A_315 : memref<80xi32, #tpu.memory_space<vmem>>) semaphore(%arg41 : memref<!tpu.dma_semaphore, #tpu.memory_space<semaphore_mem>>) {add = true}
      } else {
      }
      %add3A_152 = arith.constant 4 : i32
      %add3A_153 = arith.addi %mul3A_35, %add3A_152 : i32
      %lt3A_154 = arith.constant 125 : i32
      %lt3A_155 = arith.cmpi slt, %add3A_153, %lt3A_154 : i32
      %convert_element_type3A_156 = arith.extui %lt3A_155 : i1 to i32
      %cond3A_157 = arith.constant 0 : i32
      %cond3A_158 = arith.cmpi ne, %convert_element_type3A_156, %cond3A_157 : i32
      scf.if %cond3A_158 {
        %dma_wait3A = arith.constant 0 : i32
        %dma_wait3A_306 = arith.constant 0 : i32
        %dma_wait3A_307 = tpu.memref_slice %arg9[%dma_wait3A, %dma_wait3A_306] : memref<125x80xi32, #tpu.memory_space<vmem>> -> memref<1x80xi32, #tpu.memory_space<vmem>>
        %dma_wait3A_308 = tpu.memref_squeeze %dma_wait3A_307 : memref<1x80xi32, #tpu.memory_space<vmem>> -> memref<80xi32, #tpu.memory_space<vmem>>
        %dma_wait3A_309 = arith.constant 0 : i32
        %dma_wait3A_310 = arith.constant 0 : i32
        %dma_wait3A_311 = tpu.memref_slice %arg2[%dma_wait3A_309, %dma_wait3A_310] : memref<10000x64xf32, #tpu.memory_space<hbm>> -> memref<10000x64xf32, #tpu.memory_space<hbm>>
        tpu.wait_indirect_dma semaphore(%arg29 : memref<!tpu.dma_semaphore, #tpu.memory_space<semaphore_mem>>) src(%dma_wait3A_311 : memref<10000x64xf32, #tpu.memory_space<hbm>>) dst(%arg15 : memref<80x64xf32, #tpu.memory_space<vmem>>)
        %add3A_312 = arith.constant 4 : i32
        %add3A_313 = arith.addi %mul3A_35, %add3A_312 : i32
        %dma_start3A = arith.constant 0 : i32
        %dma_start3A_314 = tpu.memref_slice %arg10[%add3A_313, %dma_start3A] : memref<125x80xi32, #tpu.memory_space<vmem>> -> memref<1x80xi32, #tpu.memory_space<vmem>>
        %dma_start3A_315 = tpu.memref_squeeze %dma_start3A_314 : memref<1x80xi32, #tpu.memory_space<vmem>> -> memref<80xi32, #tpu.memory_space<vmem>>
        %dma_start3A_316 = arith.constant 0 : i32
        %dma_start3A_317 = arith.constant 0 : i32
        %dma_start3A_318 = tpu.memref_slice %arg24[%dma_start3A_316, %dma_start3A_317] : memref<10112x64xf32, #tpu.memory_space<vmem_shared>> -> memref<10112x64xf32, #tpu.memory_space<vmem_shared>>
        tpu.enqueue_indirect_dma source(%arg15 : memref<80x64xf32, #tpu.memory_space<vmem>>) target(%dma_start3A_318 : memref<10112x64xf32, #tpu.memory_space<vmem_shared>>) offsets(%dma_start3A_315 : memref<80xi32, #tpu.memory_space<vmem>>) semaphore(%arg42 : memref<!tpu.dma_semaphore, #tpu.memory_space<semaphore_mem>>) {add = true}
      } else {
      }
      %add3A_159 = arith.constant 5 : i32
      %add3A_160 = arith.addi %mul3A_35, %add3A_159 : i32
      %lt3A_161 = arith.constant 125 : i32
      %lt3A_162 = arith.cmpi slt, %add3A_160, %lt3A_161 : i32
      %convert_element_type3A_163 = arith.extui %lt3A_162 : i1 to i32
      %cond3A_164 = arith.constant 0 : i32
      %cond3A_165 = arith.cmpi ne, %convert_element_type3A_163, %cond3A_164 : i32
      scf.if %cond3A_165 {
        %dma_wait3A = arith.constant 0 : i32
        %dma_wait3A_306 = arith.constant 0 : i32
        %dma_wait3A_307 = tpu.memref_slice %arg9[%dma_wait3A, %dma_wait3A_306] : memref<125x80xi32, #tpu.memory_space<vmem>> -> memref<1x80xi32, #tpu.memory_space<vmem>>
        %dma_wait3A_308 = tpu.memref_squeeze %dma_wait3A_307 : memref<1x80xi32, #tpu.memory_space<vmem>> -> memref<80xi32, #tpu.memory_space<vmem>>
        %dma_wait3A_309 = arith.constant 0 : i32
        %dma_wait3A_310 = arith.constant 0 : i32
        %dma_wait3A_311 = tpu.memref_slice %arg2[%dma_wait3A_309, %dma_wait3A_310] : memref<10000x64xf32, #tpu.memory_space<hbm>> -> memref<10000x64xf32, #tpu.memory_space<hbm>>
        tpu.wait_indirect_dma semaphore(%arg30 : memref<!tpu.dma_semaphore, #tpu.memory_space<semaphore_mem>>) src(%dma_wait3A_311 : memref<10000x64xf32, #tpu.memory_space<hbm>>) dst(%arg16 : memref<80x64xf32, #tpu.memory_space<vmem>>)
        %add3A_312 = arith.constant 5 : i32
        %add3A_313 = arith.addi %mul3A_35, %add3A_312 : i32
        %dma_start3A = arith.constant 0 : i32
        %dma_start3A_314 = tpu.memref_slice %arg10[%add3A_313, %dma_start3A] : memref<125x80xi32, #tpu.memory_space<vmem>> -> memref<1x80xi32, #tpu.memory_space<vmem>>
        %dma_start3A_315 = tpu.memref_squeeze %dma_start3A_314 : memref<1x80xi32, #tpu.memory_space<vmem>> -> memref<80xi32, #tpu.memory_space<vmem>>
        %dma_start3A_316 = arith.constant 0 : i32
        %dma_start3A_317 = arith.constant 0 : i32
        %dma_start3A_318 = tpu.memref_slice %arg24[%dma_start3A_316, %dma_start3A_317] : memref<10112x64xf32, #tpu.memory_space<vmem_shared>> -> memref<10112x64xf32, #tpu.memory_space<vmem_shared>>
        tpu.enqueue_indirect_dma source(%arg16 : memref<80x64xf32, #tpu.memory_space<vmem>>) target(%dma_start3A_318 : memref<10112x64xf32, #tpu.memory_space<vmem_shared>>) offsets(%dma_start3A_315 : memref<80xi32, #tpu.memory_space<vmem>>) semaphore(%arg43 : memref<!tpu.dma_semaphore, #tpu.memory_space<semaphore_mem>>) {add = true}
      } else {
      }
      %add3A_166 = arith.constant 6 : i32
      %add3A_167 = arith.addi %mul3A_35, %add3A_166 : i32
      %lt3A_168 = arith.constant 125 : i32
      %lt3A_169 = arith.cmpi slt, %add3A_167, %lt3A_168 : i32
      %convert_element_type3A_170 = arith.extui %lt3A_169 : i1 to i32
      %cond3A_171 = arith.constant 0 : i32
      %cond3A_172 = arith.cmpi ne, %convert_element_type3A_170, %cond3A_171 : i32
      scf.if %cond3A_172 {
        %dma_wait3A = arith.constant 0 : i32
        %dma_wait3A_306 = arith.constant 0 : i32
        %dma_wait3A_307 = tpu.memref_slice %arg9[%dma_wait3A, %dma_wait3A_306] : memref<125x80xi32, #tpu.memory_space<vmem>> -> memref<1x80xi32, #tpu.memory_space<vmem>>
        %dma_wait3A_308 = tpu.memref_squeeze %dma_wait3A_307 : memref<1x80xi32, #tpu.memory_space<vmem>> -> memref<80xi32, #tpu.memory_space<vmem>>
        %dma_wait3A_309 = arith.constant 0 : i32
        %dma_wait3A_310 = arith.constant 0 : i32
        %dma_wait3A_311 = tpu.memref_slice %arg2[%dma_wait3A_309, %dma_wait3A_310] : memref<10000x64xf32, #tpu.memory_space<hbm>> -> memref<10000x64xf32, #tpu.memory_space<hbm>>
        tpu.wait_indirect_dma semaphore(%arg31 : memref<!tpu.dma_semaphore, #tpu.memory_space<semaphore_mem>>) src(%dma_wait3A_311 : memref<10000x64xf32, #tpu.memory_space<hbm>>) dst(%arg17 : memref<80x64xf32, #tpu.memory_space<vmem>>)
        %add3A_312 = arith.constant 6 : i32
        %add3A_313 = arith.addi %mul3A_35, %add3A_312 : i32
        %dma_start3A = arith.constant 0 : i32
        %dma_start3A_314 = tpu.memref_slice %arg10[%add3A_313, %dma_start3A] : memref<125x80xi32, #tpu.memory_space<vmem>> -> memref<1x80xi32, #tpu.memory_space<vmem>>
        %dma_start3A_315 = tpu.memref_squeeze %dma_start3A_314 : memref<1x80xi32, #tpu.memory_space<vmem>> -> memref<80xi32, #tpu.memory_space<vmem>>
        %dma_start3A_316 = arith.constant 0 : i32
        %dma_start3A_317 = arith.constant 0 : i32
        %dma_start3A_318 = tpu.memref_slice %arg24[%dma_start3A_316, %dma_start3A_317] : memref<10112x64xf32, #tpu.memory_space<vmem_shared>> -> memref<10112x64xf32, #tpu.memory_space<vmem_shared>>
        tpu.enqueue_indirect_dma source(%arg17 : memref<80x64xf32, #tpu.memory_space<vmem>>) target(%dma_start3A_318 : memref<10112x64xf32, #tpu.memory_space<vmem_shared>>) offsets(%dma_start3A_315 : memref<80xi32, #tpu.memory_space<vmem>>) semaphore(%arg44 : memref<!tpu.dma_semaphore, #tpu.memory_space<semaphore_mem>>) {add = true}
      } else {
      }
      %add3A_173 = arith.constant 7 : i32
      %add3A_174 = arith.addi %mul3A_35, %add3A_173 : i32
      %lt3A_175 = arith.constant 125 : i32
      %lt3A_176 = arith.cmpi slt, %add3A_174, %lt3A_175 : i32
      %convert_element_type3A_177 = arith.extui %lt3A_176 : i1 to i32
      %cond3A_178 = arith.constant 0 : i32
      %cond3A_179 = arith.cmpi ne, %convert_element_type3A_177, %cond3A_178 : i32
      scf.if %cond3A_179 {
        %dma_wait3A = arith.constant 0 : i32
        %dma_wait3A_306 = arith.constant 0 : i32
        %dma_wait3A_307 = tpu.memref_slice %arg9[%dma_wait3A, %dma_wait3A_306] : memref<125x80xi32, #tpu.memory_space<vmem>> -> memref<1x80xi32, #tpu.memory_space<vmem>>
        %dma_wait3A_308 = tpu.memref_squeeze %dma_wait3A_307 : memref<1x80xi32, #tpu.memory_space<vmem>> -> memref<80xi32, #tpu.memory_space<vmem>>
        %dma_wait3A_309 = arith.constant 0 : i32
        %dma_wait3A_310 = arith.constant 0 : i32
        %dma_wait3A_311 = tpu.memref_slice %arg2[%dma_wait3A_309, %dma_wait3A_310] : memref<10000x64xf32, #tpu.memory_space<hbm>> -> memref<10000x64xf32, #tpu.memory_space<hbm>>
        tpu.wait_indirect_dma semaphore(%arg32 : memref<!tpu.dma_semaphore, #tpu.memory_space<semaphore_mem>>) src(%dma_wait3A_311 : memref<10000x64xf32, #tpu.memory_space<hbm>>) dst(%arg18 : memref<80x64xf32, #tpu.memory_space<vmem>>)
        %add3A_312 = arith.constant 7 : i32
        %add3A_313 = arith.addi %mul3A_35, %add3A_312 : i32
        %dma_start3A = arith.constant 0 : i32
        %dma_start3A_314 = tpu.memref_slice %arg10[%add3A_313, %dma_start3A] : memref<125x80xi32, #tpu.memory_space<vmem>> -> memref<1x80xi32, #tpu.memory_space<vmem>>
        %dma_start3A_315 = tpu.memref_squeeze %dma_start3A_314 : memref<1x80xi32, #tpu.memory_space<vmem>> -> memref<80xi32, #tpu.memory_space<vmem>>
        %dma_start3A_316 = arith.constant 0 : i32
        %dma_start3A_317 = arith.constant 0 : i32
        %dma_start3A_318 = tpu.memref_slice %arg24[%dma_start3A_316, %dma_start3A_317] : memref<10112x64xf32, #tpu.memory_space<vmem_shared>> -> memref<10112x64xf32, #tpu.memory_space<vmem_shared>>
        tpu.enqueue_indirect_dma source(%arg18 : memref<80x64xf32, #tpu.memory_space<vmem>>) target(%dma_start3A_318 : memref<10112x64xf32, #tpu.memory_space<vmem_shared>>) offsets(%dma_start3A_315 : memref<80xi32, #tpu.memory_space<vmem>>) semaphore(%arg45 : memref<!tpu.dma_semaphore, #tpu.memory_space<semaphore_mem>>) {add = true}
      } else {
      }
      %add3A_180 = arith.constant 8 : i32
      %add3A_181 = arith.addi %mul3A_35, %add3A_180 : i32
      %lt3A_182 = arith.constant 125 : i32
      %lt3A_183 = arith.cmpi slt, %add3A_181, %lt3A_182 : i32
      %convert_element_type3A_184 = arith.extui %lt3A_183 : i1 to i32
      %cond3A_185 = arith.constant 0 : i32
      %cond3A_186 = arith.cmpi ne, %convert_element_type3A_184, %cond3A_185 : i32
      scf.if %cond3A_186 {
        %dma_wait3A = arith.constant 0 : i32
        %dma_wait3A_306 = arith.constant 0 : i32
        %dma_wait3A_307 = tpu.memref_slice %arg9[%dma_wait3A, %dma_wait3A_306] : memref<125x80xi32, #tpu.memory_space<vmem>> -> memref<1x80xi32, #tpu.memory_space<vmem>>
        %dma_wait3A_308 = tpu.memref_squeeze %dma_wait3A_307 : memref<1x80xi32, #tpu.memory_space<vmem>> -> memref<80xi32, #tpu.memory_space<vmem>>
        %dma_wait3A_309 = arith.constant 0 : i32
        %dma_wait3A_310 = arith.constant 0 : i32
        %dma_wait3A_311 = tpu.memref_slice %arg2[%dma_wait3A_309, %dma_wait3A_310] : memref<10000x64xf32, #tpu.memory_space<hbm>> -> memref<10000x64xf32, #tpu.memory_space<hbm>>
        tpu.wait_indirect_dma semaphore(%arg33 : memref<!tpu.dma_semaphore, #tpu.memory_space<semaphore_mem>>) src(%dma_wait3A_311 : memref<10000x64xf32, #tpu.memory_space<hbm>>) dst(%arg19 : memref<80x64xf32, #tpu.memory_space<vmem>>)
        %add3A_312 = arith.constant 8 : i32
        %add3A_313 = arith.addi %mul3A_35, %add3A_312 : i32
        %dma_start3A = arith.constant 0 : i32
        %dma_start3A_314 = tpu.memref_slice %arg10[%add3A_313, %dma_start3A] : memref<125x80xi32, #tpu.memory_space<vmem>> -> memref<1x80xi32, #tpu.memory_space<vmem>>
        %dma_start3A_315 = tpu.memref_squeeze %dma_start3A_314 : memref<1x80xi32, #tpu.memory_space<vmem>> -> memref<80xi32, #tpu.memory_space<vmem>>
        %dma_start3A_316 = arith.constant 0 : i32
        %dma_start3A_317 = arith.constant 0 : i32
        %dma_start3A_318 = tpu.memref_slice %arg24[%dma_start3A_316, %dma_start3A_317] : memref<10112x64xf32, #tpu.memory_space<vmem_shared>> -> memref<10112x64xf32, #tpu.memory_space<vmem_shared>>
        tpu.enqueue_indirect_dma source(%arg19 : memref<80x64xf32, #tpu.memory_space<vmem>>) target(%dma_start3A_318 : memref<10112x64xf32, #tpu.memory_space<vmem_shared>>) offsets(%dma_start3A_315 : memref<80xi32, #tpu.memory_space<vmem>>) semaphore(%arg46 : memref<!tpu.dma_semaphore, #tpu.memory_space<semaphore_mem>>) {add = true}
      } else {
      }
      %add3A_187 = arith.constant 9 : i32
      %add3A_188 = arith.addi %mul3A_35, %add3A_187 : i32
      %lt3A_189 = arith.constant 125 : i32
      %lt3A_190 = arith.cmpi slt, %add3A_188, %lt3A_189 : i32
      %convert_element_type3A_191 = arith.extui %lt3A_190 : i1 to i32
      %cond3A_192 = arith.constant 0 : i32
      %cond3A_193 = arith.cmpi ne, %convert_element_type3A_191, %cond3A_192 : i32
      scf.if %cond3A_193 {
        %dma_wait3A = arith.constant 0 : i32
        %dma_wait3A_306 = arith.constant 0 : i32
        %dma_wait3A_307 = tpu.memref_slice %arg9[%dma_wait3A, %dma_wait3A_306] : memref<125x80xi32, #tpu.memory_space<vmem>> -> memref<1x80xi32, #tpu.memory_space<vmem>>
        %dma_wait3A_308 = tpu.memref_squeeze %dma_wait3A_307 : memref<1x80xi32, #tpu.memory_space<vmem>> -> memref<80xi32, #tpu.memory_space<vmem>>
        %dma_wait3A_309 = arith.constant 0 : i32
        %dma_wait3A_310 = arith.constant 0 : i32
        %dma_wait3A_311 = tpu.memref_slice %arg2[%dma_wait3A_309, %dma_wait3A_310] : memref<10000x64xf32, #tpu.memory_space<hbm>> -> memref<10000x64xf32, #tpu.memory_space<hbm>>
        tpu.wait_indirect_dma semaphore(%arg34 : memref<!tpu.dma_semaphore, #tpu.memory_space<semaphore_mem>>) src(%dma_wait3A_311 : memref<10000x64xf32, #tpu.memory_space<hbm>>) dst(%arg20 : memref<80x64xf32, #tpu.memory_space<vmem>>)
        %add3A_312 = arith.constant 9 : i32
        %add3A_313 = arith.addi %mul3A_35, %add3A_312 : i32
        %dma_start3A = arith.constant 0 : i32
        %dma_start3A_314 = tpu.memref_slice %arg10[%add3A_313, %dma_start3A] : memref<125x80xi32, #tpu.memory_space<vmem>> -> memref<1x80xi32, #tpu.memory_space<vmem>>
        %dma_start3A_315 = tpu.memref_squeeze %dma_start3A_314 : memref<1x80xi32, #tpu.memory_space<vmem>> -> memref<80xi32, #tpu.memory_space<vmem>>
        %dma_start3A_316 = arith.constant 0 : i32
        %dma_start3A_317 = arith.constant 0 : i32
        %dma_start3A_318 = tpu.memref_slice %arg24[%dma_start3A_316, %dma_start3A_317] : memref<10112x64xf32, #tpu.memory_space<vmem_shared>> -> memref<10112x64xf32, #tpu.memory_space<vmem_shared>>
        tpu.enqueue_indirect_dma source(%arg20 : memref<80x64xf32, #tpu.memory_space<vmem>>) target(%dma_start3A_318 : memref<10112x64xf32, #tpu.memory_space<vmem_shared>>) offsets(%dma_start3A_315 : memref<80xi32, #tpu.memory_space<vmem>>) semaphore(%arg47 : memref<!tpu.dma_semaphore, #tpu.memory_space<semaphore_mem>>) {add = true}
      } else {
      }
      %add3A_194 = arith.constant 10 : i32
      %add3A_195 = arith.addi %mul3A_35, %add3A_194 : i32
      %lt3A_196 = arith.constant 125 : i32
      %lt3A_197 = arith.cmpi slt, %add3A_195, %lt3A_196 : i32
      %convert_element_type3A_198 = arith.extui %lt3A_197 : i1 to i32
      %cond3A_199 = arith.constant 0 : i32
      %cond3A_200 = arith.cmpi ne, %convert_element_type3A_198, %cond3A_199 : i32
      scf.if %cond3A_200 {
        %dma_wait3A = arith.constant 0 : i32
        %dma_wait3A_306 = arith.constant 0 : i32
        %dma_wait3A_307 = tpu.memref_slice %arg9[%dma_wait3A, %dma_wait3A_306] : memref<125x80xi32, #tpu.memory_space<vmem>> -> memref<1x80xi32, #tpu.memory_space<vmem>>
        %dma_wait3A_308 = tpu.memref_squeeze %dma_wait3A_307 : memref<1x80xi32, #tpu.memory_space<vmem>> -> memref<80xi32, #tpu.memory_space<vmem>>
        %dma_wait3A_309 = arith.constant 0 : i32
        %dma_wait3A_310 = arith.constant 0 : i32
        %dma_wait3A_311 = tpu.memref_slice %arg2[%dma_wait3A_309, %dma_wait3A_310] : memref<10000x64xf32, #tpu.memory_space<hbm>> -> memref<10000x64xf32, #tpu.memory_space<hbm>>
        tpu.wait_indirect_dma semaphore(%arg35 : memref<!tpu.dma_semaphore, #tpu.memory_space<semaphore_mem>>) src(%dma_wait3A_311 : memref<10000x64xf32, #tpu.memory_space<hbm>>) dst(%arg21 : memref<80x64xf32, #tpu.memory_space<vmem>>)
        %add3A_312 = arith.constant 10 : i32
        %add3A_313 = arith.addi %mul3A_35, %add3A_312 : i32
        %dma_start3A = arith.constant 0 : i32
        %dma_start3A_314 = tpu.memref_slice %arg10[%add3A_313, %dma_start3A] : memref<125x80xi32, #tpu.memory_space<vmem>> -> memref<1x80xi32, #tpu.memory_space<vmem>>
        %dma_start3A_315 = tpu.memref_squeeze %dma_start3A_314 : memref<1x80xi32, #tpu.memory_space<vmem>> -> memref<80xi32, #tpu.memory_space<vmem>>
        %dma_start3A_316 = arith.constant 0 : i32
        %dma_start3A_317 = arith.constant 0 : i32
        %dma_start3A_318 = tpu.memref_slice %arg24[%dma_start3A_316, %dma_start3A_317] : memref<10112x64xf32, #tpu.memory_space<vmem_shared>> -> memref<10112x64xf32, #tpu.memory_space<vmem_shared>>
        tpu.enqueue_indirect_dma source(%arg21 : memref<80x64xf32, #tpu.memory_space<vmem>>) target(%dma_start3A_318 : memref<10112x64xf32, #tpu.memory_space<vmem_shared>>) offsets(%dma_start3A_315 : memref<80xi32, #tpu.memory_space<vmem>>) semaphore(%arg48 : memref<!tpu.dma_semaphore, #tpu.memory_space<semaphore_mem>>) {add = true}
      } else {
      }
      %add3A_201 = arith.constant 11 : i32
      %add3A_202 = arith.addi %mul3A_35, %add3A_201 : i32
      %lt3A_203 = arith.constant 125 : i32
      %lt3A_204 = arith.cmpi slt, %add3A_202, %lt3A_203 : i32
      %convert_element_type3A_205 = arith.extui %lt3A_204 : i1 to i32
      %cond3A_206 = arith.constant 0 : i32
      %cond3A_207 = arith.cmpi ne, %convert_element_type3A_205, %cond3A_206 : i32
      scf.if %cond3A_207 {
        %dma_wait3A = arith.constant 0 : i32
        %dma_wait3A_306 = arith.constant 0 : i32
        %dma_wait3A_307 = tpu.memref_slice %arg9[%dma_wait3A, %dma_wait3A_306] : memref<125x80xi32, #tpu.memory_space<vmem>> -> memref<1x80xi32, #tpu.memory_space<vmem>>
        %dma_wait3A_308 = tpu.memref_squeeze %dma_wait3A_307 : memref<1x80xi32, #tpu.memory_space<vmem>> -> memref<80xi32, #tpu.memory_space<vmem>>
        %dma_wait3A_309 = arith.constant 0 : i32
        %dma_wait3A_310 = arith.constant 0 : i32
        %dma_wait3A_311 = tpu.memref_slice %arg2[%dma_wait3A_309, %dma_wait3A_310] : memref<10000x64xf32, #tpu.memory_space<hbm>> -> memref<10000x64xf32, #tpu.memory_space<hbm>>
        tpu.wait_indirect_dma semaphore(%arg36 : memref<!tpu.dma_semaphore, #tpu.memory_space<semaphore_mem>>) src(%dma_wait3A_311 : memref<10000x64xf32, #tpu.memory_space<hbm>>) dst(%arg22 : memref<80x64xf32, #tpu.memory_space<vmem>>)
        %add3A_312 = arith.constant 11 : i32
        %add3A_313 = arith.addi %mul3A_35, %add3A_312 : i32
        %dma_start3A = arith.constant 0 : i32
        %dma_start3A_314 = tpu.memref_slice %arg10[%add3A_313, %dma_start3A] : memref<125x80xi32, #tpu.memory_space<vmem>> -> memref<1x80xi32, #tpu.memory_space<vmem>>
        %dma_start3A_315 = tpu.memref_squeeze %dma_start3A_314 : memref<1x80xi32, #tpu.memory_space<vmem>> -> memref<80xi32, #tpu.memory_space<vmem>>
        %dma_start3A_316 = arith.constant 0 : i32
        %dma_start3A_317 = arith.constant 0 : i32
        %dma_start3A_318 = tpu.memref_slice %arg24[%dma_start3A_316, %dma_start3A_317] : memref<10112x64xf32, #tpu.memory_space<vmem_shared>> -> memref<10112x64xf32, #tpu.memory_space<vmem_shared>>
        tpu.enqueue_indirect_dma source(%arg22 : memref<80x64xf32, #tpu.memory_space<vmem>>) target(%dma_start3A_318 : memref<10112x64xf32, #tpu.memory_space<vmem_shared>>) offsets(%dma_start3A_315 : memref<80xi32, #tpu.memory_space<vmem>>) semaphore(%arg49 : memref<!tpu.dma_semaphore, #tpu.memory_space<semaphore_mem>>) {add = true}
      } else {
      }
      %add3A_208 = arith.constant 12 : i32
      %add3A_209 = arith.addi %mul3A_35, %add3A_208 : i32
      %lt3A_210 = arith.constant 125 : i32
      %lt3A_211 = arith.cmpi slt, %add3A_209, %lt3A_210 : i32
      %convert_element_type3A_212 = arith.extui %lt3A_211 : i1 to i32
      %cond3A_213 = arith.constant 0 : i32
      %cond3A_214 = arith.cmpi ne, %convert_element_type3A_212, %cond3A_213 : i32
      scf.if %cond3A_214 {
        %dma_wait3A = arith.constant 0 : i32
        %dma_wait3A_306 = arith.constant 0 : i32
        %dma_wait3A_307 = tpu.memref_slice %arg9[%dma_wait3A, %dma_wait3A_306] : memref<125x80xi32, #tpu.memory_space<vmem>> -> memref<1x80xi32, #tpu.memory_space<vmem>>
        %dma_wait3A_308 = tpu.memref_squeeze %dma_wait3A_307 : memref<1x80xi32, #tpu.memory_space<vmem>> -> memref<80xi32, #tpu.memory_space<vmem>>
        %dma_wait3A_309 = arith.constant 0 : i32
        %dma_wait3A_310 = arith.constant 0 : i32
        %dma_wait3A_311 = tpu.memref_slice %arg2[%dma_wait3A_309, %dma_wait3A_310] : memref<10000x64xf32, #tpu.memory_space<hbm>> -> memref<10000x64xf32, #tpu.memory_space<hbm>>
        tpu.wait_indirect_dma semaphore(%arg37 : memref<!tpu.dma_semaphore, #tpu.memory_space<semaphore_mem>>) src(%dma_wait3A_311 : memref<10000x64xf32, #tpu.memory_space<hbm>>) dst(%arg23 : memref<80x64xf32, #tpu.memory_space<vmem>>)
        %add3A_312 = arith.constant 12 : i32
        %add3A_313 = arith.addi %mul3A_35, %add3A_312 : i32
        %dma_start3A = arith.constant 0 : i32
        %dma_start3A_314 = tpu.memref_slice %arg10[%add3A_313, %dma_start3A] : memref<125x80xi32, #tpu.memory_space<vmem>> -> memref<1x80xi32, #tpu.memory_space<vmem>>
        %dma_start3A_315 = tpu.memref_squeeze %dma_start3A_314 : memref<1x80xi32, #tpu.memory_space<vmem>> -> memref<80xi32, #tpu.memory_space<vmem>>
        %dma_start3A_316 = arith.constant 0 : i32
        %dma_start3A_317 = arith.constant 0 : i32
        %dma_start3A_318 = tpu.memref_slice %arg24[%dma_start3A_316, %dma_start3A_317] : memref<10112x64xf32, #tpu.memory_space<vmem_shared>> -> memref<10112x64xf32, #tpu.memory_space<vmem_shared>>
        tpu.enqueue_indirect_dma source(%arg23 : memref<80x64xf32, #tpu.memory_space<vmem>>) target(%dma_start3A_318 : memref<10112x64xf32, #tpu.memory_space<vmem_shared>>) offsets(%dma_start3A_315 : memref<80xi32, #tpu.memory_space<vmem>>) semaphore(%arg50 : memref<!tpu.dma_semaphore, #tpu.memory_space<semaphore_mem>>) {add = true}
      } else {
      }
      %add3A_215 = arith.constant 0 : i32
      %add3A_216 = arith.addi %mul3A_35, %add3A_215 : i32
      %lt3A_217 = arith.constant 125 : i32
      %lt3A_218 = arith.cmpi slt, %add3A_216, %lt3A_217 : i32
      %convert_element_type3A_219 = arith.extui %lt3A_218 : i1 to i32
      %cond3A_220 = arith.constant 0 : i32
      %cond3A_221 = arith.cmpi ne, %convert_element_type3A_219, %cond3A_220 : i32
      scf.if %cond3A_221 {
        %dma_wait3A = arith.constant 0 : i32
        %dma_wait3A_306 = arith.constant 0 : i32
        %dma_wait3A_307 = tpu.memref_slice %arg10[%dma_wait3A, %dma_wait3A_306] : memref<125x80xi32, #tpu.memory_space<vmem>> -> memref<1x80xi32, #tpu.memory_space<vmem>>
        %dma_wait3A_308 = tpu.memref_squeeze %dma_wait3A_307 : memref<1x80xi32, #tpu.memory_space<vmem>> -> memref<80xi32, #tpu.memory_space<vmem>>
        %dma_wait3A_309 = arith.constant 0 : i32
        %dma_wait3A_310 = arith.constant 0 : i32
        %dma_wait3A_311 = tpu.memref_slice %arg24[%dma_wait3A_309, %dma_wait3A_310] : memref<10112x64xf32, #tpu.memory_space<vmem_shared>> -> memref<10112x64xf32, #tpu.memory_space<vmem_shared>>
        tpu.wait_indirect_dma semaphore(%arg38 : memref<!tpu.dma_semaphore, #tpu.memory_space<semaphore_mem>>) src(%arg11 : memref<80x64xf32, #tpu.memory_space<vmem>>) dst(%dma_wait3A_311 : memref<10112x64xf32, #tpu.memory_space<vmem_shared>>)
      } else {
      }
      %add3A_222 = arith.constant 1 : i32
      %add3A_223 = arith.addi %mul3A_35, %add3A_222 : i32
      %lt3A_224 = arith.constant 125 : i32
      %lt3A_225 = arith.cmpi slt, %add3A_223, %lt3A_224 : i32
      %convert_element_type3A_226 = arith.extui %lt3A_225 : i1 to i32
      %cond3A_227 = arith.constant 0 : i32
      %cond3A_228 = arith.cmpi ne, %convert_element_type3A_226, %cond3A_227 : i32
      scf.if %cond3A_228 {
        %dma_wait3A = arith.constant 0 : i32
        %dma_wait3A_306 = arith.constant 0 : i32
        %dma_wait3A_307 = tpu.memref_slice %arg10[%dma_wait3A, %dma_wait3A_306] : memref<125x80xi32, #tpu.memory_space<vmem>> -> memref<1x80xi32, #tpu.memory_space<vmem>>
        %dma_wait3A_308 = tpu.memref_squeeze %dma_wait3A_307 : memref<1x80xi32, #tpu.memory_space<vmem>> -> memref<80xi32, #tpu.memory_space<vmem>>
        %dma_wait3A_309 = arith.constant 0 : i32
        %dma_wait3A_310 = arith.constant 0 : i32
        %dma_wait3A_311 = tpu.memref_slice %arg24[%dma_wait3A_309, %dma_wait3A_310] : memref<10112x64xf32, #tpu.memory_space<vmem_shared>> -> memref<10112x64xf32, #tpu.memory_space<vmem_shared>>
        tpu.wait_indirect_dma semaphore(%arg39 : memref<!tpu.dma_semaphore, #tpu.memory_space<semaphore_mem>>) src(%arg12 : memref<80x64xf32, #tpu.memory_space<vmem>>) dst(%dma_wait3A_311 : memref<10112x64xf32, #tpu.memory_space<vmem_shared>>)
      } else {
      }
      %add3A_229 = arith.constant 2 : i32
      %add3A_230 = arith.addi %mul3A_35, %add3A_229 : i32
      %lt3A_231 = arith.constant 125 : i32
      %lt3A_232 = arith.cmpi slt, %add3A_230, %lt3A_231 : i32
      %convert_element_type3A_233 = arith.extui %lt3A_232 : i1 to i32
      %cond3A_234 = arith.constant 0 : i32
      %cond3A_235 = arith.cmpi ne, %convert_element_type3A_233, %cond3A_234 : i32
      scf.if %cond3A_235 {
        %dma_wait3A = arith.constant 0 : i32
        %dma_wait3A_306 = arith.constant 0 : i32
        %dma_wait3A_307 = tpu.memref_slice %arg10[%dma_wait3A, %dma_wait3A_306] : memref<125x80xi32, #tpu.memory_space<vmem>> -> memref<1x80xi32, #tpu.memory_space<vmem>>
        %dma_wait3A_308 = tpu.memref_squeeze %dma_wait3A_307 : memref<1x80xi32, #tpu.memory_space<vmem>> -> memref<80xi32, #tpu.memory_space<vmem>>
        %dma_wait3A_309 = arith.constant 0 : i32
        %dma_wait3A_310 = arith.constant 0 : i32
        %dma_wait3A_311 = tpu.memref_slice %arg24[%dma_wait3A_309, %dma_wait3A_310] : memref<10112x64xf32, #tpu.memory_space<vmem_shared>> -> memref<10112x64xf32, #tpu.memory_space<vmem_shared>>
        tpu.wait_indirect_dma semaphore(%arg40 : memref<!tpu.dma_semaphore, #tpu.memory_space<semaphore_mem>>) src(%arg13 : memref<80x64xf32, #tpu.memory_space<vmem>>) dst(%dma_wait3A_311 : memref<10112x64xf32, #tpu.memory_space<vmem_shared>>)
      } else {
      }
      %add3A_236 = arith.constant 3 : i32
      %add3A_237 = arith.addi %mul3A_35, %add3A_236 : i32
      %lt3A_238 = arith.constant 125 : i32
      %lt3A_239 = arith.cmpi slt, %add3A_237, %lt3A_238 : i32
      %convert_element_type3A_240 = arith.extui %lt3A_239 : i1 to i32
      %cond3A_241 = arith.constant 0 : i32
      %cond3A_242 = arith.cmpi ne, %convert_element_type3A_240, %cond3A_241 : i32
      scf.if %cond3A_242 {
        %dma_wait3A = arith.constant 0 : i32
        %dma_wait3A_306 = arith.constant 0 : i32
        %dma_wait3A_307 = tpu.memref_slice %arg10[%dma_wait3A, %dma_wait3A_306] : memref<125x80xi32, #tpu.memory_space<vmem>> -> memref<1x80xi32, #tpu.memory_space<vmem>>
        %dma_wait3A_308 = tpu.memref_squeeze %dma_wait3A_307 : memref<1x80xi32, #tpu.memory_space<vmem>> -> memref<80xi32, #tpu.memory_space<vmem>>
        %dma_wait3A_309 = arith.constant 0 : i32
        %dma_wait3A_310 = arith.constant 0 : i32
        %dma_wait3A_311 = tpu.memref_slice %arg24[%dma_wait3A_309, %dma_wait3A_310] : memref<10112x64xf32, #tpu.memory_space<vmem_shared>> -> memref<10112x64xf32, #tpu.memory_space<vmem_shared>>
        tpu.wait_indirect_dma semaphore(%arg41 : memref<!tpu.dma_semaphore, #tpu.memory_space<semaphore_mem>>) src(%arg14 : memref<80x64xf32, #tpu.memory_space<vmem>>) dst(%dma_wait3A_311 : memref<10112x64xf32, #tpu.memory_space<vmem_shared>>)
      } else {
      }
      %add3A_243 = arith.constant 4 : i32
      %add3A_244 = arith.addi %mul3A_35, %add3A_243 : i32
      %lt3A_245 = arith.constant 125 : i32
      %lt3A_246 = arith.cmpi slt, %add3A_244, %lt3A_245 : i32
      %convert_element_type3A_247 = arith.extui %lt3A_246 : i1 to i32
      %cond3A_248 = arith.constant 0 : i32
      %cond3A_249 = arith.cmpi ne, %convert_element_type3A_247, %cond3A_248 : i32
      scf.if %cond3A_249 {
        %dma_wait3A = arith.constant 0 : i32
        %dma_wait3A_306 = arith.constant 0 : i32
        %dma_wait3A_307 = tpu.memref_slice %arg10[%dma_wait3A, %dma_wait3A_306] : memref<125x80xi32, #tpu.memory_space<vmem>> -> memref<1x80xi32, #tpu.memory_space<vmem>>
        %dma_wait3A_308 = tpu.memref_squeeze %dma_wait3A_307 : memref<1x80xi32, #tpu.memory_space<vmem>> -> memref<80xi32, #tpu.memory_space<vmem>>
        %dma_wait3A_309 = arith.constant 0 : i32
        %dma_wait3A_310 = arith.constant 0 : i32
        %dma_wait3A_311 = tpu.memref_slice %arg24[%dma_wait3A_309, %dma_wait3A_310] : memref<10112x64xf32, #tpu.memory_space<vmem_shared>> -> memref<10112x64xf32, #tpu.memory_space<vmem_shared>>
        tpu.wait_indirect_dma semaphore(%arg42 : memref<!tpu.dma_semaphore, #tpu.memory_space<semaphore_mem>>) src(%arg15 : memref<80x64xf32, #tpu.memory_space<vmem>>) dst(%dma_wait3A_311 : memref<10112x64xf32, #tpu.memory_space<vmem_shared>>)
      } else {
      }
      %add3A_250 = arith.constant 5 : i32
      %add3A_251 = arith.addi %mul3A_35, %add3A_250 : i32
      %lt3A_252 = arith.constant 125 : i32
      %lt3A_253 = arith.cmpi slt, %add3A_251, %lt3A_252 : i32
      %convert_element_type3A_254 = arith.extui %lt3A_253 : i1 to i32
      %cond3A_255 = arith.constant 0 : i32
      %cond3A_256 = arith.cmpi ne, %convert_element_type3A_254, %cond3A_255 : i32
      scf.if %cond3A_256 {
        %dma_wait3A = arith.constant 0 : i32
        %dma_wait3A_306 = arith.constant 0 : i32
        %dma_wait3A_307 = tpu.memref_slice %arg10[%dma_wait3A, %dma_wait3A_306] : memref<125x80xi32, #tpu.memory_space<vmem>> -> memref<1x80xi32, #tpu.memory_space<vmem>>
        %dma_wait3A_308 = tpu.memref_squeeze %dma_wait3A_307 : memref<1x80xi32, #tpu.memory_space<vmem>> -> memref<80xi32, #tpu.memory_space<vmem>>
        %dma_wait3A_309 = arith.constant 0 : i32
        %dma_wait3A_310 = arith.constant 0 : i32
        %dma_wait3A_311 = tpu.memref_slice %arg24[%dma_wait3A_309, %dma_wait3A_310] : memref<10112x64xf32, #tpu.memory_space<vmem_shared>> -> memref<10112x64xf32, #tpu.memory_space<vmem_shared>>
        tpu.wait_indirect_dma semaphore(%arg43 : memref<!tpu.dma_semaphore, #tpu.memory_space<semaphore_mem>>) src(%arg16 : memref<80x64xf32, #tpu.memory_space<vmem>>) dst(%dma_wait3A_311 : memref<10112x64xf32, #tpu.memory_space<vmem_shared>>)
      } else {
      }
      %add3A_257 = arith.constant 6 : i32
      %add3A_258 = arith.addi %mul3A_35, %add3A_257 : i32
      %lt3A_259 = arith.constant 125 : i32
      %lt3A_260 = arith.cmpi slt, %add3A_258, %lt3A_259 : i32
      %convert_element_type3A_261 = arith.extui %lt3A_260 : i1 to i32
      %cond3A_262 = arith.constant 0 : i32
      %cond3A_263 = arith.cmpi ne, %convert_element_type3A_261, %cond3A_262 : i32
      scf.if %cond3A_263 {
        %dma_wait3A = arith.constant 0 : i32
        %dma_wait3A_306 = arith.constant 0 : i32
        %dma_wait3A_307 = tpu.memref_slice %arg10[%dma_wait3A, %dma_wait3A_306] : memref<125x80xi32, #tpu.memory_space<vmem>> -> memref<1x80xi32, #tpu.memory_space<vmem>>
        %dma_wait3A_308 = tpu.memref_squeeze %dma_wait3A_307 : memref<1x80xi32, #tpu.memory_space<vmem>> -> memref<80xi32, #tpu.memory_space<vmem>>
        %dma_wait3A_309 = arith.constant 0 : i32
        %dma_wait3A_310 = arith.constant 0 : i32
        %dma_wait3A_311 = tpu.memref_slice %arg24[%dma_wait3A_309, %dma_wait3A_310] : memref<10112x64xf32, #tpu.memory_space<vmem_shared>> -> memref<10112x64xf32, #tpu.memory_space<vmem_shared>>
        tpu.wait_indirect_dma semaphore(%arg44 : memref<!tpu.dma_semaphore, #tpu.memory_space<semaphore_mem>>) src(%arg17 : memref<80x64xf32, #tpu.memory_space<vmem>>) dst(%dma_wait3A_311 : memref<10112x64xf32, #tpu.memory_space<vmem_shared>>)
      } else {
      }
      %add3A_264 = arith.constant 7 : i32
      %add3A_265 = arith.addi %mul3A_35, %add3A_264 : i32
      %lt3A_266 = arith.constant 125 : i32
      %lt3A_267 = arith.cmpi slt, %add3A_265, %lt3A_266 : i32
      %convert_element_type3A_268 = arith.extui %lt3A_267 : i1 to i32
      %cond3A_269 = arith.constant 0 : i32
      %cond3A_270 = arith.cmpi ne, %convert_element_type3A_268, %cond3A_269 : i32
      scf.if %cond3A_270 {
        %dma_wait3A = arith.constant 0 : i32
        %dma_wait3A_306 = arith.constant 0 : i32
        %dma_wait3A_307 = tpu.memref_slice %arg10[%dma_wait3A, %dma_wait3A_306] : memref<125x80xi32, #tpu.memory_space<vmem>> -> memref<1x80xi32, #tpu.memory_space<vmem>>
        %dma_wait3A_308 = tpu.memref_squeeze %dma_wait3A_307 : memref<1x80xi32, #tpu.memory_space<vmem>> -> memref<80xi32, #tpu.memory_space<vmem>>
        %dma_wait3A_309 = arith.constant 0 : i32
        %dma_wait3A_310 = arith.constant 0 : i32
        %dma_wait3A_311 = tpu.memref_slice %arg24[%dma_wait3A_309, %dma_wait3A_310] : memref<10112x64xf32, #tpu.memory_space<vmem_shared>> -> memref<10112x64xf32, #tpu.memory_space<vmem_shared>>
        tpu.wait_indirect_dma semaphore(%arg45 : memref<!tpu.dma_semaphore, #tpu.memory_space<semaphore_mem>>) src(%arg18 : memref<80x64xf32, #tpu.memory_space<vmem>>) dst(%dma_wait3A_311 : memref<10112x64xf32, #tpu.memory_space<vmem_shared>>)
      } else {
      }
      %add3A_271 = arith.constant 8 : i32
      %add3A_272 = arith.addi %mul3A_35, %add3A_271 : i32
      %lt3A_273 = arith.constant 125 : i32
      %lt3A_274 = arith.cmpi slt, %add3A_272, %lt3A_273 : i32
      %convert_element_type3A_275 = arith.extui %lt3A_274 : i1 to i32
      %cond3A_276 = arith.constant 0 : i32
      %cond3A_277 = arith.cmpi ne, %convert_element_type3A_275, %cond3A_276 : i32
      scf.if %cond3A_277 {
        %dma_wait3A = arith.constant 0 : i32
        %dma_wait3A_306 = arith.constant 0 : i32
        %dma_wait3A_307 = tpu.memref_slice %arg10[%dma_wait3A, %dma_wait3A_306] : memref<125x80xi32, #tpu.memory_space<vmem>> -> memref<1x80xi32, #tpu.memory_space<vmem>>
        %dma_wait3A_308 = tpu.memref_squeeze %dma_wait3A_307 : memref<1x80xi32, #tpu.memory_space<vmem>> -> memref<80xi32, #tpu.memory_space<vmem>>
        %dma_wait3A_309 = arith.constant 0 : i32
        %dma_wait3A_310 = arith.constant 0 : i32
        %dma_wait3A_311 = tpu.memref_slice %arg24[%dma_wait3A_309, %dma_wait3A_310] : memref<10112x64xf32, #tpu.memory_space<vmem_shared>> -> memref<10112x64xf32, #tpu.memory_space<vmem_shared>>
        tpu.wait_indirect_dma semaphore(%arg46 : memref<!tpu.dma_semaphore, #tpu.memory_space<semaphore_mem>>) src(%arg19 : memref<80x64xf32, #tpu.memory_space<vmem>>) dst(%dma_wait3A_311 : memref<10112x64xf32, #tpu.memory_space<vmem_shared>>)
      } else {
      }
      %add3A_278 = arith.constant 9 : i32
      %add3A_279 = arith.addi %mul3A_35, %add3A_278 : i32
      %lt3A_280 = arith.constant 125 : i32
      %lt3A_281 = arith.cmpi slt, %add3A_279, %lt3A_280 : i32
      %convert_element_type3A_282 = arith.extui %lt3A_281 : i1 to i32
      %cond3A_283 = arith.constant 0 : i32
      %cond3A_284 = arith.cmpi ne, %convert_element_type3A_282, %cond3A_283 : i32
      scf.if %cond3A_284 {
        %dma_wait3A = arith.constant 0 : i32
        %dma_wait3A_306 = arith.constant 0 : i32
        %dma_wait3A_307 = tpu.memref_slice %arg10[%dma_wait3A, %dma_wait3A_306] : memref<125x80xi32, #tpu.memory_space<vmem>> -> memref<1x80xi32, #tpu.memory_space<vmem>>
        %dma_wait3A_308 = tpu.memref_squeeze %dma_wait3A_307 : memref<1x80xi32, #tpu.memory_space<vmem>> -> memref<80xi32, #tpu.memory_space<vmem>>
        %dma_wait3A_309 = arith.constant 0 : i32
        %dma_wait3A_310 = arith.constant 0 : i32
        %dma_wait3A_311 = tpu.memref_slice %arg24[%dma_wait3A_309, %dma_wait3A_310] : memref<10112x64xf32, #tpu.memory_space<vmem_shared>> -> memref<10112x64xf32, #tpu.memory_space<vmem_shared>>
        tpu.wait_indirect_dma semaphore(%arg47 : memref<!tpu.dma_semaphore, #tpu.memory_space<semaphore_mem>>) src(%arg20 : memref<80x64xf32, #tpu.memory_space<vmem>>) dst(%dma_wait3A_311 : memref<10112x64xf32, #tpu.memory_space<vmem_shared>>)
      } else {
      }
      %add3A_285 = arith.constant 10 : i32
      %add3A_286 = arith.addi %mul3A_35, %add3A_285 : i32
      %lt3A_287 = arith.constant 125 : i32
      %lt3A_288 = arith.cmpi slt, %add3A_286, %lt3A_287 : i32
      %convert_element_type3A_289 = arith.extui %lt3A_288 : i1 to i32
      %cond3A_290 = arith.constant 0 : i32
      %cond3A_291 = arith.cmpi ne, %convert_element_type3A_289, %cond3A_290 : i32
      scf.if %cond3A_291 {
        %dma_wait3A = arith.constant 0 : i32
        %dma_wait3A_306 = arith.constant 0 : i32
        %dma_wait3A_307 = tpu.memref_slice %arg10[%dma_wait3A, %dma_wait3A_306] : memref<125x80xi32, #tpu.memory_space<vmem>> -> memref<1x80xi32, #tpu.memory_space<vmem>>
        %dma_wait3A_308 = tpu.memref_squeeze %dma_wait3A_307 : memref<1x80xi32, #tpu.memory_space<vmem>> -> memref<80xi32, #tpu.memory_space<vmem>>
        %dma_wait3A_309 = arith.constant 0 : i32
        %dma_wait3A_310 = arith.constant 0 : i32
        %dma_wait3A_311 = tpu.memref_slice %arg24[%dma_wait3A_309, %dma_wait3A_310] : memref<10112x64xf32, #tpu.memory_space<vmem_shared>> -> memref<10112x64xf32, #tpu.memory_space<vmem_shared>>
        tpu.wait_indirect_dma semaphore(%arg48 : memref<!tpu.dma_semaphore, #tpu.memory_space<semaphore_mem>>) src(%arg21 : memref<80x64xf32, #tpu.memory_space<vmem>>) dst(%dma_wait3A_311 : memref<10112x64xf32, #tpu.memory_space<vmem_shared>>)
      } else {
      }
      %add3A_292 = arith.constant 11 : i32
      %add3A_293 = arith.addi %mul3A_35, %add3A_292 : i32
      %lt3A_294 = arith.constant 125 : i32
      %lt3A_295 = arith.cmpi slt, %add3A_293, %lt3A_294 : i32
      %convert_element_type3A_296 = arith.extui %lt3A_295 : i1 to i32
      %cond3A_297 = arith.constant 0 : i32
      %cond3A_298 = arith.cmpi ne, %convert_element_type3A_296, %cond3A_297 : i32
      scf.if %cond3A_298 {
        %dma_wait3A = arith.constant 0 : i32
        %dma_wait3A_306 = arith.constant 0 : i32
        %dma_wait3A_307 = tpu.memref_slice %arg10[%dma_wait3A, %dma_wait3A_306] : memref<125x80xi32, #tpu.memory_space<vmem>> -> memref<1x80xi32, #tpu.memory_space<vmem>>
        %dma_wait3A_308 = tpu.memref_squeeze %dma_wait3A_307 : memref<1x80xi32, #tpu.memory_space<vmem>> -> memref<80xi32, #tpu.memory_space<vmem>>
        %dma_wait3A_309 = arith.constant 0 : i32
        %dma_wait3A_310 = arith.constant 0 : i32
        %dma_wait3A_311 = tpu.memref_slice %arg24[%dma_wait3A_309, %dma_wait3A_310] : memref<10112x64xf32, #tpu.memory_space<vmem_shared>> -> memref<10112x64xf32, #tpu.memory_space<vmem_shared>>
        tpu.wait_indirect_dma semaphore(%arg49 : memref<!tpu.dma_semaphore, #tpu.memory_space<semaphore_mem>>) src(%arg22 : memref<80x64xf32, #tpu.memory_space<vmem>>) dst(%dma_wait3A_311 : memref<10112x64xf32, #tpu.memory_space<vmem_shared>>)
      } else {
      }
      %add3A_299 = arith.constant 12 : i32
      %add3A_300 = arith.addi %mul3A_35, %add3A_299 : i32
      %lt3A_301 = arith.constant 125 : i32
      %lt3A_302 = arith.cmpi slt, %add3A_300, %lt3A_301 : i32
      %convert_element_type3A_303 = arith.extui %lt3A_302 : i1 to i32
      %cond3A_304 = arith.constant 0 : i32
      %cond3A_305 = arith.cmpi ne, %convert_element_type3A_303, %cond3A_304 : i32
      scf.if %cond3A_305 {
        %dma_wait3A = arith.constant 0 : i32
        %dma_wait3A_306 = arith.constant 0 : i32
        %dma_wait3A_307 = tpu.memref_slice %arg10[%dma_wait3A, %dma_wait3A_306] : memref<125x80xi32, #tpu.memory_space<vmem>> -> memref<1x80xi32, #tpu.memory_space<vmem>>
        %dma_wait3A_308 = tpu.memref_squeeze %dma_wait3A_307 : memref<1x80xi32, #tpu.memory_space<vmem>> -> memref<80xi32, #tpu.memory_space<vmem>>
        %dma_wait3A_309 = arith.constant 0 : i32
        %dma_wait3A_310 = arith.constant 0 : i32
        %dma_wait3A_311 = tpu.memref_slice %arg24[%dma_wait3A_309, %dma_wait3A_310] : memref<10112x64xf32, #tpu.memory_space<vmem_shared>> -> memref<10112x64xf32, #tpu.memory_space<vmem_shared>>
        tpu.wait_indirect_dma semaphore(%arg50 : memref<!tpu.dma_semaphore, #tpu.memory_space<semaphore_mem>>) src(%arg23 : memref<80x64xf32, #tpu.memory_space<vmem>>) dst(%dma_wait3A_311 : memref<10112x64xf32, #tpu.memory_space<vmem_shared>>)
      } else {
      }
    }
    %scan3A_9 = arith.constant 10 : i32
    %barrier3A_10 = arith.constant 0 : index
    tpu.barrier barrier_id(%barrier3A_10)
    %mul3A_11 = arith.constant 632 : i32
    %mul3A_12 = arith.muli %arg1, %mul3A_11 : i32
    %mul3A_13 = arith.constant 632 : i32
    %mul3A_14 = arith.muli %arg1, %mul3A_13 : i32
    "tpu.region"() ({
      %run_scoped3A = tpu.sem_alloc : memref<!tpu.dma_semaphore, #tpu.memory_space<semaphore_mem>>
      %dma_start3A = arith.constant 0 : i32
      %dma_start3A_33 = tpu.memref_slice %arg7[%arg0, %mul3A_14, %dma_start3A] : memref<2x10112x64xf32, #tpu.memory_space<hbm>> -> memref<1x632x64xf32, #tpu.memory_space<hbm>>
      %dma_start3A_34 = tpu.memref_squeeze %dma_start3A_33 : memref<1x632x64xf32, #tpu.memory_space<hbm>> -> memref<632x64xf32, #tpu.memory_space<hbm>>
      %dma_start3A_35 = arith.constant 0 : i32
      %dma_start3A_36 = tpu.memref_slice %arg24[%mul3A_12, %dma_start3A_35] : memref<10112x64xf32, #tpu.memory_space<vmem_shared>> -> memref<632x64xf32, #tpu.memory_space<vmem_shared>>
      tpu.enqueue_dma source(%dma_start3A_36 : memref<632x64xf32, #tpu.memory_space<vmem_shared>>) target(%dma_start3A_34 : memref<632x64xf32, #tpu.memory_space<hbm>>) target_semaphore(%run_scoped3A : memref<!tpu.dma_semaphore, #tpu.memory_space<semaphore_mem>>)
      %dma_wait3A = arith.constant 0 : i32
      %dma_wait3A_37 = tpu.memref_slice %arg7[%arg0, %mul3A_14, %dma_wait3A] : memref<2x10112x64xf32, #tpu.memory_space<hbm>> -> memref<1x632x64xf32, #tpu.memory_space<hbm>>
      %dma_wait3A_38 = tpu.memref_squeeze %dma_wait3A_37 : memref<1x632x64xf32, #tpu.memory_space<hbm>> -> memref<632x64xf32, #tpu.memory_space<hbm>>
      %dma_wait3A_39 = arith.constant 0 : i32
      %dma_wait3A_40 = tpu.memref_slice %arg24[%mul3A_12, %dma_wait3A_39] : memref<10112x64xf32, #tpu.memory_space<vmem_shared>> -> memref<632x64xf32, #tpu.memory_space<vmem_shared>>
      tpu.wait_dma2 semaphore(%run_scoped3A : memref<!tpu.dma_semaphore, #tpu.memory_space<semaphore_mem>>) src(%dma_wait3A_40 : memref<632x64xf32, #tpu.memory_space<vmem_shared>>) dst(%dma_wait3A_38 : memref<632x64xf32, #tpu.memory_space<hbm>>)
      tpu.yield
    }) : () -> ()
    %barrier3A_15 = arith.constant 0 : index
    tpu.barrier barrier_id(%barrier3A_15)
    %mul3A_16 = arith.constant 632 : i32
    %mul3A_17 = arith.muli %arg1, %mul3A_16 : i32
    %mul3A_18 = arith.constant 632 : i32
    %mul3A_19 = arith.muli %arg1, %mul3A_18 : i32
    "tpu.region"() ({
      %run_scoped3A = tpu.sem_alloc : memref<!tpu.dma_semaphore, #tpu.memory_space<semaphore_mem>>
      %dma_start3A = arith.constant 0 : i32
      %dma_start3A_33 = tpu.memref_slice %arg24[%mul3A_19, %dma_start3A] : memref<10112x64xf32, #tpu.memory_space<vmem_shared>> -> memref<632x64xf32, #tpu.memory_space<vmem_shared>>
      %dma_start3A_34 = arith.constant 0 : i32
      %dma_start3A_35 = tpu.memref_slice %arg6[%mul3A_17, %dma_start3A_34] : memref<10112x64xf32, #tpu.memory_space<hbm>> -> memref<632x64xf32, #tpu.memory_space<hbm>>
      tpu.enqueue_dma source(%dma_start3A_35 : memref<632x64xf32, #tpu.memory_space<hbm>>) target(%dma_start3A_33 : memref<632x64xf32, #tpu.memory_space<vmem_shared>>) target_semaphore(%run_scoped3A : memref<!tpu.dma_semaphore, #tpu.memory_space<semaphore_mem>>)
      %dma_wait3A = arith.constant 0 : i32
      %dma_wait3A_36 = tpu.memref_slice %arg24[%mul3A_19, %dma_wait3A] : memref<10112x64xf32, #tpu.memory_space<vmem_shared>> -> memref<632x64xf32, #tpu.memory_space<vmem_shared>>
      %dma_wait3A_37 = arith.constant 0 : i32
      %dma_wait3A_38 = tpu.memref_slice %arg6[%mul3A_17, %dma_wait3A_37] : memref<10112x64xf32, #tpu.memory_space<hbm>> -> memref<632x64xf32, #tpu.memory_space<hbm>>
      tpu.wait_dma2 semaphore(%run_scoped3A : memref<!tpu.dma_semaphore, #tpu.memory_space<semaphore_mem>>) src(%dma_wait3A_38 : memref<632x64xf32, #tpu.memory_space<hbm>>) dst(%dma_wait3A_36 : memref<632x64xf32, #tpu.memory_space<vmem_shared>>)
      tpu.yield
    }) : () -> ()
    %barrier3A_20 = arith.constant 0 : index
    tpu.barrier barrier_id(%barrier3A_20)
    %scan3A_21 = arith.constant 0 : i32
    %scan3A_22 = arith.constant 0 : i32
    %scan3A_23 = arith.constant 10 : i32
    %scan3A_24 = arith.addi %scan3A_22, %scan3A_23 : i32
    %scan3A_25 = arith.constant 1 : i32
    scf.for %scan3A_33 = %scan3A_22 to %scan3A_24 step %scan3A_25  : i32 {
      %mul3A_34 = arith.constant 13 : i32
      %mul3A_35 = arith.muli %scan3A_33, %mul3A_34 : i32
      %add3A_36 = arith.constant 0 : i32
      %add3A_37 = arith.addi %mul3A_35, %add3A_36 : i32
      %lt3A = arith.constant 125 : i32
      %lt3A_38 = arith.cmpi slt, %add3A_37, %lt3A : i32
      %convert_element_type3A = arith.extui %lt3A_38 : i1 to i32
      %cond3A = arith.constant 0 : i32
      %cond3A_39 = arith.cmpi ne, %convert_element_type3A, %cond3A : i32
      scf.if %cond3A_39 {
        %add3A_306 = arith.constant 0 : i32
        %add3A_307 = arith.addi %mul3A_35, %add3A_306 : i32
        %dma_start3A = arith.constant 0 : i32
        %dma_start3A_308 = tpu.memref_slice %arg9[%add3A_307, %dma_start3A] : memref<125x80xi32, #tpu.memory_space<vmem>> -> memref<1x80xi32, #tpu.memory_space<vmem>>
        %dma_start3A_309 = tpu.memref_squeeze %dma_start3A_308 : memref<1x80xi32, #tpu.memory_space<vmem>> -> memref<80xi32, #tpu.memory_space<vmem>>
        %dma_start3A_310 = arith.constant 0 : i32
        %dma_start3A_311 = arith.constant 0 : i32
        %dma_start3A_312 = tpu.memref_slice %arg3[%dma_start3A_310, %dma_start3A_311] : memref<10000x64xf32, #tpu.memory_space<hbm>> -> memref<10000x64xf32, #tpu.memory_space<hbm>>
        tpu.enqueue_indirect_dma source(%dma_start3A_312 : memref<10000x64xf32, #tpu.memory_space<hbm>>) target(%arg11 : memref<80x64xf32, #tpu.memory_space<vmem>>) offsets(%dma_start3A_309 : memref<80xi32, #tpu.memory_space<vmem>>) semaphore(%arg25 : memref<!tpu.dma_semaphore, #tpu.memory_space<semaphore_mem>>)
      } else {
      }
      %add3A_40 = arith.constant 1 : i32
      %add3A_41 = arith.addi %mul3A_35, %add3A_40 : i32
      %lt3A_42 = arith.constant 125 : i32
      %lt3A_43 = arith.cmpi slt, %add3A_41, %lt3A_42 : i32
      %convert_element_type3A_44 = arith.extui %lt3A_43 : i1 to i32
      %cond3A_45 = arith.constant 0 : i32
      %cond3A_46 = arith.cmpi ne, %convert_element_type3A_44, %cond3A_45 : i32
      scf.if %cond3A_46 {
        %add3A_306 = arith.constant 1 : i32
        %add3A_307 = arith.addi %mul3A_35, %add3A_306 : i32
        %dma_start3A = arith.constant 0 : i32
        %dma_start3A_308 = tpu.memref_slice %arg9[%add3A_307, %dma_start3A] : memref<125x80xi32, #tpu.memory_space<vmem>> -> memref<1x80xi32, #tpu.memory_space<vmem>>
        %dma_start3A_309 = tpu.memref_squeeze %dma_start3A_308 : memref<1x80xi32, #tpu.memory_space<vmem>> -> memref<80xi32, #tpu.memory_space<vmem>>
        %dma_start3A_310 = arith.constant 0 : i32
        %dma_start3A_311 = arith.constant 0 : i32
        %dma_start3A_312 = tpu.memref_slice %arg3[%dma_start3A_310, %dma_start3A_311] : memref<10000x64xf32, #tpu.memory_space<hbm>> -> memref<10000x64xf32, #tpu.memory_space<hbm>>
        tpu.enqueue_indirect_dma source(%dma_start3A_312 : memref<10000x64xf32, #tpu.memory_space<hbm>>) target(%arg12 : memref<80x64xf32, #tpu.memory_space<vmem>>) offsets(%dma_start3A_309 : memref<80xi32, #tpu.memory_space<vmem>>) semaphore(%arg26 : memref<!tpu.dma_semaphore, #tpu.memory_space<semaphore_mem>>)
      } else {
      }
      %add3A_47 = arith.constant 2 : i32
      %add3A_48 = arith.addi %mul3A_35, %add3A_47 : i32
      %lt3A_49 = arith.constant 125 : i32
      %lt3A_50 = arith.cmpi slt, %add3A_48, %lt3A_49 : i32
      %convert_element_type3A_51 = arith.extui %lt3A_50 : i1 to i32
      %cond3A_52 = arith.constant 0 : i32
      %cond3A_53 = arith.cmpi ne, %convert_element_type3A_51, %cond3A_52 : i32
      scf.if %cond3A_53 {
        %add3A_306 = arith.constant 2 : i32
        %add3A_307 = arith.addi %mul3A_35, %add3A_306 : i32
        %dma_start3A = arith.constant 0 : i32
        %dma_start3A_308 = tpu.memref_slice %arg9[%add3A_307, %dma_start3A] : memref<125x80xi32, #tpu.memory_space<vmem>> -> memref<1x80xi32, #tpu.memory_space<vmem>>
        %dma_start3A_309 = tpu.memref_squeeze %dma_start3A_308 : memref<1x80xi32, #tpu.memory_space<vmem>> -> memref<80xi32, #tpu.memory_space<vmem>>
        %dma_start3A_310 = arith.constant 0 : i32
        %dma_start3A_311 = arith.constant 0 : i32
        %dma_start3A_312 = tpu.memref_slice %arg3[%dma_start3A_310, %dma_start3A_311] : memref<10000x64xf32, #tpu.memory_space<hbm>> -> memref<10000x64xf32, #tpu.memory_space<hbm>>
        tpu.enqueue_indirect_dma source(%dma_start3A_312 : memref<10000x64xf32, #tpu.memory_space<hbm>>) target(%arg13 : memref<80x64xf32, #tpu.memory_space<vmem>>) offsets(%dma_start3A_309 : memref<80xi32, #tpu.memory_space<vmem>>) semaphore(%arg27 : memref<!tpu.dma_semaphore, #tpu.memory_space<semaphore_mem>>)
      } else {
      }
      %add3A_54 = arith.constant 3 : i32
      %add3A_55 = arith.addi %mul3A_35, %add3A_54 : i32
      %lt3A_56 = arith.constant 125 : i32
      %lt3A_57 = arith.cmpi slt, %add3A_55, %lt3A_56 : i32
      %convert_element_type3A_58 = arith.extui %lt3A_57 : i1 to i32
      %cond3A_59 = arith.constant 0 : i32
      %cond3A_60 = arith.cmpi ne, %convert_element_type3A_58, %cond3A_59 : i32
      scf.if %cond3A_60 {
        %add3A_306 = arith.constant 3 : i32
        %add3A_307 = arith.addi %mul3A_35, %add3A_306 : i32
        %dma_start3A = arith.constant 0 : i32
        %dma_start3A_308 = tpu.memref_slice %arg9[%add3A_307, %dma_start3A] : memref<125x80xi32, #tpu.memory_space<vmem>> -> memref<1x80xi32, #tpu.memory_space<vmem>>
        %dma_start3A_309 = tpu.memref_squeeze %dma_start3A_308 : memref<1x80xi32, #tpu.memory_space<vmem>> -> memref<80xi32, #tpu.memory_space<vmem>>
        %dma_start3A_310 = arith.constant 0 : i32
        %dma_start3A_311 = arith.constant 0 : i32
        %dma_start3A_312 = tpu.memref_slice %arg3[%dma_start3A_310, %dma_start3A_311] : memref<10000x64xf32, #tpu.memory_space<hbm>> -> memref<10000x64xf32, #tpu.memory_space<hbm>>
        tpu.enqueue_indirect_dma source(%dma_start3A_312 : memref<10000x64xf32, #tpu.memory_space<hbm>>) target(%arg14 : memref<80x64xf32, #tpu.memory_space<vmem>>) offsets(%dma_start3A_309 : memref<80xi32, #tpu.memory_space<vmem>>) semaphore(%arg28 : memref<!tpu.dma_semaphore, #tpu.memory_space<semaphore_mem>>)
      } else {
      }
      %add3A_61 = arith.constant 4 : i32
      %add3A_62 = arith.addi %mul3A_35, %add3A_61 : i32
      %lt3A_63 = arith.constant 125 : i32
      %lt3A_64 = arith.cmpi slt, %add3A_62, %lt3A_63 : i32
      %convert_element_type3A_65 = arith.extui %lt3A_64 : i1 to i32
      %cond3A_66 = arith.constant 0 : i32
      %cond3A_67 = arith.cmpi ne, %convert_element_type3A_65, %cond3A_66 : i32
      scf.if %cond3A_67 {
        %add3A_306 = arith.constant 4 : i32
        %add3A_307 = arith.addi %mul3A_35, %add3A_306 : i32
        %dma_start3A = arith.constant 0 : i32
        %dma_start3A_308 = tpu.memref_slice %arg9[%add3A_307, %dma_start3A] : memref<125x80xi32, #tpu.memory_space<vmem>> -> memref<1x80xi32, #tpu.memory_space<vmem>>
        %dma_start3A_309 = tpu.memref_squeeze %dma_start3A_308 : memref<1x80xi32, #tpu.memory_space<vmem>> -> memref<80xi32, #tpu.memory_space<vmem>>
        %dma_start3A_310 = arith.constant 0 : i32
        %dma_start3A_311 = arith.constant 0 : i32
        %dma_start3A_312 = tpu.memref_slice %arg3[%dma_start3A_310, %dma_start3A_311] : memref<10000x64xf32, #tpu.memory_space<hbm>> -> memref<10000x64xf32, #tpu.memory_space<hbm>>
        tpu.enqueue_indirect_dma source(%dma_start3A_312 : memref<10000x64xf32, #tpu.memory_space<hbm>>) target(%arg15 : memref<80x64xf32, #tpu.memory_space<vmem>>) offsets(%dma_start3A_309 : memref<80xi32, #tpu.memory_space<vmem>>) semaphore(%arg29 : memref<!tpu.dma_semaphore, #tpu.memory_space<semaphore_mem>>)
      } else {
      }
      %add3A_68 = arith.constant 5 : i32
      %add3A_69 = arith.addi %mul3A_35, %add3A_68 : i32
      %lt3A_70 = arith.constant 125 : i32
      %lt3A_71 = arith.cmpi slt, %add3A_69, %lt3A_70 : i32
      %convert_element_type3A_72 = arith.extui %lt3A_71 : i1 to i32
      %cond3A_73 = arith.constant 0 : i32
      %cond3A_74 = arith.cmpi ne, %convert_element_type3A_72, %cond3A_73 : i32
      scf.if %cond3A_74 {
        %add3A_306 = arith.constant 5 : i32
        %add3A_307 = arith.addi %mul3A_35, %add3A_306 : i32
        %dma_start3A = arith.constant 0 : i32
        %dma_start3A_308 = tpu.memref_slice %arg9[%add3A_307, %dma_start3A] : memref<125x80xi32, #tpu.memory_space<vmem>> -> memref<1x80xi32, #tpu.memory_space<vmem>>
        %dma_start3A_309 = tpu.memref_squeeze %dma_start3A_308 : memref<1x80xi32, #tpu.memory_space<vmem>> -> memref<80xi32, #tpu.memory_space<vmem>>
        %dma_start3A_310 = arith.constant 0 : i32
        %dma_start3A_311 = arith.constant 0 : i32
        %dma_start3A_312 = tpu.memref_slice %arg3[%dma_start3A_310, %dma_start3A_311] : memref<10000x64xf32, #tpu.memory_space<hbm>> -> memref<10000x64xf32, #tpu.memory_space<hbm>>
        tpu.enqueue_indirect_dma source(%dma_start3A_312 : memref<10000x64xf32, #tpu.memory_space<hbm>>) target(%arg16 : memref<80x64xf32, #tpu.memory_space<vmem>>) offsets(%dma_start3A_309 : memref<80xi32, #tpu.memory_space<vmem>>) semaphore(%arg30 : memref<!tpu.dma_semaphore, #tpu.memory_space<semaphore_mem>>)
      } else {
      }
      %add3A_75 = arith.constant 6 : i32
      %add3A_76 = arith.addi %mul3A_35, %add3A_75 : i32
      %lt3A_77 = arith.constant 125 : i32
      %lt3A_78 = arith.cmpi slt, %add3A_76, %lt3A_77 : i32
      %convert_element_type3A_79 = arith.extui %lt3A_78 : i1 to i32
      %cond3A_80 = arith.constant 0 : i32
      %cond3A_81 = arith.cmpi ne, %convert_element_type3A_79, %cond3A_80 : i32
      scf.if %cond3A_81 {
        %add3A_306 = arith.constant 6 : i32
        %add3A_307 = arith.addi %mul3A_35, %add3A_306 : i32
        %dma_start3A = arith.constant 0 : i32
        %dma_start3A_308 = tpu.memref_slice %arg9[%add3A_307, %dma_start3A] : memref<125x80xi32, #tpu.memory_space<vmem>> -> memref<1x80xi32, #tpu.memory_space<vmem>>
        %dma_start3A_309 = tpu.memref_squeeze %dma_start3A_308 : memref<1x80xi32, #tpu.memory_space<vmem>> -> memref<80xi32, #tpu.memory_space<vmem>>
        %dma_start3A_310 = arith.constant 0 : i32
        %dma_start3A_311 = arith.constant 0 : i32
        %dma_start3A_312 = tpu.memref_slice %arg3[%dma_start3A_310, %dma_start3A_311] : memref<10000x64xf32, #tpu.memory_space<hbm>> -> memref<10000x64xf32, #tpu.memory_space<hbm>>
        tpu.enqueue_indirect_dma source(%dma_start3A_312 : memref<10000x64xf32, #tpu.memory_space<hbm>>) target(%arg17 : memref<80x64xf32, #tpu.memory_space<vmem>>) offsets(%dma_start3A_309 : memref<80xi32, #tpu.memory_space<vmem>>) semaphore(%arg31 : memref<!tpu.dma_semaphore, #tpu.memory_space<semaphore_mem>>)
      } else {
      }
      %add3A_82 = arith.constant 7 : i32
      %add3A_83 = arith.addi %mul3A_35, %add3A_82 : i32
      %lt3A_84 = arith.constant 125 : i32
      %lt3A_85 = arith.cmpi slt, %add3A_83, %lt3A_84 : i32
      %convert_element_type3A_86 = arith.extui %lt3A_85 : i1 to i32
      %cond3A_87 = arith.constant 0 : i32
      %cond3A_88 = arith.cmpi ne, %convert_element_type3A_86, %cond3A_87 : i32
      scf.if %cond3A_88 {
        %add3A_306 = arith.constant 7 : i32
        %add3A_307 = arith.addi %mul3A_35, %add3A_306 : i32
        %dma_start3A = arith.constant 0 : i32
        %dma_start3A_308 = tpu.memref_slice %arg9[%add3A_307, %dma_start3A] : memref<125x80xi32, #tpu.memory_space<vmem>> -> memref<1x80xi32, #tpu.memory_space<vmem>>
        %dma_start3A_309 = tpu.memref_squeeze %dma_start3A_308 : memref<1x80xi32, #tpu.memory_space<vmem>> -> memref<80xi32, #tpu.memory_space<vmem>>
        %dma_start3A_310 = arith.constant 0 : i32
        %dma_start3A_311 = arith.constant 0 : i32
        %dma_start3A_312 = tpu.memref_slice %arg3[%dma_start3A_310, %dma_start3A_311] : memref<10000x64xf32, #tpu.memory_space<hbm>> -> memref<10000x64xf32, #tpu.memory_space<hbm>>
        tpu.enqueue_indirect_dma source(%dma_start3A_312 : memref<10000x64xf32, #tpu.memory_space<hbm>>) target(%arg18 : memref<80x64xf32, #tpu.memory_space<vmem>>) offsets(%dma_start3A_309 : memref<80xi32, #tpu.memory_space<vmem>>) semaphore(%arg32 : memref<!tpu.dma_semaphore, #tpu.memory_space<semaphore_mem>>)
      } else {
      }
      %add3A_89 = arith.constant 8 : i32
      %add3A_90 = arith.addi %mul3A_35, %add3A_89 : i32
      %lt3A_91 = arith.constant 125 : i32
      %lt3A_92 = arith.cmpi slt, %add3A_90, %lt3A_91 : i32
      %convert_element_type3A_93 = arith.extui %lt3A_92 : i1 to i32
      %cond3A_94 = arith.constant 0 : i32
      %cond3A_95 = arith.cmpi ne, %convert_element_type3A_93, %cond3A_94 : i32
      scf.if %cond3A_95 {
        %add3A_306 = arith.constant 8 : i32
        %add3A_307 = arith.addi %mul3A_35, %add3A_306 : i32
        %dma_start3A = arith.constant 0 : i32
        %dma_start3A_308 = tpu.memref_slice %arg9[%add3A_307, %dma_start3A] : memref<125x80xi32, #tpu.memory_space<vmem>> -> memref<1x80xi32, #tpu.memory_space<vmem>>
        %dma_start3A_309 = tpu.memref_squeeze %dma_start3A_308 : memref<1x80xi32, #tpu.memory_space<vmem>> -> memref<80xi32, #tpu.memory_space<vmem>>
        %dma_start3A_310 = arith.constant 0 : i32
        %dma_start3A_311 = arith.constant 0 : i32
        %dma_start3A_312 = tpu.memref_slice %arg3[%dma_start3A_310, %dma_start3A_311] : memref<10000x64xf32, #tpu.memory_space<hbm>> -> memref<10000x64xf32, #tpu.memory_space<hbm>>
        tpu.enqueue_indirect_dma source(%dma_start3A_312 : memref<10000x64xf32, #tpu.memory_space<hbm>>) target(%arg19 : memref<80x64xf32, #tpu.memory_space<vmem>>) offsets(%dma_start3A_309 : memref<80xi32, #tpu.memory_space<vmem>>) semaphore(%arg33 : memref<!tpu.dma_semaphore, #tpu.memory_space<semaphore_mem>>)
      } else {
      }
      %add3A_96 = arith.constant 9 : i32
      %add3A_97 = arith.addi %mul3A_35, %add3A_96 : i32
      %lt3A_98 = arith.constant 125 : i32
      %lt3A_99 = arith.cmpi slt, %add3A_97, %lt3A_98 : i32
      %convert_element_type3A_100 = arith.extui %lt3A_99 : i1 to i32
      %cond3A_101 = arith.constant 0 : i32
      %cond3A_102 = arith.cmpi ne, %convert_element_type3A_100, %cond3A_101 : i32
      scf.if %cond3A_102 {
        %add3A_306 = arith.constant 9 : i32
        %add3A_307 = arith.addi %mul3A_35, %add3A_306 : i32
        %dma_start3A = arith.constant 0 : i32
        %dma_start3A_308 = tpu.memref_slice %arg9[%add3A_307, %dma_start3A] : memref<125x80xi32, #tpu.memory_space<vmem>> -> memref<1x80xi32, #tpu.memory_space<vmem>>
        %dma_start3A_309 = tpu.memref_squeeze %dma_start3A_308 : memref<1x80xi32, #tpu.memory_space<vmem>> -> memref<80xi32, #tpu.memory_space<vmem>>
        %dma_start3A_310 = arith.constant 0 : i32
        %dma_start3A_311 = arith.constant 0 : i32
        %dma_start3A_312 = tpu.memref_slice %arg3[%dma_start3A_310, %dma_start3A_311] : memref<10000x64xf32, #tpu.memory_space<hbm>> -> memref<10000x64xf32, #tpu.memory_space<hbm>>
        tpu.enqueue_indirect_dma source(%dma_start3A_312 : memref<10000x64xf32, #tpu.memory_space<hbm>>) target(%arg20 : memref<80x64xf32, #tpu.memory_space<vmem>>) offsets(%dma_start3A_309 : memref<80xi32, #tpu.memory_space<vmem>>) semaphore(%arg34 : memref<!tpu.dma_semaphore, #tpu.memory_space<semaphore_mem>>)
      } else {
      }
      %add3A_103 = arith.constant 10 : i32
      %add3A_104 = arith.addi %mul3A_35, %add3A_103 : i32
      %lt3A_105 = arith.constant 125 : i32
      %lt3A_106 = arith.cmpi slt, %add3A_104, %lt3A_105 : i32
      %convert_element_type3A_107 = arith.extui %lt3A_106 : i1 to i32
      %cond3A_108 = arith.constant 0 : i32
      %cond3A_109 = arith.cmpi ne, %convert_element_type3A_107, %cond3A_108 : i32
      scf.if %cond3A_109 {
        %add3A_306 = arith.constant 10 : i32
        %add3A_307 = arith.addi %mul3A_35, %add3A_306 : i32
        %dma_start3A = arith.constant 0 : i32
        %dma_start3A_308 = tpu.memref_slice %arg9[%add3A_307, %dma_start3A] : memref<125x80xi32, #tpu.memory_space<vmem>> -> memref<1x80xi32, #tpu.memory_space<vmem>>
        %dma_start3A_309 = tpu.memref_squeeze %dma_start3A_308 : memref<1x80xi32, #tpu.memory_space<vmem>> -> memref<80xi32, #tpu.memory_space<vmem>>
        %dma_start3A_310 = arith.constant 0 : i32
        %dma_start3A_311 = arith.constant 0 : i32
        %dma_start3A_312 = tpu.memref_slice %arg3[%dma_start3A_310, %dma_start3A_311] : memref<10000x64xf32, #tpu.memory_space<hbm>> -> memref<10000x64xf32, #tpu.memory_space<hbm>>
        tpu.enqueue_indirect_dma source(%dma_start3A_312 : memref<10000x64xf32, #tpu.memory_space<hbm>>) target(%arg21 : memref<80x64xf32, #tpu.memory_space<vmem>>) offsets(%dma_start3A_309 : memref<80xi32, #tpu.memory_space<vmem>>) semaphore(%arg35 : memref<!tpu.dma_semaphore, #tpu.memory_space<semaphore_mem>>)
      } else {
      }
      %add3A_110 = arith.constant 11 : i32
      %add3A_111 = arith.addi %mul3A_35, %add3A_110 : i32
      %lt3A_112 = arith.constant 125 : i32
      %lt3A_113 = arith.cmpi slt, %add3A_111, %lt3A_112 : i32
      %convert_element_type3A_114 = arith.extui %lt3A_113 : i1 to i32
      %cond3A_115 = arith.constant 0 : i32
      %cond3A_116 = arith.cmpi ne, %convert_element_type3A_114, %cond3A_115 : i32
      scf.if %cond3A_116 {
        %add3A_306 = arith.constant 11 : i32
        %add3A_307 = arith.addi %mul3A_35, %add3A_306 : i32
        %dma_start3A = arith.constant 0 : i32
        %dma_start3A_308 = tpu.memref_slice %arg9[%add3A_307, %dma_start3A] : memref<125x80xi32, #tpu.memory_space<vmem>> -> memref<1x80xi32, #tpu.memory_space<vmem>>
        %dma_start3A_309 = tpu.memref_squeeze %dma_start3A_308 : memref<1x80xi32, #tpu.memory_space<vmem>> -> memref<80xi32, #tpu.memory_space<vmem>>
        %dma_start3A_310 = arith.constant 0 : i32
        %dma_start3A_311 = arith.constant 0 : i32
        %dma_start3A_312 = tpu.memref_slice %arg3[%dma_start3A_310, %dma_start3A_311] : memref<10000x64xf32, #tpu.memory_space<hbm>> -> memref<10000x64xf32, #tpu.memory_space<hbm>>
        tpu.enqueue_indirect_dma source(%dma_start3A_312 : memref<10000x64xf32, #tpu.memory_space<hbm>>) target(%arg22 : memref<80x64xf32, #tpu.memory_space<vmem>>) offsets(%dma_start3A_309 : memref<80xi32, #tpu.memory_space<vmem>>) semaphore(%arg36 : memref<!tpu.dma_semaphore, #tpu.memory_space<semaphore_mem>>)
      } else {
      }
      %add3A_117 = arith.constant 12 : i32
      %add3A_118 = arith.addi %mul3A_35, %add3A_117 : i32
      %lt3A_119 = arith.constant 125 : i32
      %lt3A_120 = arith.cmpi slt, %add3A_118, %lt3A_119 : i32
      %convert_element_type3A_121 = arith.extui %lt3A_120 : i1 to i32
      %cond3A_122 = arith.constant 0 : i32
      %cond3A_123 = arith.cmpi ne, %convert_element_type3A_121, %cond3A_122 : i32
      scf.if %cond3A_123 {
        %add3A_306 = arith.constant 12 : i32
        %add3A_307 = arith.addi %mul3A_35, %add3A_306 : i32
        %dma_start3A = arith.constant 0 : i32
        %dma_start3A_308 = tpu.memref_slice %arg9[%add3A_307, %dma_start3A] : memref<125x80xi32, #tpu.memory_space<vmem>> -> memref<1x80xi32, #tpu.memory_space<vmem>>
        %dma_start3A_309 = tpu.memref_squeeze %dma_start3A_308 : memref<1x80xi32, #tpu.memory_space<vmem>> -> memref<80xi32, #tpu.memory_space<vmem>>
        %dma_start3A_310 = arith.constant 0 : i32
        %dma_start3A_311 = arith.constant 0 : i32
        %dma_start3A_312 = tpu.memref_slice %arg3[%dma_start3A_310, %dma_start3A_311] : memref<10000x64xf32, #tpu.memory_space<hbm>> -> memref<10000x64xf32, #tpu.memory_space<hbm>>
        tpu.enqueue_indirect_dma source(%dma_start3A_312 : memref<10000x64xf32, #tpu.memory_space<hbm>>) target(%arg23 : memref<80x64xf32, #tpu.memory_space<vmem>>) offsets(%dma_start3A_309 : memref<80xi32, #tpu.memory_space<vmem>>) semaphore(%arg37 : memref<!tpu.dma_semaphore, #tpu.memory_space<semaphore_mem>>)
      } else {
      }
      %add3A_124 = arith.constant 0 : i32
      %add3A_125 = arith.addi %mul3A_35, %add3A_124 : i32
      %lt3A_126 = arith.constant 125 : i32
      %lt3A_127 = arith.cmpi slt, %add3A_125, %lt3A_126 : i32
      %convert_element_type3A_128 = arith.extui %lt3A_127 : i1 to i32
      %cond3A_129 = arith.constant 0 : i32
      %cond3A_130 = arith.cmpi ne, %convert_element_type3A_128, %cond3A_129 : i32
      scf.if %cond3A_130 {
        %dma_wait3A = arith.constant 0 : i32
        %dma_wait3A_306 = arith.constant 0 : i32
        %dma_wait3A_307 = tpu.memref_slice %arg9[%dma_wait3A, %dma_wait3A_306] : memref<125x80xi32, #tpu.memory_space<vmem>> -> memref<1x80xi32, #tpu.memory_space<vmem>>
        %dma_wait3A_308 = tpu.memref_squeeze %dma_wait3A_307 : memref<1x80xi32, #tpu.memory_space<vmem>> -> memref<80xi32, #tpu.memory_space<vmem>>
        %dma_wait3A_309 = arith.constant 0 : i32
        %dma_wait3A_310 = arith.constant 0 : i32
        %dma_wait3A_311 = tpu.memref_slice %arg3[%dma_wait3A_309, %dma_wait3A_310] : memref<10000x64xf32, #tpu.memory_space<hbm>> -> memref<10000x64xf32, #tpu.memory_space<hbm>>
        tpu.wait_indirect_dma semaphore(%arg25 : memref<!tpu.dma_semaphore, #tpu.memory_space<semaphore_mem>>) src(%dma_wait3A_311 : memref<10000x64xf32, #tpu.memory_space<hbm>>) dst(%arg11 : memref<80x64xf32, #tpu.memory_space<vmem>>)
        %add3A_312 = arith.constant 0 : i32
        %add3A_313 = arith.addi %mul3A_35, %add3A_312 : i32
        %dma_start3A = arith.constant 0 : i32
        %dma_start3A_314 = tpu.memref_slice %arg10[%add3A_313, %dma_start3A] : memref<125x80xi32, #tpu.memory_space<vmem>> -> memref<1x80xi32, #tpu.memory_space<vmem>>
        %dma_start3A_315 = tpu.memref_squeeze %dma_start3A_314 : memref<1x80xi32, #tpu.memory_space<vmem>> -> memref<80xi32, #tpu.memory_space<vmem>>
        %dma_start3A_316 = arith.constant 0 : i32
        %dma_start3A_317 = arith.constant 0 : i32
        %dma_start3A_318 = tpu.memref_slice %arg24[%dma_start3A_316, %dma_start3A_317] : memref<10112x64xf32, #tpu.memory_space<vmem_shared>> -> memref<10112x64xf32, #tpu.memory_space<vmem_shared>>
        tpu.enqueue_indirect_dma source(%arg11 : memref<80x64xf32, #tpu.memory_space<vmem>>) target(%dma_start3A_318 : memref<10112x64xf32, #tpu.memory_space<vmem_shared>>) offsets(%dma_start3A_315 : memref<80xi32, #tpu.memory_space<vmem>>) semaphore(%arg38 : memref<!tpu.dma_semaphore, #tpu.memory_space<semaphore_mem>>) {add = true}
      } else {
      }
      %add3A_131 = arith.constant 1 : i32
      %add3A_132 = arith.addi %mul3A_35, %add3A_131 : i32
      %lt3A_133 = arith.constant 125 : i32
      %lt3A_134 = arith.cmpi slt, %add3A_132, %lt3A_133 : i32
      %convert_element_type3A_135 = arith.extui %lt3A_134 : i1 to i32
      %cond3A_136 = arith.constant 0 : i32
      %cond3A_137 = arith.cmpi ne, %convert_element_type3A_135, %cond3A_136 : i32
      scf.if %cond3A_137 {
        %dma_wait3A = arith.constant 0 : i32
        %dma_wait3A_306 = arith.constant 0 : i32
        %dma_wait3A_307 = tpu.memref_slice %arg9[%dma_wait3A, %dma_wait3A_306] : memref<125x80xi32, #tpu.memory_space<vmem>> -> memref<1x80xi32, #tpu.memory_space<vmem>>
        %dma_wait3A_308 = tpu.memref_squeeze %dma_wait3A_307 : memref<1x80xi32, #tpu.memory_space<vmem>> -> memref<80xi32, #tpu.memory_space<vmem>>
        %dma_wait3A_309 = arith.constant 0 : i32
        %dma_wait3A_310 = arith.constant 0 : i32
        %dma_wait3A_311 = tpu.memref_slice %arg3[%dma_wait3A_309, %dma_wait3A_310] : memref<10000x64xf32, #tpu.memory_space<hbm>> -> memref<10000x64xf32, #tpu.memory_space<hbm>>
        tpu.wait_indirect_dma semaphore(%arg26 : memref<!tpu.dma_semaphore, #tpu.memory_space<semaphore_mem>>) src(%dma_wait3A_311 : memref<10000x64xf32, #tpu.memory_space<hbm>>) dst(%arg12 : memref<80x64xf32, #tpu.memory_space<vmem>>)
        %add3A_312 = arith.constant 1 : i32
        %add3A_313 = arith.addi %mul3A_35, %add3A_312 : i32
        %dma_start3A = arith.constant 0 : i32
        %dma_start3A_314 = tpu.memref_slice %arg10[%add3A_313, %dma_start3A] : memref<125x80xi32, #tpu.memory_space<vmem>> -> memref<1x80xi32, #tpu.memory_space<vmem>>
        %dma_start3A_315 = tpu.memref_squeeze %dma_start3A_314 : memref<1x80xi32, #tpu.memory_space<vmem>> -> memref<80xi32, #tpu.memory_space<vmem>>
        %dma_start3A_316 = arith.constant 0 : i32
        %dma_start3A_317 = arith.constant 0 : i32
        %dma_start3A_318 = tpu.memref_slice %arg24[%dma_start3A_316, %dma_start3A_317] : memref<10112x64xf32, #tpu.memory_space<vmem_shared>> -> memref<10112x64xf32, #tpu.memory_space<vmem_shared>>
        tpu.enqueue_indirect_dma source(%arg12 : memref<80x64xf32, #tpu.memory_space<vmem>>) target(%dma_start3A_318 : memref<10112x64xf32, #tpu.memory_space<vmem_shared>>) offsets(%dma_start3A_315 : memref<80xi32, #tpu.memory_space<vmem>>) semaphore(%arg39 : memref<!tpu.dma_semaphore, #tpu.memory_space<semaphore_mem>>) {add = true}
      } else {
      }
      %add3A_138 = arith.constant 2 : i32
      %add3A_139 = arith.addi %mul3A_35, %add3A_138 : i32
      %lt3A_140 = arith.constant 125 : i32
      %lt3A_141 = arith.cmpi slt, %add3A_139, %lt3A_140 : i32
      %convert_element_type3A_142 = arith.extui %lt3A_141 : i1 to i32
      %cond3A_143 = arith.constant 0 : i32
      %cond3A_144 = arith.cmpi ne, %convert_element_type3A_142, %cond3A_143 : i32
      scf.if %cond3A_144 {
        %dma_wait3A = arith.constant 0 : i32
        %dma_wait3A_306 = arith.constant 0 : i32
        %dma_wait3A_307 = tpu.memref_slice %arg9[%dma_wait3A, %dma_wait3A_306] : memref<125x80xi32, #tpu.memory_space<vmem>> -> memref<1x80xi32, #tpu.memory_space<vmem>>
        %dma_wait3A_308 = tpu.memref_squeeze %dma_wait3A_307 : memref<1x80xi32, #tpu.memory_space<vmem>> -> memref<80xi32, #tpu.memory_space<vmem>>
        %dma_wait3A_309 = arith.constant 0 : i32
        %dma_wait3A_310 = arith.constant 0 : i32
        %dma_wait3A_311 = tpu.memref_slice %arg3[%dma_wait3A_309, %dma_wait3A_310] : memref<10000x64xf32, #tpu.memory_space<hbm>> -> memref<10000x64xf32, #tpu.memory_space<hbm>>
        tpu.wait_indirect_dma semaphore(%arg27 : memref<!tpu.dma_semaphore, #tpu.memory_space<semaphore_mem>>) src(%dma_wait3A_311 : memref<10000x64xf32, #tpu.memory_space<hbm>>) dst(%arg13 : memref<80x64xf32, #tpu.memory_space<vmem>>)
        %add3A_312 = arith.constant 2 : i32
        %add3A_313 = arith.addi %mul3A_35, %add3A_312 : i32
        %dma_start3A = arith.constant 0 : i32
        %dma_start3A_314 = tpu.memref_slice %arg10[%add3A_313, %dma_start3A] : memref<125x80xi32, #tpu.memory_space<vmem>> -> memref<1x80xi32, #tpu.memory_space<vmem>>
        %dma_start3A_315 = tpu.memref_squeeze %dma_start3A_314 : memref<1x80xi32, #tpu.memory_space<vmem>> -> memref<80xi32, #tpu.memory_space<vmem>>
        %dma_start3A_316 = arith.constant 0 : i32
        %dma_start3A_317 = arith.constant 0 : i32
        %dma_start3A_318 = tpu.memref_slice %arg24[%dma_start3A_316, %dma_start3A_317] : memref<10112x64xf32, #tpu.memory_space<vmem_shared>> -> memref<10112x64xf32, #tpu.memory_space<vmem_shared>>
        tpu.enqueue_indirect_dma source(%arg13 : memref<80x64xf32, #tpu.memory_space<vmem>>) target(%dma_start3A_318 : memref<10112x64xf32, #tpu.memory_space<vmem_shared>>) offsets(%dma_start3A_315 : memref<80xi32, #tpu.memory_space<vmem>>) semaphore(%arg40 : memref<!tpu.dma_semaphore, #tpu.memory_space<semaphore_mem>>) {add = true}
      } else {
      }
      %add3A_145 = arith.constant 3 : i32
      %add3A_146 = arith.addi %mul3A_35, %add3A_145 : i32
      %lt3A_147 = arith.constant 125 : i32
      %lt3A_148 = arith.cmpi slt, %add3A_146, %lt3A_147 : i32
      %convert_element_type3A_149 = arith.extui %lt3A_148 : i1 to i32
      %cond3A_150 = arith.constant 0 : i32
      %cond3A_151 = arith.cmpi ne, %convert_element_type3A_149, %cond3A_150 : i32
      scf.if %cond3A_151 {
        %dma_wait3A = arith.constant 0 : i32
        %dma_wait3A_306 = arith.constant 0 : i32
        %dma_wait3A_307 = tpu.memref_slice %arg9[%dma_wait3A, %dma_wait3A_306] : memref<125x80xi32, #tpu.memory_space<vmem>> -> memref<1x80xi32, #tpu.memory_space<vmem>>
        %dma_wait3A_308 = tpu.memref_squeeze %dma_wait3A_307 : memref<1x80xi32, #tpu.memory_space<vmem>> -> memref<80xi32, #tpu.memory_space<vmem>>
        %dma_wait3A_309 = arith.constant 0 : i32
        %dma_wait3A_310 = arith.constant 0 : i32
        %dma_wait3A_311 = tpu.memref_slice %arg3[%dma_wait3A_309, %dma_wait3A_310] : memref<10000x64xf32, #tpu.memory_space<hbm>> -> memref<10000x64xf32, #tpu.memory_space<hbm>>
        tpu.wait_indirect_dma semaphore(%arg28 : memref<!tpu.dma_semaphore, #tpu.memory_space<semaphore_mem>>) src(%dma_wait3A_311 : memref<10000x64xf32, #tpu.memory_space<hbm>>) dst(%arg14 : memref<80x64xf32, #tpu.memory_space<vmem>>)
        %add3A_312 = arith.constant 3 : i32
        %add3A_313 = arith.addi %mul3A_35, %add3A_312 : i32
        %dma_start3A = arith.constant 0 : i32
        %dma_start3A_314 = tpu.memref_slice %arg10[%add3A_313, %dma_start3A] : memref<125x80xi32, #tpu.memory_space<vmem>> -> memref<1x80xi32, #tpu.memory_space<vmem>>
        %dma_start3A_315 = tpu.memref_squeeze %dma_start3A_314 : memref<1x80xi32, #tpu.memory_space<vmem>> -> memref<80xi32, #tpu.memory_space<vmem>>
        %dma_start3A_316 = arith.constant 0 : i32
        %dma_start3A_317 = arith.constant 0 : i32
        %dma_start3A_318 = tpu.memref_slice %arg24[%dma_start3A_316, %dma_start3A_317] : memref<10112x64xf32, #tpu.memory_space<vmem_shared>> -> memref<10112x64xf32, #tpu.memory_space<vmem_shared>>
        tpu.enqueue_indirect_dma source(%arg14 : memref<80x64xf32, #tpu.memory_space<vmem>>) target(%dma_start3A_318 : memref<10112x64xf32, #tpu.memory_space<vmem_shared>>) offsets(%dma_start3A_315 : memref<80xi32, #tpu.memory_space<vmem>>) semaphore(%arg41 : memref<!tpu.dma_semaphore, #tpu.memory_space<semaphore_mem>>) {add = true}
      } else {
      }
      %add3A_152 = arith.constant 4 : i32
      %add3A_153 = arith.addi %mul3A_35, %add3A_152 : i32
      %lt3A_154 = arith.constant 125 : i32
      %lt3A_155 = arith.cmpi slt, %add3A_153, %lt3A_154 : i32
      %convert_element_type3A_156 = arith.extui %lt3A_155 : i1 to i32
      %cond3A_157 = arith.constant 0 : i32
      %cond3A_158 = arith.cmpi ne, %convert_element_type3A_156, %cond3A_157 : i32
      scf.if %cond3A_158 {
        %dma_wait3A = arith.constant 0 : i32
        %dma_wait3A_306 = arith.constant 0 : i32
        %dma_wait3A_307 = tpu.memref_slice %arg9[%dma_wait3A, %dma_wait3A_306] : memref<125x80xi32, #tpu.memory_space<vmem>> -> memref<1x80xi32, #tpu.memory_space<vmem>>
        %dma_wait3A_308 = tpu.memref_squeeze %dma_wait3A_307 : memref<1x80xi32, #tpu.memory_space<vmem>> -> memref<80xi32, #tpu.memory_space<vmem>>
        %dma_wait3A_309 = arith.constant 0 : i32
        %dma_wait3A_310 = arith.constant 0 : i32
        %dma_wait3A_311 = tpu.memref_slice %arg3[%dma_wait3A_309, %dma_wait3A_310] : memref<10000x64xf32, #tpu.memory_space<hbm>> -> memref<10000x64xf32, #tpu.memory_space<hbm>>
        tpu.wait_indirect_dma semaphore(%arg29 : memref<!tpu.dma_semaphore, #tpu.memory_space<semaphore_mem>>) src(%dma_wait3A_311 : memref<10000x64xf32, #tpu.memory_space<hbm>>) dst(%arg15 : memref<80x64xf32, #tpu.memory_space<vmem>>)
        %add3A_312 = arith.constant 4 : i32
        %add3A_313 = arith.addi %mul3A_35, %add3A_312 : i32
        %dma_start3A = arith.constant 0 : i32
        %dma_start3A_314 = tpu.memref_slice %arg10[%add3A_313, %dma_start3A] : memref<125x80xi32, #tpu.memory_space<vmem>> -> memref<1x80xi32, #tpu.memory_space<vmem>>
        %dma_start3A_315 = tpu.memref_squeeze %dma_start3A_314 : memref<1x80xi32, #tpu.memory_space<vmem>> -> memref<80xi32, #tpu.memory_space<vmem>>
        %dma_start3A_316 = arith.constant 0 : i32
        %dma_start3A_317 = arith.constant 0 : i32
        %dma_start3A_318 = tpu.memref_slice %arg24[%dma_start3A_316, %dma_start3A_317] : memref<10112x64xf32, #tpu.memory_space<vmem_shared>> -> memref<10112x64xf32, #tpu.memory_space<vmem_shared>>
        tpu.enqueue_indirect_dma source(%arg15 : memref<80x64xf32, #tpu.memory_space<vmem>>) target(%dma_start3A_318 : memref<10112x64xf32, #tpu.memory_space<vmem_shared>>) offsets(%dma_start3A_315 : memref<80xi32, #tpu.memory_space<vmem>>) semaphore(%arg42 : memref<!tpu.dma_semaphore, #tpu.memory_space<semaphore_mem>>) {add = true}
      } else {
      }
      %add3A_159 = arith.constant 5 : i32
      %add3A_160 = arith.addi %mul3A_35, %add3A_159 : i32
      %lt3A_161 = arith.constant 125 : i32
      %lt3A_162 = arith.cmpi slt, %add3A_160, %lt3A_161 : i32
      %convert_element_type3A_163 = arith.extui %lt3A_162 : i1 to i32
      %cond3A_164 = arith.constant 0 : i32
      %cond3A_165 = arith.cmpi ne, %convert_element_type3A_163, %cond3A_164 : i32
      scf.if %cond3A_165 {
        %dma_wait3A = arith.constant 0 : i32
        %dma_wait3A_306 = arith.constant 0 : i32
        %dma_wait3A_307 = tpu.memref_slice %arg9[%dma_wait3A, %dma_wait3A_306] : memref<125x80xi32, #tpu.memory_space<vmem>> -> memref<1x80xi32, #tpu.memory_space<vmem>>
        %dma_wait3A_308 = tpu.memref_squeeze %dma_wait3A_307 : memref<1x80xi32, #tpu.memory_space<vmem>> -> memref<80xi32, #tpu.memory_space<vmem>>
        %dma_wait3A_309 = arith.constant 0 : i32
        %dma_wait3A_310 = arith.constant 0 : i32
        %dma_wait3A_311 = tpu.memref_slice %arg3[%dma_wait3A_309, %dma_wait3A_310] : memref<10000x64xf32, #tpu.memory_space<hbm>> -> memref<10000x64xf32, #tpu.memory_space<hbm>>
        tpu.wait_indirect_dma semaphore(%arg30 : memref<!tpu.dma_semaphore, #tpu.memory_space<semaphore_mem>>) src(%dma_wait3A_311 : memref<10000x64xf32, #tpu.memory_space<hbm>>) dst(%arg16 : memref<80x64xf32, #tpu.memory_space<vmem>>)
        %add3A_312 = arith.constant 5 : i32
        %add3A_313 = arith.addi %mul3A_35, %add3A_312 : i32
        %dma_start3A = arith.constant 0 : i32
        %dma_start3A_314 = tpu.memref_slice %arg10[%add3A_313, %dma_start3A] : memref<125x80xi32, #tpu.memory_space<vmem>> -> memref<1x80xi32, #tpu.memory_space<vmem>>
        %dma_start3A_315 = tpu.memref_squeeze %dma_start3A_314 : memref<1x80xi32, #tpu.memory_space<vmem>> -> memref<80xi32, #tpu.memory_space<vmem>>
        %dma_start3A_316 = arith.constant 0 : i32
        %dma_start3A_317 = arith.constant 0 : i32
        %dma_start3A_318 = tpu.memref_slice %arg24[%dma_start3A_316, %dma_start3A_317] : memref<10112x64xf32, #tpu.memory_space<vmem_shared>> -> memref<10112x64xf32, #tpu.memory_space<vmem_shared>>
        tpu.enqueue_indirect_dma source(%arg16 : memref<80x64xf32, #tpu.memory_space<vmem>>) target(%dma_start3A_318 : memref<10112x64xf32, #tpu.memory_space<vmem_shared>>) offsets(%dma_start3A_315 : memref<80xi32, #tpu.memory_space<vmem>>) semaphore(%arg43 : memref<!tpu.dma_semaphore, #tpu.memory_space<semaphore_mem>>) {add = true}
      } else {
      }
      %add3A_166 = arith.constant 6 : i32
      %add3A_167 = arith.addi %mul3A_35, %add3A_166 : i32
      %lt3A_168 = arith.constant 125 : i32
      %lt3A_169 = arith.cmpi slt, %add3A_167, %lt3A_168 : i32
      %convert_element_type3A_170 = arith.extui %lt3A_169 : i1 to i32
      %cond3A_171 = arith.constant 0 : i32
      %cond3A_172 = arith.cmpi ne, %convert_element_type3A_170, %cond3A_171 : i32
      scf.if %cond3A_172 {
        %dma_wait3A = arith.constant 0 : i32
        %dma_wait3A_306 = arith.constant 0 : i32
        %dma_wait3A_307 = tpu.memref_slice %arg9[%dma_wait3A, %dma_wait3A_306] : memref<125x80xi32, #tpu.memory_space<vmem>> -> memref<1x80xi32, #tpu.memory_space<vmem>>
        %dma_wait3A_308 = tpu.memref_squeeze %dma_wait3A_307 : memref<1x80xi32, #tpu.memory_space<vmem>> -> memref<80xi32, #tpu.memory_space<vmem>>
        %dma_wait3A_309 = arith.constant 0 : i32
        %dma_wait3A_310 = arith.constant 0 : i32
        %dma_wait3A_311 = tpu.memref_slice %arg3[%dma_wait3A_309, %dma_wait3A_310] : memref<10000x64xf32, #tpu.memory_space<hbm>> -> memref<10000x64xf32, #tpu.memory_space<hbm>>
        tpu.wait_indirect_dma semaphore(%arg31 : memref<!tpu.dma_semaphore, #tpu.memory_space<semaphore_mem>>) src(%dma_wait3A_311 : memref<10000x64xf32, #tpu.memory_space<hbm>>) dst(%arg17 : memref<80x64xf32, #tpu.memory_space<vmem>>)
        %add3A_312 = arith.constant 6 : i32
        %add3A_313 = arith.addi %mul3A_35, %add3A_312 : i32
        %dma_start3A = arith.constant 0 : i32
        %dma_start3A_314 = tpu.memref_slice %arg10[%add3A_313, %dma_start3A] : memref<125x80xi32, #tpu.memory_space<vmem>> -> memref<1x80xi32, #tpu.memory_space<vmem>>
        %dma_start3A_315 = tpu.memref_squeeze %dma_start3A_314 : memref<1x80xi32, #tpu.memory_space<vmem>> -> memref<80xi32, #tpu.memory_space<vmem>>
        %dma_start3A_316 = arith.constant 0 : i32
        %dma_start3A_317 = arith.constant 0 : i32
        %dma_start3A_318 = tpu.memref_slice %arg24[%dma_start3A_316, %dma_start3A_317] : memref<10112x64xf32, #tpu.memory_space<vmem_shared>> -> memref<10112x64xf32, #tpu.memory_space<vmem_shared>>
        tpu.enqueue_indirect_dma source(%arg17 : memref<80x64xf32, #tpu.memory_space<vmem>>) target(%dma_start3A_318 : memref<10112x64xf32, #tpu.memory_space<vmem_shared>>) offsets(%dma_start3A_315 : memref<80xi32, #tpu.memory_space<vmem>>) semaphore(%arg44 : memref<!tpu.dma_semaphore, #tpu.memory_space<semaphore_mem>>) {add = true}
      } else {
      }
      %add3A_173 = arith.constant 7 : i32
      %add3A_174 = arith.addi %mul3A_35, %add3A_173 : i32
      %lt3A_175 = arith.constant 125 : i32
      %lt3A_176 = arith.cmpi slt, %add3A_174, %lt3A_175 : i32
      %convert_element_type3A_177 = arith.extui %lt3A_176 : i1 to i32
      %cond3A_178 = arith.constant 0 : i32
      %cond3A_179 = arith.cmpi ne, %convert_element_type3A_177, %cond3A_178 : i32
      scf.if %cond3A_179 {
        %dma_wait3A = arith.constant 0 : i32
        %dma_wait3A_306 = arith.constant 0 : i32
        %dma_wait3A_307 = tpu.memref_slice %arg9[%dma_wait3A, %dma_wait3A_306] : memref<125x80xi32, #tpu.memory_space<vmem>> -> memref<1x80xi32, #tpu.memory_space<vmem>>
        %dma_wait3A_308 = tpu.memref_squeeze %dma_wait3A_307 : memref<1x80xi32, #tpu.memory_space<vmem>> -> memref<80xi32, #tpu.memory_space<vmem>>
        %dma_wait3A_309 = arith.constant 0 : i32
        %dma_wait3A_310 = arith.constant 0 : i32
        %dma_wait3A_311 = tpu.memref_slice %arg3[%dma_wait3A_309, %dma_wait3A_310] : memref<10000x64xf32, #tpu.memory_space<hbm>> -> memref<10000x64xf32, #tpu.memory_space<hbm>>
        tpu.wait_indirect_dma semaphore(%arg32 : memref<!tpu.dma_semaphore, #tpu.memory_space<semaphore_mem>>) src(%dma_wait3A_311 : memref<10000x64xf32, #tpu.memory_space<hbm>>) dst(%arg18 : memref<80x64xf32, #tpu.memory_space<vmem>>)
        %add3A_312 = arith.constant 7 : i32
        %add3A_313 = arith.addi %mul3A_35, %add3A_312 : i32
        %dma_start3A = arith.constant 0 : i32
        %dma_start3A_314 = tpu.memref_slice %arg10[%add3A_313, %dma_start3A] : memref<125x80xi32, #tpu.memory_space<vmem>> -> memref<1x80xi32, #tpu.memory_space<vmem>>
        %dma_start3A_315 = tpu.memref_squeeze %dma_start3A_314 : memref<1x80xi32, #tpu.memory_space<vmem>> -> memref<80xi32, #tpu.memory_space<vmem>>
        %dma_start3A_316 = arith.constant 0 : i32
        %dma_start3A_317 = arith.constant 0 : i32
        %dma_start3A_318 = tpu.memref_slice %arg24[%dma_start3A_316, %dma_start3A_317] : memref<10112x64xf32, #tpu.memory_space<vmem_shared>> -> memref<10112x64xf32, #tpu.memory_space<vmem_shared>>
        tpu.enqueue_indirect_dma source(%arg18 : memref<80x64xf32, #tpu.memory_space<vmem>>) target(%dma_start3A_318 : memref<10112x64xf32, #tpu.memory_space<vmem_shared>>) offsets(%dma_start3A_315 : memref<80xi32, #tpu.memory_space<vmem>>) semaphore(%arg45 : memref<!tpu.dma_semaphore, #tpu.memory_space<semaphore_mem>>) {add = true}
      } else {
      }
      %add3A_180 = arith.constant 8 : i32
      %add3A_181 = arith.addi %mul3A_35, %add3A_180 : i32
      %lt3A_182 = arith.constant 125 : i32
      %lt3A_183 = arith.cmpi slt, %add3A_181, %lt3A_182 : i32
      %convert_element_type3A_184 = arith.extui %lt3A_183 : i1 to i32
      %cond3A_185 = arith.constant 0 : i32
      %cond3A_186 = arith.cmpi ne, %convert_element_type3A_184, %cond3A_185 : i32
      scf.if %cond3A_186 {
        %dma_wait3A = arith.constant 0 : i32
        %dma_wait3A_306 = arith.constant 0 : i32
        %dma_wait3A_307 = tpu.memref_slice %arg9[%dma_wait3A, %dma_wait3A_306] : memref<125x80xi32, #tpu.memory_space<vmem>> -> memref<1x80xi32, #tpu.memory_space<vmem>>
        %dma_wait3A_308 = tpu.memref_squeeze %dma_wait3A_307 : memref<1x80xi32, #tpu.memory_space<vmem>> -> memref<80xi32, #tpu.memory_space<vmem>>
        %dma_wait3A_309 = arith.constant 0 : i32
        %dma_wait3A_310 = arith.constant 0 : i32
        %dma_wait3A_311 = tpu.memref_slice %arg3[%dma_wait3A_309, %dma_wait3A_310] : memref<10000x64xf32, #tpu.memory_space<hbm>> -> memref<10000x64xf32, #tpu.memory_space<hbm>>
        tpu.wait_indirect_dma semaphore(%arg33 : memref<!tpu.dma_semaphore, #tpu.memory_space<semaphore_mem>>) src(%dma_wait3A_311 : memref<10000x64xf32, #tpu.memory_space<hbm>>) dst(%arg19 : memref<80x64xf32, #tpu.memory_space<vmem>>)
        %add3A_312 = arith.constant 8 : i32
        %add3A_313 = arith.addi %mul3A_35, %add3A_312 : i32
        %dma_start3A = arith.constant 0 : i32
        %dma_start3A_314 = tpu.memref_slice %arg10[%add3A_313, %dma_start3A] : memref<125x80xi32, #tpu.memory_space<vmem>> -> memref<1x80xi32, #tpu.memory_space<vmem>>
        %dma_start3A_315 = tpu.memref_squeeze %dma_start3A_314 : memref<1x80xi32, #tpu.memory_space<vmem>> -> memref<80xi32, #tpu.memory_space<vmem>>
        %dma_start3A_316 = arith.constant 0 : i32
        %dma_start3A_317 = arith.constant 0 : i32
        %dma_start3A_318 = tpu.memref_slice %arg24[%dma_start3A_316, %dma_start3A_317] : memref<10112x64xf32, #tpu.memory_space<vmem_shared>> -> memref<10112x64xf32, #tpu.memory_space<vmem_shared>>
        tpu.enqueue_indirect_dma source(%arg19 : memref<80x64xf32, #tpu.memory_space<vmem>>) target(%dma_start3A_318 : memref<10112x64xf32, #tpu.memory_space<vmem_shared>>) offsets(%dma_start3A_315 : memref<80xi32, #tpu.memory_space<vmem>>) semaphore(%arg46 : memref<!tpu.dma_semaphore, #tpu.memory_space<semaphore_mem>>) {add = true}
      } else {
      }
      %add3A_187 = arith.constant 9 : i32
      %add3A_188 = arith.addi %mul3A_35, %add3A_187 : i32
      %lt3A_189 = arith.constant 125 : i32
      %lt3A_190 = arith.cmpi slt, %add3A_188, %lt3A_189 : i32
      %convert_element_type3A_191 = arith.extui %lt3A_190 : i1 to i32
      %cond3A_192 = arith.constant 0 : i32
      %cond3A_193 = arith.cmpi ne, %convert_element_type3A_191, %cond3A_192 : i32
      scf.if %cond3A_193 {
        %dma_wait3A = arith.constant 0 : i32
        %dma_wait3A_306 = arith.constant 0 : i32
        %dma_wait3A_307 = tpu.memref_slice %arg9[%dma_wait3A, %dma_wait3A_306] : memref<125x80xi32, #tpu.memory_space<vmem>> -> memref<1x80xi32, #tpu.memory_space<vmem>>
        %dma_wait3A_308 = tpu.memref_squeeze %dma_wait3A_307 : memref<1x80xi32, #tpu.memory_space<vmem>> -> memref<80xi32, #tpu.memory_space<vmem>>
        %dma_wait3A_309 = arith.constant 0 : i32
        %dma_wait3A_310 = arith.constant 0 : i32
        %dma_wait3A_311 = tpu.memref_slice %arg3[%dma_wait3A_309, %dma_wait3A_310] : memref<10000x64xf32, #tpu.memory_space<hbm>> -> memref<10000x64xf32, #tpu.memory_space<hbm>>
        tpu.wait_indirect_dma semaphore(%arg34 : memref<!tpu.dma_semaphore, #tpu.memory_space<semaphore_mem>>) src(%dma_wait3A_311 : memref<10000x64xf32, #tpu.memory_space<hbm>>) dst(%arg20 : memref<80x64xf32, #tpu.memory_space<vmem>>)
        %add3A_312 = arith.constant 9 : i32
        %add3A_313 = arith.addi %mul3A_35, %add3A_312 : i32
        %dma_start3A = arith.constant 0 : i32
        %dma_start3A_314 = tpu.memref_slice %arg10[%add3A_313, %dma_start3A] : memref<125x80xi32, #tpu.memory_space<vmem>> -> memref<1x80xi32, #tpu.memory_space<vmem>>
        %dma_start3A_315 = tpu.memref_squeeze %dma_start3A_314 : memref<1x80xi32, #tpu.memory_space<vmem>> -> memref<80xi32, #tpu.memory_space<vmem>>
        %dma_start3A_316 = arith.constant 0 : i32
        %dma_start3A_317 = arith.constant 0 : i32
        %dma_start3A_318 = tpu.memref_slice %arg24[%dma_start3A_316, %dma_start3A_317] : memref<10112x64xf32, #tpu.memory_space<vmem_shared>> -> memref<10112x64xf32, #tpu.memory_space<vmem_shared>>
        tpu.enqueue_indirect_dma source(%arg20 : memref<80x64xf32, #tpu.memory_space<vmem>>) target(%dma_start3A_318 : memref<10112x64xf32, #tpu.memory_space<vmem_shared>>) offsets(%dma_start3A_315 : memref<80xi32, #tpu.memory_space<vmem>>) semaphore(%arg47 : memref<!tpu.dma_semaphore, #tpu.memory_space<semaphore_mem>>) {add = true}
      } else {
      }
      %add3A_194 = arith.constant 10 : i32
      %add3A_195 = arith.addi %mul3A_35, %add3A_194 : i32
      %lt3A_196 = arith.constant 125 : i32
      %lt3A_197 = arith.cmpi slt, %add3A_195, %lt3A_196 : i32
      %convert_element_type3A_198 = arith.extui %lt3A_197 : i1 to i32
      %cond3A_199 = arith.constant 0 : i32
      %cond3A_200 = arith.cmpi ne, %convert_element_type3A_198, %cond3A_199 : i32
      scf.if %cond3A_200 {
        %dma_wait3A = arith.constant 0 : i32
        %dma_wait3A_306 = arith.constant 0 : i32
        %dma_wait3A_307 = tpu.memref_slice %arg9[%dma_wait3A, %dma_wait3A_306] : memref<125x80xi32, #tpu.memory_space<vmem>> -> memref<1x80xi32, #tpu.memory_space<vmem>>
        %dma_wait3A_308 = tpu.memref_squeeze %dma_wait3A_307 : memref<1x80xi32, #tpu.memory_space<vmem>> -> memref<80xi32, #tpu.memory_space<vmem>>
        %dma_wait3A_309 = arith.constant 0 : i32
        %dma_wait3A_310 = arith.constant 0 : i32
        %dma_wait3A_311 = tpu.memref_slice %arg3[%dma_wait3A_309, %dma_wait3A_310] : memref<10000x64xf32, #tpu.memory_space<hbm>> -> memref<10000x64xf32, #tpu.memory_space<hbm>>
        tpu.wait_indirect_dma semaphore(%arg35 : memref<!tpu.dma_semaphore, #tpu.memory_space<semaphore_mem>>) src(%dma_wait3A_311 : memref<10000x64xf32, #tpu.memory_space<hbm>>) dst(%arg21 : memref<80x64xf32, #tpu.memory_space<vmem>>)
        %add3A_312 = arith.constant 10 : i32
        %add3A_313 = arith.addi %mul3A_35, %add3A_312 : i32
        %dma_start3A = arith.constant 0 : i32
        %dma_start3A_314 = tpu.memref_slice %arg10[%add3A_313, %dma_start3A] : memref<125x80xi32, #tpu.memory_space<vmem>> -> memref<1x80xi32, #tpu.memory_space<vmem>>
        %dma_start3A_315 = tpu.memref_squeeze %dma_start3A_314 : memref<1x80xi32, #tpu.memory_space<vmem>> -> memref<80xi32, #tpu.memory_space<vmem>>
        %dma_start3A_316 = arith.constant 0 : i32
        %dma_start3A_317 = arith.constant 0 : i32
        %dma_start3A_318 = tpu.memref_slice %arg24[%dma_start3A_316, %dma_start3A_317] : memref<10112x64xf32, #tpu.memory_space<vmem_shared>> -> memref<10112x64xf32, #tpu.memory_space<vmem_shared>>
        tpu.enqueue_indirect_dma source(%arg21 : memref<80x64xf32, #tpu.memory_space<vmem>>) target(%dma_start3A_318 : memref<10112x64xf32, #tpu.memory_space<vmem_shared>>) offsets(%dma_start3A_315 : memref<80xi32, #tpu.memory_space<vmem>>) semaphore(%arg48 : memref<!tpu.dma_semaphore, #tpu.memory_space<semaphore_mem>>) {add = true}
      } else {
      }
      %add3A_201 = arith.constant 11 : i32
      %add3A_202 = arith.addi %mul3A_35, %add3A_201 : i32
      %lt3A_203 = arith.constant 125 : i32
      %lt3A_204 = arith.cmpi slt, %add3A_202, %lt3A_203 : i32
      %convert_element_type3A_205 = arith.extui %lt3A_204 : i1 to i32
      %cond3A_206 = arith.constant 0 : i32
      %cond3A_207 = arith.cmpi ne, %convert_element_type3A_205, %cond3A_206 : i32
      scf.if %cond3A_207 {
        %dma_wait3A = arith.constant 0 : i32
        %dma_wait3A_306 = arith.constant 0 : i32
        %dma_wait3A_307 = tpu.memref_slice %arg9[%dma_wait3A, %dma_wait3A_306] : memref<125x80xi32, #tpu.memory_space<vmem>> -> memref<1x80xi32, #tpu.memory_space<vmem>>
        %dma_wait3A_308 = tpu.memref_squeeze %dma_wait3A_307 : memref<1x80xi32, #tpu.memory_space<vmem>> -> memref<80xi32, #tpu.memory_space<vmem>>
        %dma_wait3A_309 = arith.constant 0 : i32
        %dma_wait3A_310 = arith.constant 0 : i32
        %dma_wait3A_311 = tpu.memref_slice %arg3[%dma_wait3A_309, %dma_wait3A_310] : memref<10000x64xf32, #tpu.memory_space<hbm>> -> memref<10000x64xf32, #tpu.memory_space<hbm>>
        tpu.wait_indirect_dma semaphore(%arg36 : memref<!tpu.dma_semaphore, #tpu.memory_space<semaphore_mem>>) src(%dma_wait3A_311 : memref<10000x64xf32, #tpu.memory_space<hbm>>) dst(%arg22 : memref<80x64xf32, #tpu.memory_space<vmem>>)
        %add3A_312 = arith.constant 11 : i32
        %add3A_313 = arith.addi %mul3A_35, %add3A_312 : i32
        %dma_start3A = arith.constant 0 : i32
        %dma_start3A_314 = tpu.memref_slice %arg10[%add3A_313, %dma_start3A] : memref<125x80xi32, #tpu.memory_space<vmem>> -> memref<1x80xi32, #tpu.memory_space<vmem>>
        %dma_start3A_315 = tpu.memref_squeeze %dma_start3A_314 : memref<1x80xi32, #tpu.memory_space<vmem>> -> memref<80xi32, #tpu.memory_space<vmem>>
        %dma_start3A_316 = arith.constant 0 : i32
        %dma_start3A_317 = arith.constant 0 : i32
        %dma_start3A_318 = tpu.memref_slice %arg24[%dma_start3A_316, %dma_start3A_317] : memref<10112x64xf32, #tpu.memory_space<vmem_shared>> -> memref<10112x64xf32, #tpu.memory_space<vmem_shared>>
        tpu.enqueue_indirect_dma source(%arg22 : memref<80x64xf32, #tpu.memory_space<vmem>>) target(%dma_start3A_318 : memref<10112x64xf32, #tpu.memory_space<vmem_shared>>) offsets(%dma_start3A_315 : memref<80xi32, #tpu.memory_space<vmem>>) semaphore(%arg49 : memref<!tpu.dma_semaphore, #tpu.memory_space<semaphore_mem>>) {add = true}
      } else {
      }
      %add3A_208 = arith.constant 12 : i32
      %add3A_209 = arith.addi %mul3A_35, %add3A_208 : i32
      %lt3A_210 = arith.constant 125 : i32
      %lt3A_211 = arith.cmpi slt, %add3A_209, %lt3A_210 : i32
      %convert_element_type3A_212 = arith.extui %lt3A_211 : i1 to i32
      %cond3A_213 = arith.constant 0 : i32
      %cond3A_214 = arith.cmpi ne, %convert_element_type3A_212, %cond3A_213 : i32
      scf.if %cond3A_214 {
        %dma_wait3A = arith.constant 0 : i32
        %dma_wait3A_306 = arith.constant 0 : i32
        %dma_wait3A_307 = tpu.memref_slice %arg9[%dma_wait3A, %dma_wait3A_306] : memref<125x80xi32, #tpu.memory_space<vmem>> -> memref<1x80xi32, #tpu.memory_space<vmem>>
        %dma_wait3A_308 = tpu.memref_squeeze %dma_wait3A_307 : memref<1x80xi32, #tpu.memory_space<vmem>> -> memref<80xi32, #tpu.memory_space<vmem>>
        %dma_wait3A_309 = arith.constant 0 : i32
        %dma_wait3A_310 = arith.constant 0 : i32
        %dma_wait3A_311 = tpu.memref_slice %arg3[%dma_wait3A_309, %dma_wait3A_310] : memref<10000x64xf32, #tpu.memory_space<hbm>> -> memref<10000x64xf32, #tpu.memory_space<hbm>>
        tpu.wait_indirect_dma semaphore(%arg37 : memref<!tpu.dma_semaphore, #tpu.memory_space<semaphore_mem>>) src(%dma_wait3A_311 : memref<10000x64xf32, #tpu.memory_space<hbm>>) dst(%arg23 : memref<80x64xf32, #tpu.memory_space<vmem>>)
        %add3A_312 = arith.constant 12 : i32
        %add3A_313 = arith.addi %mul3A_35, %add3A_312 : i32
        %dma_start3A = arith.constant 0 : i32
        %dma_start3A_314 = tpu.memref_slice %arg10[%add3A_313, %dma_start3A] : memref<125x80xi32, #tpu.memory_space<vmem>> -> memref<1x80xi32, #tpu.memory_space<vmem>>
        %dma_start3A_315 = tpu.memref_squeeze %dma_start3A_314 : memref<1x80xi32, #tpu.memory_space<vmem>> -> memref<80xi32, #tpu.memory_space<vmem>>
        %dma_start3A_316 = arith.constant 0 : i32
        %dma_start3A_317 = arith.constant 0 : i32
        %dma_start3A_318 = tpu.memref_slice %arg24[%dma_start3A_316, %dma_start3A_317] : memref<10112x64xf32, #tpu.memory_space<vmem_shared>> -> memref<10112x64xf32, #tpu.memory_space<vmem_shared>>
        tpu.enqueue_indirect_dma source(%arg23 : memref<80x64xf32, #tpu.memory_space<vmem>>) target(%dma_start3A_318 : memref<10112x64xf32, #tpu.memory_space<vmem_shared>>) offsets(%dma_start3A_315 : memref<80xi32, #tpu.memory_space<vmem>>) semaphore(%arg50 : memref<!tpu.dma_semaphore, #tpu.memory_space<semaphore_mem>>) {add = true}
      } else {
      }
      %add3A_215 = arith.constant 0 : i32
      %add3A_216 = arith.addi %mul3A_35, %add3A_215 : i32
      %lt3A_217 = arith.constant 125 : i32
      %lt3A_218 = arith.cmpi slt, %add3A_216, %lt3A_217 : i32
      %convert_element_type3A_219 = arith.extui %lt3A_218 : i1 to i32
      %cond3A_220 = arith.constant 0 : i32
      %cond3A_221 = arith.cmpi ne, %convert_element_type3A_219, %cond3A_220 : i32
      scf.if %cond3A_221 {
        %dma_wait3A = arith.constant 0 : i32
        %dma_wait3A_306 = arith.constant 0 : i32
        %dma_wait3A_307 = tpu.memref_slice %arg10[%dma_wait3A, %dma_wait3A_306] : memref<125x80xi32, #tpu.memory_space<vmem>> -> memref<1x80xi32, #tpu.memory_space<vmem>>
        %dma_wait3A_308 = tpu.memref_squeeze %dma_wait3A_307 : memref<1x80xi32, #tpu.memory_space<vmem>> -> memref<80xi32, #tpu.memory_space<vmem>>
        %dma_wait3A_309 = arith.constant 0 : i32
        %dma_wait3A_310 = arith.constant 0 : i32
        %dma_wait3A_311 = tpu.memref_slice %arg24[%dma_wait3A_309, %dma_wait3A_310] : memref<10112x64xf32, #tpu.memory_space<vmem_shared>> -> memref<10112x64xf32, #tpu.memory_space<vmem_shared>>
        tpu.wait_indirect_dma semaphore(%arg38 : memref<!tpu.dma_semaphore, #tpu.memory_space<semaphore_mem>>) src(%arg11 : memref<80x64xf32, #tpu.memory_space<vmem>>) dst(%dma_wait3A_311 : memref<10112x64xf32, #tpu.memory_space<vmem_shared>>)
      } else {
      }
      %add3A_222 = arith.constant 1 : i32
      %add3A_223 = arith.addi %mul3A_35, %add3A_222 : i32
      %lt3A_224 = arith.constant 125 : i32
      %lt3A_225 = arith.cmpi slt, %add3A_223, %lt3A_224 : i32
      %convert_element_type3A_226 = arith.extui %lt3A_225 : i1 to i32
      %cond3A_227 = arith.constant 0 : i32
      %cond3A_228 = arith.cmpi ne, %convert_element_type3A_226, %cond3A_227 : i32
      scf.if %cond3A_228 {
        %dma_wait3A = arith.constant 0 : i32
        %dma_wait3A_306 = arith.constant 0 : i32
        %dma_wait3A_307 = tpu.memref_slice %arg10[%dma_wait3A, %dma_wait3A_306] : memref<125x80xi32, #tpu.memory_space<vmem>> -> memref<1x80xi32, #tpu.memory_space<vmem>>
        %dma_wait3A_308 = tpu.memref_squeeze %dma_wait3A_307 : memref<1x80xi32, #tpu.memory_space<vmem>> -> memref<80xi32, #tpu.memory_space<vmem>>
        %dma_wait3A_309 = arith.constant 0 : i32
        %dma_wait3A_310 = arith.constant 0 : i32
        %dma_wait3A_311 = tpu.memref_slice %arg24[%dma_wait3A_309, %dma_wait3A_310] : memref<10112x64xf32, #tpu.memory_space<vmem_shared>> -> memref<10112x64xf32, #tpu.memory_space<vmem_shared>>
        tpu.wait_indirect_dma semaphore(%arg39 : memref<!tpu.dma_semaphore, #tpu.memory_space<semaphore_mem>>) src(%arg12 : memref<80x64xf32, #tpu.memory_space<vmem>>) dst(%dma_wait3A_311 : memref<10112x64xf32, #tpu.memory_space<vmem_shared>>)
      } else {
      }
      %add3A_229 = arith.constant 2 : i32
      %add3A_230 = arith.addi %mul3A_35, %add3A_229 : i32
      %lt3A_231 = arith.constant 125 : i32
      %lt3A_232 = arith.cmpi slt, %add3A_230, %lt3A_231 : i32
      %convert_element_type3A_233 = arith.extui %lt3A_232 : i1 to i32
      %cond3A_234 = arith.constant 0 : i32
      %cond3A_235 = arith.cmpi ne, %convert_element_type3A_233, %cond3A_234 : i32
      scf.if %cond3A_235 {
        %dma_wait3A = arith.constant 0 : i32
        %dma_wait3A_306 = arith.constant 0 : i32
        %dma_wait3A_307 = tpu.memref_slice %arg10[%dma_wait3A, %dma_wait3A_306] : memref<125x80xi32, #tpu.memory_space<vmem>> -> memref<1x80xi32, #tpu.memory_space<vmem>>
        %dma_wait3A_308 = tpu.memref_squeeze %dma_wait3A_307 : memref<1x80xi32, #tpu.memory_space<vmem>> -> memref<80xi32, #tpu.memory_space<vmem>>
        %dma_wait3A_309 = arith.constant 0 : i32
        %dma_wait3A_310 = arith.constant 0 : i32
        %dma_wait3A_311 = tpu.memref_slice %arg24[%dma_wait3A_309, %dma_wait3A_310] : memref<10112x64xf32, #tpu.memory_space<vmem_shared>> -> memref<10112x64xf32, #tpu.memory_space<vmem_shared>>
        tpu.wait_indirect_dma semaphore(%arg40 : memref<!tpu.dma_semaphore, #tpu.memory_space<semaphore_mem>>) src(%arg13 : memref<80x64xf32, #tpu.memory_space<vmem>>) dst(%dma_wait3A_311 : memref<10112x64xf32, #tpu.memory_space<vmem_shared>>)
      } else {
      }
      %add3A_236 = arith.constant 3 : i32
      %add3A_237 = arith.addi %mul3A_35, %add3A_236 : i32
      %lt3A_238 = arith.constant 125 : i32
      %lt3A_239 = arith.cmpi slt, %add3A_237, %lt3A_238 : i32
      %convert_element_type3A_240 = arith.extui %lt3A_239 : i1 to i32
      %cond3A_241 = arith.constant 0 : i32
      %cond3A_242 = arith.cmpi ne, %convert_element_type3A_240, %cond3A_241 : i32
      scf.if %cond3A_242 {
        %dma_wait3A = arith.constant 0 : i32
        %dma_wait3A_306 = arith.constant 0 : i32
        %dma_wait3A_307 = tpu.memref_slice %arg10[%dma_wait3A, %dma_wait3A_306] : memref<125x80xi32, #tpu.memory_space<vmem>> -> memref<1x80xi32, #tpu.memory_space<vmem>>
        %dma_wait3A_308 = tpu.memref_squeeze %dma_wait3A_307 : memref<1x80xi32, #tpu.memory_space<vmem>> -> memref<80xi32, #tpu.memory_space<vmem>>
        %dma_wait3A_309 = arith.constant 0 : i32
        %dma_wait3A_310 = arith.constant 0 : i32
        %dma_wait3A_311 = tpu.memref_slice %arg24[%dma_wait3A_309, %dma_wait3A_310] : memref<10112x64xf32, #tpu.memory_space<vmem_shared>> -> memref<10112x64xf32, #tpu.memory_space<vmem_shared>>
        tpu.wait_indirect_dma semaphore(%arg41 : memref<!tpu.dma_semaphore, #tpu.memory_space<semaphore_mem>>) src(%arg14 : memref<80x64xf32, #tpu.memory_space<vmem>>) dst(%dma_wait3A_311 : memref<10112x64xf32, #tpu.memory_space<vmem_shared>>)
      } else {
      }
      %add3A_243 = arith.constant 4 : i32
      %add3A_244 = arith.addi %mul3A_35, %add3A_243 : i32
      %lt3A_245 = arith.constant 125 : i32
      %lt3A_246 = arith.cmpi slt, %add3A_244, %lt3A_245 : i32
      %convert_element_type3A_247 = arith.extui %lt3A_246 : i1 to i32
      %cond3A_248 = arith.constant 0 : i32
      %cond3A_249 = arith.cmpi ne, %convert_element_type3A_247, %cond3A_248 : i32
      scf.if %cond3A_249 {
        %dma_wait3A = arith.constant 0 : i32
        %dma_wait3A_306 = arith.constant 0 : i32
        %dma_wait3A_307 = tpu.memref_slice %arg10[%dma_wait3A, %dma_wait3A_306] : memref<125x80xi32, #tpu.memory_space<vmem>> -> memref<1x80xi32, #tpu.memory_space<vmem>>
        %dma_wait3A_308 = tpu.memref_squeeze %dma_wait3A_307 : memref<1x80xi32, #tpu.memory_space<vmem>> -> memref<80xi32, #tpu.memory_space<vmem>>
        %dma_wait3A_309 = arith.constant 0 : i32
        %dma_wait3A_310 = arith.constant 0 : i32
        %dma_wait3A_311 = tpu.memref_slice %arg24[%dma_wait3A_309, %dma_wait3A_310] : memref<10112x64xf32, #tpu.memory_space<vmem_shared>> -> memref<10112x64xf32, #tpu.memory_space<vmem_shared>>
        tpu.wait_indirect_dma semaphore(%arg42 : memref<!tpu.dma_semaphore, #tpu.memory_space<semaphore_mem>>) src(%arg15 : memref<80x64xf32, #tpu.memory_space<vmem>>) dst(%dma_wait3A_311 : memref<10112x64xf32, #tpu.memory_space<vmem_shared>>)
      } else {
      }
      %add3A_250 = arith.constant 5 : i32
      %add3A_251 = arith.addi %mul3A_35, %add3A_250 : i32
      %lt3A_252 = arith.constant 125 : i32
      %lt3A_253 = arith.cmpi slt, %add3A_251, %lt3A_252 : i32
      %convert_element_type3A_254 = arith.extui %lt3A_253 : i1 to i32
      %cond3A_255 = arith.constant 0 : i32
      %cond3A_256 = arith.cmpi ne, %convert_element_type3A_254, %cond3A_255 : i32
      scf.if %cond3A_256 {
        %dma_wait3A = arith.constant 0 : i32
        %dma_wait3A_306 = arith.constant 0 : i32
        %dma_wait3A_307 = tpu.memref_slice %arg10[%dma_wait3A, %dma_wait3A_306] : memref<125x80xi32, #tpu.memory_space<vmem>> -> memref<1x80xi32, #tpu.memory_space<vmem>>
        %dma_wait3A_308 = tpu.memref_squeeze %dma_wait3A_307 : memref<1x80xi32, #tpu.memory_space<vmem>> -> memref<80xi32, #tpu.memory_space<vmem>>
        %dma_wait3A_309 = arith.constant 0 : i32
        %dma_wait3A_310 = arith.constant 0 : i32
        %dma_wait3A_311 = tpu.memref_slice %arg24[%dma_wait3A_309, %dma_wait3A_310] : memref<10112x64xf32, #tpu.memory_space<vmem_shared>> -> memref<10112x64xf32, #tpu.memory_space<vmem_shared>>
        tpu.wait_indirect_dma semaphore(%arg43 : memref<!tpu.dma_semaphore, #tpu.memory_space<semaphore_mem>>) src(%arg16 : memref<80x64xf32, #tpu.memory_space<vmem>>) dst(%dma_wait3A_311 : memref<10112x64xf32, #tpu.memory_space<vmem_shared>>)
      } else {
      }
      %add3A_257 = arith.constant 6 : i32
      %add3A_258 = arith.addi %mul3A_35, %add3A_257 : i32
      %lt3A_259 = arith.constant 125 : i32
      %lt3A_260 = arith.cmpi slt, %add3A_258, %lt3A_259 : i32
      %convert_element_type3A_261 = arith.extui %lt3A_260 : i1 to i32
      %cond3A_262 = arith.constant 0 : i32
      %cond3A_263 = arith.cmpi ne, %convert_element_type3A_261, %cond3A_262 : i32
      scf.if %cond3A_263 {
        %dma_wait3A = arith.constant 0 : i32
        %dma_wait3A_306 = arith.constant 0 : i32
        %dma_wait3A_307 = tpu.memref_slice %arg10[%dma_wait3A, %dma_wait3A_306] : memref<125x80xi32, #tpu.memory_space<vmem>> -> memref<1x80xi32, #tpu.memory_space<vmem>>
        %dma_wait3A_308 = tpu.memref_squeeze %dma_wait3A_307 : memref<1x80xi32, #tpu.memory_space<vmem>> -> memref<80xi32, #tpu.memory_space<vmem>>
        %dma_wait3A_309 = arith.constant 0 : i32
        %dma_wait3A_310 = arith.constant 0 : i32
        %dma_wait3A_311 = tpu.memref_slice %arg24[%dma_wait3A_309, %dma_wait3A_310] : memref<10112x64xf32, #tpu.memory_space<vmem_shared>> -> memref<10112x64xf32, #tpu.memory_space<vmem_shared>>
        tpu.wait_indirect_dma semaphore(%arg44 : memref<!tpu.dma_semaphore, #tpu.memory_space<semaphore_mem>>) src(%arg17 : memref<80x64xf32, #tpu.memory_space<vmem>>) dst(%dma_wait3A_311 : memref<10112x64xf32, #tpu.memory_space<vmem_shared>>)
      } else {
      }
      %add3A_264 = arith.constant 7 : i32
      %add3A_265 = arith.addi %mul3A_35, %add3A_264 : i32
      %lt3A_266 = arith.constant 125 : i32
      %lt3A_267 = arith.cmpi slt, %add3A_265, %lt3A_266 : i32
      %convert_element_type3A_268 = arith.extui %lt3A_267 : i1 to i32
      %cond3A_269 = arith.constant 0 : i32
      %cond3A_270 = arith.cmpi ne, %convert_element_type3A_268, %cond3A_269 : i32
      scf.if %cond3A_270 {
        %dma_wait3A = arith.constant 0 : i32
        %dma_wait3A_306 = arith.constant 0 : i32
        %dma_wait3A_307 = tpu.memref_slice %arg10[%dma_wait3A, %dma_wait3A_306] : memref<125x80xi32, #tpu.memory_space<vmem>> -> memref<1x80xi32, #tpu.memory_space<vmem>>
        %dma_wait3A_308 = tpu.memref_squeeze %dma_wait3A_307 : memref<1x80xi32, #tpu.memory_space<vmem>> -> memref<80xi32, #tpu.memory_space<vmem>>
        %dma_wait3A_309 = arith.constant 0 : i32
        %dma_wait3A_310 = arith.constant 0 : i32
        %dma_wait3A_311 = tpu.memref_slice %arg24[%dma_wait3A_309, %dma_wait3A_310] : memref<10112x64xf32, #tpu.memory_space<vmem_shared>> -> memref<10112x64xf32, #tpu.memory_space<vmem_shared>>
        tpu.wait_indirect_dma semaphore(%arg45 : memref<!tpu.dma_semaphore, #tpu.memory_space<semaphore_mem>>) src(%arg18 : memref<80x64xf32, #tpu.memory_space<vmem>>) dst(%dma_wait3A_311 : memref<10112x64xf32, #tpu.memory_space<vmem_shared>>)
      } else {
      }
      %add3A_271 = arith.constant 8 : i32
      %add3A_272 = arith.addi %mul3A_35, %add3A_271 : i32
      %lt3A_273 = arith.constant 125 : i32
      %lt3A_274 = arith.cmpi slt, %add3A_272, %lt3A_273 : i32
      %convert_element_type3A_275 = arith.extui %lt3A_274 : i1 to i32
      %cond3A_276 = arith.constant 0 : i32
      %cond3A_277 = arith.cmpi ne, %convert_element_type3A_275, %cond3A_276 : i32
      scf.if %cond3A_277 {
        %dma_wait3A = arith.constant 0 : i32
        %dma_wait3A_306 = arith.constant 0 : i32
        %dma_wait3A_307 = tpu.memref_slice %arg10[%dma_wait3A, %dma_wait3A_306] : memref<125x80xi32, #tpu.memory_space<vmem>> -> memref<1x80xi32, #tpu.memory_space<vmem>>
        %dma_wait3A_308 = tpu.memref_squeeze %dma_wait3A_307 : memref<1x80xi32, #tpu.memory_space<vmem>> -> memref<80xi32, #tpu.memory_space<vmem>>
        %dma_wait3A_309 = arith.constant 0 : i32
        %dma_wait3A_310 = arith.constant 0 : i32
        %dma_wait3A_311 = tpu.memref_slice %arg24[%dma_wait3A_309, %dma_wait3A_310] : memref<10112x64xf32, #tpu.memory_space<vmem_shared>> -> memref<10112x64xf32, #tpu.memory_space<vmem_shared>>
        tpu.wait_indirect_dma semaphore(%arg46 : memref<!tpu.dma_semaphore, #tpu.memory_space<semaphore_mem>>) src(%arg19 : memref<80x64xf32, #tpu.memory_space<vmem>>) dst(%dma_wait3A_311 : memref<10112x64xf32, #tpu.memory_space<vmem_shared>>)
      } else {
      }
      %add3A_278 = arith.constant 9 : i32
      %add3A_279 = arith.addi %mul3A_35, %add3A_278 : i32
      %lt3A_280 = arith.constant 125 : i32
      %lt3A_281 = arith.cmpi slt, %add3A_279, %lt3A_280 : i32
      %convert_element_type3A_282 = arith.extui %lt3A_281 : i1 to i32
      %cond3A_283 = arith.constant 0 : i32
      %cond3A_284 = arith.cmpi ne, %convert_element_type3A_282, %cond3A_283 : i32
      scf.if %cond3A_284 {
        %dma_wait3A = arith.constant 0 : i32
        %dma_wait3A_306 = arith.constant 0 : i32
        %dma_wait3A_307 = tpu.memref_slice %arg10[%dma_wait3A, %dma_wait3A_306] : memref<125x80xi32, #tpu.memory_space<vmem>> -> memref<1x80xi32, #tpu.memory_space<vmem>>
        %dma_wait3A_308 = tpu.memref_squeeze %dma_wait3A_307 : memref<1x80xi32, #tpu.memory_space<vmem>> -> memref<80xi32, #tpu.memory_space<vmem>>
        %dma_wait3A_309 = arith.constant 0 : i32
        %dma_wait3A_310 = arith.constant 0 : i32
        %dma_wait3A_311 = tpu.memref_slice %arg24[%dma_wait3A_309, %dma_wait3A_310] : memref<10112x64xf32, #tpu.memory_space<vmem_shared>> -> memref<10112x64xf32, #tpu.memory_space<vmem_shared>>
        tpu.wait_indirect_dma semaphore(%arg47 : memref<!tpu.dma_semaphore, #tpu.memory_space<semaphore_mem>>) src(%arg20 : memref<80x64xf32, #tpu.memory_space<vmem>>) dst(%dma_wait3A_311 : memref<10112x64xf32, #tpu.memory_space<vmem_shared>>)
      } else {
      }
      %add3A_285 = arith.constant 10 : i32
      %add3A_286 = arith.addi %mul3A_35, %add3A_285 : i32
      %lt3A_287 = arith.constant 125 : i32
      %lt3A_288 = arith.cmpi slt, %add3A_286, %lt3A_287 : i32
      %convert_element_type3A_289 = arith.extui %lt3A_288 : i1 to i32
      %cond3A_290 = arith.constant 0 : i32
      %cond3A_291 = arith.cmpi ne, %convert_element_type3A_289, %cond3A_290 : i32
      scf.if %cond3A_291 {
        %dma_wait3A = arith.constant 0 : i32
        %dma_wait3A_306 = arith.constant 0 : i32
        %dma_wait3A_307 = tpu.memref_slice %arg10[%dma_wait3A, %dma_wait3A_306] : memref<125x80xi32, #tpu.memory_space<vmem>> -> memref<1x80xi32, #tpu.memory_space<vmem>>
        %dma_wait3A_308 = tpu.memref_squeeze %dma_wait3A_307 : memref<1x80xi32, #tpu.memory_space<vmem>> -> memref<80xi32, #tpu.memory_space<vmem>>
        %dma_wait3A_309 = arith.constant 0 : i32
        %dma_wait3A_310 = arith.constant 0 : i32
        %dma_wait3A_311 = tpu.memref_slice %arg24[%dma_wait3A_309, %dma_wait3A_310] : memref<10112x64xf32, #tpu.memory_space<vmem_shared>> -> memref<10112x64xf32, #tpu.memory_space<vmem_shared>>
        tpu.wait_indirect_dma semaphore(%arg48 : memref<!tpu.dma_semaphore, #tpu.memory_space<semaphore_mem>>) src(%arg21 : memref<80x64xf32, #tpu.memory_space<vmem>>) dst(%dma_wait3A_311 : memref<10112x64xf32, #tpu.memory_space<vmem_shared>>)
      } else {
      }
      %add3A_292 = arith.constant 11 : i32
      %add3A_293 = arith.addi %mul3A_35, %add3A_292 : i32
      %lt3A_294 = arith.constant 125 : i32
      %lt3A_295 = arith.cmpi slt, %add3A_293, %lt3A_294 : i32
      %convert_element_type3A_296 = arith.extui %lt3A_295 : i1 to i32
      %cond3A_297 = arith.constant 0 : i32
      %cond3A_298 = arith.cmpi ne, %convert_element_type3A_296, %cond3A_297 : i32
      scf.if %cond3A_298 {
        %dma_wait3A = arith.constant 0 : i32
        %dma_wait3A_306 = arith.constant 0 : i32
        %dma_wait3A_307 = tpu.memref_slice %arg10[%dma_wait3A, %dma_wait3A_306] : memref<125x80xi32, #tpu.memory_space<vmem>> -> memref<1x80xi32, #tpu.memory_space<vmem>>
        %dma_wait3A_308 = tpu.memref_squeeze %dma_wait3A_307 : memref<1x80xi32, #tpu.memory_space<vmem>> -> memref<80xi32, #tpu.memory_space<vmem>>
        %dma_wait3A_309 = arith.constant 0 : i32
        %dma_wait3A_310 = arith.constant 0 : i32
        %dma_wait3A_311 = tpu.memref_slice %arg24[%dma_wait3A_309, %dma_wait3A_310] : memref<10112x64xf32, #tpu.memory_space<vmem_shared>> -> memref<10112x64xf32, #tpu.memory_space<vmem_shared>>
        tpu.wait_indirect_dma semaphore(%arg49 : memref<!tpu.dma_semaphore, #tpu.memory_space<semaphore_mem>>) src(%arg22 : memref<80x64xf32, #tpu.memory_space<vmem>>) dst(%dma_wait3A_311 : memref<10112x64xf32, #tpu.memory_space<vmem_shared>>)
      } else {
      }
      %add3A_299 = arith.constant 12 : i32
      %add3A_300 = arith.addi %mul3A_35, %add3A_299 : i32
      %lt3A_301 = arith.constant 125 : i32
      %lt3A_302 = arith.cmpi slt, %add3A_300, %lt3A_301 : i32
      %convert_element_type3A_303 = arith.extui %lt3A_302 : i1 to i32
      %cond3A_304 = arith.constant 0 : i32
      %cond3A_305 = arith.cmpi ne, %convert_element_type3A_303, %cond3A_304 : i32
      scf.if %cond3A_305 {
        %dma_wait3A = arith.constant 0 : i32
        %dma_wait3A_306 = arith.constant 0 : i32
        %dma_wait3A_307 = tpu.memref_slice %arg10[%dma_wait3A, %dma_wait3A_306] : memref<125x80xi32, #tpu.memory_space<vmem>> -> memref<1x80xi32, #tpu.memory_space<vmem>>
        %dma_wait3A_308 = tpu.memref_squeeze %dma_wait3A_307 : memref<1x80xi32, #tpu.memory_space<vmem>> -> memref<80xi32, #tpu.memory_space<vmem>>
        %dma_wait3A_309 = arith.constant 0 : i32
        %dma_wait3A_310 = arith.constant 0 : i32
        %dma_wait3A_311 = tpu.memref_slice %arg24[%dma_wait3A_309, %dma_wait3A_310] : memref<10112x64xf32, #tpu.memory_space<vmem_shared>> -> memref<10112x64xf32, #tpu.memory_space<vmem_shared>>
        tpu.wait_indirect_dma semaphore(%arg50 : memref<!tpu.dma_semaphore, #tpu.memory_space<semaphore_mem>>) src(%arg23 : memref<80x64xf32, #tpu.memory_space<vmem>>) dst(%dma_wait3A_311 : memref<10112x64xf32, #tpu.memory_space<vmem_shared>>)
      } else {
      }
    }
    %scan3A_26 = arith.constant 10 : i32
    %barrier3A_27 = arith.constant 0 : index
    tpu.barrier barrier_id(%barrier3A_27)
    %mul3A_28 = arith.constant 632 : i32
    %mul3A_29 = arith.muli %arg1, %mul3A_28 : i32
    %mul3A_30 = arith.constant 632 : i32
    %mul3A_31 = arith.muli %arg1, %mul3A_30 : i32
    "tpu.region"() ({
      %run_scoped3A = tpu.sem_alloc : memref<!tpu.dma_semaphore, #tpu.memory_space<semaphore_mem>>
      %dma_start3A = arith.constant 0 : i32
      %dma_start3A_33 = tpu.memref_slice %arg8[%arg0, %mul3A_31, %dma_start3A] : memref<2x10112x64xf32, #tpu.memory_space<hbm>> -> memref<1x632x64xf32, #tpu.memory_space<hbm>>
      %dma_start3A_34 = tpu.memref_squeeze %dma_start3A_33 : memref<1x632x64xf32, #tpu.memory_space<hbm>> -> memref<632x64xf32, #tpu.memory_space<hbm>>
      %dma_start3A_35 = arith.constant 0 : i32
      %dma_start3A_36 = tpu.memref_slice %arg24[%mul3A_29, %dma_start3A_35] : memref<10112x64xf32, #tpu.memory_space<vmem_shared>> -> memref<632x64xf32, #tpu.memory_space<vmem_shared>>
      tpu.enqueue_dma source(%dma_start3A_36 : memref<632x64xf32, #tpu.memory_space<vmem_shared>>) target(%dma_start3A_34 : memref<632x64xf32, #tpu.memory_space<hbm>>) target_semaphore(%run_scoped3A : memref<!tpu.dma_semaphore, #tpu.memory_space<semaphore_mem>>)
      %dma_wait3A = arith.constant 0 : i32
      %dma_wait3A_37 = tpu.memref_slice %arg8[%arg0, %mul3A_31, %dma_wait3A] : memref<2x10112x64xf32, #tpu.memory_space<hbm>> -> memref<1x632x64xf32, #tpu.memory_space<hbm>>
      %dma_wait3A_38 = tpu.memref_squeeze %dma_wait3A_37 : memref<1x632x64xf32, #tpu.memory_space<hbm>> -> memref<632x64xf32, #tpu.memory_space<hbm>>
      %dma_wait3A_39 = arith.constant 0 : i32
      %dma_wait3A_40 = tpu.memref_slice %arg24[%mul3A_29, %dma_wait3A_39] : memref<10112x64xf32, #tpu.memory_space<vmem_shared>> -> memref<632x64xf32, #tpu.memory_space<vmem_shared>>
      tpu.wait_dma2 semaphore(%run_scoped3A : memref<!tpu.dma_semaphore, #tpu.memory_space<semaphore_mem>>) src(%dma_wait3A_40 : memref<632x64xf32, #tpu.memory_space<vmem_shared>>) dst(%dma_wait3A_38 : memref<632x64xf32, #tpu.memory_space<hbm>>)
      tpu.yield
    }) : () -> ()
    %barrier3A_32 = arith.constant 0 : index
    tpu.barrier barrier_id(%barrier3A_32)
    return
  }
}

#map = affine_map<(d0, d1) -> (0, 0, 0)>
#map1 = affine_map<(d0, d1) -> (0)>
#map2 = affine_map<(d0, d1) -> (0, 0)>
module attributes {stable_mosaic.version = 14 : i64} {
  func.func @_deg_body(%arg0: i32, %arg1: i32, %arg2: memref<32x125x80xi32, #tpu.memory_space<hbm>>, %arg3: memref<80xf32, #tpu.memory_space<hbm>>, %arg4: memref<10000xf32, #tpu.memory_space<hbm>>, %arg5: memref<2x10000xf32, #tpu.memory_space<hbm>>, %arg6: memref<125x80xi32, #tpu.memory_space<vmem>>, %arg7: memref<80xf32, #tpu.memory_space<vmem>>, %arg8: memref<10000xf32, #tpu.memory_space<vmem_shared>>) attributes {dimension_semantics = [#tpu.dimension_semantics<core_parallel>, #tpu.dimension_semantics<subcore_parallel>], iteration_bounds = array<i64: 2, 16>, scalar_prefetch = 0 : i64, scratch_operands = 3 : i64, tpu.core_type = #tpu.core_type<sc_vector_subcore>, window_params = [{transform_indices = #map}, {transform_indices = #map1}, {transform_indices = #map1}, {transform_indices = #map2}]} {
    %mul3A = arith.constant 16 : i32
    %mul3A_0 = arith.muli %arg0, %mul3A : i32
    %add3A = arith.addi %mul3A_0, %arg1 : i32
    %eq3A = arith.constant 0 : i32
    %eq3A_1 = arith.cmpi eq, %arg1, %eq3A : i32
    %convert_element_type3A = arith.extui %eq3A_1 : i1 to i32
    %cond3A = arith.constant 0 : i32
    %cond3A_2 = arith.cmpi ne, %convert_element_type3A, %cond3A : i32
    scf.if %cond3A_2 {
      "tpu.region"() ({
        %run_scoped3A = tpu.sem_alloc : memref<!tpu.dma_semaphore, #tpu.memory_space<semaphore_mem>>
        tpu.enqueue_dma source(%arg4 : memref<10000xf32, #tpu.memory_space<hbm>>) target(%arg8 : memref<10000xf32, #tpu.memory_space<vmem_shared>>) target_semaphore(%run_scoped3A : memref<!tpu.dma_semaphore, #tpu.memory_space<semaphore_mem>>)
        tpu.wait_dma2 semaphore(%run_scoped3A : memref<!tpu.dma_semaphore, #tpu.memory_space<semaphore_mem>>) src(%arg4 : memref<10000xf32, #tpu.memory_space<hbm>>) dst(%arg8 : memref<10000xf32, #tpu.memory_space<vmem_shared>>)
        tpu.yield
      }) : () -> ()
    } else {
    }
    "tpu.region"() ({
      %run_scoped3A = tpu.sem_alloc : memref<!tpu.dma_semaphore, #tpu.memory_space<semaphore_mem>>
      tpu.enqueue_dma source(%arg3 : memref<80xf32, #tpu.memory_space<hbm>>) target(%arg7 : memref<80xf32, #tpu.memory_space<vmem>>) target_semaphore(%run_scoped3A : memref<!tpu.dma_semaphore, #tpu.memory_space<semaphore_mem>>)
      tpu.wait_dma2 semaphore(%run_scoped3A : memref<!tpu.dma_semaphore, #tpu.memory_space<semaphore_mem>>) src(%arg3 : memref<80xf32, #tpu.memory_space<hbm>>) dst(%arg7 : memref<80xf32, #tpu.memory_space<vmem>>)
      tpu.yield
    }) : () -> ()
    "tpu.region"() ({
      %run_scoped3A = tpu.sem_alloc : memref<!tpu.dma_semaphore, #tpu.memory_space<semaphore_mem>>
      %dma_start3A = arith.constant 0 : i32
      %dma_start3A_14 = arith.constant 0 : i32
      %dma_start3A_15 = tpu.memref_slice %arg2[%add3A, %dma_start3A, %dma_start3A_14] : memref<32x125x80xi32, #tpu.memory_space<hbm>> -> memref<1x125x80xi32, #tpu.memory_space<hbm>>
      %dma_start3A_16 = tpu.memref_squeeze %dma_start3A_15 : memref<1x125x80xi32, #tpu.memory_space<hbm>> -> memref<125x80xi32, #tpu.memory_space<hbm>>
      %dma_start3A_17 = arith.constant 0 : i32
      %dma_start3A_18 = arith.constant 0 : i32
      %dma_start3A_19 = tpu.memref_slice %arg2[%add3A, %dma_start3A_17, %dma_start3A_18] : memref<32x125x80xi32, #tpu.memory_space<hbm>> -> memref<1x125x80xi32, #tpu.memory_space<hbm>>
      %dma_start3A_20 = tpu.memref_squeeze %dma_start3A_19 : memref<1x125x80xi32, #tpu.memory_space<hbm>> -> memref<125x80xi32, #tpu.memory_space<hbm>>
      tpu.enqueue_dma source(%dma_start3A_20 : memref<125x80xi32, #tpu.memory_space<hbm>>) target(%arg6 : memref<125x80xi32, #tpu.memory_space<vmem>>) target_semaphore(%run_scoped3A : memref<!tpu.dma_semaphore, #tpu.memory_space<semaphore_mem>>)
      %dma_wait3A = arith.constant 0 : i32
      %dma_wait3A_21 = arith.constant 0 : i32
      %dma_wait3A_22 = tpu.memref_slice %arg2[%add3A, %dma_wait3A, %dma_wait3A_21] : memref<32x125x80xi32, #tpu.memory_space<hbm>> -> memref<1x125x80xi32, #tpu.memory_space<hbm>>
      %dma_wait3A_23 = tpu.memref_squeeze %dma_wait3A_22 : memref<1x125x80xi32, #tpu.memory_space<hbm>> -> memref<125x80xi32, #tpu.memory_space<hbm>>
      %dma_wait3A_24 = arith.constant 0 : i32
      %dma_wait3A_25 = arith.constant 0 : i32
      %dma_wait3A_26 = tpu.memref_slice %arg2[%add3A, %dma_wait3A_24, %dma_wait3A_25] : memref<32x125x80xi32, #tpu.memory_space<hbm>> -> memref<1x125x80xi32, #tpu.memory_space<hbm>>
      %dma_wait3A_27 = tpu.memref_squeeze %dma_wait3A_26 : memref<1x125x80xi32, #tpu.memory_space<hbm>> -> memref<125x80xi32, #tpu.memory_space<hbm>>
      tpu.wait_dma2 semaphore(%run_scoped3A : memref<!tpu.dma_semaphore, #tpu.memory_space<semaphore_mem>>) src(%dma_wait3A_27 : memref<125x80xi32, #tpu.memory_space<hbm>>) dst(%arg6 : memref<125x80xi32, #tpu.memory_space<vmem>>)
      tpu.yield
    }) : () -> ()
    %barrier3A = arith.constant 0 : index
    tpu.barrier barrier_id(%barrier3A)
    %scan3A = arith.constant 0 : i32
    %scan3A_3 = arith.constant 0 : i32
    %scan3A_4 = arith.constant 125 : i32
    %scan3A_5 = arith.addi %scan3A_3, %scan3A_4 : i32
    %scan3A_6 = arith.constant 1 : i32
    scf.for %scan3A_14 = %scan3A_3 to %scan3A_5 step %scan3A_6  : i32 {
      "tpu.region"() ({
        %run_scoped3A = tpu.sem_alloc : memref<!tpu.dma_semaphore, #tpu.memory_space<semaphore_mem>>
        %dma_start3A = arith.constant 0 : i32
        %dma_start3A_15 = tpu.memref_slice %arg6[%scan3A_14, %dma_start3A] : memref<125x80xi32, #tpu.memory_space<vmem>> -> memref<1x80xi32, #tpu.memory_space<vmem>>
        %dma_start3A_16 = tpu.memref_squeeze %dma_start3A_15 : memref<1x80xi32, #tpu.memory_space<vmem>> -> memref<80xi32, #tpu.memory_space<vmem>>
        %dma_start3A_17 = arith.constant 0 : i32
        %dma_start3A_18 = tpu.memref_slice %arg8[%dma_start3A_17] : memref<10000xf32, #tpu.memory_space<vmem_shared>> -> memref<10000xf32, #tpu.memory_space<vmem_shared>>
        tpu.enqueue_indirect_dma source(%arg7 : memref<80xf32, #tpu.memory_space<vmem>>) target(%dma_start3A_18 : memref<10000xf32, #tpu.memory_space<vmem_shared>>) offsets(%dma_start3A_16 : memref<80xi32, #tpu.memory_space<vmem>>) semaphore(%run_scoped3A : memref<!tpu.dma_semaphore, #tpu.memory_space<semaphore_mem>>) {add = true}
        %dma_wait3A = arith.constant 0 : i32
        %dma_wait3A_19 = tpu.memref_slice %arg6[%scan3A_14, %dma_wait3A] : memref<125x80xi32, #tpu.memory_space<vmem>> -> memref<1x80xi32, #tpu.memory_space<vmem>>
        %dma_wait3A_20 = tpu.memref_squeeze %dma_wait3A_19 : memref<1x80xi32, #tpu.memory_space<vmem>> -> memref<80xi32, #tpu.memory_space<vmem>>
        %dma_wait3A_21 = arith.constant 0 : i32
        %dma_wait3A_22 = tpu.memref_slice %arg8[%dma_wait3A_21] : memref<10000xf32, #tpu.memory_space<vmem_shared>> -> memref<10000xf32, #tpu.memory_space<vmem_shared>>
        tpu.wait_indirect_dma semaphore(%run_scoped3A : memref<!tpu.dma_semaphore, #tpu.memory_space<semaphore_mem>>) src(%arg7 : memref<80xf32, #tpu.memory_space<vmem>>) dst(%dma_wait3A_22 : memref<10000xf32, #tpu.memory_space<vmem_shared>>)
        tpu.yield
      }) : () -> ()
    }
    %scan3A_7 = arith.constant 125 : i32
    %barrier3A_8 = arith.constant 0 : index
    tpu.barrier barrier_id(%barrier3A_8)
    %eq3A_9 = arith.constant 0 : i32
    %eq3A_10 = arith.cmpi eq, %arg1, %eq3A_9 : i32
    %convert_element_type3A_11 = arith.extui %eq3A_10 : i1 to i32
    %cond3A_12 = arith.constant 0 : i32
    %cond3A_13 = arith.cmpi ne, %convert_element_type3A_11, %cond3A_12 : i32
    scf.if %cond3A_13 {
      "tpu.region"() ({
        %run_scoped3A = tpu.sem_alloc : memref<!tpu.dma_semaphore, #tpu.memory_space<semaphore_mem>>
        %dma_start3A = arith.constant 0 : i32
        %dma_start3A_14 = tpu.memref_slice %arg5[%arg0, %dma_start3A] : memref<2x10000xf32, #tpu.memory_space<hbm>> -> memref<1x10000xf32, #tpu.memory_space<hbm>>
        %dma_start3A_15 = tpu.memref_squeeze %dma_start3A_14 : memref<1x10000xf32, #tpu.memory_space<hbm>> -> memref<10000xf32, #tpu.memory_space<hbm>>
        tpu.enqueue_dma source(%arg8 : memref<10000xf32, #tpu.memory_space<vmem_shared>>) target(%dma_start3A_15 : memref<10000xf32, #tpu.memory_space<hbm>>) target_semaphore(%run_scoped3A : memref<!tpu.dma_semaphore, #tpu.memory_space<semaphore_mem>>)
        %dma_wait3A = arith.constant 0 : i32
        %dma_wait3A_16 = tpu.memref_slice %arg5[%arg0, %dma_wait3A] : memref<2x10000xf32, #tpu.memory_space<hbm>> -> memref<1x10000xf32, #tpu.memory_space<hbm>>
        %dma_wait3A_17 = tpu.memref_squeeze %dma_wait3A_16 : memref<1x10000xf32, #tpu.memory_space<hbm>> -> memref<10000xf32, #tpu.memory_space<hbm>>
        tpu.wait_dma2 semaphore(%run_scoped3A : memref<!tpu.dma_semaphore, #tpu.memory_space<semaphore_mem>>) src(%arg8 : memref<10000xf32, #tpu.memory_space<vmem_shared>>) dst(%dma_wait3A_17 : memref<10000xf32, #tpu.memory_space<hbm>>)
        tpu.yield
      }) : () -> ()
    } else {
    }
    return
  }
}

module attributes {stable_mosaic.version = 14 : i64} {
  func.func @_tc_a_body(%arg0: i32, %arg1: memref<5000x128xf32, #tpu.memory_space<vmem>>, %arg2: memref<128x128xf32, #tpu.memory_space<vmem>>, %arg3: memref<2x5000x1xf32, #tpu.memory_space<vmem>>, %arg4: memref<5000x64xf32, #tpu.memory_space<vmem>>, %arg5: memref<5000x64xf32, #tpu.memory_space<vmem>>, %arg6: memref<5000x1xf32, #tpu.memory_space<vmem>>) attributes {dimension_semantics = [#tpu.dimension_semantics<arbitrary>], iteration_bounds = array<i64: 2>, scalar_prefetch = 0 : i64, scratch_operands = 0 : i64, tpu.core_type = #tpu.core_type<tc>, window_params = [{transform_indices = @transform_0, window_bounds = array<i64: 5000, 128>}, {pipeline_mode = #tpu.pipeline_mode<synchronous>, transform_indices = @transform_1, window_bounds = array<i64: 128, 128>}, {transform_indices = @transform_2, window_bounds = array<i64: 2, 5000, 1>}, {transform_indices = @transform_3, window_bounds = array<i64: 5000, 64>}, {transform_indices = @transform_4, window_bounds = array<i64: 5000, 64>}, {transform_indices = @transform_5, window_bounds = array<i64: 5000, 1>}]} {
    %get3A = arith.constant 0 : index
    %get3A_0 = arith.constant 0 : index
    %get3A_1 = arith.constant 0 : index
    %get3A_2 = vector.load %arg3[%get3A, %get3A_0, %get3A_1] : memref<2x5000x1xf32, #tpu.memory_space<vmem>>, vector<2x5000x1xf32>
    %slice3A = vector.extract_strided_slice %get3A_2 {offsets = [0, 0, 0], sizes = [1, 5000, 1], strides = [1, 1, 1]} : vector<2x5000x1xf32> to vector<1x5000x1xf32>
    %squeeze3A = vector.shape_cast %slice3A : vector<1x5000x1xf32> to vector<5000x1xf32>
    %add3A = arith.constant 1.000000e+00 : f32
    %add3A_3 = vector.broadcast %add3A : f32 to vector<5000x1xf32>
    %add3A_4 = arith.addf %add3A_3, %squeeze3A : vector<5000x1xf32>
    %slice3A_5 = vector.extract_strided_slice %get3A_2 {offsets = [1, 0, 0], sizes = [1, 5000, 1], strides = [1, 1, 1]} : vector<2x5000x1xf32> to vector<1x5000x1xf32>
    %squeeze3A_6 = vector.shape_cast %slice3A_5 : vector<1x5000x1xf32> to vector<5000x1xf32>
    %add3A_7 = arith.addf %add3A_4, %squeeze3A_6 : vector<5000x1xf32>
    %rsqrt3A = math.rsqrt %add3A_7 : vector<5000x1xf32>
    %get3A_8 = arith.constant 0 : index
    %get3A_9 = arith.constant 0 : index
    %get3A_10 = vector.load %arg1[%get3A_8, %get3A_9] : memref<5000x128xf32, #tpu.memory_space<vmem>>, vector<5000x128xf32>
    %get3A_11 = arith.constant 0 : index
    %get3A_12 = arith.constant 0 : index
    %get3A_13 = vector.load %arg2[%get3A_11, %get3A_12] : memref<128x128xf32, #tpu.memory_space<vmem>>, vector<128x128xf32>
    %dot_general3A = arith.constant dense<0.000000e+00> : vector<5000x128xf32>
    %dot_general3A_14 = tpu.matmul %get3A_10, %get3A_13, %dot_general3A {dimension_numbers = #tpu.dot_dimension_numbers<[1], [0], [0], [1], [0, 0, 1, 1], [], []>, transpose_lhs_hint = false} : vector<5000x128xf32>, vector<128x128xf32>, vector<5000x128xf32> -> vector<5000x128xf32>
    %mul3A = vector.broadcast %rsqrt3A : vector<5000x1xf32> to vector<5000x128xf32>
    %mul3A_15 = arith.mulf %dot_general3A_14, %mul3A : vector<5000x128xf32>
    %slice3A_16 = vector.extract_strided_slice %mul3A_15 {offsets = [0, 0], sizes = [5000, 64], strides = [1, 1]} : vector<5000x128xf32> to vector<5000x64xf32>
    %swap3A = arith.constant 0 : index
    %swap3A_17 = arith.constant 0 : index
    %swap3A_18 = vector.load %arg4[%swap3A, %swap3A_17] : memref<5000x64xf32, #tpu.memory_space<vmem>>, vector<5000x64xf32>
    tpu.vector_store %arg4[%swap3A, %swap3A_17], %slice3A_16 {strides = array<i32>} : memref<5000x64xf32, #tpu.memory_space<vmem>>, vector<5000x64xf32>,
    %slice3A_19 = vector.extract_strided_slice %mul3A_15 {offsets = [0, 64], sizes = [5000, 64], strides = [1, 1]} : vector<5000x128xf32> to vector<5000x64xf32>
    %swap3A_20 = arith.constant 0 : index
    %swap3A_21 = arith.constant 0 : index
    %swap3A_22 = vector.load %arg5[%swap3A_20, %swap3A_21] : memref<5000x64xf32, #tpu.memory_space<vmem>>, vector<5000x64xf32>
    tpu.vector_store %arg5[%swap3A_20, %swap3A_21], %slice3A_19 {strides = array<i32>} : memref<5000x64xf32, #tpu.memory_space<vmem>>, vector<5000x64xf32>,
    %swap3A_23 = arith.constant 0 : index
    %swap3A_24 = arith.constant 0 : index
    %swap3A_25 = vector.load %arg6[%swap3A_23, %swap3A_24] : memref<5000x1xf32, #tpu.memory_space<vmem>>, vector<5000x1xf32>
    tpu.vector_store %arg6[%swap3A_23, %swap3A_24], %rsqrt3A {strides = array<i32>} : memref<5000x1xf32, #tpu.memory_space<vmem>>, vector<5000x1xf32>,
    return
  }
  func.func @transform_0(%arg0: i32) -> (i32, i32) {
    %c0_i32 = arith.constant 0 : i32
    %c0_i32_0 = arith.constant 0 : i32
    return %arg0, %c0_i32 : i32, i32
  }
  func.func @transform_1(%arg0: i32) -> (i32, i32) {
    %c0_i32 = arith.constant 0 : i32
    %c0_i32_0 = arith.constant 0 : i32
    %c0_i32_1 = arith.constant 0 : i32
    return %c0_i32, %c0_i32_0 : i32, i32
  }
  func.func @transform_2(%arg0: i32) -> (i32, i32, i32) {
    %c0_i32 = arith.constant 0 : i32
    %c0_i32_0 = arith.constant 0 : i32
    %c0_i32_1 = arith.constant 0 : i32
    return %c0_i32, %arg0, %c0_i32_0 : i32, i32, i32
  }
  func.func @transform_3(%arg0: i32) -> (i32, i32) {
    %c0_i32 = arith.constant 0 : i32
    %c0_i32_0 = arith.constant 0 : i32
    return %arg0, %c0_i32 : i32, i32
  }
  func.func @transform_4(%arg0: i32) -> (i32, i32) {
    %c0_i32 = arith.constant 0 : i32
    %c0_i32_0 = arith.constant 0 : i32
    return %arg0, %c0_i32 : i32, i32
  }
  func.func @transform_5(%arg0: i32) -> (i32, i32) {
    %c0_i32 = arith.constant 0 : i32
    %c0_i32_0 = arith.constant 0 : i32
    return %arg0, %c0_i32 : i32, i32
  }
}

module attributes {stable_mosaic.version = 14 : i64} {
  func.func @_tc_b_body(%arg0: i32, %arg1: memref<2x5000x64xf32, #tpu.memory_space<vmem>>, %arg2: memref<2x5000x64xf32, #tpu.memory_space<vmem>>, %arg3: memref<5000x64xf32, #tpu.memory_space<vmem>>, %arg4: memref<5000x64xf32, #tpu.memory_space<vmem>>, %arg5: memref<5000x1xf32, #tpu.memory_space<vmem>>, %arg6: memref<1x128xf32, #tpu.memory_space<vmem>>, %arg7: memref<128x128xf32, #tpu.memory_space<vmem>>, %arg8: memref<5000x128xf32, #tpu.memory_space<vmem>>, %arg9: memref<5000x64xf32, #tpu.memory_space<vmem>>, %arg10: memref<5000x64xf32, #tpu.memory_space<vmem>>) attributes {dimension_semantics = [#tpu.dimension_semantics<arbitrary>], iteration_bounds = array<i64: 2>, scalar_prefetch = 0 : i64, scratch_operands = 0 : i64, tpu.core_type = #tpu.core_type<tc>, window_params = [{transform_indices = @transform_0, window_bounds = array<i64: 2, 5000, 64>}, {transform_indices = @transform_1, window_bounds = array<i64: 2, 5000, 64>}, {transform_indices = @transform_2, window_bounds = array<i64: 5000, 64>}, {transform_indices = @transform_3, window_bounds = array<i64: 5000, 64>}, {transform_indices = @transform_4, window_bounds = array<i64: 5000, 1>}, {pipeline_mode = #tpu.pipeline_mode<synchronous>, transform_indices = @transform_5, window_bounds = array<i64: 1, 128>}, {pipeline_mode = #tpu.pipeline_mode<synchronous>, transform_indices = @transform_6, window_bounds = array<i64: 128, 128>}, {transform_indices = @transform_7, window_bounds = array<i64: 5000, 128>}, {transform_indices = @transform_8, window_bounds = array<i64: 5000, 64>}, {transform_indices = @transform_9, window_bounds = array<i64: 5000, 64>}]} {
    %get3A = arith.constant 0 : index
    %get3A_0 = arith.constant 0 : index
    %get3A_1 = arith.constant 0 : index
    %get3A_2 = vector.load %arg1[%get3A, %get3A_0, %get3A_1] : memref<2x5000x64xf32, #tpu.memory_space<vmem>>, vector<2x5000x64xf32>
    %get3A_3 = arith.constant 0 : index
    %get3A_4 = arith.constant 0 : index
    %get3A_5 = arith.constant 0 : index
    %get3A_6 = vector.load %arg2[%get3A_3, %get3A_4, %get3A_5] : memref<2x5000x64xf32, #tpu.memory_space<vmem>>, vector<2x5000x64xf32>
    %get3A_7 = arith.constant 0 : index
    %get3A_8 = arith.constant 0 : index
    %get3A_9 = vector.load %arg5[%get3A_7, %get3A_8] : memref<5000x1xf32, #tpu.memory_space<vmem>>, vector<5000x1xf32>
    %slice3A = vector.extract_strided_slice %get3A_2 {offsets = [0, 0, 0], sizes = [1, 5000, 64], strides = [1, 1, 1]} : vector<2x5000x64xf32> to vector<1x5000x64xf32>
    %squeeze3A = vector.shape_cast %slice3A : vector<1x5000x64xf32> to vector<5000x64xf32>
    %slice3A_10 = vector.extract_strided_slice %get3A_2 {offsets = [1, 0, 0], sizes = [1, 5000, 64], strides = [1, 1, 1]} : vector<2x5000x64xf32> to vector<1x5000x64xf32>
    %squeeze3A_11 = vector.shape_cast %slice3A_10 : vector<1x5000x64xf32> to vector<5000x64xf32>
    %add3A = arith.addf %squeeze3A, %squeeze3A_11 : vector<5000x64xf32>
    %get3A_12 = arith.constant 0 : index
    %get3A_13 = arith.constant 0 : index
    %get3A_14 = vector.load %arg3[%get3A_12, %get3A_13] : memref<5000x64xf32, #tpu.memory_space<vmem>>, vector<5000x64xf32>
    %add3A_15 = arith.addf %add3A, %get3A_14 : vector<5000x64xf32>
    %slice3A_16 = vector.extract_strided_slice %get3A_6 {offsets = [0, 0, 0], sizes = [1, 5000, 64], strides = [1, 1, 1]} : vector<2x5000x64xf32> to vector<1x5000x64xf32>
    %squeeze3A_17 = vector.shape_cast %slice3A_16 : vector<1x5000x64xf32> to vector<5000x64xf32>
    %slice3A_18 = vector.extract_strided_slice %get3A_6 {offsets = [1, 0, 0], sizes = [1, 5000, 64], strides = [1, 1, 1]} : vector<2x5000x64xf32> to vector<1x5000x64xf32>
    %squeeze3A_19 = vector.shape_cast %slice3A_18 : vector<1x5000x64xf32> to vector<5000x64xf32>
    %add3A_20 = arith.addf %squeeze3A_17, %squeeze3A_19 : vector<5000x64xf32>
    %get3A_21 = arith.constant 0 : index
    %get3A_22 = arith.constant 0 : index
    %get3A_23 = vector.load %arg4[%get3A_21, %get3A_22] : memref<5000x64xf32, #tpu.memory_space<vmem>>, vector<5000x64xf32>
    %add3A_24 = arith.addf %add3A_20, %get3A_23 : vector<5000x64xf32>
    %concatenate3A = tpu.concatenate %add3A_15, %add3A_24 in 1 : vector<5000x64xf32>, vector<5000x64xf32> -> vector<5000x128xf32>
    %mul3A = vector.broadcast %get3A_9 : vector<5000x1xf32> to vector<5000x128xf32>
    %mul3A_25 = arith.mulf %concatenate3A, %mul3A : vector<5000x128xf32>
    %get3A_26 = arith.constant 0 : index
    %get3A_27 = arith.constant 0 : index
    %get3A_28 = vector.load %arg6[%get3A_26, %get3A_27] : memref<1x128xf32, #tpu.memory_space<vmem>>, vector<1x128xf32>
    %add3A_29 = vector.broadcast %get3A_28 : vector<1x128xf32> to vector<5000x128xf32>
    %add3A_30 = arith.addf %mul3A_25, %add3A_29 : vector<5000x128xf32>
    %max3A = arith.constant 0.000000e+00 : f32
    %max3A_31 = vector.broadcast %max3A : f32 to vector<5000x128xf32>
    %max3A_32 = arith.maximumf %add3A_30, %max3A_31 : vector<5000x128xf32>
    %swap3A = arith.constant 0 : index
    %swap3A_33 = arith.constant 0 : index
    %swap3A_34 = vector.load %arg8[%swap3A, %swap3A_33] : memref<5000x128xf32, #tpu.memory_space<vmem>>, vector<5000x128xf32>
    tpu.vector_store %arg8[%swap3A, %swap3A_33], %max3A_32 {strides = array<i32>} : memref<5000x128xf32, #tpu.memory_space<vmem>>, vector<5000x128xf32>,
    %get3A_35 = arith.constant 0 : index
    %get3A_36 = arith.constant 0 : index
    %get3A_37 = vector.load %arg7[%get3A_35, %get3A_36] : memref<128x128xf32, #tpu.memory_space<vmem>>, vector<128x128xf32>
    %dot_general3A = arith.constant dense<0.000000e+00> : vector<5000x128xf32>
    %dot_general3A_38 = tpu.matmul %max3A_32, %get3A_37, %dot_general3A {dimension_numbers = #tpu.dot_dimension_numbers<[1], [0], [0], [1], [0, 0, 1, 1], [], []>, transpose_lhs_hint = false} : vector<5000x128xf32>, vector<128x128xf32>, vector<5000x128xf32> -> vector<5000x128xf32>
    %mul3A_39 = vector.broadcast %get3A_9 : vector<5000x1xf32> to vector<5000x128xf32>
    %mul3A_40 = arith.mulf %dot_general3A_38, %mul3A_39 : vector<5000x128xf32>
    %slice3A_41 = vector.extract_strided_slice %mul3A_40 {offsets = [0, 0], sizes = [5000, 64], strides = [1, 1]} : vector<5000x128xf32> to vector<5000x64xf32>
    %swap3A_42 = arith.constant 0 : index
    %swap3A_43 = arith.constant 0 : index
    %swap3A_44 = vector.load %arg9[%swap3A_42, %swap3A_43] : memref<5000x64xf32, #tpu.memory_space<vmem>>, vector<5000x64xf32>
    tpu.vector_store %arg9[%swap3A_42, %swap3A_43], %slice3A_41 {strides = array<i32>} : memref<5000x64xf32, #tpu.memory_space<vmem>>, vector<5000x64xf32>,
    %slice3A_45 = vector.extract_strided_slice %mul3A_40 {offsets = [0, 64], sizes = [5000, 64], strides = [1, 1]} : vector<5000x128xf32> to vector<5000x64xf32>
    %swap3A_46 = arith.constant 0 : index
    %swap3A_47 = arith.constant 0 : index
    %swap3A_48 = vector.load %arg10[%swap3A_46, %swap3A_47] : memref<5000x64xf32, #tpu.memory_space<vmem>>, vector<5000x64xf32>
    tpu.vector_store %arg10[%swap3A_46, %swap3A_47], %slice3A_45 {strides = array<i32>} : memref<5000x64xf32, #tpu.memory_space<vmem>>, vector<5000x64xf32>,
    return
  }
  func.func @transform_0(%arg0: i32) -> (i32, i32, i32) {
    %c0_i32 = arith.constant 0 : i32
    %c0_i32_0 = arith.constant 0 : i32
    %c0_i32_1 = arith.constant 0 : i32
    return %c0_i32, %arg0, %c0_i32_0 : i32, i32, i32
  }
  func.func @transform_1(%arg0: i32) -> (i32, i32, i32) {
    %c0_i32 = arith.constant 0 : i32
    %c0_i32_0 = arith.constant 0 : i32
    %c0_i32_1 = arith.constant 0 : i32
    return %c0_i32, %arg0, %c0_i32_0 : i32, i32, i32
  }
  func.func @transform_2(%arg0: i32) -> (i32, i32) {
    %c0_i32 = arith.constant 0 : i32
    %c0_i32_0 = arith.constant 0 : i32
    return %arg0, %c0_i32 : i32, i32
  }
  func.func @transform_3(%arg0: i32) -> (i32, i32) {
    %c0_i32 = arith.constant 0 : i32
    %c0_i32_0 = arith.constant 0 : i32
    return %arg0, %c0_i32 : i32, i32
  }
  func.func @transform_4(%arg0: i32) -> (i32, i32) {
    %c0_i32 = arith.constant 0 : i32
    %c0_i32_0 = arith.constant 0 : i32
    return %arg0, %c0_i32 : i32, i32
  }
  func.func @transform_5(%arg0: i32) -> (i32, i32) {
    %c0_i32 = arith.constant 0 : i32
    %c0_i32_0 = arith.constant 0 : i32
    %c0_i32_1 = arith.constant 0 : i32
    return %c0_i32, %c0_i32_0 : i32, i32
  }
  func.func @transform_6(%arg0: i32) -> (i32, i32) {
    %c0_i32 = arith.constant 0 : i32
    %c0_i32_0 = arith.constant 0 : i32
    %c0_i32_1 = arith.constant 0 : i32
    return %c0_i32, %c0_i32_0 : i32, i32
  }
  func.func @transform_7(%arg0: i32) -> (i32, i32) {
    %c0_i32 = arith.constant 0 : i32
    %c0_i32_0 = arith.constant 0 : i32
    return %arg0, %c0_i32 : i32, i32
  }
  func.func @transform_8(%arg0: i32) -> (i32, i32) {
    %c0_i32 = arith.constant 0 : i32
    %c0_i32_0 = arith.constant 0 : i32
    return %arg0, %c0_i32 : i32, i32
  }
  func.func @transform_9(%arg0: i32) -> (i32, i32) {
    %c0_i32 = arith.constant 0 : i32
    %c0_i32_0 = arith.constant 0 : i32
    return %arg0, %c0_i32 : i32, i32
  }
}

module attributes {stable_mosaic.version = 14 : i64} {
  func.func @_tc_c_body(%arg0: i32, %arg1: memref<2x5000x64xf32, #tpu.memory_space<vmem>>, %arg2: memref<2x5000x64xf32, #tpu.memory_space<vmem>>, %arg3: memref<5000x64xf32, #tpu.memory_space<vmem>>, %arg4: memref<5000x64xf32, #tpu.memory_space<vmem>>, %arg5: memref<5000x1xf32, #tpu.memory_space<vmem>>, %arg6: memref<1x128xf32, #tpu.memory_space<vmem>>, %arg7: memref<5000x128xf32, #tpu.memory_space<vmem>>) attributes {dimension_semantics = [#tpu.dimension_semantics<arbitrary>], iteration_bounds = array<i64: 2>, scalar_prefetch = 0 : i64, scratch_operands = 0 : i64, tpu.core_type = #tpu.core_type<tc>, window_params = [{transform_indices = @transform_0, window_bounds = array<i64: 2, 5000, 64>}, {transform_indices = @transform_1, window_bounds = array<i64: 2, 5000, 64>}, {transform_indices = @transform_2, window_bounds = array<i64: 5000, 64>}, {transform_indices = @transform_3, window_bounds = array<i64: 5000, 64>}, {transform_indices = @transform_4, window_bounds = array<i64: 5000, 1>}, {pipeline_mode = #tpu.pipeline_mode<synchronous>, transform_indices = @transform_5, window_bounds = array<i64: 1, 128>}, {transform_indices = @transform_6, window_bounds = array<i64: 5000, 128>}]} {
    %get3A = arith.constant 0 : index
    %get3A_0 = arith.constant 0 : index
    %get3A_1 = arith.constant 0 : index
    %get3A_2 = vector.load %arg1[%get3A, %get3A_0, %get3A_1] : memref<2x5000x64xf32, #tpu.memory_space<vmem>>, vector<2x5000x64xf32>
    %get3A_3 = arith.constant 0 : index
    %get3A_4 = arith.constant 0 : index
    %get3A_5 = arith.constant 0 : index
    %get3A_6 = vector.load %arg2[%get3A_3, %get3A_4, %get3A_5] : memref<2x5000x64xf32, #tpu.memory_space<vmem>>, vector<2x5000x64xf32>
    %get3A_7 = arith.constant 0 : index
    %get3A_8 = arith.constant 0 : index
    %get3A_9 = vector.load %arg5[%get3A_7, %get3A_8] : memref<5000x1xf32, #tpu.memory_space<vmem>>, vector<5000x1xf32>
    %slice3A = vector.extract_strided_slice %get3A_2 {offsets = [0, 0, 0], sizes = [1, 5000, 64], strides = [1, 1, 1]} : vector<2x5000x64xf32> to vector<1x5000x64xf32>
    %squeeze3A = vector.shape_cast %slice3A : vector<1x5000x64xf32> to vector<5000x64xf32>
    %slice3A_10 = vector.extract_strided_slice %get3A_2 {offsets = [1, 0, 0], sizes = [1, 5000, 64], strides = [1, 1, 1]} : vector<2x5000x64xf32> to vector<1x5000x64xf32>
    %squeeze3A_11 = vector.shape_cast %slice3A_10 : vector<1x5000x64xf32> to vector<5000x64xf32>
    %add3A = arith.addf %squeeze3A, %squeeze3A_11 : vector<5000x64xf32>
    %get3A_12 = arith.constant 0 : index
    %get3A_13 = arith.constant 0 : index
    %get3A_14 = vector.load %arg3[%get3A_12, %get3A_13] : memref<5000x64xf32, #tpu.memory_space<vmem>>, vector<5000x64xf32>
    %add3A_15 = arith.addf %add3A, %get3A_14 : vector<5000x64xf32>
    %slice3A_16 = vector.extract_strided_slice %get3A_6 {offsets = [0, 0, 0], sizes = [1, 5000, 64], strides = [1, 1, 1]} : vector<2x5000x64xf32> to vector<1x5000x64xf32>
    %squeeze3A_17 = vector.shape_cast %slice3A_16 : vector<1x5000x64xf32> to vector<5000x64xf32>
    %slice3A_18 = vector.extract_strided_slice %get3A_6 {offsets = [1, 0, 0], sizes = [1, 5000, 64], strides = [1, 1, 1]} : vector<2x5000x64xf32> to vector<1x5000x64xf32>
    %squeeze3A_19 = vector.shape_cast %slice3A_18 : vector<1x5000x64xf32> to vector<5000x64xf32>
    %add3A_20 = arith.addf %squeeze3A_17, %squeeze3A_19 : vector<5000x64xf32>
    %get3A_21 = arith.constant 0 : index
    %get3A_22 = arith.constant 0 : index
    %get3A_23 = vector.load %arg4[%get3A_21, %get3A_22] : memref<5000x64xf32, #tpu.memory_space<vmem>>, vector<5000x64xf32>
    %add3A_24 = arith.addf %add3A_20, %get3A_23 : vector<5000x64xf32>
    %concatenate3A = tpu.concatenate %add3A_15, %add3A_24 in 1 : vector<5000x64xf32>, vector<5000x64xf32> -> vector<5000x128xf32>
    %mul3A = vector.broadcast %get3A_9 : vector<5000x1xf32> to vector<5000x128xf32>
    %mul3A_25 = arith.mulf %concatenate3A, %mul3A : vector<5000x128xf32>
    %get3A_26 = arith.constant 0 : index
    %get3A_27 = arith.constant 0 : index
    %get3A_28 = vector.load %arg6[%get3A_26, %get3A_27] : memref<1x128xf32, #tpu.memory_space<vmem>>, vector<1x128xf32>
    %add3A_29 = vector.broadcast %get3A_28 : vector<1x128xf32> to vector<5000x128xf32>
    %add3A_30 = arith.addf %mul3A_25, %add3A_29 : vector<5000x128xf32>
    %swap3A = arith.constant 0 : index
    %swap3A_31 = arith.constant 0 : index
    %swap3A_32 = vector.load %arg7[%swap3A, %swap3A_31] : memref<5000x128xf32, #tpu.memory_space<vmem>>, vector<5000x128xf32>
    tpu.vector_store %arg7[%swap3A, %swap3A_31], %add3A_30 {strides = array<i32>} : memref<5000x128xf32, #tpu.memory_space<vmem>>, vector<5000x128xf32>,
    return
  }
  func.func @transform_0(%arg0: i32) -> (i32, i32, i32) {
    %c0_i32 = arith.constant 0 : i32
    %c0_i32_0 = arith.constant 0 : i32
    %c0_i32_1 = arith.constant 0 : i32
    return %c0_i32, %arg0, %c0_i32_0 : i32, i32, i32
  }
  func.func @transform_1(%arg0: i32) -> (i32, i32, i32) {
    %c0_i32 = arith.constant 0 : i32
    %c0_i32_0 = arith.constant 0 : i32
    %c0_i32_1 = arith.constant 0 : i32
    return %c0_i32, %arg0, %c0_i32_0 : i32, i32, i32
  }
  func.func @transform_2(%arg0: i32) -> (i32, i32) {
    %c0_i32 = arith.constant 0 : i32
    %c0_i32_0 = arith.constant 0 : i32
    return %arg0, %c0_i32 : i32, i32
  }
  func.func @transform_3(%arg0: i32) -> (i32, i32) {
    %c0_i32 = arith.constant 0 : i32
    %c0_i32_0 = arith.constant 0 : i32
    return %arg0, %c0_i32 : i32, i32
  }
  func.func @transform_4(%arg0: i32) -> (i32, i32) {
    %c0_i32 = arith.constant 0 : i32
    %c0_i32_0 = arith.constant 0 : i32
    return %arg0, %c0_i32 : i32, i32
  }
  func.func @transform_5(%arg0: i32) -> (i32, i32) {
    %c0_i32 = arith.constant 0 : i32
    %c0_i32_0 = arith.constant 0 : i32
    %c0_i32_1 = arith.constant 0 : i32
    return %c0_i32, %c0_i32_0 : i32, i32
  }
  func.func @transform_6(%arg0: i32) -> (i32, i32) {
    %c0_i32 = arith.constant 0 : i32
    %c0_i32_0 = arith.constant 0 : i32
    return %arg0, %c0_i32 : i32, i32
  }
}

</mosaic_0001>

<sc_bundles>
// kernel: kernel.11.cloned.1.call-start
scs
__scs_entry_jumppad:
0x0: {  	(pc) =	sbr.rel $0x88, $3  }
0x1: {  	(tag) =	ssettag $0x0;
	lr =	simm.s32 $0x1  }
0x2: {  	[smem:$0x3F9B] =	sst lr;
	_ =	strace $0xD0000000  }
0x3: {  	_ = 	snop  }
0x4: {  	_ = 	snop  }
0x5: {  	_ = 	snop  }
0x6: {  	_ = 	snop  }
0x7: {  	_ = 	snop  }
__scs_overlays_trampoline_lowered:
0x8: {  	[smem:$0x3FAA] =	sst s0  }
0x9: {  	[smem:$0x3FAB] =	sst s1  }
0xa: {  	[smem:$0x3FAC] =	sst s2  }
0xb: {  	[smem:$0x3FAD] =	sst s3  }
0xc: {  	[smem:$0x3FAE] =	sst s4  }
0xd: {  	[smem:$0x3FAF] =	sst s5  }
0xe: {  	[smem:$0x3FB0] =	sst s6  }
0xf: {  	[smem:$0x3FB1] =	sst s7  }
0x10: {  	[smem:$0x3FB2] =	sst s8  }
0x11: {  	[smem:$0x3FB3] =	sst s9;
	s0 =	simm.s32 @!p0 $0x0  }
0x12: {  	s1 =	sld [smem:$0x3F99];
	s0 =	simm.s32 @p0 $0x1  }
0x13: {  	[smem:$0x3FB4] =	sst s0;
	s0 =	simm.s32 @!p1 $0x0  }
0x14: {  	s2 =	sld [smem:$0x3F98];
	s0 =	simm.s32 @p1 $0x1  }
0x15: {  	[smem:$0x3FB5] =	sst s0;
	s0 =	simm.s32 @!p2 $0x0  }
0x16: {  	s3 =	sld [smem:$0x3FDB];
	s0 =	simm.s32 @p2 $0x1  }
0x17: {  	s4 =	simm.s32 $0x1BF5;
	[smem:$0x3FB7] =	sst s0  }
0x18: {  	s0 =	sld [smem:$0x3F9A];
	_ =	swait.ge [sflag:s4], $0x0  }
0x19: {  	s7 =	sld [smem:$0x3F9B]  }
0x1a: {  	s8 =	sadd.s32 $0xFFFFE003, lr  }
0x1b: {  	s9 =	sadd.s32 $0xFFFFFEF7, lr;
	s5 =	simm.s32 $0xFFFFFFFF;
	p2 =	slt.u32 s8, $0xFFFFF086  }
0x1c: {  	p1 =	slt.u32 s9, $0xF7A;
	s5 =	simm.s32 @!p2 $0x0  }
0x1d: {  	s5 =	simm.s32 @p1 $0x1;
	p0 =	seq.s32 s7, s2  }
0x1e: {  	s7 =	smul.u32 @!p0 $0xF7A, s2;
	p2 =	seq.s32 @!p0 s5, $0x0  }
0x1f: {  	s9 =	smul.u32 $0xF7A, s1;
	s8 =	simm.s32 @!p0 $0x1BF5;
	p2 =	por !p2, p0  }
0x20: {  	[sflag:s8] =	ssyncset.s32 @!p0 $0xFFFFF086;
	s6 =	sadd.s32 @!p0 s3, s7;
	s7 =	simm.s32 @!p0 $0x108  }
0x21: {  	s3 =	sadd.s32 s3, s9;
	s6 =	sadd.s32 @!p0 $0x88, s6;
	s7 =	simm.s32 @p2 $0x1082  }
0x22: {  	[simem:s7], [sflag:s8] =	dma.local @!p0 [hbm:s6], $0xF7A  }
0x23: {  	s9 =	sor.u32 $0xD0000000, s2;
	s6 =	simm.s32 $0x108;
	_ =	swait.ge @!p0 [sflag:s8], $0x0  }
0x24: {  	s3 =	sadd.s32 $0x88, s3;
	s6 =	simm.s32 @!p1 $0x1082;
	[sflag:s4] =	ssyncset.s32 $0xFFFFF086  }
0x25: {  	[simem:s6], [sflag:s4] =	dma.local [hbm:s3], $0xF7A  }
0x26: {  	[smem:$0x3F9B] =	sst s1;
	(tag) =	ssettag s2;
	_ =	strace s9  }
0x27: {  	s1 =	sld [smem:$0x3FAB]  }
0x28: {  	s2 =	sld [smem:$0x3FAC]  }
0x29: {  	s4 =	sld [smem:$0x3FAE]  }
0x2a: {  	p0 =	seq.s32 s5, $0x0;
	s5 =	sld [smem:$0x3FAF]  }
0x2b: {  	s6 =	sld [smem:$0x3FB0]  }
0x2c: {  	s7 =	sld [smem:$0x3FB1]  }
0x2d: {  	s3 =	simm.s32 $0x108;
	s8 =	sld [smem:$0x3FB2]  }
0x2e: {  	s3 =	simm.s32 @!p0 $0x1082;
	s9 =	sld [smem:$0x3FB3]  }
0x2f: {  	lr =	sadd.s32 s0, s3;
	s0 =	sld [smem:$0x3FAA]  }
0x30: {  	s3 =	sld [smem:$0x3FAD]  }
0x31: {  	[smem:$0x3FB6] =	sst s10  }
0x32: {  	s10 =	sld [smem:$0x3FB4];
	_ =	sdelay $0x3  }
0x33: {  	p0 =	seq.s32 s10, $0x1;
	s10 =	sld [smem:$0x3FB6];
	_ =	sdelay $0x3  }
0x34: {  	[smem:$0x3FB6] =	sst s10  }
0x35: {  	s10 =	sld [smem:$0x3FB5];
	_ =	sdelay $0x3  }
0x36: {  	p1 =	seq.s32 s10, $0x1;
	s10 =	sld [smem:$0x3FB6];
	_ =	sdelay $0x3  }
0x37: {  	[smem:$0x3FB6] =	sst s10  }
0x38: {  	s10 =	sld [smem:$0x3FB7]  }
0x39: {  	_ = 	snop;
	(pc) =	sbr.ind lr, $3  }
0x3a: {  	_ = 	snop  }
0x3b: {  	_ = 	snop  }
0x3c: {  	p2 =	seq.s32 s10, $0x1;
	s10 =	sld [smem:$0x3FB6]  }
0x3d: {  	_ =	shalt  }
0x3e: {  	_ =	shalt  }
0x3f: {  	_ =	shalt  }
0x40: {  	_ =	shalt  }
0x41: {  	_ =	shalt  }
0x42: {  	_ =	shalt  }
0x43: {  	_ =	shalt  }
0x44: {  	_ =	shalt  }
0x45: {  	_ =	shalt  }
0x46: {  	_ =	shalt  }
0x47: {  	_ =	shalt  }
0x48: {  	_ =	shalt  }
0x49: {  	_ =	shalt  }
0x4a: {  	_ =	shalt  }
0x4b: {  	_ =	shalt  }
0x4c: {  	_ =	shalt  }
0x4d: {  	_ =	shalt  }
0x4e: {  	_ =	shalt  }
0x4f: {  	_ =	shalt  }
0x50: {  	_ =	shalt  }
0x51: {  	_ =	shalt  }
0x52: {  	_ =	shalt  }
0x53: {  	_ =	shalt  }
0x54: {  	_ =	shalt  }
0x55: {  	_ =	shalt  }
0x56: {  	_ =	shalt  }
0x57: {  	_ =	shalt  }
0x58: {  	_ =	shalt  }
0x59: {  	_ =	shalt  }
0x5a: {  	_ =	shalt  }
0x5b: {  	_ =	shalt  }
0x5c: {  	_ =	shalt  }
0x5d: {  	_ =	shalt  }
0x5e: {  	_ =	shalt  }
0x5f: {  	_ =	shalt  }
0x60: {  	_ =	shalt  }
0x61: {  	_ =	shalt  }
0x62: {  	_ =	shalt  }
0x63: {  	_ =	shalt  }
0x64: {  	_ =	shalt  }
0x65: {  	_ =	shalt  }
0x66: {  	_ =	shalt  }
0x67: {  	_ =	shalt  }
0x68: {  	_ =	shalt  }
0x69: {  	_ =	shalt  }
0x6a: {  	_ =	shalt  }
0x6b: {  	_ =	shalt  }
0x6c: {  	_ =	shalt  }
0x6d: {  	_ =	shalt  }
0x6e: {  	_ =	shalt  }
0x6f: {  	_ =	shalt  }
0x70: {  	_ =	shalt  }
0x71: {  	_ =	shalt  }
0x72: {  	_ =	shalt  }
0x73: {  	_ =	shalt  }
0x74: {  	_ =	shalt  }
0x75: {  	_ =	shalt  }
0x76: {  	_ =	shalt  }
0x77: {  	_ =	shalt  }
0x78: {  	_ =	shalt  }
0x79: {  	_ =	shalt  }
0x7a: {  	_ =	shalt  }
0x7b: {  	_ =	shalt  }
0x7c: {  	_ =	shalt  }
0x7d: {  	_ =	shalt  }
0x7e: {  	_ =	shalt  }
0x7f: {  	_ =	shalt  }
0x80: {  	_ =	shalt  }
0x81: {  	_ =	shalt  }
0x82: {  	_ =	shalt  }
0x83: {  	_ =	shalt  }
0x84: {  	_ =	shalt  }
0x85: {  	_ =	shalt  }
0x86: {  	_ =	shalt  }
0x87: {  	_ =	shalt  }
.Lfunc_end0:
.L_simem_size_0:
called_computation.1_lowered:
.L_overlay_start_0:
0x88: {  	s2 =	sld [smem:$0x3FD9]  }
0x89: {  	s3 =	sld [smem:$0x3FFE];
	_ =	sdelay $0x1  }
0x8a: {  	s1 =	srdreg.scid  }
0x8b: {  	s0 =	sand.u32 $0x1, s1  }
0x8c: {  	s14 =	sshll.u32 s0, $0xA;
	s2 =	sadd.s32 s3, s2  }
0x8d: {  	s2 =	sadd.s32 s2, s14  }
0x8e: {  	[smem:$0x3FC2] =	sst s2  }
0x8f: {  	_ = 	snop  }
0x90: {  	s2 =	sld [smem:$0x3FD0];
	_ =	sdelay $0x2  }
0x91: {  	s15 =	simm.s32 $0xA;
	s4 =	simm.s32 $0x10  }
0x92: {  	[smem:s4], [sflag:s15] =	dma.local [hbm:s2], $0x1  }
0x93: {  	_ =	swait.eq [sflag:s15], $0x1  }
0x94: {  	[sflag:s15] =	ssyncset.done $0x0  }
0x95: {  	[sflag:s15] =	ssyncadd.s32 $0xFFFFFFFF  }
0x96: {  	s16 =	sld [smem:$0x11];
	(tm) =	ssettm $0x1  }
0x97: {  	s17 =	sld [smem:$0x3FFB];
	_ =	sdelay $0x3  }
0x98: {  	_ =	strace s17  }
0x99: {  	s3 =	sld [smem:$0x3FFC];
	_ =	sdelay $0x3  }
0x9a: {  	_ =	strace s3  }
0x9b: {  	s3 =	sld [smem:$0x3FFD];
	_ =	sdelay $0x3  }
0x9c: {  	_ =	strace s3  }
0x9d: {  	_ =	strace $0x8FFFFFFF  }
0x9e: {  	s18 =	sld [smem:$0x3FDB];
	_ =	sdelay $0x1  }
0x9f: {  	s19 =	simm.s32 $_scs_section_size  }
0xa0: {  	s5 =	simm.s32 $_size__tile_overlayer_lowered;
	s6 =	simm.s32 $_tile_overlayer_lowered  }
0xa1: {  	s22 =	simm.s32 $0x1BFF;
	s21 =	sshll.u32 s6, $0x1;
	s3 =	sadd.s32 s19, s18  }
0xa2: {  	s7 =	simm.s32 $0x0;
	s20 =	sshll.u32 s5, $0x1;
	s5 =	sadd.s32 s21, s3  }
0xa3: {  	[timem:s7], [sflag:s22] =	dma.local [hbm:s5], s20  }
0xa4: {  	_ =	swait.ge [sflag:s22], s20  }
0xa5: {  	s4 =	ssub.s32 $0x0, s20;
	[sflag:s22] =	ssyncset.done $0x0  }
0xa6: {  	[sflag:s22] =	ssyncadd.s32 s4;
	_ =	sdelay $0x1  }
0xa7: {  	s23 =	simm.s32 $0x1B8B  }
0xa8: {  	_ =	swait.ge [sflag:s23], $0x1  }
0xa9: {  	[sflag:s23] =	ssyncset.done $0x0  }
0xaa: {  	s25 =	simm.s32 $0x1B8E;
	s24 =	sld [smem:$0x3FFE];
	[sflag:s23] =	ssyncadd.s32 $0xFFFFFFFF  }
0xab: {  	s26 =	simm.s32 $execute0_lowered;
	[smem:$0x3FD2] =	sst s25  }
0xac: {  	s5 =	sshll.u32 s26, $0x1;
	_ =	strace $0x80000049;
	[dreg:$0x1] =	wrdreg $0xFFFFFFFF  }
0xad: {  	s28 =	simm.s32 $_size_execute0_lowered;
	s3 =	sadd.s32 s3, s5;
	[dreg:$0x0] =	wrdreg $0x0  }
0xae: {  	s5 =	sshll.u32 s28, $0x1;
	[dreg:$0x2] =	wrdreg s3  }
0xaf: {  	[dreg:$0x3] =	wrdreg s5  }
0xb0: {  	[dreg:$0x4] =	wrdreg $0xC0  }
0xb1: {  	_ =	task [dreg:s7], $0x5FFFF  }
0xb2: {  	[dreg:$0x1] =	wrdreg $0xFFFFFFFF  }
0xb3: {  	[dreg:$0x0] =	wrdreg $0x60  }
0xb4: {  	[dreg:$0x2] =	wrdreg s16  }
0xb5: {  	[dreg:$0x3] =	wrdreg s24  }
0xb6: {  	[dreg:$0x4] =	wrdreg $0x152200  }
0xb7: {  	[dreg:$0x5] =	wrdreg $0x9  }
0xb8: {  	_ =	task.clear_ibuf [dreg:s7], $0x6FFFF;
	_ =	strace $0x90000049  }
0xb9: {  	s29 =	simm.s32 $0x9;
	_ =	strace $0x8000004B  }
0xba: {  	_ =	swait.ge [sflag:s29], $0x1  }
0xbb: {  	[sflag:s29] =	ssyncadd.s32 $0xFFFFFFFF  }
0xbc: {  	_ =	strace $0x9000004B  }
0xbd: {  	_ =	sfence  }
0xbe: {  	s30 =	sld [smem:$0x0];
	_ =	sdelay $0x2  }
0xbf: {  	s31 =	sshll.u32 s1, $0xD;
	s1 =	sshrl.u32 s1, $0x2  }
0xc0: {  	s3 =	sand.u32 $0x4000, s31;
	s1 =	sadd.s32 s1, s30  }
0xc1: {  	s0 =	sor.u32 s3, s0;
	s1 =	sshll.u32 s1, $0x11  }
0xc2: {  	s0 =	sor.u32 s1, s0  }
0xc3: {  	s0 =	sadd.s32 $0x8F2B, s0  }
0xc4: {  	[sflag:s0] =	ssyncadd.remote.s32 $0x1  }
0xc5: {  	_ =	sfence.sel $0xFFFF  }
0xc6: {  	[dreg:$0x0] =	wrdreg $0xFFFFFFFF;
	(pc) =	sbr.abs _section_cstart, $3  }
0xc7: {  	[dreg:$0x1] =	wrdreg $0xFFFFFFFF  }
0xc8: {  	_ =	task.clear_ibuf [dreg:s7], $0x2FFFF;
	_ =	strace $0x9FFFFFFF  }
0xc9: {  	(tm) =	ssettm $0x7FFFFFFF  }
tec
execute0_lowered:
.L_overlay_start_1:
0x0: {  	(tag) =	ssettag $0x1  }
0x1: {  	s0 =	srdreg.scid;
	s1 =	rddreg [dreg:$0x0]  }
0x2: {  	s10 =	stileid.u32;
	s4 =	rddreg [dreg:$0x1]  }
0x3: {  	s3 =	rddreg [dreg:$0x2];
	s5 =	simm.s32 $0x0;
	s21 =	simm.s32 $0x1B  }
0x4: {  	s16 =	simm.s32 $0x50;
	s13 =	simm.s32 $0xE;
	s11 =	simm.s32 $0x14  }
0x5: {  	s18 =	simm.s32 $0x1A;
	s0 =	sand.u32 $0x1, s0;
	s6 =	smul.u32 $0x9E00, s10  }
0x6: {  	[smem:$0x7FF] =	sst s5;
	s5 =	sadd.s32 $0x17600, s4;
	s31 =	sshll.u32 s10, $0x6  }
0x7: {  	s2 =	sshll.u32 s0, $0x4;
	s7 =	smul.u32 $0x9E000, s0;
	_ =	strace $0x8000004A  }
0x8: {  	s0 =	ssub.s32 $0x2, s0;
	s23 =	sor.u32 $0x1C1B, s31;
	s2 =	sor.u32 s10, s2  }
0x9: {  	s8 =	sshrl.u32 s6, $0x3;
	s9 =	sshrl.u32 s0, $0x1;
	s28 =	sadd.s32 s6, s3  }
0xa: {  	s10 =	simm.s32 $0x13;
	[dreg:$0xa] =	wrdreg s23;
	s2 =	smul.u32 $0x4E2, s2  }
0xb: {  	s7 =	sadd.s32 s6, s7;
	s8 =	sadd.s32 s8, s4;
	s0 =	ssub.s32 s0, s9  }
0xc: {  	s24 =	sshrl.u32 s28, $0x3;
	s6 =	simm.s32 $0x10;
	s9 =	simm.s32 $0x12  }
0xd: {  	s7 =	sshrl.u32 s7, $0x3;
	s29 =	sadd.s32 $0x2B000, s8;
	[dreg:$0xb] =	wrdreg s24  }
0xe: {  	s0 =	smax.u32 s0, $0x1;
	s2 =	sadd.s32 s2, s4;
	[dreg:$0x6] =	wrdreg s29  }
.Ltmp0:
0xf: {  	[dreg:$0x9] =	wrdreg s0;
	s26 =	sadd.s32 $0x3A00, s2;
	(pc) =	sbr.rel .LBB2_1-.Ltmp0, $4  }
0x10: {  	s4 =	sadd.s32 s7, s4;
	s2 =	sadd.s32 $0xD800, s2;
	[dreg:$0x4] =	wrdreg s26  }
0x11: {  	s8 =	simm.s32 $0x15;
	s30 =	sadd.s32 $0x66400, s4;
	[dreg:$0x5] =	wrdreg s2  }
0x12: {  	s7 =	simm.s32 $0x11;
	s4 =	sadd.s32 $0x3EC00, s4;
	[dreg:$0x7] =	wrdreg s30  }
0x13: {  	s0 =	simm.s32 $0x0;
	[dreg:$0x8] =	wrdreg s4;
	s4 =	simm.s32 $0xF  }
.LBB2_7:
0x14: {  	[bflag:$0x0] =	sbarrier.arrive $0xFFFF  }
0x15: {  	s19 =	rddreg [dreg:$0x8]  }
0x16: {  	s23 =	rddreg [dreg:$0xa]  }
0x17: {  	s21 =	simm.s32 $0x1B;
	s24 =	rddreg [dreg:$0xb]  }
0x18: {  	[hbm:s19], [sflag:s23] =	dma.local [spmem:s24], $0x13C0  }
0x19: {  	_ =	swait.ge [sflag:s21], $0x13C0  }
0x1a: {  	s0 =	rddreg [dreg:$0xc]  }
0x1b: {  	s31 =	rddreg [dreg:$0x9];
	s0 =	sadd.s32 $0x1, s0  }
0x1c: {  	p0 =	sne.s32 s0, s31  }
.Ltmp1:
0x1d: {  	_ = 	snop;
	(pc) =	sbr.rel @!p0 .LBB2_8-.Ltmp1, $3  }
0x1e: {  	[sflag:s21] =	ssyncset.done $0x0  }
0x1f: {  	[sflag:s21] =	ssyncadd.s32 $0xFFFFEC40  }
0x20: {  	[bflag:$0x0] =	sbarrier.arrive $0xFFFF;
	_ =	sdelay $0x1  }
.LBB2_1:
0x21: {  	[dreg:$0xc] =	wrdreg s0  }
0x22: {  	s19 =	simm.s32 $0x0;
	s20 =	rddreg [dreg:$0x4]  }
0x23: {  	[tilespmem:s19], [sflag:$0x1B] =	stream.linear.gather [hbm4b:s20+s19], $0x2710, $0x38;
	[tilespmem:$0x1F020] =	vst v63  }
0x24: {  	_ =	swait.ge [sflag:s21], $0x2710  }
0x25: {  	[sflag:s21] =	ssyncset.done $0x0  }
0x26: {  	s22 =	simm.s32 $0x2710;
	s30 =	rddreg [dreg:$0x5];
	[sflag:s21] =	ssyncadd.s32 $0xFFFFD8F0  }
0x27: {  	[tilespmem:s22], [sflag:$0x1B] =	stream.linear.gather [hbm4b:s30+s19], $0x2710, $0x38;
	[tilespmem:$0x1F020] =	vst v63  }
0x28: {  	_ =	swait.ge [sflag:s21], $0x2710  }
0x29: {  	[sflag:s21] =	ssyncset.done $0x0  }
0x2a: {  	s31 =	rddreg [dreg:$0x6];
	[sflag:s21] =	ssyncadd.s32 $0xFFFFD8F0  }
0x2b: {  	[spmem:s24], [sflag:s23] =	dma.local [hbm:s31], $0x13C0  }
0x2c: {  	_ =	swait.ge [sflag:s21], $0x13C0  }
0x2d: {  	[sflag:s21] =	ssyncset.done $0x0  }
0x2e: {  	[sflag:s21] =	ssyncadd.s32 $0xFFFFEC40  }
0x2f: {  	s19 =	simm.s32 $0x0;
	[bflag:$0x0] =	sbarrier.arrive $0xFFFF  }
.LBB2_2:
0x30: {  	s23 =	sshra.s32 s19, $0x2;
	s14 =	simm.s32 $0x4E20  }
0x31: {  	[tilespmem:s14], [sflag:$0x1] =	stream.indirect.gather [hbm4b:s1+s16], $0x40, s23, s16, $0xb8;
	[tilespmem:$0x1F020] =	vst v63  }
0x32: {  	s30 =	simm.s32 $0x6220;
	s20 =	sadd.s32 $0x50, s23  }
0x33: {  	[tilespmem:s30], [sflag:$0x2] =	stream.indirect.gather [hbm4b:s1+s16], $0x40, s20, s16, $0xb8;
	[tilespmem:$0x1F020] =	vst v63  }
0x34: {  	s15 =	simm.s32 $0x7620;
	s21 =	sadd.s32 $0xA0, s23  }
0x35: {  	[tilespmem:s15], [sflag:$0x3] =	stream.indirect.gather [hbm4b:s1+s16], $0x40, s21, s16, $0xb8;
	[tilespmem:$0x1F020] =	vst v63  }
0x36: {  	s31 =	simm.s32 $0x8A20;
	s22 =	sadd.s32 $0xF0, s23  }
0x37: {  	[tilespmem:s31], [sflag:$0x4] =	stream.indirect.gather [hbm4b:s1+s16], $0x40, s22, s16, $0xb8;
	[tilespmem:$0x1F020] =	vst v63  }
0x38: {  	s12 =	simm.s32 $0x9E20;
	s24 =	sadd.s32 $0x140, s23  }
0x39: {  	[tilespmem:s12], [sflag:$0x5] =	stream.indirect.gather [hbm4b:s1+s16], $0x40, s24, s16, $0xb8;
	[tilespmem:$0x1F020] =	vst v63  }
0x3a: {  	s2 =	simm.s32 $0xB220;
	s25 =	sadd.s32 $0x190, s23  }
0x3b: {  	[tilespmem:s2], [sflag:$0x6] =	stream.indirect.gather [hbm4b:s1+s16], $0x40, s25, s16, $0xb8;
	[tilespmem:$0x1F020] =	vst v63  }
0x3c: {  	s17 =	simm.s32 $0xC620;
	p0 =	seq.s32 s19, $0x9240;
	s26 =	sadd.s32 $0x1E0, s23  }
0x3d: {  	[tilespmem:s17], [sflag:$0x7] =	stream.indirect.gather [hbm4b:s1+s16], $0x40, s26, s16, $0xb8;
	[tilespmem:$0x1F020] =	vst v63  }
0x3e: {  	s0 =	simm.s32 $0xDA20;
	s28 =	sadd.s32 $0x230, s23;
	s26 =	sshra.s32 @!p0 s19, $0x2  }
0x3f: {  	[tilespmem:s0], [sflag:$0x8] =	stream.indirect.gather [hbm4b:s1+s16], $0x40, s28, s16, $0xb8;
	[tilespmem:$0x1F020] =	vst v63  }
0x40: {  	s20 =	simm.s32 @!p0 $0x50;
	s21 =	sadd.s32 @!p0 $0x280, s26;
	s28 =	simm.s32 @!p0 $0xEE20  }
0x41: {  	[tilespmem:s28], [sflag:$0x9] =	stream.indirect.gather @!p0 [hbm4b:s1+s20], $0x40, s21, s20, $0xb8;
	[tilespmem:$0x1F020] =	vst v63  }
0x42: {  	s25 =	simm.s32 @!p0 $0x10220;
	s21 =	sadd.s32 @!p0 $0x2D0, s26  }
0x43: {  	[tilespmem:s25], [sflag:$0xA] =	stream.indirect.gather @!p0 [hbm4b:s1+s20], $0x40, s21, s20, $0xb8;
	[tilespmem:$0x1F020] =	vst v63  }
0x44: {  	s24 =	simm.s32 @!p0 $0x11620;
	s21 =	sadd.s32 @!p0 $0x320, s26  }
0x45: {  	[tilespmem:s24], [sflag:$0xB] =	stream.indirect.gather @!p0 [hbm4b:s1+s20], $0x40, s21, s20, $0xb8;
	[tilespmem:$0x1F020] =	vst v63  }
0x46: {  	s22 =	simm.s32 @!p0 $0x12A20;
	s21 =	sadd.s32 @!p0 $0x370, s26  }
0x47: {  	[tilespmem:s22], [sflag:$0xC] =	stream.indirect.gather @!p0 [hbm4b:s1+s20], $0x40, s21, s20, $0xb8;
	[tilespmem:$0x1F020] =	vst v63  }
0x48: {  	s29 =	sadd.s32 @!p0 $0x3C0, s26;
	s21 =	simm.s32 @!p0 $0x13E20  }
0x49: {  	[tilespmem:s21], [sflag:$0xD] =	stream.indirect.gather @!p0 [hbm4b:s1+s20], $0x40, s29, s20, $0xb8;
	[tilespmem:$0x1F020] =	vst v63  }
0x4a: {  	s29 =	simm.s32 $0x1  }
0x4b: {  	_ =	swait.ge [sflag:s29], $0x1400  }
0x4c: {  	[sflag:s29] =	ssyncset.done $0x0  }
0x4d: {  	[sflag:s29] =	ssyncadd.s32 $0xFFFFEC00;
	s29 =	sadd.s32 $0x2710, s23  }
0x4e: {  	[spmem:s3] =	stream.indirect.scatter.add.f32 [tilespmem:s14], [sflag:$0xE], $0x40, s29, s16, $0xb8;
	[tilespmem:$0x1F020] =	vst v63  }
0x4f: {  	s29 =	simm.s32 $0x2  }
0x50: {  	_ =	swait.ge [sflag:s29], $0x1400  }
0x51: {  	[sflag:s29] =	ssyncset.done $0x0  }
0x52: {  	s14 =	sadd.s32 $0x2760, s23;
	[sflag:s29] =	ssyncadd.s32 $0xFFFFEC00  }
0x53: {  	[spmem:s3] =	stream.indirect.scatter.add.f32 [tilespmem:s30], [sflag:$0xF], $0x40, s14, s16, $0xb8;
	[tilespmem:$0x1F020] =	vst v63  }
0x54: {  	s30 =	simm.s32 $0x3  }
0x55: {  	_ =	swait.ge [sflag:s30], $0x1400  }
0x56: {  	[sflag:s30] =	ssyncset.done $0x0  }
0x57: {  	s14 =	sadd.s32 $0x27B0, s23;
	[sflag:s30] =	ssyncadd.s32 $0xFFFFEC00;
	s30 =	simm.s32 $0x4  }
0x58: {  	[spmem:s3] =	stream.indirect.scatter.add.f32 [tilespmem:s15], [sflag:$0x10], $0x40, s14, s16, $0xb8;
	[tilespmem:$0x1F020] =	vst v63  }
0x59: {  	_ =	swait.ge [sflag:s30], $0x1400  }
0x5a: {  	[sflag:s30] =	ssyncset.done $0x0  }
0x5b: {  	s15 =	sadd.s32 $0x2800, s23;
	[sflag:s30] =	ssyncadd.s32 $0xFFFFEC00;
	s30 =	simm.s32 $0x5  }
0x5c: {  	[spmem:s3] =	stream.indirect.scatter.add.f32 [tilespmem:s31], [sflag:$0x11], $0x40, s15, s16, $0xb8;
	[tilespmem:$0x1F020] =	vst v63  }
0x5d: {  	_ =	swait.ge [sflag:s30], $0x1400  }
0x5e: {  	[sflag:s30] =	ssyncset.done $0x0  }
0x5f: {  	s14 =	simm.s32 $0x6;
	s31 =	sadd.s32 $0x2850, s23;
	[sflag:s30] =	ssyncadd.s32 $0xFFFFEC00  }
0x60: {  	[spmem:s3] =	stream.indirect.scatter.add.f32 [tilespmem:s12], [sflag:$0x12], $0x40, s31, s16, $0xb8;
	[tilespmem:$0x1F020] =	vst v63  }
0x61: {  	_ =	swait.ge [sflag:s14], $0x1400  }
0x62: {  	[sflag:s14] =	ssyncset.done $0x0  }
0x63: {  	s29 =	simm.s32 $0x7;
	s15 =	sadd.s32 $0x28A0, s23;
	[sflag:s14] =	ssyncadd.s32 $0xFFFFEC00  }
0x64: {  	[spmem:s3] =	stream.indirect.scatter.add.f32 [tilespmem:s2], [sflag:$0x13], $0x40, s15, s16, $0xb8;
	[tilespmem:$0x1F020] =	vst v63  }
0x65: {  	_ =	swait.ge [sflag:s29], $0x1400  }
0x66: {  	[sflag:s29] =	ssyncset.done $0x0  }
0x67: {  	s30 =	sadd.s32 $0x28F0, s23;
	s31 =	simm.s32 $0x8;
	[sflag:s29] =	ssyncadd.s32 $0xFFFFEC00  }
0x68: {  	[spmem:s3] =	stream.indirect.scatter.add.f32 [tilespmem:s17], [sflag:$0x14], $0x40, s30, s16, $0xb8;
	[tilespmem:$0x1F020] =	vst v63  }
0x69: {  	_ =	swait.ge [sflag:s31], $0x1400  }
0x6a: {  	[sflag:s31] =	ssyncset.done $0x0  }
0x6b: {  	s23 =	sadd.s32 $0x2940, s23;
	[sflag:s31] =	ssyncadd.s32 $0xFFFFEC00  }
0x6c: {  	[spmem:s3] =	stream.indirect.scatter.add.f32 [tilespmem:s0], [sflag:$0x15], $0x40, s23, s16, $0xb8;
	[tilespmem:$0x1F020] =	vst v63  }
0x6d: {  	s23 =	simm.s32 @!p0 $0x9  }
0x6e: {  	_ =	swait.ge @!p0 [sflag:s23], $0x1400  }
0x6f: {  	[sflag:s23] =	ssyncset.done @!p0 $0x0  }
0x70: {  	[sflag:s23] =	ssyncadd.s32 @!p0 $0xFFFFEC00;
	s23 =	sadd.s32 @!p0 $0x2990, s26  }
0x71: {  	[spmem:s3] =	stream.indirect.scatter.add.f32 @!p0 [tilespmem:s28], [sflag:$0x16], $0x40, s23, s20, $0xb8;
	[tilespmem:$0x1F020] =	vst v63  }
0x72: {  	s26 =	simm.s32 @!p0 $0xA;
	s23 =	sadd.s32 @!p0 $0xB40, s19  }
0x73: {  	s23 =	simm.s32 @p0 $0x9D80;
	_ =	swait.ge @!p0 [sflag:s26], $0x1400  }
0x74: {  	[sflag:s26] =	ssyncset.done @!p0 $0x0;
	s23 =	sshra.s32 @!p0 s23, $0x2  }
0x75: {  	[sflag:s26] =	ssyncadd.s32 @!p0 $0xFFFFEC00;
	s23 =	sadd.s32 @!p0 $0x2710, s23  }
0x76: {  	[spmem:s3] =	stream.indirect.scatter.add.f32 @!p0 [tilespmem:s25], [sflag:$0x17], $0x40, s23, s20, $0xb8;
	[tilespmem:$0x1F020] =	vst v63  }
0x77: {  	s23 =	sadd.s32 @!p0 $0xC80, s19;
	s25 =	simm.s32 @!p0 $0xB  }
0x78: {  	s23 =	simm.s32 @p0 $0x9EC0;
	_ =	swait.ge @!p0 [sflag:s25], $0x1400  }
0x79: {  	[sflag:s25] =	ssyncset.done @!p0 $0x0;
	s23 =	sshra.s32 @!p0 s23, $0x2  }
0x7a: {  	[sflag:s25] =	ssyncadd.s32 @!p0 $0xFFFFEC00;
	s23 =	sadd.s32 @!p0 $0x2710, s23  }
0x7b: {  	[spmem:s3] =	stream.indirect.scatter.add.f32 @!p0 [tilespmem:s24], [sflag:$0x18], $0x40, s23, s20, $0xb8;
	[tilespmem:$0x1F020] =	vst v63  }
0x7c: {  	s23 =	sadd.s32 @!p0 $0xDC0, s19;
	s24 =	simm.s32 @!p0 $0xC  }
0x7d: {  	s23 =	simm.s32 @p0 $0xA000;
	_ =	swait.ge @!p0 [sflag:s24], $0x1400  }
0x7e: {  	[sflag:s24] =	ssyncset.done @!p0 $0x0;
	s23 =	sshra.s32 @!p0 s23, $0x2  }
0x7f: {  	[sflag:s24] =	ssyncadd.s32 @!p0 $0xFFFFEC00;
	s23 =	sadd.s32 @!p0 $0x2710, s23  }
0x80: {  	[spmem:s3] =	stream.indirect.scatter.add.f32 @!p0 [tilespmem:s22], [sflag:$0x19], $0x40, s23, s20, $0xb8;
	[tilespmem:$0x1F020] =	vst v63  }
0x81: {  	s22 =	sadd.s32 @!p0 $0xF00, s19;
	s23 =	simm.s32 @!p0 $0xD  }
0x82: {  	s22 =	simm.s32 @p0 $0xA140;
	_ =	swait.ge @!p0 [sflag:s23], $0x1400  }
0x83: {  	[sflag:s23] =	ssyncset.done @!p0 $0x0;
	s22 =	sshra.s32 @!p0 s22, $0x2  }
0x84: {  	[sflag:s23] =	ssyncadd.s32 @!p0 $0xFFFFEC00;
	s22 =	sadd.s32 @!p0 $0x2710, s22  }
0x85: {  	[spmem:s3] =	stream.indirect.scatter.add.f32 @!p0 [tilespmem:s21], [sflag:$0x1A], $0x40, s22, s20, $0xb8;
	[tilespmem:$0x1F020] =	vst v63  }
0x86: {  	_ =	swait.ge [sflag:s13], $0x1400  }
0x87: {  	[sflag:s13] =	ssyncset.done $0x0  }
0x88: {  	[sflag:s13] =	ssyncadd.s32 $0xFFFFEC00  }
0x89: {  	_ =	swait.ge [sflag:s4], $0x1400  }
0x8a: {  	[sflag:s4] =	ssyncset.done $0x0  }
0x8b: {  	[sflag:s4] =	ssyncadd.s32 $0xFFFFEC00  }
0x8c: {  	_ =	swait.ge [sflag:s6], $0x1400  }
0x8d: {  	[sflag:s6] =	ssyncset.done $0x0  }
0x8e: {  	[sflag:s6] =	ssyncadd.s32 $0xFFFFEC00  }
0x8f: {  	_ =	swait.ge [sflag:s7], $0x1400  }
0x90: {  	[sflag:s7] =	ssyncset.done $0x0  }
0x91: {  	[sflag:s7] =	ssyncadd.s32 $0xFFFFEC00  }
0x92: {  	_ =	swait.ge [sflag:s9], $0x1400  }
0x93: {  	[sflag:s9] =	ssyncset.done $0x0  }
0x94: {  	[sflag:s9] =	ssyncadd.s32 $0xFFFFEC00  }
0x95: {  	_ =	swait.ge [sflag:s10], $0x1400  }
0x96: {  	[sflag:s10] =	ssyncset.done $0x0  }
0x97: {  	[sflag:s10] =	ssyncadd.s32 $0xFFFFEC00  }
0x98: {  	_ =	swait.ge [sflag:s11], $0x1400  }
.Ltmp2:
0x99: {  	[sflag:s11] =	ssyncset.done $0x0;
	(pc) =	sbr.rel @p0 .LBB2_4-.Ltmp2, $4  }
0x9a: {  	[sflag:s11] =	ssyncadd.s32 $0xFFFFEC00  }
0x9b: {  	_ =	swait.ge [sflag:s8], $0x1400  }
0x9c: {  	[sflag:s8] =	ssyncset.done $0x0  }
0x9d: {  	[sflag:s8] =	ssyncadd.s32 $0xFFFFEC00  }
0x9e: {  	s0 =	simm.s32 $0x16  }
0x9f: {  	_ =	swait.ge [sflag:s0], $0x1400  }
0xa0: {  	[sflag:s0] =	ssyncset.done $0x0  }
0xa1: {  	s29 =	simm.s32 $0x17;
	[sflag:s0] =	ssyncadd.s32 $0xFFFFEC00  }
0xa2: {  	_ =	swait.ge [sflag:s29], $0x1400  }
0xa3: {  	[sflag:s29] =	ssyncset.done $0x0  }
0xa4: {  	s30 =	simm.s32 $0x18;
	[sflag:s29] =	ssyncadd.s32 $0xFFFFEC00  }
0xa5: {  	_ =	swait.ge [sflag:s30], $0x1400  }
0xa6: {  	[sflag:s30] =	ssyncset.done $0x0  }
0xa7: {  	s31 =	simm.s32 $0x19;
	[sflag:s30] =	ssyncadd.s32 $0xFFFFEC00  }
0xa8: {  	_ =	swait.ge [sflag:s31], $0x1400  }
.Ltmp3:
0xa9: {  	[sflag:s31] =	ssyncset.done $0x0;
	(pc) =	sbr.rel .LBB2_2-.Ltmp3, $4  }
0xaa: {  	[sflag:s31] =	ssyncadd.s32 $0xFFFFEC00  }
0xab: {  	_ =	swait.ge [sflag:s18], $0x1400  }
0xac: {  	[sflag:s18] =	ssyncset.done $0x0  }
0xad: {  	s19 =	sadd.s32 $0x1040, s19;
	[sflag:s18] =	ssyncadd.s32 $0xFFFFEC00  }
.LBB2_4:
0xae: {  	[bflag:$0x0] =	sbarrier.arrive $0xFFFF  }
0xaf: {  	s19 =	rddreg [dreg:$0x7]  }
0xb0: {  	s21 =	rddreg [dreg:$0xa]  }
0xb1: {  	s20 =	simm.s32 $0x1B;
	s22 =	rddreg [dreg:$0xb]  }
0xb2: {  	[hbm:s19], [sflag:s21] =	dma.local [spmem:s22], $0x13C0  }
0xb3: {  	_ =	swait.ge [sflag:s20], $0x13C0  }
0xb4: {  	[sflag:s20] =	ssyncset.done $0x0  }
0xb5: {  	[sflag:s20] =	ssyncadd.s32 $0xFFFFEC40  }
0xb6: {  	[bflag:$0x0] =	sbarrier.arrive $0xFFFF  }
0xb7: {  	s31 =	rddreg [dreg:$0x6]  }
0xb8: {  	[spmem:s22], [sflag:s21] =	dma.local [hbm:s31], $0x13C0  }
0xb9: {  	_ =	swait.ge [sflag:s20], $0x13C0  }
0xba: {  	[sflag:s20] =	ssyncset.done $0x0  }
0xbb: {  	[sflag:s20] =	ssyncadd.s32 $0xFFFFEC40  }
0xbc: {  	s19 =	simm.s32 $0x0;
	[bflag:$0x0] =	sbarrier.arrive $0xFFFF  }
.LBB2_5:
0xbd: {  	s23 =	sshra.s32 s19, $0x2;
	s14 =	simm.s32 $0x4E20  }
0xbe: {  	[tilespmem:s14], [sflag:$0x1] =	stream.indirect.gather [hbm4b:s5+s16], $0x40, s23, s16, $0xb8;
	[tilespmem:$0x1F020] =	vst v63  }
0xbf: {  	s30 =	simm.s32 $0x6220;
	s20 =	sadd.s32 $0x50, s23  }
0xc0: {  	[tilespmem:s30], [sflag:$0x2] =	stream.indirect.gather [hbm4b:s5+s16], $0x40, s20, s16, $0xb8;
	[tilespmem:$0x1F020] =	vst v63  }
0xc1: {  	s15 =	simm.s32 $0x7620;
	s21 =	sadd.s32 $0xA0, s23  }
0xc2: {  	[tilespmem:s15], [sflag:$0x3] =	stream.indirect.gather [hbm4b:s5+s16], $0x40, s21, s16, $0xb8;
	[tilespmem:$0x1F020] =	vst v63  }
0xc3: {  	s31 =	simm.s32 $0x8A20;
	s22 =	sadd.s32 $0xF0, s23  }
0xc4: {  	[tilespmem:s31], [sflag:$0x4] =	stream.indirect.gather [hbm4b:s5+s16], $0x40, s22, s16, $0xb8;
	[tilespmem:$0x1F020] =	vst v63  }
0xc5: {  	s12 =	simm.s32 $0x9E20;
	s24 =	sadd.s32 $0x140, s23  }
0xc6: {  	[tilespmem:s12], [sflag:$0x5] =	stream.indirect.gather [hbm4b:s5+s16], $0x40, s24, s16, $0xb8;
	[tilespmem:$0x1F020] =	vst v63  }
0xc7: {  	s2 =	simm.s32 $0xB220;
	s25 =	sadd.s32 $0x190, s23  }
0xc8: {  	[tilespmem:s2], [sflag:$0x6] =	stream.indirect.gather [hbm4b:s5+s16], $0x40, s25, s16, $0xb8;
	[tilespmem:$0x1F020] =	vst v63  }
0xc9: {  	s17 =	simm.s32 $0xC620;
	p0 =	seq.s32 s19, $0x9240;
	s26 =	sadd.s32 $0x1E0, s23  }
0xca: {  	[tilespmem:s17], [sflag:$0x7] =	stream.indirect.gather [hbm4b:s5+s16], $0x40, s26, s16, $0xb8;
	[tilespmem:$0x1F020] =	vst v63  }
0xcb: {  	s0 =	simm.s32 $0xDA20;
	s28 =	sadd.s32 $0x230, s23;
	s26 =	sshra.s32 @!p0 s19, $0x2  }
0xcc: {  	[tilespmem:s0], [sflag:$0x8] =	stream.indirect.gather [hbm4b:s5+s16], $0x40, s28, s16, $0xb8;
	[tilespmem:$0x1F020] =	vst v63  }
0xcd: {  	s20 =	simm.s32 @!p0 $0x50;
	s21 =	sadd.s32 @!p0 $0x280, s26;
	s28 =	simm.s32 @!p0 $0xEE20  }
0xce: {  	[tilespmem:s28], [sflag:$0x9] =	stream.indirect.gather @!p0 [hbm4b:s5+s20], $0x40, s21, s20, $0xb8;
	[tilespmem:$0x1F020] =	vst v63  }
0xcf: {  	s25 =	simm.s32 @!p0 $0x10220;
	s21 =	sadd.s32 @!p0 $0x2D0, s26  }
0xd0: {  	[tilespmem:s25], [sflag:$0xA] =	stream.indirect.gather @!p0 [hbm4b:s5+s20], $0x40, s21, s20, $0xb8;
	[tilespmem:$0x1F020] =	vst v63  }
0xd1: {  	s24 =	simm.s32 @!p0 $0x11620;
	s21 =	sadd.s32 @!p0 $0x320, s26  }
0xd2: {  	[tilespmem:s24], [sflag:$0xB] =	stream.indirect.gather @!p0 [hbm4b:s5+s20], $0x40, s21, s20, $0xb8;
	[tilespmem:$0x1F020] =	vst v63  }
0xd3: {  	s22 =	simm.s32 @!p0 $0x12A20;
	s21 =	sadd.s32 @!p0 $0x370, s26  }
0xd4: {  	[tilespmem:s22], [sflag:$0xC] =	stream.indirect.gather @!p0 [hbm4b:s5+s20], $0x40, s21, s20, $0xb8;
	[tilespmem:$0x1F020] =	vst v63  }
0xd5: {  	s29 =	sadd.s32 @!p0 $0x3C0, s26;
	s21 =	simm.s32 @!p0 $0x13E20  }
0xd6: {  	[tilespmem:s21], [sflag:$0xD] =	stream.indirect.gather @!p0 [hbm4b:s5+s20], $0x40, s29, s20, $0xb8;
	[tilespmem:$0x1F020] =	vst v63  }
0xd7: {  	s29 =	simm.s32 $0x1  }
0xd8: {  	_ =	swait.ge [sflag:s29], $0x1400  }
0xd9: {  	[sflag:s29] =	ssyncset.done $0x0  }
0xda: {  	[sflag:s29] =	ssyncadd.s32 $0xFFFFEC00;
	s29 =	sadd.s32 $0x2710, s23  }
0xdb: {  	[spmem:s3] =	stream.indirect.scatter.add.f32 [tilespmem:s14], [sflag:$0xE], $0x40, s29, s16, $0xb8;
	[tilespmem:$0x1F020] =	vst v63  }
0xdc: {  	s29 =	simm.s32 $0x2  }
0xdd: {  	_ =	swait.ge [sflag:s29], $0x1400  }
0xde: {  	[sflag:s29] =	ssyncset.done $0x0  }
0xdf: {  	s14 =	sadd.s32 $0x2760, s23;
	[sflag:s29] =	ssyncadd.s32 $0xFFFFEC00  }
0xe0: {  	[spmem:s3] =	stream.indirect.scatter.add.f32 [tilespmem:s30], [sflag:$0xF], $0x40, s14, s16, $0xb8;
	[tilespmem:$0x1F020] =	vst v63  }
0xe1: {  	s30 =	simm.s32 $0x3  }
0xe2: {  	_ =	swait.ge [sflag:s30], $0x1400  }
0xe3: {  	[sflag:s30] =	ssyncset.done $0x0  }
0xe4: {  	s14 =	sadd.s32 $0x27B0, s23;
	[sflag:s30] =	ssyncadd.s32 $0xFFFFEC00;
	s30 =	simm.s32 $0x4  }
0xe5: {  	[spmem:s3] =	stream.indirect.scatter.add.f32 [tilespmem:s15], [sflag:$0x10], $0x40, s14, s16, $0xb8;
	[tilespmem:$0x1F020] =	vst v63  }
0xe6: {  	_ =	swait.ge [sflag:s30], $0x1400  }
0xe7: {  	[sflag:s30] =	ssyncset.done $0x0  }
0xe8: {  	s15 =	sadd.s32 $0x2800, s23;
	[sflag:s30] =	ssyncadd.s32 $0xFFFFEC00;
	s30 =	simm.s32 $0x5  }
0xe9: {  	[spmem:s3] =	stream.indirect.scatter.add.f32 [tilespmem:s31], [sflag:$0x11], $0x40, s15, s16, $0xb8;
	[tilespmem:$0x1F020] =	vst v63  }
0xea: {  	_ =	swait.ge [sflag:s30], $0x1400  }
0xeb: {  	[sflag:s30] =	ssyncset.done $0x0  }
0xec: {  	s14 =	simm.s32 $0x6;
	s31 =	sadd.s32 $0x2850, s23;
	[sflag:s30] =	ssyncadd.s32 $0xFFFFEC00  }
0xed: {  	[spmem:s3] =	stream.indirect.scatter.add.f32 [tilespmem:s12], [sflag:$0x12], $0x40, s31, s16, $0xb8;
	[tilespmem:$0x1F020] =	vst v63  }
0xee: {  	_ =	swait.ge [sflag:s14], $0x1400  }
0xef: {  	[sflag:s14] =	ssyncset.done $0x0  }
0xf0: {  	s29 =	simm.s32 $0x7;
	s15 =	sadd.s32 $0x28A0, s23;
	[sflag:s14] =	ssyncadd.s32 $0xFFFFEC00  }
0xf1: {  	[spmem:s3] =	stream.indirect.scatter.add.f32 [tilespmem:s2], [sflag:$0x13], $0x40, s15, s16, $0xb8;
	[tilespmem:$0x1F020] =	vst v63  }
0xf2: {  	_ =	swait.ge [sflag:s29], $0x1400  }
0xf3: {  	[sflag:s29] =	ssyncset.done $0x0  }
0xf4: {  	s30 =	sadd.s32 $0x28F0, s23;
	s31 =	simm.s32 $0x8;
	[sflag:s29] =	ssyncadd.s32 $0xFFFFEC00  }
0xf5: {  	[spmem:s3] =	stream.indirect.scatter.add.f32 [tilespmem:s17], [sflag:$0x14], $0x40, s30, s16, $0xb8;
	[tilespmem:$0x1F020] =	vst v63  }
0xf6: {  	_ =	swait.ge [sflag:s31], $0x1400  }
0xf7: {  	[sflag:s31] =	ssyncset.done $0x0  }
0xf8: {  	s23 =	sadd.s32 $0x2940, s23;
	[sflag:s31] =	ssyncadd.s32 $0xFFFFEC00  }
0xf9: {  	[spmem:s3] =	stream.indirect.scatter.add.f32 [tilespmem:s0], [sflag:$0x15], $0x40, s23, s16, $0xb8;
	[tilespmem:$0x1F020] =	vst v63  }
0xfa: {  	s23 =	simm.s32 @!p0 $0x9  }
0xfb: {  	_ =	swait.ge @!p0 [sflag:s23], $0x1400  }
0xfc: {  	[sflag:s23] =	ssyncset.done @!p0 $0x0  }
0xfd: {  	[sflag:s23] =	ssyncadd.s32 @!p0 $0xFFFFEC00;
	s23 =	sadd.s32 @!p0 $0x2990, s26  }
0xfe: {  	[spmem:s3] =	stream.indirect.scatter.add.f32 @!p0 [tilespmem:s28], [sflag:$0x16], $0x40, s23, s20, $0xb8;
	[tilespmem:$0x1F020] =	vst v63  }
0xff: {  	s26 =	simm.s32 @!p0 $0xA;
	s23 =	sadd.s32 @!p0 $0xB40, s19  }
0x100: {  	s23 =	simm.s32 @p0 $0x9D80;
	_ =	swait.ge @!p0 [sflag:s26], $0x1400  }
0x101: {  	[sflag:s26] =	ssyncset.done @!p0 $0x0;
	s23 =	sshra.s32 @!p0 s23, $0x2  }
0x102: {  	[sflag:s26] =	ssyncadd.s32 @!p0 $0xFFFFEC00;
	s23 =	sadd.s32 @!p0 $0x2710, s23  }
0x103: {  	[spmem:s3] =	stream.indirect.scatter.add.f32 @!p0 [tilespmem:s25], [sflag:$0x17], $0x40, s23, s20, $0xb8;
	[tilespmem:$0x1F020] =	vst v63  }
0x104: {  	s23 =	sadd.s32 @!p0 $0xC80, s19;
	s25 =	simm.s32 @!p0 $0xB  }
0x105: {  	s23 =	simm.s32 @p0 $0x9EC0;
	_ =	swait.ge @!p0 [sflag:s25], $0x1400  }
0x106: {  	[sflag:s25] =	ssyncset.done @!p0 $0x0;
	s23 =	sshra.s32 @!p0 s23, $0x2  }
0x107: {  	[sflag:s25] =	ssyncadd.s32 @!p0 $0xFFFFEC00;
	s23 =	sadd.s32 @!p0 $0x2710, s23  }
0x108: {  	[spmem:s3] =	stream.indirect.scatter.add.f32 @!p0 [tilespmem:s24], [sflag:$0x18], $0x40, s23, s20, $0xb8;
	[tilespmem:$0x1F020] =	vst v63  }
0x109: {  	s23 =	sadd.s32 @!p0 $0xDC0, s19;
	s24 =	simm.s32 @!p0 $0xC  }
0x10a: {  	s23 =	simm.s32 @p0 $0xA000;
	_ =	swait.ge @!p0 [sflag:s24], $0x1400  }
0x10b: {  	[sflag:s24] =	ssyncset.done @!p0 $0x0;
	s23 =	sshra.s32 @!p0 s23, $0x2  }
0x10c: {  	[sflag:s24] =	ssyncadd.s32 @!p0 $0xFFFFEC00;
	s23 =	sadd.s32 @!p0 $0x2710, s23  }
0x10d: {  	[spmem:s3] =	stream.indirect.scatter.add.f32 @!p0 [tilespmem:s22], [sflag:$0x19], $0x40, s23, s20, $0xb8;
	[tilespmem:$0x1F020] =	vst v63  }
0x10e: {  	s22 =	sadd.s32 @!p0 $0xF00, s19;
	s23 =	simm.s32 @!p0 $0xD  }
0x10f: {  	s22 =	simm.s32 @p0 $0xA140;
	_ =	swait.ge @!p0 [sflag:s23], $0x1400  }
0x110: {  	[sflag:s23] =	ssyncset.done @!p0 $0x0;
	s22 =	sshra.s32 @!p0 s22, $0x2  }
0x111: {  	[sflag:s23] =	ssyncadd.s32 @!p0 $0xFFFFEC00;
	s22 =	sadd.s32 @!p0 $0x2710, s22  }
0x112: {  	[spmem:s3] =	stream.indirect.scatter.add.f32 @!p0 [tilespmem:s21], [sflag:$0x1A], $0x40, s22, s20, $0xb8;
	[tilespmem:$0x1F020] =	vst v63  }
0x113: {  	_ =	swait.ge [sflag:s13], $0x1400  }
0x114: {  	[sflag:s13] =	ssyncset.done $0x0  }
0x115: {  	[sflag:s13] =	ssyncadd.s32 $0xFFFFEC00  }
0x116: {  	_ =	swait.ge [sflag:s4], $0x1400  }
0x117: {  	[sflag:s4] =	ssyncset.done $0x0  }
0x118: {  	[sflag:s4] =	ssyncadd.s32 $0xFFFFEC00  }
0x119: {  	_ =	swait.ge [sflag:s6], $0x1400  }
0x11a: {  	[sflag:s6] =	ssyncset.done $0x0  }
0x11b: {  	[sflag:s6] =	ssyncadd.s32 $0xFFFFEC00  }
0x11c: {  	_ =	swait.ge [sflag:s7], $0x1400  }
0x11d: {  	[sflag:s7] =	ssyncset.done $0x0  }
0x11e: {  	[sflag:s7] =	ssyncadd.s32 $0xFFFFEC00  }
0x11f: {  	_ =	swait.ge [sflag:s9], $0x1400  }
0x120: {  	[sflag:s9] =	ssyncset.done $0x0  }
0x121: {  	[sflag:s9] =	ssyncadd.s32 $0xFFFFEC00  }
0x122: {  	_ =	swait.ge [sflag:s10], $0x1400  }
0x123: {  	[sflag:s10] =	ssyncset.done $0x0  }
0x124: {  	[sflag:s10] =	ssyncadd.s32 $0xFFFFEC00  }
0x125: {  	_ =	swait.ge [sflag:s11], $0x1400  }
.Ltmp4:
0x126: {  	[sflag:s11] =	ssyncset.done $0x0;
	(pc) =	sbr.rel @p0 .LBB2_7-.Ltmp4, $4  }
0x127: {  	[sflag:s11] =	ssyncadd.s32 $0xFFFFEC00  }
0x128: {  	_ =	swait.ge [sflag:s8], $0x1400  }
0x129: {  	[sflag:s8] =	ssyncset.done $0x0  }
0x12a: {  	[sflag:s8] =	ssyncadd.s32 $0xFFFFEC00  }
0x12b: {  	s0 =	simm.s32 $0x16  }
0x12c: {  	_ =	swait.ge [sflag:s0], $0x1400  }
0x12d: {  	[sflag:s0] =	ssyncset.done $0x0  }
0x12e: {  	s29 =	simm.s32 $0x17;
	[sflag:s0] =	ssyncadd.s32 $0xFFFFEC00  }
0x12f: {  	_ =	swait.ge [sflag:s29], $0x1400  }
0x130: {  	[sflag:s29] =	ssyncset.done $0x0  }
0x131: {  	s30 =	simm.s32 $0x18;
	[sflag:s29] =	ssyncadd.s32 $0xFFFFEC00  }
0x132: {  	_ =	swait.ge [sflag:s30], $0x1400  }
0x133: {  	[sflag:s30] =	ssyncset.done $0x0  }
0x134: {  	s31 =	simm.s32 $0x19;
	[sflag:s30] =	ssyncadd.s32 $0xFFFFEC00  }
0x135: {  	_ =	swait.ge [sflag:s31], $0x1400  }
.Ltmp5:
0x136: {  	[sflag:s31] =	ssyncset.done $0x0;
	(pc) =	sbr.rel .LBB2_5-.Ltmp5, $4  }
0x137: {  	[sflag:s31] =	ssyncadd.s32 $0xFFFFEC00  }
0x138: {  	_ =	swait.ge [sflag:s18], $0x1400  }
0x139: {  	[sflag:s18] =	ssyncset.done $0x0  }
0x13a: {  	s19 =	sadd.s32 $0x1040, s19;
	[sflag:s18] =	ssyncadd.s32 $0xFFFFEC00  }
.LBB2_8:
0x13b: {  	_ =	sfence.sel $0x180000  }
0x13c: {  	[bflag:$0x0] =	sbarrier.arrive $0xFFFF  }
0x13d: {  	_ =	strace $0x9000004A  }
0x13e: {  	s0 =	stileid.u32;
	[bflag:$0x2] =	sbarrier.arrive $0xFFFF  }
0x13f: {  	p0 =	sne.s32 s0, $0x0;
	s0 =	rddreg [dreg:$0x3]  }
0x140: {  	s0 =	sadd.s32 @!p0 $0x100000, s0  }
0x141: {  	[sflag:s0] =	ssyncadd.tile.s32 @!p0 $0x1;
	_ =	shalt  }
.Lfunc_end2:
_tile_overlayer_lowered:
.L_overlay_start_2:
0x142: {  	(tag) =	ssettag $0x2  }
0x143: {  	s0 =	rddreg [dreg:$0x0];
	s2 =	stileid.u32  }
0x144: {  	s1 =	rddreg [dreg:$0x1];
	p0 =	sne.s32 s2, $0x0  }
0x145: {  	s3 =	rddreg [dreg:$0x2];
	[bflag:$0x3] =	sbarrier.arrive $0xFFFF;
	s2 =	simm.s32 @!p0 $0x1C1B  }
0x146: {  	[timem:s3], [sflag:s2] =	dma.local @!p0 [hbm:s0], s1  }
0x147: {  	s0 =	simm.s32 @!p0 $0x1B  }
0x148: {  	_ =	swait.ge @!p0 [sflag:s0], s1  }
0x149: {  	s1 =	ssub.s32 @!p0 $0x0, s1;
	[sflag:s0] =	ssyncset.done @!p0 $0x0  }
0x14a: {  	[sflag:s0] =	ssyncadd.s32 @!p0 s1  }
0x14b: {  	[bflag:$0x3] =	sbarrier.arrive $0xFFFF  }
0x14c: {  	_ =	shalt  }

// kernel: kernel.14.cloned.1.call-start
scs
__scs_entry_jumppad:
0x0: {  	(pc) =	sbr.rel $0x88, $3  }
0x1: {  	(tag) =	ssettag $0x0;
	lr =	simm.s32 $0x1  }
0x2: {  	[smem:$0x3F9B] =	sst lr;
	_ =	strace $0xD0000000  }
0x3: {  	_ = 	snop  }
0x4: {  	_ = 	snop  }
0x5: {  	_ = 	snop  }
0x6: {  	_ = 	snop  }
0x7: {  	_ = 	snop  }
__scs_overlays_trampoline_lowered:
0x8: {  	[smem:$0x3FAA] =	sst s0  }
0x9: {  	[smem:$0x3FAB] =	sst s1  }
0xa: {  	[smem:$0x3FAC] =	sst s2  }
0xb: {  	[smem:$0x3FAD] =	sst s3  }
0xc: {  	[smem:$0x3FAE] =	sst s4  }
0xd: {  	[smem:$0x3FAF] =	sst s5  }
0xe: {  	[smem:$0x3FB0] =	sst s6  }
0xf: {  	[smem:$0x3FB1] =	sst s7  }
0x10: {  	[smem:$0x3FB2] =	sst s8  }
0x11: {  	[smem:$0x3FB3] =	sst s9;
	s0 =	simm.s32 @!p0 $0x0  }
0x12: {  	s1 =	sld [smem:$0x3F99];
	s0 =	simm.s32 @p0 $0x1  }
0x13: {  	[smem:$0x3FB4] =	sst s0;
	s0 =	simm.s32 @!p1 $0x0  }
0x14: {  	s2 =	sld [smem:$0x3F98];
	s0 =	simm.s32 @p1 $0x1  }
0x15: {  	[smem:$0x3FB5] =	sst s0;
	s0 =	simm.s32 @!p2 $0x0  }
0x16: {  	s3 =	sld [smem:$0x3FDB];
	s0 =	simm.s32 @p2 $0x1  }
0x17: {  	s4 =	simm.s32 $0x1BF5;
	[smem:$0x3FB7] =	sst s0  }
0x18: {  	s0 =	sld [smem:$0x3F9A];
	_ =	swait.ge [sflag:s4], $0x0  }
0x19: {  	s7 =	sld [smem:$0x3F9B]  }
0x1a: {  	s8 =	sadd.s32 $0xFFFFE003, lr  }
0x1b: {  	s9 =	sadd.s32 $0xFFFFFEF7, lr;
	s5 =	simm.s32 $0xFFFFFFFF;
	p2 =	slt.u32 s8, $0xFFFFF086  }
0x1c: {  	p1 =	slt.u32 s9, $0xF7A;
	s5 =	simm.s32 @!p2 $0x0  }
0x1d: {  	s5 =	simm.s32 @p1 $0x1;
	p0 =	seq.s32 s7, s2  }
0x1e: {  	s7 =	smul.u32 @!p0 $0xF7A, s2;
	p2 =	seq.s32 @!p0 s5, $0x0  }
0x1f: {  	s9 =	smul.u32 $0xF7A, s1;
	s8 =	simm.s32 @!p0 $0x1BF5;
	p2 =	por !p2, p0  }
0x20: {  	[sflag:s8] =	ssyncset.s32 @!p0 $0xFFFFF086;
	s6 =	sadd.s32 @!p0 s3, s7;
	s7 =	simm.s32 @!p0 $0x108  }
0x21: {  	s3 =	sadd.s32 s3, s9;
	s6 =	sadd.s32 @!p0 $0x88, s6;
	s7 =	simm.s32 @p2 $0x1082  }
0x22: {  	[simem:s7], [sflag:s8] =	dma.local @!p0 [hbm:s6], $0xF7A  }
0x23: {  	s9 =	sor.u32 $0xD0000000, s2;
	s6 =	simm.s32 $0x108;
	_ =	swait.ge @!p0 [sflag:s8], $0x0  }
0x24: {  	s3 =	sadd.s32 $0x88, s3;
	s6 =	simm.s32 @!p1 $0x1082;
	[sflag:s4] =	ssyncset.s32 $0xFFFFF086  }
0x25: {  	[simem:s6], [sflag:s4] =	dma.local [hbm:s3], $0xF7A  }
0x26: {  	[smem:$0x3F9B] =	sst s1;
	(tag) =	ssettag s2;
	_ =	strace s9  }
0x27: {  	s1 =	sld [smem:$0x3FAB]  }
0x28: {  	s2 =	sld [smem:$0x3FAC]  }
0x29: {  	s4 =	sld [smem:$0x3FAE]  }
0x2a: {  	p0 =	seq.s32 s5, $0x0;
	s5 =	sld [smem:$0x3FAF]  }
0x2b: {  	s6 =	sld [smem:$0x3FB0]  }
0x2c: {  	s7 =	sld [smem:$0x3FB1]  }
0x2d: {  	s3 =	simm.s32 $0x108;
	s8 =	sld [smem:$0x3FB2]  }
0x2e: {  	s3 =	simm.s32 @!p0 $0x1082;
	s9 =	sld [smem:$0x3FB3]  }
0x2f: {  	lr =	sadd.s32 s0, s3;
	s0 =	sld [smem:$0x3FAA]  }
0x30: {  	s3 =	sld [smem:$0x3FAD]  }
0x31: {  	[smem:$0x3FB6] =	sst s10  }
0x32: {  	s10 =	sld [smem:$0x3FB4];
	_ =	sdelay $0x3  }
0x33: {  	p0 =	seq.s32 s10, $0x1;
	s10 =	sld [smem:$0x3FB6];
	_ =	sdelay $0x3  }
0x34: {  	[smem:$0x3FB6] =	sst s10  }
0x35: {  	s10 =	sld [smem:$0x3FB5];
	_ =	sdelay $0x3  }
0x36: {  	p1 =	seq.s32 s10, $0x1;
	s10 =	sld [smem:$0x3FB6];
	_ =	sdelay $0x3  }
0x37: {  	[smem:$0x3FB6] =	sst s10  }
0x38: {  	s10 =	sld [smem:$0x3FB7]  }
0x39: {  	_ = 	snop;
	(pc) =	sbr.ind lr, $3  }
0x3a: {  	_ = 	snop  }
0x3b: {  	_ = 	snop  }
0x3c: {  	p2 =	seq.s32 s10, $0x1;
	s10 =	sld [smem:$0x3FB6]  }
0x3d: {  	_ =	shalt  }
0x3e: {  	_ =	shalt  }
0x3f: {  	_ =	shalt  }
0x40: {  	_ =	shalt  }
0x41: {  	_ =	shalt  }
0x42: {  	_ =	shalt  }
0x43: {  	_ =	shalt  }
0x44: {  	_ =	shalt  }
0x45: {  	_ =	shalt  }
0x46: {  	_ =	shalt  }
0x47: {  	_ =	shalt  }
0x48: {  	_ =	shalt  }
0x49: {  	_ =	shalt  }
0x4a: {  	_ =	shalt  }
0x4b: {  	_ =	shalt  }
0x4c: {  	_ =	shalt  }
0x4d: {  	_ =	shalt  }
0x4e: {  	_ =	shalt  }
0x4f: {  	_ =	shalt  }
0x50: {  	_ =	shalt  }
0x51: {  	_ =	shalt  }
0x52: {  	_ =	shalt  }
0x53: {  	_ =	shalt  }
0x54: {  	_ =	shalt  }
0x55: {  	_ =	shalt  }
0x56: {  	_ =	shalt  }
0x57: {  	_ =	shalt  }
0x58: {  	_ =	shalt  }
0x59: {  	_ =	shalt  }
0x5a: {  	_ =	shalt  }
0x5b: {  	_ =	shalt  }
0x5c: {  	_ =	shalt  }
0x5d: {  	_ =	shalt  }
0x5e: {  	_ =	shalt  }
0x5f: {  	_ =	shalt  }
0x60: {  	_ =	shalt  }
0x61: {  	_ =	shalt  }
0x62: {  	_ =	shalt  }
0x63: {  	_ =	shalt  }
0x64: {  	_ =	shalt  }
0x65: {  	_ =	shalt  }
0x66: {  	_ =	shalt  }
0x67: {  	_ =	shalt  }
0x68: {  	_ =	shalt  }
0x69: {  	_ =	shalt  }
0x6a: {  	_ =	shalt  }
0x6b: {  	_ =	shalt  }
0x6c: {  	_ =	shalt  }
0x6d: {  	_ =	shalt  }
0x6e: {  	_ =	shalt  }
0x6f: {  	_ =	shalt  }
0x70: {  	_ =	shalt  }
0x71: {  	_ =	shalt  }
0x72: {  	_ =	shalt  }
0x73: {  	_ =	shalt  }
0x74: {  	_ =	shalt  }
0x75: {  	_ =	shalt  }
0x76: {  	_ =	shalt  }
0x77: {  	_ =	shalt  }
0x78: {  	_ =	shalt  }
0x79: {  	_ =	shalt  }
0x7a: {  	_ =	shalt  }
0x7b: {  	_ =	shalt  }
0x7c: {  	_ =	shalt  }
0x7d: {  	_ =	shalt  }
0x7e: {  	_ =	shalt  }
0x7f: {  	_ =	shalt  }
0x80: {  	_ =	shalt  }
0x81: {  	_ =	shalt  }
0x82: {  	_ =	shalt  }
0x83: {  	_ =	shalt  }
0x84: {  	_ =	shalt  }
0x85: {  	_ =	shalt  }
0x86: {  	_ =	shalt  }
0x87: {  	_ =	shalt  }
.Lfunc_end0:
.L_simem_size_0:
called_computation.2_lowered:
.L_overlay_start_0:
0x88: {  	s2 =	sld [smem:$0x3FD9]  }
0x89: {  	s3 =	sld [smem:$0x3FFE];
	_ =	sdelay $0x1  }
0x8a: {  	s1 =	srdreg.scid  }
0x8b: {  	s0 =	sand.u32 $0x1, s1  }
0x8c: {  	s16 =	sshll.u32 s0, $0xA;
	s2 =	sadd.s32 s3, s2  }
0x8d: {  	s2 =	sadd.s32 s2, s16  }
0x8e: {  	[smem:$0x3FC2] =	sst s2  }
0x8f: {  	_ = 	snop  }
0x90: {  	(tm) =	ssettm $0x1  }
0x91: {  	s17 =	sld [smem:$0x3FFB];
	_ =	sdelay $0x3  }
0x92: {  	_ =	strace s17  }
0x93: {  	s2 =	sld [smem:$0x3FFC];
	_ =	sdelay $0x3  }
0x94: {  	_ =	strace s2  }
0x95: {  	s2 =	sld [smem:$0x3FFD];
	_ =	sdelay $0x3  }
0x96: {  	_ =	strace s2  }
0x97: {  	_ =	strace $0x8FFFFFFF  }
0x98: {  	s18 =	sld [smem:$0x3FDB];
	_ =	sdelay $0x1  }
0x99: {  	s19 =	simm.s32 $_scs_section_size  }
0x9a: {  	s4 =	simm.s32 $_size__tile_overlayer_lowered;
	s5 =	simm.s32 $_tile_overlayer_lowered  }
0x9b: {  	s22 =	simm.s32 $0x1BFF;
	s21 =	sshll.u32 s5, $0x1;
	s2 =	sadd.s32 s19, s18  }
0x9c: {  	s6 =	simm.s32 $0x0;
	s20 =	sshll.u32 s4, $0x1;
	s4 =	sadd.s32 s21, s2  }
0x9d: {  	[timem:s6], [sflag:s22] =	dma.local [hbm:s4], s20  }
0x9e: {  	_ =	swait.ge [sflag:s22], s20  }
0x9f: {  	s3 =	ssub.s32 $0x0, s20;
	[sflag:s22] =	ssyncset.done $0x0  }
0xa0: {  	[sflag:s22] =	ssyncadd.s32 s3;
	_ =	sdelay $0x1  }
0xa1: {  	s23 =	simm.s32 $0x1B8B  }
0xa2: {  	_ =	swait.ge [sflag:s23], $0x1  }
0xa3: {  	[sflag:s23] =	ssyncset.done $0x0  }
0xa4: {  	s25 =	simm.s32 $0x1B8E;
	s24 =	sld [smem:$0x3FFE];
	[sflag:s23] =	ssyncadd.s32 $0xFFFFFFFF  }
0xa5: {  	s26 =	simm.s32 $execute0_lowered;
	[smem:$0x3FD2] =	sst s25  }
0xa6: {  	s4 =	sshll.u32 s26, $0x1;
	_ =	strace $0x8000004C;
	[dreg:$0x1] =	wrdreg $0xFFFFFFFF  }
0xa7: {  	s28 =	simm.s32 $_size_execute0_lowered;
	s2 =	sadd.s32 s2, s4;
	[dreg:$0x0] =	wrdreg $0x0  }
0xa8: {  	s4 =	sshll.u32 s28, $0x1;
	[dreg:$0x2] =	wrdreg s2  }
0xa9: {  	[dreg:$0x3] =	wrdreg s4  }
0xaa: {  	[dreg:$0x4] =	wrdreg $0xC0  }
0xab: {  	_ =	task [dreg:s6], $0x5FFFF  }
0xac: {  	[dreg:$0x1] =	wrdreg $0xFFFFFFFF  }
0xad: {  	[dreg:$0x0] =	wrdreg $0x60  }
0xae: {  	[dreg:$0x2] =	wrdreg s24  }
0xaf: {  	[dreg:$0x3] =	wrdreg $0x152200  }
0xb0: {  	[dreg:$0x4] =	wrdreg $0x9  }
0xb1: {  	_ =	task.clear_ibuf [dreg:s6], $0x5FFFF;
	_ =	strace $0x9000004C  }
0xb2: {  	s29 =	simm.s32 $0x9;
	_ =	strace $0x8000004E  }
0xb3: {  	_ =	swait.ge [sflag:s29], $0x1  }
0xb4: {  	[sflag:s29] =	ssyncadd.s32 $0xFFFFFFFF  }
0xb5: {  	_ =	strace $0x9000004E  }
0xb6: {  	_ =	sfence  }
0xb7: {  	s30 =	sld [smem:$0x0];
	_ =	sdelay $0x2  }
0xb8: {  	s31 =	sshll.u32 s1, $0xD;
	s1 =	sshrl.u32 s1, $0x2  }
0xb9: {  	s3 =	sand.u32 $0x4000, s31;
	s1 =	sadd.s32 s1, s30  }
0xba: {  	s0 =	sor.u32 s3, s0;
	s1 =	sshll.u32 s1, $0x11  }
0xbb: {  	s0 =	sor.u32 s1, s0  }
0xbc: {  	s0 =	sadd.s32 $0x8F2B, s0  }
0xbd: {  	[sflag:s0] =	ssyncadd.remote.s32 $0x1  }
0xbe: {  	_ =	sfence.sel $0xFFFF  }
0xbf: {  	[dreg:$0x0] =	wrdreg $0xFFFFFFFF;
	(pc) =	sbr.abs _section_cstart, $3  }
0xc0: {  	[dreg:$0x1] =	wrdreg $0xFFFFFFFF  }
0xc1: {  	_ =	task.clear_ibuf [dreg:s6], $0x2FFFF;
	_ =	strace $0x9FFFFFFF  }
0xc2: {  	(tm) =	ssettm $0x7FFFFFFF  }
0xc3: {  	_ =	shalt  }
tec
execute0_lowered:
.L_overlay_start_1:
0x0: {  	(tag) =	ssettag $0x1  }
0x1: {  	s0 =	srdreg.scid;
	s1 =	rddreg [dreg:$0x0]  }
0x2: {  	s10 =	stileid.u32;
	s2 =	rddreg [dreg:$0x1]  }
0x3: {  	s4 =	simm.s32 $0x0;
	s21 =	simm.s32 $0x1B;
	s16 =	simm.s32 $0x50  }
0x4: {  	s13 =	simm.s32 $0xE;
	s11 =	simm.s32 $0x14;
	s18 =	simm.s32 $0x1A  }
0x5: {  	s0 =	sand.u32 $0x1, s0;
	[smem:$0x7FF] =	sst s4;
	s6 =	smul.u32 $0x9E00, s10  }
0x6: {  	s4 =	sadd.s32 $0x17600, s1;
	s5 =	sadd.s32 $0x65E00, s1;
	s31 =	sshll.u32 s10, $0x6  }
0x7: {  	s3 =	sshll.u32 s0, $0x4;
	_ =	strace $0x8000004D;
	s7 =	smul.u32 $0x9E000, s0  }
0x8: {  	s0 =	ssub.s32 $0x2, s0;
	s23 =	sor.u32 $0x1C1B, s31;
	s3 =	sor.u32 s10, s3  }
0x9: {  	s8 =	sshrl.u32 s6, $0x3;
	s9 =	sshrl.u32 s0, $0x1;
	s28 =	sadd.s32 s6, s2  }
0xa: {  	s10 =	simm.s32 $0x13;
	[dreg:$0x9] =	wrdreg s23;
	s3 =	smul.u32 $0x4E2, s3  }
0xb: {  	s7 =	sadd.s32 s6, s7;
	s8 =	sadd.s32 s8, s1;
	s0 =	ssub.s32 s0, s9  }
0xc: {  	s24 =	sshrl.u32 s28, $0x3;
	s6 =	simm.s32 $0x10;
	s9 =	simm.s32 $0x12  }
0xd: {  	s7 =	sshrl.u32 s7, $0x3;
	s29 =	sadd.s32 $0x2B000, s8;
	[dreg:$0xa] =	wrdreg s24  }
0xe: {  	s0 =	smax.u32 s0, $0x1;
	s3 =	sadd.s32 s3, s1;
	[dreg:$0x5] =	wrdreg s29  }
.Ltmp0:
0xf: {  	[dreg:$0x8] =	wrdreg s0;
	s26 =	sadd.s32 $0x3A00, s3;
	(pc) =	sbr.rel .LBB2_1-.Ltmp0, $4  }
0x10: {  	s1 =	sadd.s32 s7, s1;
	s3 =	sadd.s32 $0xD800, s3;
	[dreg:$0x3] =	wrdreg s26  }
0x11: {  	s8 =	simm.s32 $0x15;
	s30 =	sadd.s32 $0xA1000, s1;
	[dreg:$0x4] =	wrdreg s3  }
0x12: {  	s7 =	simm.s32 $0x11;
	s1 =	sadd.s32 $0x79800, s1;
	[dreg:$0x6] =	wrdreg s30  }
0x13: {  	s0 =	simm.s32 $0x0;
	[dreg:$0x7] =	wrdreg s1;
	s3 =	simm.s32 $0xF  }
.LBB2_7:
0x14: {  	[bflag:$0x0] =	sbarrier.arrive $0xFFFF  }
0x15: {  	s19 =	rddreg [dreg:$0x7]  }
0x16: {  	s23 =	rddreg [dreg:$0x9]  }
0x17: {  	s21 =	simm.s32 $0x1B;
	s24 =	rddreg [dreg:$0xa]  }
0x18: {  	[hbm:s19], [sflag:s23] =	dma.local [spmem:s24], $0x13C0  }
0x19: {  	_ =	swait.ge [sflag:s21], $0x13C0  }
0x1a: {  	s0 =	rddreg [dreg:$0xb]  }
0x1b: {  	s31 =	rddreg [dreg:$0x8];
	s0 =	sadd.s32 $0x1, s0  }
0x1c: {  	p0 =	sne.s32 s0, s31  }
.Ltmp1:
0x1d: {  	_ = 	snop;
	(pc) =	sbr.rel @!p0 .LBB2_8-.Ltmp1, $3  }
0x1e: {  	[sflag:s21] =	ssyncset.done $0x0  }
0x1f: {  	[sflag:s21] =	ssyncadd.s32 $0xFFFFEC40  }
0x20: {  	[bflag:$0x0] =	sbarrier.arrive $0xFFFF;
	_ =	sdelay $0x1  }
.LBB2_1:
0x21: {  	[dreg:$0xb] =	wrdreg s0  }
0x22: {  	s19 =	simm.s32 $0x0;
	s20 =	rddreg [dreg:$0x3]  }
0x23: {  	[tilespmem:s19], [sflag:$0x1B] =	stream.linear.gather [hbm4b:s20+s19], $0x2710, $0x38;
	[tilespmem:$0x1F020] =	vst v63  }
0x24: {  	_ =	swait.ge [sflag:s21], $0x2710  }
0x25: {  	[sflag:s21] =	ssyncset.done $0x0  }
0x26: {  	s22 =	simm.s32 $0x2710;
	s30 =	rddreg [dreg:$0x4];
	[sflag:s21] =	ssyncadd.s32 $0xFFFFD8F0  }
0x27: {  	[tilespmem:s22], [sflag:$0x1B] =	stream.linear.gather [hbm4b:s30+s19], $0x2710, $0x38;
	[tilespmem:$0x1F020] =	vst v63  }
0x28: {  	_ =	swait.ge [sflag:s21], $0x2710  }
0x29: {  	[sflag:s21] =	ssyncset.done $0x0  }
0x2a: {  	s31 =	rddreg [dreg:$0x5];
	[sflag:s21] =	ssyncadd.s32 $0xFFFFD8F0  }
0x2b: {  	[spmem:s24], [sflag:s23] =	dma.local [hbm:s31], $0x13C0  }
0x2c: {  	_ =	swait.ge [sflag:s21], $0x13C0  }
0x2d: {  	[sflag:s21] =	ssyncset.done $0x0  }
0x2e: {  	[sflag:s21] =	ssyncadd.s32 $0xFFFFEC40  }
0x2f: {  	s19 =	simm.s32 $0x0;
	[bflag:$0x0] =	sbarrier.arrive $0xFFFF  }
.LBB2_2:
0x30: {  	s23 =	sshra.s32 s19, $0x2;
	s14 =	simm.s32 $0x4E20  }
0x31: {  	[tilespmem:s14], [sflag:$0x1] =	stream.indirect.gather [hbm4b:s4+s16], $0x40, s23, s16, $0xb8;
	[tilespmem:$0x1F020] =	vst v63  }
0x32: {  	s30 =	simm.s32 $0x6220;
	s20 =	sadd.s32 $0x50, s23  }
0x33: {  	[tilespmem:s30], [sflag:$0x2] =	stream.indirect.gather [hbm4b:s4+s16], $0x40, s20, s16, $0xb8;
	[tilespmem:$0x1F020] =	vst v63  }
0x34: {  	s15 =	simm.s32 $0x7620;
	s21 =	sadd.s32 $0xA0, s23  }
0x35: {  	[tilespmem:s15], [sflag:$0x3] =	stream.indirect.gather [hbm4b:s4+s16], $0x40, s21, s16, $0xb8;
	[tilespmem:$0x1F020] =	vst v63  }
0x36: {  	s31 =	simm.s32 $0x8A20;
	s22 =	sadd.s32 $0xF0, s23  }
0x37: {  	[tilespmem:s31], [sflag:$0x4] =	stream.indirect.gather [hbm4b:s4+s16], $0x40, s22, s16, $0xb8;
	[tilespmem:$0x1F020] =	vst v63  }
0x38: {  	s12 =	simm.s32 $0x9E20;
	s24 =	sadd.s32 $0x140, s23  }
0x39: {  	[tilespmem:s12], [sflag:$0x5] =	stream.indirect.gather [hbm4b:s4+s16], $0x40, s24, s16, $0xb8;
	[tilespmem:$0x1F020] =	vst v63  }
0x3a: {  	s1 =	simm.s32 $0xB220;
	s25 =	sadd.s32 $0x190, s23  }
0x3b: {  	[tilespmem:s1], [sflag:$0x6] =	stream.indirect.gather [hbm4b:s4+s16], $0x40, s25, s16, $0xb8;
	[tilespmem:$0x1F020] =	vst v63  }
0x3c: {  	s17 =	simm.s32 $0xC620;
	p0 =	seq.s32 s19, $0x9240;
	s26 =	sadd.s32 $0x1E0, s23  }
0x3d: {  	[tilespmem:s17], [sflag:$0x7] =	stream.indirect.gather [hbm4b:s4+s16], $0x40, s26, s16, $0xb8;
	[tilespmem:$0x1F020] =	vst v63  }
0x3e: {  	s0 =	simm.s32 $0xDA20;
	s28 =	sadd.s32 $0x230, s23;
	s26 =	sshra.s32 @!p0 s19, $0x2  }
0x3f: {  	[tilespmem:s0], [sflag:$0x8] =	stream.indirect.gather [hbm4b:s4+s16], $0x40, s28, s16, $0xb8;
	[tilespmem:$0x1F020] =	vst v63  }
0x40: {  	s20 =	simm.s32 @!p0 $0x50;
	s21 =	sadd.s32 @!p0 $0x280, s26;
	s28 =	simm.s32 @!p0 $0xEE20  }
0x41: {  	[tilespmem:s28], [sflag:$0x9] =	stream.indirect.gather @!p0 [hbm4b:s4+s20], $0x40, s21, s20, $0xb8;
	[tilespmem:$0x1F020] =	vst v63  }
0x42: {  	s25 =	simm.s32 @!p0 $0x10220;
	s21 =	sadd.s32 @!p0 $0x2D0, s26  }
0x43: {  	[tilespmem:s25], [sflag:$0xA] =	stream.indirect.gather @!p0 [hbm4b:s4+s20], $0x40, s21, s20, $0xb8;
	[tilespmem:$0x1F020] =	vst v63  }
0x44: {  	s24 =	simm.s32 @!p0 $0x11620;
	s21 =	sadd.s32 @!p0 $0x320, s26  }
0x45: {  	[tilespmem:s24], [sflag:$0xB] =	stream.indirect.gather @!p0 [hbm4b:s4+s20], $0x40, s21, s20, $0xb8;
	[tilespmem:$0x1F020] =	vst v63  }
0x46: {  	s22 =	simm.s32 @!p0 $0x12A20;
	s21 =	sadd.s32 @!p0 $0x370, s26  }
0x47: {  	[tilespmem:s22], [sflag:$0xC] =	stream.indirect.gather @!p0 [hbm4b:s4+s20], $0x40, s21, s20, $0xb8;
	[tilespmem:$0x1F020] =	vst v63  }
0x48: {  	s29 =	sadd.s32 @!p0 $0x3C0, s26;
	s21 =	simm.s32 @!p0 $0x13E20  }
0x49: {  	[tilespmem:s21], [sflag:$0xD] =	stream.indirect.gather @!p0 [hbm4b:s4+s20], $0x40, s29, s20, $0xb8;
	[tilespmem:$0x1F020] =	vst v63  }
0x4a: {  	s29 =	simm.s32 $0x1  }
0x4b: {  	_ =	swait.ge [sflag:s29], $0x1400  }
0x4c: {  	[sflag:s29] =	ssyncset.done $0x0  }
0x4d: {  	[sflag:s29] =	ssyncadd.s32 $0xFFFFEC00;
	s29 =	sadd.s32 $0x2710, s23  }
0x4e: {  	[spmem:s2] =	stream.indirect.scatter.add.f32 [tilespmem:s14], [sflag:$0xE], $0x40, s29, s16, $0xb8;
	[tilespmem:$0x1F020] =	vst v63  }
0x4f: {  	s29 =	simm.s32 $0x2  }
0x50: {  	_ =	swait.ge [sflag:s29], $0x1400  }
0x51: {  	[sflag:s29] =	ssyncset.done $0x0  }
0x52: {  	s14 =	sadd.s32 $0x2760, s23;
	[sflag:s29] =	ssyncadd.s32 $0xFFFFEC00  }
0x53: {  	[spmem:s2] =	stream.indirect.scatter.add.f32 [tilespmem:s30], [sflag:$0xF], $0x40, s14, s16, $0xb8;
	[tilespmem:$0x1F020] =	vst v63  }
0x54: {  	s30 =	simm.s32 $0x3  }
0x55: {  	_ =	swait.ge [sflag:s30], $0x1400  }
0x56: {  	[sflag:s30] =	ssyncset.done $0x0  }
0x57: {  	s14 =	sadd.s32 $0x27B0, s23;
	[sflag:s30] =	ssyncadd.s32 $0xFFFFEC00;
	s30 =	simm.s32 $0x4  }
0x58: {  	[spmem:s2] =	stream.indirect.scatter.add.f32 [tilespmem:s15], [sflag:$0x10], $0x40, s14, s16, $0xb8;
	[tilespmem:$0x1F020] =	vst v63  }
0x59: {  	_ =	swait.ge [sflag:s30], $0x1400  }
0x5a: {  	[sflag:s30] =	ssyncset.done $0x0  }
0x5b: {  	s15 =	sadd.s32 $0x2800, s23;
	[sflag:s30] =	ssyncadd.s32 $0xFFFFEC00;
	s30 =	simm.s32 $0x5  }
0x5c: {  	[spmem:s2] =	stream.indirect.scatter.add.f32 [tilespmem:s31], [sflag:$0x11], $0x40, s15, s16, $0xb8;
	[tilespmem:$0x1F020] =	vst v63  }
0x5d: {  	_ =	swait.ge [sflag:s30], $0x1400  }
0x5e: {  	[sflag:s30] =	ssyncset.done $0x0  }
0x5f: {  	s14 =	simm.s32 $0x6;
	s31 =	sadd.s32 $0x2850, s23;
	[sflag:s30] =	ssyncadd.s32 $0xFFFFEC00  }
0x60: {  	[spmem:s2] =	stream.indirect.scatter.add.f32 [tilespmem:s12], [sflag:$0x12], $0x40, s31, s16, $0xb8;
	[tilespmem:$0x1F020] =	vst v63  }
0x61: {  	_ =	swait.ge [sflag:s14], $0x1400  }
0x62: {  	[sflag:s14] =	ssyncset.done $0x0  }
0x63: {  	s29 =	simm.s32 $0x7;
	s15 =	sadd.s32 $0x28A0, s23;
	[sflag:s14] =	ssyncadd.s32 $0xFFFFEC00  }
0x64: {  	[spmem:s2] =	stream.indirect.scatter.add.f32 [tilespmem:s1], [sflag:$0x13], $0x40, s15, s16, $0xb8;
	[tilespmem:$0x1F020] =	vst v63  }
0x65: {  	_ =	swait.ge [sflag:s29], $0x1400  }
0x66: {  	[sflag:s29] =	ssyncset.done $0x0  }
0x67: {  	s30 =	sadd.s32 $0x28F0, s23;
	s31 =	simm.s32 $0x8;
	[sflag:s29] =	ssyncadd.s32 $0xFFFFEC00  }
0x68: {  	[spmem:s2] =	stream.indirect.scatter.add.f32 [tilespmem:s17], [sflag:$0x14], $0x40, s30, s16, $0xb8;
	[tilespmem:$0x1F020] =	vst v63  }
0x69: {  	_ =	swait.ge [sflag:s31], $0x1400  }
0x6a: {  	[sflag:s31] =	ssyncset.done $0x0  }
0x6b: {  	s23 =	sadd.s32 $0x2940, s23;
	[sflag:s31] =	ssyncadd.s32 $0xFFFFEC00  }
0x6c: {  	[spmem:s2] =	stream.indirect.scatter.add.f32 [tilespmem:s0], [sflag:$0x15], $0x40, s23, s16, $0xb8;
	[tilespmem:$0x1F020] =	vst v63  }
0x6d: {  	s23 =	simm.s32 @!p0 $0x9  }
0x6e: {  	_ =	swait.ge @!p0 [sflag:s23], $0x1400  }
0x6f: {  	[sflag:s23] =	ssyncset.done @!p0 $0x0  }
0x70: {  	[sflag:s23] =	ssyncadd.s32 @!p0 $0xFFFFEC00;
	s23 =	sadd.s32 @!p0 $0x2990, s26  }
0x71: {  	[spmem:s2] =	stream.indirect.scatter.add.f32 @!p0 [tilespmem:s28], [sflag:$0x16], $0x40, s23, s20, $0xb8;
	[tilespmem:$0x1F020] =	vst v63  }
0x72: {  	s26 =	simm.s32 @!p0 $0xA;
	s23 =	sadd.s32 @!p0 $0xB40, s19  }
0x73: {  	s23 =	simm.s32 @p0 $0x9D80;
	_ =	swait.ge @!p0 [sflag:s26], $0x1400  }
0x74: {  	[sflag:s26] =	ssyncset.done @!p0 $0x0;
	s23 =	sshra.s32 @!p0 s23, $0x2  }
0x75: {  	[sflag:s26] =	ssyncadd.s32 @!p0 $0xFFFFEC00;
	s23 =	sadd.s32 @!p0 $0x2710, s23  }
0x76: {  	[spmem:s2] =	stream.indirect.scatter.add.f32 @!p0 [tilespmem:s25], [sflag:$0x17], $0x40, s23, s20, $0xb8;
	[tilespmem:$0x1F020] =	vst v63  }
0x77: {  	s23 =	sadd.s32 @!p0 $0xC80, s19;
	s25 =	simm.s32 @!p0 $0xB  }
0x78: {  	s23 =	simm.s32 @p0 $0x9EC0;
	_ =	swait.ge @!p0 [sflag:s25], $0x1400  }
0x79: {  	[sflag:s25] =	ssyncset.done @!p0 $0x0;
	s23 =	sshra.s32 @!p0 s23, $0x2  }
0x7a: {  	[sflag:s25] =	ssyncadd.s32 @!p0 $0xFFFFEC00;
	s23 =	sadd.s32 @!p0 $0x2710, s23  }
0x7b: {  	[spmem:s2] =	stream.indirect.scatter.add.f32 @!p0 [tilespmem:s24], [sflag:$0x18], $0x40, s23, s20, $0xb8;
	[tilespmem:$0x1F020] =	vst v63  }
0x7c: {  	s23 =	sadd.s32 @!p0 $0xDC0, s19;
	s24 =	simm.s32 @!p0 $0xC  }
0x7d: {  	s23 =	simm.s32 @p0 $0xA000;
	_ =	swait.ge @!p0 [sflag:s24], $0x1400  }
0x7e: {  	[sflag:s24] =	ssyncset.done @!p0 $0x0;
	s23 =	sshra.s32 @!p0 s23, $0x2  }
0x7f: {  	[sflag:s24] =	ssyncadd.s32 @!p0 $0xFFFFEC00;
	s23 =	sadd.s32 @!p0 $0x2710, s23  }
0x80: {  	[spmem:s2] =	stream.indirect.scatter.add.f32 @!p0 [tilespmem:s22], [sflag:$0x19], $0x40, s23, s20, $0xb8;
	[tilespmem:$0x1F020] =	vst v63  }
0x81: {  	s22 =	sadd.s32 @!p0 $0xF00, s19;
	s23 =	simm.s32 @!p0 $0xD  }
0x82: {  	s22 =	simm.s32 @p0 $0xA140;
	_ =	swait.ge @!p0 [sflag:s23], $0x1400  }
0x83: {  	[sflag:s23] =	ssyncset.done @!p0 $0x0;
	s22 =	sshra.s32 @!p0 s22, $0x2  }
0x84: {  	[sflag:s23] =	ssyncadd.s32 @!p0 $0xFFFFEC00;
	s22 =	sadd.s32 @!p0 $0x2710, s22  }
0x85: {  	[spmem:s2] =	stream.indirect.scatter.add.f32 @!p0 [tilespmem:s21], [sflag:$0x1A], $0x40, s22, s20, $0xb8;
	[tilespmem:$0x1F020] =	vst v63  }
0x86: {  	_ =	swait.ge [sflag:s13], $0x1400  }
0x87: {  	[sflag:s13] =	ssyncset.done $0x0  }
0x88: {  	[sflag:s13] =	ssyncadd.s32 $0xFFFFEC00  }
0x89: {  	_ =	swait.ge [sflag:s3], $0x1400  }
0x8a: {  	[sflag:s3] =	ssyncset.done $0x0  }
0x8b: {  	[sflag:s3] =	ssyncadd.s32 $0xFFFFEC00  }
0x8c: {  	_ =	swait.ge [sflag:s6], $0x1400  }
0x8d: {  	[sflag:s6] =	ssyncset.done $0x0  }
0x8e: {  	[sflag:s6] =	ssyncadd.s32 $0xFFFFEC00  }
0x8f: {  	_ =	swait.ge [sflag:s7], $0x1400  }
0x90: {  	[sflag:s7] =	ssyncset.done $0x0  }
0x91: {  	[sflag:s7] =	ssyncadd.s32 $0xFFFFEC00  }
0x92: {  	_ =	swait.ge [sflag:s9], $0x1400  }
0x93: {  	[sflag:s9] =	ssyncset.done $0x0  }
0x94: {  	[sflag:s9] =	ssyncadd.s32 $0xFFFFEC00  }
0x95: {  	_ =	swait.ge [sflag:s10], $0x1400  }
0x96: {  	[sflag:s10] =	ssyncset.done $0x0  }
0x97: {  	[sflag:s10] =	ssyncadd.s32 $0xFFFFEC00  }
0x98: {  	_ =	swait.ge [sflag:s11], $0x1400  }
.Ltmp2:
0x99: {  	[sflag:s11] =	ssyncset.done $0x0;
	(pc) =	sbr.rel @p0 .LBB2_4-.Ltmp2, $4  }
0x9a: {  	[sflag:s11] =	ssyncadd.s32 $0xFFFFEC00  }
0x9b: {  	_ =	swait.ge [sflag:s8], $0x1400  }
0x9c: {  	[sflag:s8] =	ssyncset.done $0x0  }
0x9d: {  	[sflag:s8] =	ssyncadd.s32 $0xFFFFEC00  }
0x9e: {  	s0 =	simm.s32 $0x16  }
0x9f: {  	_ =	swait.ge [sflag:s0], $0x1400  }
0xa0: {  	[sflag:s0] =	ssyncset.done $0x0  }
0xa1: {  	s29 =	simm.s32 $0x17;
	[sflag:s0] =	ssyncadd.s32 $0xFFFFEC00  }
0xa2: {  	_ =	swait.ge [sflag:s29], $0x1400  }
0xa3: {  	[sflag:s29] =	ssyncset.done $0x0  }
0xa4: {  	s30 =	simm.s32 $0x18;
	[sflag:s29] =	ssyncadd.s32 $0xFFFFEC00  }
0xa5: {  	_ =	swait.ge [sflag:s30], $0x1400  }
0xa6: {  	[sflag:s30] =	ssyncset.done $0x0  }
0xa7: {  	s31 =	simm.s32 $0x19;
	[sflag:s30] =	ssyncadd.s32 $0xFFFFEC00  }
0xa8: {  	_ =	swait.ge [sflag:s31], $0x1400  }
.Ltmp3:
0xa9: {  	[sflag:s31] =	ssyncset.done $0x0;
	(pc) =	sbr.rel .LBB2_2-.Ltmp3, $4  }
0xaa: {  	[sflag:s31] =	ssyncadd.s32 $0xFFFFEC00  }
0xab: {  	_ =	swait.ge [sflag:s18], $0x1400  }
0xac: {  	[sflag:s18] =	ssyncset.done $0x0  }
0xad: {  	s19 =	sadd.s32 $0x1040, s19;
	[sflag:s18] =	ssyncadd.s32 $0xFFFFEC00  }
.LBB2_4:
0xae: {  	[bflag:$0x0] =	sbarrier.arrive $0xFFFF  }
0xaf: {  	s19 =	rddreg [dreg:$0x6]  }
0xb0: {  	s21 =	rddreg [dreg:$0x9]  }
0xb1: {  	s20 =	simm.s32 $0x1B;
	s22 =	rddreg [dreg:$0xa]  }
0xb2: {  	[hbm:s19], [sflag:s21] =	dma.local [spmem:s22], $0x13C0  }
0xb3: {  	_ =	swait.ge [sflag:s20], $0x13C0  }
0xb4: {  	[sflag:s20] =	ssyncset.done $0x0  }
0xb5: {  	[sflag:s20] =	ssyncadd.s32 $0xFFFFEC40  }
0xb6: {  	[bflag:$0x0] =	sbarrier.arrive $0xFFFF  }
0xb7: {  	s31 =	rddreg [dreg:$0x5]  }
0xb8: {  	[spmem:s22], [sflag:s21] =	dma.local [hbm:s31], $0x13C0  }
0xb9: {  	_ =	swait.ge [sflag:s20], $0x13C0  }
0xba: {  	[sflag:s20] =	ssyncset.done $0x0  }
0xbb: {  	[sflag:s20] =	ssyncadd.s32 $0xFFFFEC40  }
0xbc: {  	s19 =	simm.s32 $0x0;
	[bflag:$0x0] =	sbarrier.arrive $0xFFFF  }
.LBB2_5:
0xbd: {  	s23 =	sshra.s32 s19, $0x2;
	s14 =	simm.s32 $0x4E20  }
0xbe: {  	[tilespmem:s14], [sflag:$0x1] =	stream.indirect.gather [hbm4b:s5+s16], $0x40, s23, s16, $0xb8;
	[tilespmem:$0x1F020] =	vst v63  }
0xbf: {  	s30 =	simm.s32 $0x6220;
	s20 =	sadd.s32 $0x50, s23  }
0xc0: {  	[tilespmem:s30], [sflag:$0x2] =	stream.indirect.gather [hbm4b:s5+s16], $0x40, s20, s16, $0xb8;
	[tilespmem:$0x1F020] =	vst v63  }
0xc1: {  	s15 =	simm.s32 $0x7620;
	s21 =	sadd.s32 $0xA0, s23  }
0xc2: {  	[tilespmem:s15], [sflag:$0x3] =	stream.indirect.gather [hbm4b:s5+s16], $0x40, s21, s16, $0xb8;
	[tilespmem:$0x1F020] =	vst v63  }
0xc3: {  	s31 =	simm.s32 $0x8A20;
	s22 =	sadd.s32 $0xF0, s23  }
0xc4: {  	[tilespmem:s31], [sflag:$0x4] =	stream.indirect.gather [hbm4b:s5+s16], $0x40, s22, s16, $0xb8;
	[tilespmem:$0x1F020] =	vst v63  }
0xc5: {  	s12 =	simm.s32 $0x9E20;
	s24 =	sadd.s32 $0x140, s23  }
0xc6: {  	[tilespmem:s12], [sflag:$0x5] =	stream.indirect.gather [hbm4b:s5+s16], $0x40, s24, s16, $0xb8;
	[tilespmem:$0x1F020] =	vst v63  }
0xc7: {  	s1 =	simm.s32 $0xB220;
	s25 =	sadd.s32 $0x190, s23  }
0xc8: {  	[tilespmem:s1], [sflag:$0x6] =	stream.indirect.gather [hbm4b:s5+s16], $0x40, s25, s16, $0xb8;
	[tilespmem:$0x1F020] =	vst v63  }
0xc9: {  	s17 =	simm.s32 $0xC620;
	p0 =	seq.s32 s19, $0x9240;
	s26 =	sadd.s32 $0x1E0, s23  }
0xca: {  	[tilespmem:s17], [sflag:$0x7] =	stream.indirect.gather [hbm4b:s5+s16], $0x40, s26, s16, $0xb8;
	[tilespmem:$0x1F020] =	vst v63  }
0xcb: {  	s0 =	simm.s32 $0xDA20;
	s28 =	sadd.s32 $0x230, s23;
	s26 =	sshra.s32 @!p0 s19, $0x2  }
0xcc: {  	[tilespmem:s0], [sflag:$0x8] =	stream.indirect.gather [hbm4b:s5+s16], $0x40, s28, s16, $0xb8;
	[tilespmem:$0x1F020] =	vst v63  }
0xcd: {  	s20 =	simm.s32 @!p0 $0x50;
	s21 =	sadd.s32 @!p0 $0x280, s26;
	s28 =	simm.s32 @!p0 $0xEE20  }
0xce: {  	[tilespmem:s28], [sflag:$0x9] =	stream.indirect.gather @!p0 [hbm4b:s5+s20], $0x40, s21, s20, $0xb8;
	[tilespmem:$0x1F020] =	vst v63  }
0xcf: {  	s25 =	simm.s32 @!p0 $0x10220;
	s21 =	sadd.s32 @!p0 $0x2D0, s26  }
0xd0: {  	[tilespmem:s25], [sflag:$0xA] =	stream.indirect.gather @!p0 [hbm4b:s5+s20], $0x40, s21, s20, $0xb8;
	[tilespmem:$0x1F020] =	vst v63  }
0xd1: {  	s24 =	simm.s32 @!p0 $0x11620;
	s21 =	sadd.s32 @!p0 $0x320, s26  }
0xd2: {  	[tilespmem:s24], [sflag:$0xB] =	stream.indirect.gather @!p0 [hbm4b:s5+s20], $0x40, s21, s20, $0xb8;
	[tilespmem:$0x1F020] =	vst v63  }
0xd3: {  	s22 =	simm.s32 @!p0 $0x12A20;
	s21 =	sadd.s32 @!p0 $0x370, s26  }
0xd4: {  	[tilespmem:s22], [sflag:$0xC] =	stream.indirect.gather @!p0 [hbm4b:s5+s20], $0x40, s21, s20, $0xb8;
	[tilespmem:$0x1F020] =	vst v63  }
0xd5: {  	s29 =	sadd.s32 @!p0 $0x3C0, s26;
	s21 =	simm.s32 @!p0 $0x13E20  }
0xd6: {  	[tilespmem:s21], [sflag:$0xD] =	stream.indirect.gather @!p0 [hbm4b:s5+s20], $0x40, s29, s20, $0xb8;
	[tilespmem:$0x1F020] =	vst v63  }
0xd7: {  	s29 =	simm.s32 $0x1  }
0xd8: {  	_ =	swait.ge [sflag:s29], $0x1400  }
0xd9: {  	[sflag:s29] =	ssyncset.done $0x0  }
0xda: {  	[sflag:s29] =	ssyncadd.s32 $0xFFFFEC00;
	s29 =	sadd.s32 $0x2710, s23  }
0xdb: {  	[spmem:s2] =	stream.indirect.scatter.add.f32 [tilespmem:s14], [sflag:$0xE], $0x40, s29, s16, $0xb8;
	[tilespmem:$0x1F020] =	vst v63  }
0xdc: {  	s29 =	simm.s32 $0x2  }
0xdd: {  	_ =	swait.ge [sflag:s29], $0x1400  }
0xde: {  	[sflag:s29] =	ssyncset.done $0x0  }
0xdf: {  	s14 =	sadd.s32 $0x2760, s23;
	[sflag:s29] =	ssyncadd.s32 $0xFFFFEC00  }
0xe0: {  	[spmem:s2] =	stream.indirect.scatter.add.f32 [tilespmem:s30], [sflag:$0xF], $0x40, s14, s16, $0xb8;
	[tilespmem:$0x1F020] =	vst v63  }
0xe1: {  	s30 =	simm.s32 $0x3  }
0xe2: {  	_ =	swait.ge [sflag:s30], $0x1400  }
0xe3: {  	[sflag:s30] =	ssyncset.done $0x0  }
0xe4: {  	s14 =	sadd.s32 $0x27B0, s23;
	[sflag:s30] =	ssyncadd.s32 $0xFFFFEC00;
	s30 =	simm.s32 $0x4  }
0xe5: {  	[spmem:s2] =	stream.indirect.scatter.add.f32 [tilespmem:s15], [sflag:$0x10], $0x40, s14, s16, $0xb8;
	[tilespmem:$0x1F020] =	vst v63  }
0xe6: {  	_ =	swait.ge [sflag:s30], $0x1400  }
0xe7: {  	[sflag:s30] =	ssyncset.done $0x0  }
0xe8: {  	s15 =	sadd.s32 $0x2800, s23;
	[sflag:s30] =	ssyncadd.s32 $0xFFFFEC00;
	s30 =	simm.s32 $0x5  }
0xe9: {  	[spmem:s2] =	stream.indirect.scatter.add.f32 [tilespmem:s31], [sflag:$0x11], $0x40, s15, s16, $0xb8;
	[tilespmem:$0x1F020] =	vst v63  }
0xea: {  	_ =	swait.ge [sflag:s30], $0x1400  }
0xeb: {  	[sflag:s30] =	ssyncset.done $0x0  }
0xec: {  	s14 =	simm.s32 $0x6;
	s31 =	sadd.s32 $0x2850, s23;
	[sflag:s30] =	ssyncadd.s32 $0xFFFFEC00  }
0xed: {  	[spmem:s2] =	stream.indirect.scatter.add.f32 [tilespmem:s12], [sflag:$0x12], $0x40, s31, s16, $0xb8;
	[tilespmem:$0x1F020] =	vst v63  }
0xee: {  	_ =	swait.ge [sflag:s14], $0x1400  }
0xef: {  	[sflag:s14] =	ssyncset.done $0x0  }
0xf0: {  	s29 =	simm.s32 $0x7;
	s15 =	sadd.s32 $0x28A0, s23;
	[sflag:s14] =	ssyncadd.s32 $0xFFFFEC00  }
0xf1: {  	[spmem:s2] =	stream.indirect.scatter.add.f32 [tilespmem:s1], [sflag:$0x13], $0x40, s15, s16, $0xb8;
	[tilespmem:$0x1F020] =	vst v63  }
0xf2: {  	_ =	swait.ge [sflag:s29], $0x1400  }
0xf3: {  	[sflag:s29] =	ssyncset.done $0x0  }
0xf4: {  	s30 =	sadd.s32 $0x28F0, s23;
	s31 =	simm.s32 $0x8;
	[sflag:s29] =	ssyncadd.s32 $0xFFFFEC00  }
0xf5: {  	[spmem:s2] =	stream.indirect.scatter.add.f32 [tilespmem:s17], [sflag:$0x14], $0x40, s30, s16, $0xb8;
	[tilespmem:$0x1F020] =	vst v63  }
0xf6: {  	_ =	swait.ge [sflag:s31], $0x1400  }
0xf7: {  	[sflag:s31] =	ssyncset.done $0x0  }
0xf8: {  	s23 =	sadd.s32 $0x2940, s23;
	[sflag:s31] =	ssyncadd.s32 $0xFFFFEC00  }
0xf9: {  	[spmem:s2] =	stream.indirect.scatter.add.f32 [tilespmem:s0], [sflag:$0x15], $0x40, s23, s16, $0xb8;
	[tilespmem:$0x1F020] =	vst v63  }
0xfa: {  	s23 =	simm.s32 @!p0 $0x9  }
0xfb: {  	_ =	swait.ge @!p0 [sflag:s23], $0x1400  }
0xfc: {  	[sflag:s23] =	ssyncset.done @!p0 $0x0  }
0xfd: {  	[sflag:s23] =	ssyncadd.s32 @!p0 $0xFFFFEC00;
	s23 =	sadd.s32 @!p0 $0x2990, s26  }
0xfe: {  	[spmem:s2] =	stream.indirect.scatter.add.f32 @!p0 [tilespmem:s28], [sflag:$0x16], $0x40, s23, s20, $0xb8;
	[tilespmem:$0x1F020] =	vst v63  }
0xff: {  	s26 =	simm.s32 @!p0 $0xA;
	s23 =	sadd.s32 @!p0 $0xB40, s19  }
0x100: {  	s23 =	simm.s32 @p0 $0x9D80;
	_ =	swait.ge @!p0 [sflag:s26], $0x1400  }
0x101: {  	[sflag:s26] =	ssyncset.done @!p0 $0x0;
	s23 =	sshra.s32 @!p0 s23, $0x2  }
0x102: {  	[sflag:s26] =	ssyncadd.s32 @!p0 $0xFFFFEC00;
	s23 =	sadd.s32 @!p0 $0x2710, s23  }
0x103: {  	[spmem:s2] =	stream.indirect.scatter.add.f32 @!p0 [tilespmem:s25], [sflag:$0x17], $0x40, s23, s20, $0xb8;
	[tilespmem:$0x1F020] =	vst v63  }
0x104: {  	s23 =	sadd.s32 @!p0 $0xC80, s19;
	s25 =	simm.s32 @!p0 $0xB  }
0x105: {  	s23 =	simm.s32 @p0 $0x9EC0;
	_ =	swait.ge @!p0 [sflag:s25], $0x1400  }
0x106: {  	[sflag:s25] =	ssyncset.done @!p0 $0x0;
	s23 =	sshra.s32 @!p0 s23, $0x2  }
0x107: {  	[sflag:s25] =	ssyncadd.s32 @!p0 $0xFFFFEC00;
	s23 =	sadd.s32 @!p0 $0x2710, s23  }
0x108: {  	[spmem:s2] =	stream.indirect.scatter.add.f32 @!p0 [tilespmem:s24], [sflag:$0x18], $0x40, s23, s20, $0xb8;
	[tilespmem:$0x1F020] =	vst v63  }
0x109: {  	s23 =	sadd.s32 @!p0 $0xDC0, s19;
	s24 =	simm.s32 @!p0 $0xC  }
0x10a: {  	s23 =	simm.s32 @p0 $0xA000;
	_ =	swait.ge @!p0 [sflag:s24], $0x1400  }
0x10b: {  	[sflag:s24] =	ssyncset.done @!p0 $0x0;
	s23 =	sshra.s32 @!p0 s23, $0x2  }
0x10c: {  	[sflag:s24] =	ssyncadd.s32 @!p0 $0xFFFFEC00;
	s23 =	sadd.s32 @!p0 $0x2710, s23  }
0x10d: {  	[spmem:s2] =	stream.indirect.scatter.add.f32 @!p0 [tilespmem:s22], [sflag:$0x19], $0x40, s23, s20, $0xb8;
	[tilespmem:$0x1F020] =	vst v63  }
0x10e: {  	s22 =	sadd.s32 @!p0 $0xF00, s19;
	s23 =	simm.s32 @!p0 $0xD  }
0x10f: {  	s22 =	simm.s32 @p0 $0xA140;
	_ =	swait.ge @!p0 [sflag:s23], $0x1400  }
0x110: {  	[sflag:s23] =	ssyncset.done @!p0 $0x0;
	s22 =	sshra.s32 @!p0 s22, $0x2  }
0x111: {  	[sflag:s23] =	ssyncadd.s32 @!p0 $0xFFFFEC00;
	s22 =	sadd.s32 @!p0 $0x2710, s22  }
0x112: {  	[spmem:s2] =	stream.indirect.scatter.add.f32 @!p0 [tilespmem:s21], [sflag:$0x1A], $0x40, s22, s20, $0xb8;
	[tilespmem:$0x1F020] =	vst v63  }
0x113: {  	_ =	swait.ge [sflag:s13], $0x1400  }
0x114: {  	[sflag:s13] =	ssyncset.done $0x0  }
0x115: {  	[sflag:s13] =	ssyncadd.s32 $0xFFFFEC00  }
0x116: {  	_ =	swait.ge [sflag:s3], $0x1400  }
0x117: {  	[sflag:s3] =	ssyncset.done $0x0  }
0x118: {  	[sflag:s3] =	ssyncadd.s32 $0xFFFFEC00  }
0x119: {  	_ =	swait.ge [sflag:s6], $0x1400  }
0x11a: {  	[sflag:s6] =	ssyncset.done $0x0  }
0x11b: {  	[sflag:s6] =	ssyncadd.s32 $0xFFFFEC00  }
0x11c: {  	_ =	swait.ge [sflag:s7], $0x1400  }
0x11d: {  	[sflag:s7] =	ssyncset.done $0x0  }
0x11e: {  	[sflag:s7] =	ssyncadd.s32 $0xFFFFEC00  }
0x11f: {  	_ =	swait.ge [sflag:s9], $0x1400  }
0x120: {  	[sflag:s9] =	ssyncset.done $0x0  }
0x121: {  	[sflag:s9] =	ssyncadd.s32 $0xFFFFEC00  }
0x122: {  	_ =	swait.ge [sflag:s10], $0x1400  }
0x123: {  	[sflag:s10] =	ssyncset.done $0x0  }
0x124: {  	[sflag:s10] =	ssyncadd.s32 $0xFFFFEC00  }
0x125: {  	_ =	swait.ge [sflag:s11], $0x1400  }
.Ltmp4:
0x126: {  	[sflag:s11] =	ssyncset.done $0x0;
	(pc) =	sbr.rel @p0 .LBB2_7-.Ltmp4, $4  }
0x127: {  	[sflag:s11] =	ssyncadd.s32 $0xFFFFEC00  }
0x128: {  	_ =	swait.ge [sflag:s8], $0x1400  }
0x129: {  	[sflag:s8] =	ssyncset.done $0x0  }
0x12a: {  	[sflag:s8] =	ssyncadd.s32 $0xFFFFEC00  }
0x12b: {  	s0 =	simm.s32 $0x16  }
0x12c: {  	_ =	swait.ge [sflag:s0], $0x1400  }
0x12d: {  	[sflag:s0] =	ssyncset.done $0x0  }
0x12e: {  	s29 =	simm.s32 $0x17;
	[sflag:s0] =	ssyncadd.s32 $0xFFFFEC00  }
0x12f: {  	_ =	swait.ge [sflag:s29], $0x1400  }
0x130: {  	[sflag:s29] =	ssyncset.done $0x0  }
0x131: {  	s30 =	simm.s32 $0x18;
	[sflag:s29] =	ssyncadd.s32 $0xFFFFEC00  }
0x132: {  	_ =	swait.ge [sflag:s30], $0x1400  }
0x133: {  	[sflag:s30] =	ssyncset.done $0x0  }
0x134: {  	s31 =	simm.s32 $0x19;
	[sflag:s30] =	ssyncadd.s32 $0xFFFFEC00  }
0x135: {  	_ =	swait.ge [sflag:s31], $0x1400  }
.Ltmp5:
0x136: {  	[sflag:s31] =	ssyncset.done $0x0;
	(pc) =	sbr.rel .LBB2_5-.Ltmp5, $4  }
0x137: {  	[sflag:s31] =	ssyncadd.s32 $0xFFFFEC00  }
0x138: {  	_ =	swait.ge [sflag:s18], $0x1400  }
0x139: {  	[sflag:s18] =	ssyncset.done $0x0  }
0x13a: {  	s19 =	sadd.s32 $0x1040, s19;
	[sflag:s18] =	ssyncadd.s32 $0xFFFFEC00  }
.LBB2_8:
0x13b: {  	_ =	sfence.sel $0x180000  }
0x13c: {  	[bflag:$0x0] =	sbarrier.arrive $0xFFFF  }
0x13d: {  	_ =	strace $0x9000004D  }
0x13e: {  	s0 =	stileid.u32;
	[bflag:$0x2] =	sbarrier.arrive $0xFFFF  }
0x13f: {  	p0 =	sne.s32 s0, $0x0;
	s0 =	rddreg [dreg:$0x2]  }
0x140: {  	s0 =	sadd.s32 @!p0 $0x100000, s0  }
0x141: {  	[sflag:s0] =	ssyncadd.tile.s32 @!p0 $0x1;
	_ =	shalt  }
.Lfunc_end2:
_tile_overlayer_lowered:
.L_overlay_start_2:
0x142: {  	(tag) =	ssettag $0x2  }
0x143: {  	s0 =	rddreg [dreg:$0x0];
	s2 =	stileid.u32  }
0x144: {  	s1 =	rddreg [dreg:$0x1];
	p0 =	sne.s32 s2, $0x0  }
0x145: {  	s3 =	rddreg [dreg:$0x2];
	[bflag:$0x3] =	sbarrier.arrive $0xFFFF;
	s2 =	simm.s32 @!p0 $0x1C1B  }
0x146: {  	[timem:s3], [sflag:s2] =	dma.local @!p0 [hbm:s0], s1  }
0x147: {  	s0 =	simm.s32 @!p0 $0x1B  }
0x148: {  	_ =	swait.ge @!p0 [sflag:s0], s1  }
0x149: {  	s1 =	ssub.s32 @!p0 $0x0, s1;
	[sflag:s0] =	ssyncset.done @!p0 $0x0  }
0x14a: {  	[sflag:s0] =	ssyncadd.s32 @!p0 s1  }
0x14b: {  	[bflag:$0x3] =	sbarrier.arrive $0xFFFF  }
0x14c: {  	_ =	shalt  }

// kernel: kernel.8.cloned.1.call-start
scs
__scs_entry_jumppad:
0x0: {  	(pc) =	sbr.rel $0x88, $3  }
0x1: {  	(tag) =	ssettag $0x0;
	lr =	simm.s32 $0x1  }
0x2: {  	[smem:$0x3F9B] =	sst lr;
	_ =	strace $0xD0000000  }
0x3: {  	_ = 	snop  }
0x4: {  	_ = 	snop  }
0x5: {  	_ = 	snop  }
0x6: {  	_ = 	snop  }
0x7: {  	_ = 	snop  }
__scs_overlays_trampoline_lowered:
0x8: {  	[smem:$0x3FAA] =	sst s0  }
0x9: {  	[smem:$0x3FAB] =	sst s1  }
0xa: {  	[smem:$0x3FAC] =	sst s2  }
0xb: {  	[smem:$0x3FAD] =	sst s3  }
0xc: {  	[smem:$0x3FAE] =	sst s4  }
0xd: {  	[smem:$0x3FAF] =	sst s5  }
0xe: {  	[smem:$0x3FB0] =	sst s6  }
0xf: {  	[smem:$0x3FB1] =	sst s7  }
0x10: {  	[smem:$0x3FB2] =	sst s8  }
0x11: {  	[smem:$0x3FB3] =	sst s9;
	s0 =	simm.s32 @!p0 $0x0  }
0x12: {  	s1 =	sld [smem:$0x3F99];
	s0 =	simm.s32 @p0 $0x1  }
0x13: {  	[smem:$0x3FB4] =	sst s0;
	s0 =	simm.s32 @!p1 $0x0  }
0x14: {  	s2 =	sld [smem:$0x3F98];
	s0 =	simm.s32 @p1 $0x1  }
0x15: {  	[smem:$0x3FB5] =	sst s0;
	s0 =	simm.s32 @!p2 $0x0  }
0x16: {  	s3 =	sld [smem:$0x3FDB];
	s0 =	simm.s32 @p2 $0x1  }
0x17: {  	s4 =	simm.s32 $0x1BF5;
	[smem:$0x3FB7] =	sst s0  }
0x18: {  	s0 =	sld [smem:$0x3F9A];
	_ =	swait.ge [sflag:s4], $0x0  }
0x19: {  	s7 =	sld [smem:$0x3F9B]  }
0x1a: {  	s8 =	sadd.s32 $0xFFFFE003, lr  }
0x1b: {  	s9 =	sadd.s32 $0xFFFFFEF7, lr;
	s5 =	simm.s32 $0xFFFFFFFF;
	p2 =	slt.u32 s8, $0xFFFFF086  }
0x1c: {  	p1 =	slt.u32 s9, $0xF7A;
	s5 =	simm.s32 @!p2 $0x0  }
0x1d: {  	s5 =	simm.s32 @p1 $0x1;
	p0 =	seq.s32 s7, s2  }
0x1e: {  	s7 =	smul.u32 @!p0 $0xF7A, s2;
	p2 =	seq.s32 @!p0 s5, $0x0  }
0x1f: {  	s9 =	smul.u32 $0xF7A, s1;
	s8 =	simm.s32 @!p0 $0x1BF5;
	p2 =	por !p2, p0  }
0x20: {  	[sflag:s8] =	ssyncset.s32 @!p0 $0xFFFFF086;
	s6 =	sadd.s32 @!p0 s3, s7;
	s7 =	simm.s32 @!p0 $0x108  }
0x21: {  	s3 =	sadd.s32 s3, s9;
	s6 =	sadd.s32 @!p0 $0x88, s6;
	s7 =	simm.s32 @p2 $0x1082  }
0x22: {  	[simem:s7], [sflag:s8] =	dma.local @!p0 [hbm:s6], $0xF7A  }
0x23: {  	s9 =	sor.u32 $0xD0000000, s2;
	s6 =	simm.s32 $0x108;
	_ =	swait.ge @!p0 [sflag:s8], $0x0  }
0x24: {  	s3 =	sadd.s32 $0x88, s3;
	s6 =	simm.s32 @!p1 $0x1082;
	[sflag:s4] =	ssyncset.s32 $0xFFFFF086  }
0x25: {  	[simem:s6], [sflag:s4] =	dma.local [hbm:s3], $0xF7A  }
0x26: {  	[smem:$0x3F9B] =	sst s1;
	(tag) =	ssettag s2;
	_ =	strace s9  }
0x27: {  	s1 =	sld [smem:$0x3FAB]  }
0x28: {  	s2 =	sld [smem:$0x3FAC]  }
0x29: {  	s4 =	sld [smem:$0x3FAE]  }
0x2a: {  	p0 =	seq.s32 s5, $0x0;
	s5 =	sld [smem:$0x3FAF]  }
0x2b: {  	s6 =	sld [smem:$0x3FB0]  }
0x2c: {  	s7 =	sld [smem:$0x3FB1]  }
0x2d: {  	s3 =	simm.s32 $0x108;
	s8 =	sld [smem:$0x3FB2]  }
0x2e: {  	s3 =	simm.s32 @!p0 $0x1082;
	s9 =	sld [smem:$0x3FB3]  }
0x2f: {  	lr =	sadd.s32 s0, s3;
	s0 =	sld [smem:$0x3FAA]  }
0x30: {  	s3 =	sld [smem:$0x3FAD]  }
0x31: {  	[smem:$0x3FB6] =	sst s10  }
0x32: {  	s10 =	sld [smem:$0x3FB4];
	_ =	sdelay $0x3  }
0x33: {  	p0 =	seq.s32 s10, $0x1;
	s10 =	sld [smem:$0x3FB6];
	_ =	sdelay $0x3  }
0x34: {  	[smem:$0x3FB6] =	sst s10  }
0x35: {  	s10 =	sld [smem:$0x3FB5];
	_ =	sdelay $0x3  }
0x36: {  	p1 =	seq.s32 s10, $0x1;
	s10 =	sld [smem:$0x3FB6];
	_ =	sdelay $0x3  }
0x37: {  	[smem:$0x3FB6] =	sst s10  }
0x38: {  	s10 =	sld [smem:$0x3FB7]  }
0x39: {  	_ = 	snop;
	(pc) =	sbr.ind lr, $3  }
0x3a: {  	_ = 	snop  }
0x3b: {  	_ = 	snop  }
0x3c: {  	p2 =	seq.s32 s10, $0x1;
	s10 =	sld [smem:$0x3FB6]  }
0x3d: {  	_ =	shalt  }
0x3e: {  	_ =	shalt  }
0x3f: {  	_ =	shalt  }
0x40: {  	_ =	shalt  }
0x41: {  	_ =	shalt  }
0x42: {  	_ =	shalt  }
0x43: {  	_ =	shalt  }
0x44: {  	_ =	shalt  }
0x45: {  	_ =	shalt  }
0x46: {  	_ =	shalt  }
0x47: {  	_ =	shalt  }
0x48: {  	_ =	shalt  }
0x49: {  	_ =	shalt  }
0x4a: {  	_ =	shalt  }
0x4b: {  	_ =	shalt  }
0x4c: {  	_ =	shalt  }
0x4d: {  	_ =	shalt  }
0x4e: {  	_ =	shalt  }
0x4f: {  	_ =	shalt  }
0x50: {  	_ =	shalt  }
0x51: {  	_ =	shalt  }
0x52: {  	_ =	shalt  }
0x53: {  	_ =	shalt  }
0x54: {  	_ =	shalt  }
0x55: {  	_ =	shalt  }
0x56: {  	_ =	shalt  }
0x57: {  	_ =	shalt  }
0x58: {  	_ =	shalt  }
0x59: {  	_ =	shalt  }
0x5a: {  	_ =	shalt  }
0x5b: {  	_ =	shalt  }
0x5c: {  	_ =	shalt  }
0x5d: {  	_ =	shalt  }
0x5e: {  	_ =	shalt  }
0x5f: {  	_ =	shalt  }
0x60: {  	_ =	shalt  }
0x61: {  	_ =	shalt  }
0x62: {  	_ =	shalt  }
0x63: {  	_ =	shalt  }
0x64: {  	_ =	shalt  }
0x65: {  	_ =	shalt  }
0x66: {  	_ =	shalt  }
0x67: {  	_ =	shalt  }
0x68: {  	_ =	shalt  }
0x69: {  	_ =	shalt  }
0x6a: {  	_ =	shalt  }
0x6b: {  	_ =	shalt  }
0x6c: {  	_ =	shalt  }
0x6d: {  	_ =	shalt  }
0x6e: {  	_ =	shalt  }
0x6f: {  	_ =	shalt  }
0x70: {  	_ =	shalt  }
0x71: {  	_ =	shalt  }
0x72: {  	_ =	shalt  }
0x73: {  	_ =	shalt  }
0x74: {  	_ =	shalt  }
0x75: {  	_ =	shalt  }
0x76: {  	_ =	shalt  }
0x77: {  	_ =	shalt  }
0x78: {  	_ =	shalt  }
0x79: {  	_ =	shalt  }
0x7a: {  	_ =	shalt  }
0x7b: {  	_ =	shalt  }
0x7c: {  	_ =	shalt  }
0x7d: {  	_ =	shalt  }
0x7e: {  	_ =	shalt  }
0x7f: {  	_ =	shalt  }
0x80: {  	_ =	shalt  }
0x81: {  	_ =	shalt  }
0x82: {  	_ =	shalt  }
0x83: {  	_ =	shalt  }
0x84: {  	_ =	shalt  }
0x85: {  	_ =	shalt  }
0x86: {  	_ =	shalt  }
0x87: {  	_ =	shalt  }
.Lfunc_end0:
.L_simem_size_0:
called_computation_lowered:
.L_overlay_start_0:
0x88: {  	s2 =	sld [smem:$0x3FD9]  }
0x89: {  	s3 =	sld [smem:$0x3FFE];
	_ =	sdelay $0x1  }
0x8a: {  	s1 =	srdreg.scid  }
0x8b: {  	s0 =	sand.u32 $0x1, s1  }
0x8c: {  	s14 =	sshll.u32 s0, $0xA;
	s2 =	sadd.s32 s3, s2  }
0x8d: {  	s2 =	sadd.s32 s2, s14  }
0x8e: {  	[smem:$0x3FC2] =	sst s2  }
0x8f: {  	_ = 	snop  }
0x90: {  	s2 =	sld [smem:$0x3FD0];
	_ =	sdelay $0x2  }
0x91: {  	s15 =	simm.s32 $0xA;
	s4 =	simm.s32 $0x10  }
0x92: {  	[smem:s4], [sflag:s15] =	dma.local [hbm:s2], $0x1  }
0x93: {  	_ =	swait.eq [sflag:s15], $0x1  }
0x94: {  	[sflag:s15] =	ssyncset.done $0x0  }
0x95: {  	s16 =	sld [smem:$0x10];
	[sflag:s15] =	ssyncadd.s32 $0xFFFFFFFF  }
0x96: {  	s17 =	sld [smem:$0x11];
	(tm) =	ssettm $0x1  }
0x97: {  	s18 =	sld [smem:$0x3FFB];
	_ =	sdelay $0x3  }
0x98: {  	_ =	strace s18  }
0x99: {  	s4 =	sld [smem:$0x3FFC];
	_ =	sdelay $0x3  }
0x9a: {  	_ =	strace s4  }
0x9b: {  	s4 =	sld [smem:$0x3FFD];
	_ =	sdelay $0x3  }
0x9c: {  	_ =	strace s4  }
0x9d: {  	_ =	strace $0x8FFFFFFF  }
0x9e: {  	s19 =	sld [smem:$0x3FDB];
	_ =	sdelay $0x1  }
0x9f: {  	s5 =	simm.s32 $_scs_section_size  }
0xa0: {  	s6 =	simm.s32 $_size__tile_overlayer_lowered;
	s7 =	simm.s32 $_tile_overlayer_lowered  }
0xa1: {  	s22 =	simm.s32 $0x1BFF;
	s21 =	sshll.u32 s7, $0x1;
	s4 =	sadd.s32 s5, s19  }
0xa2: {  	s8 =	simm.s32 $0x0;
	s20 =	sshll.u32 s6, $0x1;
	s6 =	sadd.s32 s21, s4  }
0xa3: {  	[timem:s8], [sflag:s22] =	dma.local [hbm:s6], s20  }
0xa4: {  	_ =	swait.ge [sflag:s22], s20  }
0xa5: {  	s5 =	ssub.s32 $0x0, s20;
	[sflag:s22] =	ssyncset.done $0x0  }
0xa6: {  	[sflag:s22] =	ssyncadd.s32 s5;
	_ =	sdelay $0x1  }
0xa7: {  	s23 =	simm.s32 $0x1B8B  }
0xa8: {  	_ =	swait.ge [sflag:s23], $0x1  }
0xa9: {  	[sflag:s23] =	ssyncset.done $0x0  }
0xaa: {  	s25 =	simm.s32 $0x1B8E;
	s24 =	sld [smem:$0x3FFE];
	[sflag:s23] =	ssyncadd.s32 $0xFFFFFFFF  }
0xab: {  	s26 =	simm.s32 $execute0_lowered;
	[smem:$0x3FD2] =	sst s25  }
0xac: {  	s6 =	sshll.u32 s26, $0x1;
	_ =	strace $0x80000046;
	[dreg:$0x1] =	wrdreg $0xFFFFFFFF  }
0xad: {  	s28 =	simm.s32 $_size_execute0_lowered;
	s4 =	sadd.s32 s4, s6;
	[dreg:$0x0] =	wrdreg $0x0  }
0xae: {  	s6 =	sshll.u32 s28, $0x1;
	[dreg:$0x2] =	wrdreg s4  }
0xaf: {  	[dreg:$0x3] =	wrdreg s6  }
0xb0: {  	[dreg:$0x4] =	wrdreg $0xC0  }
0xb1: {  	_ =	task [dreg:s8], $0x5FFFF  }
0xb2: {  	[dreg:$0x1] =	wrdreg $0xFFFFFFFF  }
0xb3: {  	[dreg:$0x0] =	wrdreg $0x60  }
0xb4: {  	[dreg:$0x2] =	wrdreg s16  }
0xb5: {  	[dreg:$0x3] =	wrdreg s24  }
0xb6: {  	[dreg:$0x4] =	wrdreg s17  }
0xb7: {  	[dreg:$0x5] =	wrdreg $0x40800  }
0xb8: {  	[dreg:$0x6] =	wrdreg $0x9  }
0xb9: {  	_ =	task.clear_ibuf [dreg:s8], $0x7FFFF;
	_ =	strace $0x90000046  }
0xba: {  	s29 =	simm.s32 $0x9;
	_ =	strace $0x80000048  }
0xbb: {  	_ =	swait.ge [sflag:s29], $0x1  }
0xbc: {  	[sflag:s29] =	ssyncadd.s32 $0xFFFFFFFF  }
0xbd: {  	_ =	strace $0x90000048  }
0xbe: {  	_ =	sfence  }
0xbf: {  	s30 =	sld [smem:$0x0];
	_ =	sdelay $0x2  }
0xc0: {  	s31 =	sshll.u32 s1, $0xD;
	s1 =	sshrl.u32 s1, $0x2  }
0xc1: {  	s3 =	sand.u32 $0x4000, s31;
	s1 =	sadd.s32 s1, s30  }
0xc2: {  	s0 =	sor.u32 s3, s0;
	s1 =	sshll.u32 s1, $0x11  }
0xc3: {  	s0 =	sor.u32 s1, s0  }
0xc4: {  	s0 =	sadd.s32 $0x8F2B, s0  }
0xc5: {  	[sflag:s0] =	ssyncadd.remote.s32 $0x1  }
0xc6: {  	_ =	sfence.sel $0xFFFF  }
0xc7: {  	[dreg:$0x0] =	wrdreg $0xFFFFFFFF;
	(pc) =	sbr.abs _section_cstart, $3  }
0xc8: {  	[dreg:$0x1] =	wrdreg $0xFFFFFFFF  }
0xc9: {  	_ =	task.clear_ibuf [dreg:s8], $0x2FFFF;
	_ =	strace $0x9FFFFFFF  }
0xca: {  	(tm) =	ssettm $0x7FFFFFFF  }
0xcb: {  	_ =	shalt  }
tec
execute0_lowered:
.L_overlay_start_1:
0x0: {  	(tag) =	ssettag $0x1  }
0x1: {  	s5 =	rddreg [dreg:$0x0]  }
0x2: {  	s4 =	rddreg [dreg:$0x1]  }
0x3: {  	s6 =	rddreg [dreg:$0x2]  }
0x4: {  	s1 =	rddreg [dreg:$0x3]  }
0x5: {  	s0 =	rddreg [dreg:$0x4]  }
0x6: {  	s2 =	simm.s32 $0x0;
	s3 =	srdreg.scid;
	s9 =	stileid.u32  }
0x7: {  	s12 =	simm.s32 $0x0;
	[smem:$0x7FF] =	sst s2;
	s7 =	sand.u32 $0x1, s3  }
0x8: {  	s3 =	sadd.s32 $0x17600, s4;
	s4 =	sadd.s32 $0x17800, s4;
	s31 =	sshll.u32 s9, $0xB  }
0x9: {  	p0 =	sne.s32 s9, $0x0;
	s9 =	simm.s32 $0x4000;
	_ =	strace $0x80000047  }
0xa: {  	s8 =	ssub.s32 $0x2, s7;
	s11 =	sshll.u32 s7, $0xF;
	s5 =	sadd.s32 s5, s31  }
0xb: {  	s7 =	sshll.u32 s7, $0x4;
	s10 =	sshrl.u32 s8, $0x1;
	s5 =	sadd.s32 s11, s5  }
0xc: {  	s6 =	sadd.s32 s6, s7;
	s11 =	simm.s32 $0x50;
	s8 =	ssub.s32 s8, s10  }
0xd: {  	s10 =	simm.s32 $0x1;
	s7 =	smax.u32 s8, $0x1;
	s8 =	sshrl.u32 @!p0 s1, $0x3  }
.LBB2_1:
0xe: {  	s13 =	simm.s32 @!p0 $0x1C01  }
0xf: {  	[spmem:s8], [sflag:s13] =	dma.local @!p0 [hbm:s4], $0x4F0  }
0x10: {  	s13 =	simm.s32 @!p0 $0x1  }
0x11: {  	_ =	swait.ge @!p0 [sflag:s13], $0x4F0  }
0x12: {  	[sflag:s13] =	ssyncset.done @!p0 $0x0  }
0x13: {  	[sflag:s13] =	ssyncadd.s32 @!p0 $0xFFFFFB10  }
0x14: {  	[tilespmem:s9], [sflag:$0x1] =	stream.linear.gather [hbm4b:s3+s2], $0x80, $0x38;
	[tilespmem:$0x42F8] =	vst v63  }
0x15: {  	_ =	swait.ge [sflag:s10], $0x80  }
0x16: {  	[sflag:s10] =	ssyncset.done $0x0  }
0x17: {  	[sflag:s10] =	ssyncadd.s32 $0xFFFFFF80  }
0x18: {  	[tilespmem:s2], [sflag:$0x1] =	stream.linear.gather [hbm4b:s5+s2], $0x3E80, $0x38;
	[tilespmem:$0x42F8] =	vst v63  }
0x19: {  	_ =	swait.ge [sflag:s10], $0x3E80  }
0x1a: {  	[sflag:s10] =	ssyncset.done $0x0  }
0x1b: {  	[sflag:s10] =	ssyncadd.s32 $0xFFFFC180  }
0x1c: {  	s31 =	simm.s32 $0x0;
	[bflag:$0x0] =	sbarrier.arrive $0xFFFF  }
0x1d: {  	[spmem:s1] =	stream.indirect.scatter.add.f32 [tilespmem:s9], [sflag:$0x1], $0x1, s31, s11, $0xb8;
	[tilespmem:$0x42F8] =	vst v63  }
0x1e: {  	_ =	swait.ge [sflag:s10], $0x50  }
0x1f: {  	s13 =	simm.s32 $0x200;
	[sflag:s10] =	ssyncset.done $0x0  }
.LBB2_2:
0x20: {  	s14 =	sshra.s32 s13, $0x2;
	[sflag:s10] =	ssyncadd.s32 $0xFFFFFFB0;
	p1 =	sne.s32 s13, $0xF800  }
0x21: {  	[spmem:s1] =	stream.indirect.scatter.add.f32 [tilespmem:s9], [sflag:$0x1], $0x1, s14, s11, $0xb8;
	[tilespmem:$0x42F8] =	vst v63  }
.Ltmp0:
0x22: {  	_ = 	snop;
	(pc) =	sbr.rel @p1 .LBB2_2-.Ltmp0, $4  }
0x23: {  	_ = 	snop  }
0x24: {  	s13 =	sadd.s32 $0x200, s13  }
0x25: {  	_ =	swait.ge [sflag:s10], $0x50  }
0x26: {  	[sflag:s10] =	ssyncset.done $0x0  }
0x27: {  	[sflag:s10] =	ssyncadd.s32 $0xFFFFFFB0;
	s13 =	simm.s32 @!p0 $0x1;
	s12 =	sadd.s32 $0x1, s12  }
0x28: {  	s14 =	simm.s32 @!p0 $0x20;
	s15 =	simm.s32 @!p0 $0x10;
	p1 =	sne.s32 s12, s7  }
.Ltmp1:
0x29: {  	s16 =	simm.s32 @!p0 $0x1C01;
	[bflag:$0x0] =	sbarrier.arrive $0xFFFF;
	(pc) =	sbr.rel @p1 .LBB2_1-.Ltmp1, $4  }
0x2a: {  	[hbm:s6@s14], [sflag:s16] =	dma.strided @!p0 [spmem:s8@s15], $0x4F0, s13, $0x10   }
0x2b: {  	_ =	swait.ge @!p0 [sflag:s13], $0x4F0  }
0x2c: {  	[sflag:s13] =	ssyncset.done @!p0 $0x0  }
0x2d: {  	[sflag:s13] =	ssyncadd.s32 @!p0 $0xFFFFFB10  }
0x2e: {  	_ =	sfence.sel $0x180000  }
0x2f: {  	[bflag:$0x0] =	sbarrier.arrive $0xFFFF  }
0x30: {  	_ =	strace $0x90000047  }
0x31: {  	s0 =	sadd.s32 @!p0 $0x100000, s0;
	[bflag:$0x2] =	sbarrier.arrive $0xFFFF  }
0x32: {  	[sflag:s0] =	ssyncadd.tile.s32 @!p0 $0x1;
	_ =	shalt  }
.Lfunc_end2:
_tile_overlayer_lowered:
.L_overlay_start_2:
0x33: {  	(tag) =	ssettag $0x2  }
0x34: {  	s0 =	rddreg [dreg:$0x0];
	s2 =	stileid.u32  }
0x35: {  	s1 =	rddreg [dreg:$0x1];
	p0 =	sne.s32 s2, $0x0  }
0x36: {  	s3 =	rddreg [dreg:$0x2];
	[bflag:$0x3] =	sbarrier.arrive $0xFFFF;
	s2 =	simm.s32 @!p0 $0x1C01  }
0x37: {  	[timem:s3], [sflag:s2] =	dma.local @!p0 [hbm:s0], s1  }
0x38: {  	s0 =	simm.s32 @!p0 $0x1  }
0x39: {  	_ =	swait.ge @!p0 [sflag:s0], s1  }
0x3a: {  	s1 =	ssub.s32 @!p0 $0x0, s1;
	[sflag:s0] =	ssyncset.done @!p0 $0x0  }
0x3b: {  	[sflag:s0] =	ssyncadd.s32 @!p0 s1  }
0x3c: {  	[bflag:$0x3] =	sbarrier.arrive $0xFFFF  }
0x3d: {  	_ =	shalt  }

</sc_bundles>
